<compile_context>
chip_gen: v7x
topology: tpu7x:2x2x1
jax: 0.10.2.dev20260603
libtpu: 0.0.44.dev20260713+nightly
codegen_flags: <defaults>
</compile_context>

<pallas_src>
import functools

import jax
import jax.numpy as jnp
from jax import lax
from jax.experimental import pallas as pl
from jax.experimental.pallas import tpu as pltpu
from jax.experimental.pallas import tpu_sc as plsc

N = 10000
F = 128
E = 320000
NUM_HEADS = 4
HREP = 12
NPAD = 10240
NC, NS = 2, 16
NW = NC * NS
CH = 128
NCHUNK = E // CH
RND = NCHUNK // NW
XTRA = NCHUNK - RND * NW
RPT = NPAD // NS
NBI = 4
NBR = 2

_mesh = lambda: plsc.VectorSubcoreMesh(
    core_axis_name="c", subcore_axis_name="s", num_cores=NC, num_subcores=NS)


def _make_deg():
  SPAN = RND * CH
  NT = NPAD // NS

  @functools.partial(
      pl.kernel,
      out_type=jax.ShapeDtypeStruct((NC, NPAD), jnp.float32),
      mesh=_mesh(),
      compiler_params=pltpu.CompilerParams(needs_layout_passes=False),
      scratch_types=[
          pltpu.VMEM((2, SPAN), jnp.int32),
          pltpu.VMEM((SPAN,), jnp.float32),
          pltpu.VMEM((2, CH), jnp.int32),
          pltpu.VMEM((CH,), jnp.float32),
          pltpu.VMEM((NPAD,), jnp.float32),
          pltpu.VMEM((NS, NPAD // NS), jnp.float32),
          pltpu.VMEM((NPAD // NS,), jnp.float32),
          pltpu.SemaphoreType.DMA,
          pltpu.VMEM_SHARED((NS, NPAD), jnp.float32),
      ],
  )
  def deg_kernel(ei, ew, deg_out, ebuf, ewbuf, ebx, ewbx, priv, lbuf, res,
                 sem, stage):
    c = lax.axis_index("c")
    s = lax.axis_index("s")
    w = s * NC + c
    start = (RND * w + jnp.minimum(w, XTRA)) * CH

    pltpu.async_copy(ei.at[:, pl.ds(start, SPAN)], ebuf, sem)
    pltpu.async_copy(ew.at[pl.ds(start, SPAN)], ewbuf, sem)

    @pl.when(w < XTRA)
    def _():
      pltpu.async_copy(ei.at[:, pl.ds(start + SPAN, CH)], ebx, sem)
      pltpu.async_copy(ew.at[pl.ds(start + SPAN, CH)], ewbx, sem)

    @pl.loop(0, NPAD // 16, unroll=8)
    def _zero(i):
      priv[pl.ds(i * 16, 16)] = jnp.zeros((16,), jnp.float32)

    pltpu.make_async_copy(ei.at[:, pl.ds(0, SPAN)], ebuf, sem).wait()
    pltpu.make_async_copy(ew.at[pl.ds(0, SPAN)], ewbuf, sem).wait()

    @pl.when(w < XTRA)
    def _():
      pltpu.make_async_copy(ei.at[:, pl.ds(0, CH)], ebx, sem).wait()
      pltpu.make_async_copy(ew.at[pl.ds(0, CH)], ewbx, sem).wait()

    @pl.loop(0, SPAN // 16, unroll=8)
    def _acc(i):
      idxv = ebuf[1, pl.ds(i * 16, 16)]
      ewv = ewbuf[pl.ds(i * 16, 16)]
      plsc.addupdate_scatter(priv, [idxv], ewv)

    @pl.when(w < XTRA)
    def _():
      @pl.loop(0, CH // 16)
      def _accx(i):
        idxv = ebx[1, pl.ds(i * 16, 16)]
        ewv = ewbx[pl.ds(i * 16, 16)]
        plsc.addupdate_scatter(priv, [idxv], ewv)

    pltpu.sync_copy(priv, stage.at[s])
    plsc.subcore_barrier()
    pltpu.sync_copy(stage.at[:, pl.ds(s * NT, NT)], lbuf)

    @pl.loop(0, NT // 16, unroll=4)
    def _red(i):
      acc = lbuf[0, pl.ds(i * 16, 16)]
      for t in range(1, NS):
        acc = acc + lbuf[t, pl.ds(i * 16, 16)]
      res[pl.ds(i * 16, 16)] = acc

    pltpu.sync_copy(res, deg_out.at[c, pl.ds(s * NT, NT)])

  return deg_kernel


def _make_agg():
  @functools.partial(
      pl.kernel,
      out_type=jax.ShapeDtypeStruct((NC, NPAD, F), jnp.float32),
      mesh=_mesh(),
      compiler_params=pltpu.CompilerParams(needs_layout_passes=False),
      scratch_types=[
          pltpu.VMEM((NBI, 2, CH), jnp.int32),
          pltpu.VMEM((NBI, CH), jnp.float32),
          pltpu.VMEM((NBR, CH, F), jnp.float32),
          pltpu.VMEM((NPAD,), jnp.float32),
          pltpu.VMEM((CH,), jnp.float32),
          pltpu.SemaphoreType.DMA((NBI,)),
          pltpu.SemaphoreType.DMA((NBI,)),
          pltpu.SemaphoreType.DMA((NBR,)),
          pltpu.SemaphoreType.DMA((NBR,)),
          pltpu.VMEM_SHARED((NPAD, F), jnp.float32),
      ],
  )
  def agg_kernel(ei, ew, g, dis2, acc_out,
                 eib, ewb, rows, disl, cw, sei, sew, sg, ss, acc_sp):
    c = lax.axis_index("c")
    s = lax.axis_index("s")
    w = s * NC + c
    nch = RND + jnp.where(w < XTRA, 1, 0)

    pltpu.sync_copy(dis2.at[0], disl)

    @pl.loop(0, CH)
    def _zero(j):
      for k in range(F // 16):
        rows[0, j, pl.ds(k * 16, 16)] = jnp.zeros((16,), jnp.float32)

    for k in range(RPT // CH):
      pltpu.sync_copy(rows.at[0], acc_sp.at[pl.ds(s * RPT + k * CH, CH)])
    plsc.subcore_barrier()

    def fetch(r):
      b = lax.rem(r, NBI)
      ci = r * NW + w
      pltpu.async_copy(ei.at[:, pl.ds(ci * CH, CH)], eib.at[b], sei.at[b])
      pltpu.async_copy(ew.at[pl.ds(ci * CH, CH)], ewb.at[b], sew.at[b])

    def wait_fetch(b):
      pltpu.make_async_copy(ei.at[:, pl.ds(0, CH)], eib.at[b], sei.at[b]).wait()
      pltpu.make_async_copy(ew.at[pl.ds(0, CH)], ewb.at[b], sew.at[b]).wait()

    def gather(r):
      bi = lax.rem(r, NBI)
      br = lax.rem(r, NBR)
      pltpu.async_copy(g.at[eib.at[bi, 0]], rows.at[br], sg.at[br])

    def wait_gather(r):
      bi = lax.rem(r, NBI)
      br = lax.rem(r, NBR)
      pltpu.make_async_copy(g.at[eib.at[bi, 0]], rows.at[br], sg.at[br]).wait()

    def wait_scat(q):
      bi = lax.rem(q, NBI)
      br = lax.rem(q, NBR)
      pltpu.make_async_copy(rows.at[br], acc_sp.at[eib.at[bi, 1]],
                            ss.at[br]).wait()

    fetch(0)

    @pl.when(nch > 1)
    def _():
      fetch(1)

    @pl.loop(0, RND + 1)
    def _chunk(r):
      @pl.when(r < nch)
      def _():
        bi = lax.rem(r, NBI)
        br = lax.rem(r, NBR)

        @pl.when(r == 0)
        def _():
          wait_fetch(bi)
          gather(0)

        @pl.when(r >= NBR - 1)
        def _():
          wait_scat(r + 1 - NBR)

        @pl.when(r + 1 < nch)
        def _():
          wait_fetch(lax.rem(r + 1, NBI))
          gather(r + 1)

        @pl.when(r + 2 < nch)
        def _():
          fetch(r + 2)

        wait_gather(r)

        @pl.loop(0, CH // 16, unroll=8)
        def _cw(g16):
          rv = eib[bi, 0, pl.ds(g16 * 16, 16)]
          dvec = plsc.load_gather(disl, [rv])
          cw[pl.ds(g16 * 16, 16)] = dvec * ewb[bi, pl.ds(g16 * 16, 16)]

        @pl.loop(0, CH, unroll=16)
        def _scale(j):
          wvec = plsc.load_gather(cw, [jnp.full((16,), j, jnp.int32)])
          for k in range(F // 16):
            rows[br, j, pl.ds(k * 16, 16)] = (
                rows[br, j, pl.ds(k * 16, 16)] * wvec)

        pltpu.async_copy(rows.at[br], acc_sp.at[eib.at[bi, 1]], ss.at[br],
                         add=True)

    @pl.loop(0, NBR - 1)
    def _drain(k):
      r = nch - 1 - k

      @pl.when(r >= 0)
      def _():
        wait_scat(r)

    plsc.subcore_barrier()
    pltpu.sync_copy(acc_sp.at[pl.ds(s * RPT, RPT)],
                    acc_out.at[c, pl.ds(s * RPT, RPT)])

  return agg_kernel


def _tc_h(x, w):
  B = 1000

  def body(x_ref, w_ref, h_ref):
    h_ref[...] = lax.dot_general(x_ref[...], w_ref[...],
                                 (((1,), (1,)), ((), ())),
                                 preferred_element_type=jnp.float32)

  return pl.pallas_call(
      body,
      grid=(N // B,),
      in_specs=[
          pl.BlockSpec((B, F), lambda i: (i, 0)),
          pl.BlockSpec((F, F), lambda i: (0, 0)),
      ],
      out_specs=pl.BlockSpec((B, F), lambda i: (i, 0)),
      out_shape=jax.ShapeDtypeStruct((N, F), jnp.float32),
  )(x, w)


def _tc_dis(degp):
  def body(degp_ref, dis_ref):
    deg = degp_ref[0] + degp_ref[1] + 1.0
    dis_ref[...] = lax.rsqrt(deg)[None, :]

  return pl.pallas_call(
      body,
      in_specs=[pl.BlockSpec((NC, NPAD), lambda: (0, 0))],
      out_specs=pl.BlockSpec((1, NPAD), lambda: (0, 0)),
      out_shape=jax.ShapeDtypeStruct((1, NPAD), jnp.float32),
  )(degp)


def _tc_fin(accp, g, degp, b2):
  B = 400

  def body(accp_ref, h_ref, degp_ref, b_ref, x4_ref, emb_ref):
    acc = accp_ref[0] + accp_ref[1]
    deg = degp_ref[0] + degp_ref[1] + 1.0
    dis = lax.rsqrt(deg)
    out = (acc + h_ref[...] * dis) * dis + b_ref[...]
    out = jnp.maximum(out, 0.0)
    emb_ref[...] = out
    x4_ref[...] = lax.broadcast_in_dim(out, (B, HREP, NUM_HEADS, F), (0, 3))

  return pl.pallas_call(
      body,
      grid=(N // B,),
      in_specs=[
          pl.BlockSpec((NC, B, F), lambda i: (0, i, 0)),
          pl.BlockSpec((B, F), lambda i: (i, 0)),
          pl.BlockSpec((NC, B, 1), lambda i: (0, i, 0)),
          pl.BlockSpec((1, F), lambda i: (0, 0)),
      ],
      out_specs=[
          pl.BlockSpec((B, HREP, NUM_HEADS, F), lambda i: (i, 0, 0, 0)),
          pl.BlockSpec((B, F), lambda i: (i, 0)),
      ],
      out_shape=[
          jax.ShapeDtypeStruct((N, HREP, NUM_HEADS, F), jnp.float32),
          jax.ShapeDtypeStruct((N, F), jnp.float32),
      ],
  )(accp, g, degp, b2)


_deg_kernel = _make_deg()
_agg_kernel = _make_agg()


def kernel(x, edge_index, edge_weight, coordinate, W, b):
  del coordinate
  ei = edge_index.astype(jnp.int32)
  degp = _deg_kernel(ei, edge_weight)
  h = _tc_h(x, W)
  dis2 = _tc_dis(degp)
  accp = _agg_kernel(ei, edge_weight, h, dis2)
  x4_p, emb = _tc_fin(accp, h, degp.reshape(NC, NPAD, 1), b.reshape(1, F))
  return (x4_p.transpose(0, 2, 3, 1), emb)

# --- scband reference (transcript-rebuilt; emitter-appended) ---
"""Pipeline reference for scband-gcn-78546361909531 (READ-ONLY COPY).

The authoritative reference and input builder live on the scoring server;
editing this copy changes nothing except your own understanding.
"""

import jax, jax.numpy as jnp
import numpy as np

NUM_GENES = 128
EMBED_DIM = 128
NUM_HEADS = 4
EMBED_DIM_HEADS = 48
N_NODES = 10000
N_EDGES = 320000


def setup_inputs(seed: int = 0) -> dict:
    key = jax.random.key(seed)
    ks = jax.random.split(key, 6)
    x = jax.random.normal(ks[0], (N_NODES, NUM_GENES), dtype=jnp.float32)
    edge_index = jax.random.randint(ks[1], (2, N_EDGES), 0, N_NODES)
    edge_weight = jax.random.uniform(ks[2], (N_EDGES,), dtype=jnp.float32)
    coordinate = jax.random.uniform(ks[3], (N_NODES, 2), dtype=jnp.float32)
    # GCNConv linear layer params: lin = Linear(num_genes, embed_dim, bias=False); conv bias separate
    W = jax.random.normal(ks[4], (EMBED_DIM, NUM_GENES), dtype=jnp.float32) * (1.0 / np.sqrt(NUM_GENES))
    b = jnp.zeros((EMBED_DIM,), dtype=jnp.float32)
    return {"x": x, "edge_index": edge_index, "edge_weight": edge_weight, "coordinate": coordinate, "W": W, "b": b}


def reference(x, edge_index, edge_weight, coordinate, W, b):
    # GCNConv with normalize=True, add_self_loops=True (torch_geometric semantics)
    N = x.shape[0]
    loop = jnp.arange(N, dtype=edge_index.dtype)
    row = jnp.concatenate([edge_index[0], loop])
    col = jnp.concatenate([edge_index[1], loop])
    ew = jnp.concatenate([edge_weight, jnp.ones((N,), dtype=edge_weight.dtype)])
    # symmetric gcn normalization: deg over destination (col)
    deg = jnp.zeros((N,), dtype=ew.dtype).at[col].add(ew)
    dis = 1.0 / jnp.sqrt(deg)  # self-loops guarantee deg >= 1
    norm = dis[row] * ew * dis[col]
    # linear transform then gather-message-scatter-add aggregate
    h = x @ W.T
    msg = h[row] * norm[:, None]
    out = jnp.zeros((N, W.shape[0]), dtype=h.dtype).at[col].add(msg)
    out = out + b
    out = jax.nn.relu(out)
    embeddings = out
    # use_position_encode=False -> coordinate unused
    x4 = out[:, None, :, None]
    x4 = jnp.tile(x4, (1, NUM_HEADS, 1, EMBED_DIM_HEADS // NUM_HEADS))
    return (x4, embeddings)

if __name__ == "__main__":
    import jax
    _d = setup_inputs()
    print(jax.jit(kernel)(*tuple(_d.values())))

</pallas_src>

<mosaic_0001>
#map = affine_map<(d0, d1) -> (0, 0)>
#map1 = affine_map<(d0, d1) -> (0)>
module attributes {stable_mosaic.version = 14 : i64} {
  func.func @deg_kernel(%arg0: i32, %arg1: i32, %arg2: memref<2x320000xi32, #tpu.memory_space<hbm>>, %arg3: memref<320000xf32, #tpu.memory_space<hbm>>, %arg4: memref<2x10240xf32, #tpu.memory_space<hbm>>, %arg5: memref<2x9984xi32, #tpu.memory_space<vmem>>, %arg6: memref<9984xf32, #tpu.memory_space<vmem>>, %arg7: memref<2x128xi32, #tpu.memory_space<vmem>>, %arg8: memref<128xf32, #tpu.memory_space<vmem>>, %arg9: memref<10240xf32, #tpu.memory_space<vmem>>, %arg10: memref<16x640xf32, #tpu.memory_space<vmem>>, %arg11: memref<640xf32, #tpu.memory_space<vmem>>, %arg12: memref<!tpu.dma_semaphore, #tpu.memory_space<semaphore_mem>>, %arg13: memref<16x10240xf32, #tpu.memory_space<vmem_shared>>) attributes {dimension_semantics = [#tpu.dimension_semantics<core_parallel>, #tpu.dimension_semantics<subcore_parallel>], iteration_bounds = array<i64: 2, 16>, scalar_prefetch = 0 : i64, scratch_operands = 9 : i64, tpu.core_type = #tpu.core_type<sc_vector_subcore>, window_params = [{transform_indices = #map}, {transform_indices = #map1}, {transform_indices = #map}]} {
    %mul3A = arith.constant 2 : i32
    %mul3A_0 = arith.muli %arg1, %mul3A : i32
    %add3A = arith.addi %mul3A_0, %arg0 : i32
    %mul3A_1 = arith.constant 78 : i32
    %mul3A_2 = arith.muli %mul3A_1, %add3A : i32
    %min3A = arith.constant 4 : i32
    %min3A_3 = arith.minsi %add3A, %min3A : i32
    %add3A_4 = arith.addi %mul3A_2, %min3A_3 : i32
    %mul3A_5 = arith.constant 128 : i32
    %mul3A_6 = arith.muli %add3A_4, %mul3A_5 : i32
    %dma_start3A = arith.constant 0 : i32
    %dma_start3A_7 = tpu.memref_slice %arg2[%dma_start3A, %mul3A_6] : memref<2x320000xi32, #tpu.memory_space<hbm>> -> memref<2x9984xi32, #tpu.memory_space<hbm>>
    %dma_start3A_8 = arith.constant 0 : i32
    %dma_start3A_9 = tpu.memref_slice %arg2[%dma_start3A_8, %mul3A_6] : memref<2x320000xi32, #tpu.memory_space<hbm>> -> memref<2x9984xi32, #tpu.memory_space<hbm>>
    tpu.enqueue_dma source(%dma_start3A_9 : memref<2x9984xi32, #tpu.memory_space<hbm>>) target(%arg5 : memref<2x9984xi32, #tpu.memory_space<vmem>>) target_semaphore(%arg12 : memref<!tpu.dma_semaphore, #tpu.memory_space<semaphore_mem>>)
    %dma_start3A_10 = tpu.memref_slice %arg3[%mul3A_6] : memref<320000xf32, #tpu.memory_space<hbm>> -> memref<9984xf32, #tpu.memory_space<hbm>>
    %dma_start3A_11 = tpu.memref_slice %arg3[%mul3A_6] : memref<320000xf32, #tpu.memory_space<hbm>> -> memref<9984xf32, #tpu.memory_space<hbm>>
    tpu.enqueue_dma source(%dma_start3A_11 : memref<9984xf32, #tpu.memory_space<hbm>>) target(%arg6 : memref<9984xf32, #tpu.memory_space<vmem>>) target_semaphore(%arg12 : memref<!tpu.dma_semaphore, #tpu.memory_space<semaphore_mem>>)
    %lt3A = arith.constant 4 : i32
    %lt3A_12 = arith.cmpi slt, %add3A, %lt3A : i32
    %convert_element_type3A = arith.extui %lt3A_12 : i1 to i32
    %cond3A = arith.constant 0 : i32
    %cond3A_13 = arith.cmpi ne, %convert_element_type3A, %cond3A : i32
    scf.if %cond3A_13 {
      %add3A_51 = arith.constant 9984 : i32
      %add3A_52 = arith.addi %mul3A_6, %add3A_51 : i32
      %dma_start3A_53 = arith.constant 0 : i32
      %dma_start3A_54 = tpu.memref_slice %arg2[%dma_start3A_53, %add3A_52] : memref<2x320000xi32, #tpu.memory_space<hbm>> -> memref<2x128xi32, #tpu.memory_space<hbm>>
      %dma_start3A_55 = arith.constant 0 : i32
      %dma_start3A_56 = tpu.memref_slice %arg2[%dma_start3A_55, %add3A_52] : memref<2x320000xi32, #tpu.memory_space<hbm>> -> memref<2x128xi32, #tpu.memory_space<hbm>>
      tpu.enqueue_dma source(%dma_start3A_56 : memref<2x128xi32, #tpu.memory_space<hbm>>) target(%arg7 : memref<2x128xi32, #tpu.memory_space<vmem>>) target_semaphore(%arg12 : memref<!tpu.dma_semaphore, #tpu.memory_space<semaphore_mem>>)
      %add3A_57 = arith.constant 9984 : i32
      %add3A_58 = arith.addi %mul3A_6, %add3A_57 : i32
      %dma_start3A_59 = tpu.memref_slice %arg3[%add3A_58] : memref<320000xf32, #tpu.memory_space<hbm>> -> memref<128xf32, #tpu.memory_space<hbm>>
      %dma_start3A_60 = tpu.memref_slice %arg3[%add3A_58] : memref<320000xf32, #tpu.memory_space<hbm>> -> memref<128xf32, #tpu.memory_space<hbm>>
      tpu.enqueue_dma source(%dma_start3A_60 : memref<128xf32, #tpu.memory_space<hbm>>) target(%arg8 : memref<128xf32, #tpu.memory_space<vmem>>) target_semaphore(%arg12 : memref<!tpu.dma_semaphore, #tpu.memory_space<semaphore_mem>>)
    } else {
    }
    %scan3A = arith.constant 0 : i32
    %scan3A_14 = arith.constant 640 : i32
    %scan3A_15 = arith.addi %scan3A, %scan3A_14 : i32
    %scan3A_16 = arith.constant 8 : i32
    scf.for %scan3A_51 = %scan3A to %scan3A_15 step %scan3A_16  : i32 {
      %mul3A_52 = arith.constant 1 : i32
      %mul3A_53 = arith.muli %scan3A_51, %mul3A_52 : i32
      %add3A_54 = arith.constant 0 : i32
      %add3A_55 = arith.addi %add3A_54, %mul3A_53 : i32
      %broadcast_in_dim3A = arith.constant 0.000000e+00 : f32
      %broadcast_in_dim3A_56 = vector.broadcast %broadcast_in_dim3A : f32 to vector<16xf32>
      %mul3A_57 = arith.constant 16 : i32
      %mul3A_58 = arith.muli %add3A_55, %mul3A_57 : i32
      %swap3A = arith.index_cast %mul3A_58 : i32 to index
      %swap3A_59 = tpu.vector_load %arg9[%swap3A] {strides = array<i32>} : memref<10240xf32, #tpu.memory_space<vmem>>, vector<16xf32>,
      tpu.vector_store %arg9[%swap3A], %broadcast_in_dim3A_56 {strides = array<i32>} : memref<10240xf32, #tpu.memory_space<vmem>>, vector<16xf32>,
      %scan3A_60 = arith.constant 1 : i32
      %scan3A_61 = arith.addi %scan3A_51, %scan3A_60 : i32
      %mul3A_62 = arith.constant 1 : i32
      %mul3A_63 = arith.muli %scan3A_61, %mul3A_62 : i32
      %add3A_64 = arith.constant 0 : i32
      %add3A_65 = arith.addi %add3A_64, %mul3A_63 : i32
      %broadcast_in_dim3A_66 = arith.constant 0.000000e+00 : f32
      %broadcast_in_dim3A_67 = vector.broadcast %broadcast_in_dim3A_66 : f32 to vector<16xf32>
      %mul3A_68 = arith.constant 16 : i32
      %mul3A_69 = arith.muli %add3A_65, %mul3A_68 : i32
      %swap3A_70 = arith.index_cast %mul3A_69 : i32 to index
      %swap3A_71 = tpu.vector_load %arg9[%swap3A_70] {strides = array<i32>} : memref<10240xf32, #tpu.memory_space<vmem>>, vector<16xf32>,
      tpu.vector_store %arg9[%swap3A_70], %broadcast_in_dim3A_67 {strides = array<i32>} : memref<10240xf32, #tpu.memory_space<vmem>>, vector<16xf32>,
      %scan3A_72 = arith.constant 2 : i32
      %scan3A_73 = arith.addi %scan3A_51, %scan3A_72 : i32
      %mul3A_74 = arith.constant 1 : i32
      %mul3A_75 = arith.muli %scan3A_73, %mul3A_74 : i32
      %add3A_76 = arith.constant 0 : i32
      %add3A_77 = arith.addi %add3A_76, %mul3A_75 : i32
      %broadcast_in_dim3A_78 = arith.constant 0.000000e+00 : f32
      %broadcast_in_dim3A_79 = vector.broadcast %broadcast_in_dim3A_78 : f32 to vector<16xf32>
      %mul3A_80 = arith.constant 16 : i32
      %mul3A_81 = arith.muli %add3A_77, %mul3A_80 : i32
      %swap3A_82 = arith.index_cast %mul3A_81 : i32 to index
      %swap3A_83 = tpu.vector_load %arg9[%swap3A_82] {strides = array<i32>} : memref<10240xf32, #tpu.memory_space<vmem>>, vector<16xf32>,
      tpu.vector_store %arg9[%swap3A_82], %broadcast_in_dim3A_79 {strides = array<i32>} : memref<10240xf32, #tpu.memory_space<vmem>>, vector<16xf32>,
      %scan3A_84 = arith.constant 3 : i32
      %scan3A_85 = arith.addi %scan3A_51, %scan3A_84 : i32
      %mul3A_86 = arith.constant 1 : i32
      %mul3A_87 = arith.muli %scan3A_85, %mul3A_86 : i32
      %add3A_88 = arith.constant 0 : i32
      %add3A_89 = arith.addi %add3A_88, %mul3A_87 : i32
      %broadcast_in_dim3A_90 = arith.constant 0.000000e+00 : f32
      %broadcast_in_dim3A_91 = vector.broadcast %broadcast_in_dim3A_90 : f32 to vector<16xf32>
      %mul3A_92 = arith.constant 16 : i32
      %mul3A_93 = arith.muli %add3A_89, %mul3A_92 : i32
      %swap3A_94 = arith.index_cast %mul3A_93 : i32 to index
      %swap3A_95 = tpu.vector_load %arg9[%swap3A_94] {strides = array<i32>} : memref<10240xf32, #tpu.memory_space<vmem>>, vector<16xf32>,
      tpu.vector_store %arg9[%swap3A_94], %broadcast_in_dim3A_91 {strides = array<i32>} : memref<10240xf32, #tpu.memory_space<vmem>>, vector<16xf32>,
      %scan3A_96 = arith.constant 4 : i32
      %scan3A_97 = arith.addi %scan3A_51, %scan3A_96 : i32
      %mul3A_98 = arith.constant 1 : i32
      %mul3A_99 = arith.muli %scan3A_97, %mul3A_98 : i32
      %add3A_100 = arith.constant 0 : i32
      %add3A_101 = arith.addi %add3A_100, %mul3A_99 : i32
      %broadcast_in_dim3A_102 = arith.constant 0.000000e+00 : f32
      %broadcast_in_dim3A_103 = vector.broadcast %broadcast_in_dim3A_102 : f32 to vector<16xf32>
      %mul3A_104 = arith.constant 16 : i32
      %mul3A_105 = arith.muli %add3A_101, %mul3A_104 : i32
      %swap3A_106 = arith.index_cast %mul3A_105 : i32 to index
      %swap3A_107 = tpu.vector_load %arg9[%swap3A_106] {strides = array<i32>} : memref<10240xf32, #tpu.memory_space<vmem>>, vector<16xf32>,
      tpu.vector_store %arg9[%swap3A_106], %broadcast_in_dim3A_103 {strides = array<i32>} : memref<10240xf32, #tpu.memory_space<vmem>>, vector<16xf32>,
      %scan3A_108 = arith.constant 5 : i32
      %scan3A_109 = arith.addi %scan3A_51, %scan3A_108 : i32
      %mul3A_110 = arith.constant 1 : i32
      %mul3A_111 = arith.muli %scan3A_109, %mul3A_110 : i32
      %add3A_112 = arith.constant 0 : i32
      %add3A_113 = arith.addi %add3A_112, %mul3A_111 : i32
      %broadcast_in_dim3A_114 = arith.constant 0.000000e+00 : f32
      %broadcast_in_dim3A_115 = vector.broadcast %broadcast_in_dim3A_114 : f32 to vector<16xf32>
      %mul3A_116 = arith.constant 16 : i32
      %mul3A_117 = arith.muli %add3A_113, %mul3A_116 : i32
      %swap3A_118 = arith.index_cast %mul3A_117 : i32 to index
      %swap3A_119 = tpu.vector_load %arg9[%swap3A_118] {strides = array<i32>} : memref<10240xf32, #tpu.memory_space<vmem>>, vector<16xf32>,
      tpu.vector_store %arg9[%swap3A_118], %broadcast_in_dim3A_115 {strides = array<i32>} : memref<10240xf32, #tpu.memory_space<vmem>>, vector<16xf32>,
      %scan3A_120 = arith.constant 6 : i32
      %scan3A_121 = arith.addi %scan3A_51, %scan3A_120 : i32
      %mul3A_122 = arith.constant 1 : i32
      %mul3A_123 = arith.muli %scan3A_121, %mul3A_122 : i32
      %add3A_124 = arith.constant 0 : i32
      %add3A_125 = arith.addi %add3A_124, %mul3A_123 : i32
      %broadcast_in_dim3A_126 = arith.constant 0.000000e+00 : f32
      %broadcast_in_dim3A_127 = vector.broadcast %broadcast_in_dim3A_126 : f32 to vector<16xf32>
      %mul3A_128 = arith.constant 16 : i32
      %mul3A_129 = arith.muli %add3A_125, %mul3A_128 : i32
      %swap3A_130 = arith.index_cast %mul3A_129 : i32 to index
      %swap3A_131 = tpu.vector_load %arg9[%swap3A_130] {strides = array<i32>} : memref<10240xf32, #tpu.memory_space<vmem>>, vector<16xf32>,
      tpu.vector_store %arg9[%swap3A_130], %broadcast_in_dim3A_127 {strides = array<i32>} : memref<10240xf32, #tpu.memory_space<vmem>>, vector<16xf32>,
      %scan3A_132 = arith.constant 7 : i32
      %scan3A_133 = arith.addi %scan3A_51, %scan3A_132 : i32
      %mul3A_134 = arith.constant 1 : i32
      %mul3A_135 = arith.muli %scan3A_133, %mul3A_134 : i32
      %add3A_136 = arith.constant 0 : i32
      %add3A_137 = arith.addi %add3A_136, %mul3A_135 : i32
      %broadcast_in_dim3A_138 = arith.constant 0.000000e+00 : f32
      %broadcast_in_dim3A_139 = vector.broadcast %broadcast_in_dim3A_138 : f32 to vector<16xf32>
      %mul3A_140 = arith.constant 16 : i32
      %mul3A_141 = arith.muli %add3A_137, %mul3A_140 : i32
      %swap3A_142 = arith.index_cast %mul3A_141 : i32 to index
      %swap3A_143 = tpu.vector_load %arg9[%swap3A_142] {strides = array<i32>} : memref<10240xf32, #tpu.memory_space<vmem>>, vector<16xf32>,
      tpu.vector_store %arg9[%swap3A_142], %broadcast_in_dim3A_139 {strides = array<i32>} : memref<10240xf32, #tpu.memory_space<vmem>>, vector<16xf32>,
    }
    %scan3A_17 = arith.constant 640 : i32
    %dma_wait3A = arith.constant 0 : i32
    %dma_wait3A_18 = arith.constant 0 : i32
    %dma_wait3A_19 = tpu.memref_slice %arg2[%dma_wait3A, %dma_wait3A_18] : memref<2x320000xi32, #tpu.memory_space<hbm>> -> memref<2x9984xi32, #tpu.memory_space<hbm>>
    %dma_wait3A_20 = arith.constant 0 : i32
    %dma_wait3A_21 = arith.constant 0 : i32
    %dma_wait3A_22 = tpu.memref_slice %arg2[%dma_wait3A_20, %dma_wait3A_21] : memref<2x320000xi32, #tpu.memory_space<hbm>> -> memref<2x9984xi32, #tpu.memory_space<hbm>>
    tpu.wait_dma2 semaphore(%arg12 : memref<!tpu.dma_semaphore, #tpu.memory_space<semaphore_mem>>) src(%dma_wait3A_22 : memref<2x9984xi32, #tpu.memory_space<hbm>>) dst(%arg5 : memref<2x9984xi32, #tpu.memory_space<vmem>>)
    %dma_wait3A_23 = arith.constant 0 : i32
    %dma_wait3A_24 = tpu.memref_slice %arg3[%dma_wait3A_23] : memref<320000xf32, #tpu.memory_space<hbm>> -> memref<9984xf32, #tpu.memory_space<hbm>>
    %dma_wait3A_25 = arith.constant 0 : i32
    %dma_wait3A_26 = tpu.memref_slice %arg3[%dma_wait3A_25] : memref<320000xf32, #tpu.memory_space<hbm>> -> memref<9984xf32, #tpu.memory_space<hbm>>
    tpu.wait_dma2 semaphore(%arg12 : memref<!tpu.dma_semaphore, #tpu.memory_space<semaphore_mem>>) src(%dma_wait3A_26 : memref<9984xf32, #tpu.memory_space<hbm>>) dst(%arg6 : memref<9984xf32, #tpu.memory_space<vmem>>)
    %lt3A_27 = arith.constant 4 : i32
    %lt3A_28 = arith.cmpi slt, %add3A, %lt3A_27 : i32
    %convert_element_type3A_29 = arith.extui %lt3A_28 : i1 to i32
    %cond3A_30 = arith.constant 0 : i32
    %cond3A_31 = arith.cmpi ne, %convert_element_type3A_29, %cond3A_30 : i32
    scf.if %cond3A_31 {
      %dma_wait3A_51 = arith.constant 0 : i32
      %dma_wait3A_52 = arith.constant 0 : i32
      %dma_wait3A_53 = tpu.memref_slice %arg2[%dma_wait3A_51, %dma_wait3A_52] : memref<2x320000xi32, #tpu.memory_space<hbm>> -> memref<2x128xi32, #tpu.memory_space<hbm>>
      %dma_wait3A_54 = arith.constant 0 : i32
      %dma_wait3A_55 = arith.constant 0 : i32
      %dma_wait3A_56 = tpu.memref_slice %arg2[%dma_wait3A_54, %dma_wait3A_55] : memref<2x320000xi32, #tpu.memory_space<hbm>> -> memref<2x128xi32, #tpu.memory_space<hbm>>
      tpu.wait_dma2 semaphore(%arg12 : memref<!tpu.dma_semaphore, #tpu.memory_space<semaphore_mem>>) src(%dma_wait3A_56 : memref<2x128xi32, #tpu.memory_space<hbm>>) dst(%arg7 : memref<2x128xi32, #tpu.memory_space<vmem>>)
      %dma_wait3A_57 = arith.constant 0 : i32
      %dma_wait3A_58 = tpu.memref_slice %arg3[%dma_wait3A_57] : memref<320000xf32, #tpu.memory_space<hbm>> -> memref<128xf32, #tpu.memory_space<hbm>>
      %dma_wait3A_59 = arith.constant 0 : i32
      %dma_wait3A_60 = tpu.memref_slice %arg3[%dma_wait3A_59] : memref<320000xf32, #tpu.memory_space<hbm>> -> memref<128xf32, #tpu.memory_space<hbm>>
      tpu.wait_dma2 semaphore(%arg12 : memref<!tpu.dma_semaphore, #tpu.memory_space<semaphore_mem>>) src(%dma_wait3A_60 : memref<128xf32, #tpu.memory_space<hbm>>) dst(%arg8 : memref<128xf32, #tpu.memory_space<vmem>>)
    } else {
    }
    %scan3A_32 = arith.constant 0 : i32
    %scan3A_33 = arith.constant 624 : i32
    %scan3A_34 = arith.addi %scan3A_32, %scan3A_33 : i32
    %scan3A_35 = arith.constant 8 : i32
    scf.for %scan3A_51 = %scan3A_32 to %scan3A_34 step %scan3A_35  : i32 {
      %mul3A_52 = arith.constant 1 : i32
      %mul3A_53 = arith.muli %scan3A_51, %mul3A_52 : i32
      %add3A_54 = arith.constant 0 : i32
      %add3A_55 = arith.addi %add3A_54, %mul3A_53 : i32
      %mul3A_56 = arith.constant 16 : i32
      %mul3A_57 = arith.muli %add3A_55, %mul3A_56 : i32
      %get3A = arith.constant 1 : i32
      %get3A_58 = arith.index_cast %get3A : i32 to index
      %get3A_59 = arith.index_cast %mul3A_57 : i32 to index
      %get3A_60 = tpu.vector_load %arg5[%get3A_58, %get3A_59] {strides = array<i32>} : memref<2x9984xi32, #tpu.memory_space<vmem>>, vector<16xi32>,
      %mul3A_61 = arith.constant 16 : i32
      %mul3A_62 = arith.muli %add3A_55, %mul3A_61 : i32
      %get3A_63 = arith.index_cast %mul3A_62 : i32 to index
      %get3A_64 = tpu.vector_load %arg6[%get3A_63] {strides = array<i32>} : memref<9984xf32, #tpu.memory_space<vmem>>, vector<16xf32>,
      tpu.vector_store_idx %arg9[%get3A_60], %get3A_64 {add = true} : memref<10240xf32, #tpu.memory_space<vmem>>[vector<16xi32>], vector<16xf32>,
      %scan3A_65 = arith.constant 1 : i32
      %scan3A_66 = arith.addi %scan3A_51, %scan3A_65 : i32
      %mul3A_67 = arith.constant 1 : i32
      %mul3A_68 = arith.muli %scan3A_66, %mul3A_67 : i32
      %add3A_69 = arith.constant 0 : i32
      %add3A_70 = arith.addi %add3A_69, %mul3A_68 : i32
      %mul3A_71 = arith.constant 16 : i32
      %mul3A_72 = arith.muli %add3A_70, %mul3A_71 : i32
      %get3A_73 = arith.constant 1 : i32
      %get3A_74 = arith.index_cast %get3A_73 : i32 to index
      %get3A_75 = arith.index_cast %mul3A_72 : i32 to index
      %get3A_76 = tpu.vector_load %arg5[%get3A_74, %get3A_75] {strides = array<i32>} : memref<2x9984xi32, #tpu.memory_space<vmem>>, vector<16xi32>,
      %mul3A_77 = arith.constant 16 : i32
      %mul3A_78 = arith.muli %add3A_70, %mul3A_77 : i32
      %get3A_79 = arith.index_cast %mul3A_78 : i32 to index
      %get3A_80 = tpu.vector_load %arg6[%get3A_79] {strides = array<i32>} : memref<9984xf32, #tpu.memory_space<vmem>>, vector<16xf32>,
      tpu.vector_store_idx %arg9[%get3A_76], %get3A_80 {add = true} : memref<10240xf32, #tpu.memory_space<vmem>>[vector<16xi32>], vector<16xf32>,
      %scan3A_81 = arith.constant 2 : i32
      %scan3A_82 = arith.addi %scan3A_51, %scan3A_81 : i32
      %mul3A_83 = arith.constant 1 : i32
      %mul3A_84 = arith.muli %scan3A_82, %mul3A_83 : i32
      %add3A_85 = arith.constant 0 : i32
      %add3A_86 = arith.addi %add3A_85, %mul3A_84 : i32
      %mul3A_87 = arith.constant 16 : i32
      %mul3A_88 = arith.muli %add3A_86, %mul3A_87 : i32
      %get3A_89 = arith.constant 1 : i32
      %get3A_90 = arith.index_cast %get3A_89 : i32 to index
      %get3A_91 = arith.index_cast %mul3A_88 : i32 to index
      %get3A_92 = tpu.vector_load %arg5[%get3A_90, %get3A_91] {strides = array<i32>} : memref<2x9984xi32, #tpu.memory_space<vmem>>, vector<16xi32>,
      %mul3A_93 = arith.constant 16 : i32
      %mul3A_94 = arith.muli %add3A_86, %mul3A_93 : i32
      %get3A_95 = arith.index_cast %mul3A_94 : i32 to index
      %get3A_96 = tpu.vector_load %arg6[%get3A_95] {strides = array<i32>} : memref<9984xf32, #tpu.memory_space<vmem>>, vector<16xf32>,
      tpu.vector_store_idx %arg9[%get3A_92], %get3A_96 {add = true} : memref<10240xf32, #tpu.memory_space<vmem>>[vector<16xi32>], vector<16xf32>,
      %scan3A_97 = arith.constant 3 : i32
      %scan3A_98 = arith.addi %scan3A_51, %scan3A_97 : i32
      %mul3A_99 = arith.constant 1 : i32
      %mul3A_100 = arith.muli %scan3A_98, %mul3A_99 : i32
      %add3A_101 = arith.constant 0 : i32
      %add3A_102 = arith.addi %add3A_101, %mul3A_100 : i32
      %mul3A_103 = arith.constant 16 : i32
      %mul3A_104 = arith.muli %add3A_102, %mul3A_103 : i32
      %get3A_105 = arith.constant 1 : i32
      %get3A_106 = arith.index_cast %get3A_105 : i32 to index
      %get3A_107 = arith.index_cast %mul3A_104 : i32 to index
      %get3A_108 = tpu.vector_load %arg5[%get3A_106, %get3A_107] {strides = array<i32>} : memref<2x9984xi32, #tpu.memory_space<vmem>>, vector<16xi32>,
      %mul3A_109 = arith.constant 16 : i32
      %mul3A_110 = arith.muli %add3A_102, %mul3A_109 : i32
      %get3A_111 = arith.index_cast %mul3A_110 : i32 to index
      %get3A_112 = tpu.vector_load %arg6[%get3A_111] {strides = array<i32>} : memref<9984xf32, #tpu.memory_space<vmem>>, vector<16xf32>,
      tpu.vector_store_idx %arg9[%get3A_108], %get3A_112 {add = true} : memref<10240xf32, #tpu.memory_space<vmem>>[vector<16xi32>], vector<16xf32>,
      %scan3A_113 = arith.constant 4 : i32
      %scan3A_114 = arith.addi %scan3A_51, %scan3A_113 : i32
      %mul3A_115 = arith.constant 1 : i32
      %mul3A_116 = arith.muli %scan3A_114, %mul3A_115 : i32
      %add3A_117 = arith.constant 0 : i32
      %add3A_118 = arith.addi %add3A_117, %mul3A_116 : i32
      %mul3A_119 = arith.constant 16 : i32
      %mul3A_120 = arith.muli %add3A_118, %mul3A_119 : i32
      %get3A_121 = arith.constant 1 : i32
      %get3A_122 = arith.index_cast %get3A_121 : i32 to index
      %get3A_123 = arith.index_cast %mul3A_120 : i32 to index
      %get3A_124 = tpu.vector_load %arg5[%get3A_122, %get3A_123] {strides = array<i32>} : memref<2x9984xi32, #tpu.memory_space<vmem>>, vector<16xi32>,
      %mul3A_125 = arith.constant 16 : i32
      %mul3A_126 = arith.muli %add3A_118, %mul3A_125 : i32
      %get3A_127 = arith.index_cast %mul3A_126 : i32 to index
      %get3A_128 = tpu.vector_load %arg6[%get3A_127] {strides = array<i32>} : memref<9984xf32, #tpu.memory_space<vmem>>, vector<16xf32>,
      tpu.vector_store_idx %arg9[%get3A_124], %get3A_128 {add = true} : memref<10240xf32, #tpu.memory_space<vmem>>[vector<16xi32>], vector<16xf32>,
      %scan3A_129 = arith.constant 5 : i32
      %scan3A_130 = arith.addi %scan3A_51, %scan3A_129 : i32
      %mul3A_131 = arith.constant 1 : i32
      %mul3A_132 = arith.muli %scan3A_130, %mul3A_131 : i32
      %add3A_133 = arith.constant 0 : i32
      %add3A_134 = arith.addi %add3A_133, %mul3A_132 : i32
      %mul3A_135 = arith.constant 16 : i32
      %mul3A_136 = arith.muli %add3A_134, %mul3A_135 : i32
      %get3A_137 = arith.constant 1 : i32
      %get3A_138 = arith.index_cast %get3A_137 : i32 to index
      %get3A_139 = arith.index_cast %mul3A_136 : i32 to index
      %get3A_140 = tpu.vector_load %arg5[%get3A_138, %get3A_139] {strides = array<i32>} : memref<2x9984xi32, #tpu.memory_space<vmem>>, vector<16xi32>,
      %mul3A_141 = arith.constant 16 : i32
      %mul3A_142 = arith.muli %add3A_134, %mul3A_141 : i32
      %get3A_143 = arith.index_cast %mul3A_142 : i32 to index
      %get3A_144 = tpu.vector_load %arg6[%get3A_143] {strides = array<i32>} : memref<9984xf32, #tpu.memory_space<vmem>>, vector<16xf32>,
      tpu.vector_store_idx %arg9[%get3A_140], %get3A_144 {add = true} : memref<10240xf32, #tpu.memory_space<vmem>>[vector<16xi32>], vector<16xf32>,
      %scan3A_145 = arith.constant 6 : i32
      %scan3A_146 = arith.addi %scan3A_51, %scan3A_145 : i32
      %mul3A_147 = arith.constant 1 : i32
      %mul3A_148 = arith.muli %scan3A_146, %mul3A_147 : i32
      %add3A_149 = arith.constant 0 : i32
      %add3A_150 = arith.addi %add3A_149, %mul3A_148 : i32
      %mul3A_151 = arith.constant 16 : i32
      %mul3A_152 = arith.muli %add3A_150, %mul3A_151 : i32
      %get3A_153 = arith.constant 1 : i32
      %get3A_154 = arith.index_cast %get3A_153 : i32 to index
      %get3A_155 = arith.index_cast %mul3A_152 : i32 to index
      %get3A_156 = tpu.vector_load %arg5[%get3A_154, %get3A_155] {strides = array<i32>} : memref<2x9984xi32, #tpu.memory_space<vmem>>, vector<16xi32>,
      %mul3A_157 = arith.constant 16 : i32
      %mul3A_158 = arith.muli %add3A_150, %mul3A_157 : i32
      %get3A_159 = arith.index_cast %mul3A_158 : i32 to index
      %get3A_160 = tpu.vector_load %arg6[%get3A_159] {strides = array<i32>} : memref<9984xf32, #tpu.memory_space<vmem>>, vector<16xf32>,
      tpu.vector_store_idx %arg9[%get3A_156], %get3A_160 {add = true} : memref<10240xf32, #tpu.memory_space<vmem>>[vector<16xi32>], vector<16xf32>,
      %scan3A_161 = arith.constant 7 : i32
      %scan3A_162 = arith.addi %scan3A_51, %scan3A_161 : i32
      %mul3A_163 = arith.constant 1 : i32
      %mul3A_164 = arith.muli %scan3A_162, %mul3A_163 : i32
      %add3A_165 = arith.constant 0 : i32
      %add3A_166 = arith.addi %add3A_165, %mul3A_164 : i32
      %mul3A_167 = arith.constant 16 : i32
      %mul3A_168 = arith.muli %add3A_166, %mul3A_167 : i32
      %get3A_169 = arith.constant 1 : i32
      %get3A_170 = arith.index_cast %get3A_169 : i32 to index
      %get3A_171 = arith.index_cast %mul3A_168 : i32 to index
      %get3A_172 = tpu.vector_load %arg5[%get3A_170, %get3A_171] {strides = array<i32>} : memref<2x9984xi32, #tpu.memory_space<vmem>>, vector<16xi32>,
      %mul3A_173 = arith.constant 16 : i32
      %mul3A_174 = arith.muli %add3A_166, %mul3A_173 : i32
      %get3A_175 = arith.index_cast %mul3A_174 : i32 to index
      %get3A_176 = tpu.vector_load %arg6[%get3A_175] {strides = array<i32>} : memref<9984xf32, #tpu.memory_space<vmem>>, vector<16xf32>,
      tpu.vector_store_idx %arg9[%get3A_172], %get3A_176 {add = true} : memref<10240xf32, #tpu.memory_space<vmem>>[vector<16xi32>], vector<16xf32>,
    }
    %scan3A_36 = arith.constant 624 : i32
    %lt3A_37 = arith.constant 4 : i32
    %lt3A_38 = arith.cmpi slt, %add3A, %lt3A_37 : i32
    %convert_element_type3A_39 = arith.extui %lt3A_38 : i1 to i32
    %cond3A_40 = arith.constant 0 : i32
    %cond3A_41 = arith.cmpi ne, %convert_element_type3A_39, %cond3A_40 : i32
    scf.if %cond3A_41 {
      %scan3A_51 = arith.constant 0 : i32
      %scan3A_52 = arith.constant 8 : i32
      %scan3A_53 = arith.addi %scan3A_51, %scan3A_52 : i32
      %scan3A_54 = arith.constant 1 : i32
      scf.for %scan3A_56 = %scan3A_51 to %scan3A_53 step %scan3A_54  : i32 {
        %mul3A_57 = arith.constant 1 : i32
        %mul3A_58 = arith.muli %scan3A_56, %mul3A_57 : i32
        %add3A_59 = arith.constant 0 : i32
        %add3A_60 = arith.addi %add3A_59, %mul3A_58 : i32
        %mul3A_61 = arith.constant 16 : i32
        %mul3A_62 = arith.muli %add3A_60, %mul3A_61 : i32
        %get3A = arith.constant 1 : i32
        %get3A_63 = arith.index_cast %get3A : i32 to index
        %get3A_64 = arith.index_cast %mul3A_62 : i32 to index
        %get3A_65 = tpu.vector_load %arg7[%get3A_63, %get3A_64] {strides = array<i32>} : memref<2x128xi32, #tpu.memory_space<vmem>>, vector<16xi32>,
        %mul3A_66 = arith.constant 16 : i32
        %mul3A_67 = arith.muli %add3A_60, %mul3A_66 : i32
        %get3A_68 = arith.index_cast %mul3A_67 : i32 to index
        %get3A_69 = tpu.vector_load %arg8[%get3A_68] {strides = array<i32>} : memref<128xf32, #tpu.memory_space<vmem>>, vector<16xf32>,
        tpu.vector_store_idx %arg9[%get3A_65], %get3A_69 {add = true} : memref<10240xf32, #tpu.memory_space<vmem>>[vector<16xi32>], vector<16xf32>,
      }
      %scan3A_55 = arith.constant 8 : i32
    } else {
    }
    "tpu.region"() ({
      %run_scoped3A = tpu.sem_alloc : memref<!tpu.dma_semaphore, #tpu.memory_space<semaphore_mem>>
      %dma_start3A_51 = arith.constant 0 : i32
      %dma_start3A_52 = tpu.memref_slice %arg13[%arg1, %dma_start3A_51] : memref<16x10240xf32, #tpu.memory_space<vmem_shared>> -> memref<1x10240xf32, #tpu.memory_space<vmem_shared>>
      %dma_start3A_53 = tpu.memref_squeeze %dma_start3A_52 : memref<1x10240xf32, #tpu.memory_space<vmem_shared>> -> memref<10240xf32, #tpu.memory_space<vmem_shared>>
      %dma_start3A_54 = arith.constant 0 : i32
      %dma_start3A_55 = tpu.memref_slice %arg13[%arg1, %dma_start3A_54] : memref<16x10240xf32, #tpu.memory_space<vmem_shared>> -> memref<1x10240xf32, #tpu.memory_space<vmem_shared>>
      %dma_start3A_56 = tpu.memref_squeeze %dma_start3A_55 : memref<1x10240xf32, #tpu.memory_space<vmem_shared>> -> memref<10240xf32, #tpu.memory_space<vmem_shared>>
      tpu.enqueue_dma source(%arg9 : memref<10240xf32, #tpu.memory_space<vmem>>) target(%dma_start3A_56 : memref<10240xf32, #tpu.memory_space<vmem_shared>>) target_semaphore(%run_scoped3A : memref<!tpu.dma_semaphore, #tpu.memory_space<semaphore_mem>>)
      %dma_wait3A_57 = arith.constant 0 : i32
      %dma_wait3A_58 = tpu.memref_slice %arg13[%arg1, %dma_wait3A_57] : memref<16x10240xf32, #tpu.memory_space<vmem_shared>> -> memref<1x10240xf32, #tpu.memory_space<vmem_shared>>
      %dma_wait3A_59 = tpu.memref_squeeze %dma_wait3A_58 : memref<1x10240xf32, #tpu.memory_space<vmem_shared>> -> memref<10240xf32, #tpu.memory_space<vmem_shared>>
      %dma_wait3A_60 = arith.constant 0 : i32
      %dma_wait3A_61 = tpu.memref_slice %arg13[%arg1, %dma_wait3A_60] : memref<16x10240xf32, #tpu.memory_space<vmem_shared>> -> memref<1x10240xf32, #tpu.memory_space<vmem_shared>>
      %dma_wait3A_62 = tpu.memref_squeeze %dma_wait3A_61 : memref<1x10240xf32, #tpu.memory_space<vmem_shared>> -> memref<10240xf32, #tpu.memory_space<vmem_shared>>
      tpu.wait_dma2 semaphore(%run_scoped3A : memref<!tpu.dma_semaphore, #tpu.memory_space<semaphore_mem>>) src(%arg9 : memref<10240xf32, #tpu.memory_space<vmem>>) dst(%dma_wait3A_62 : memref<10240xf32, #tpu.memory_space<vmem_shared>>)
      tpu.yield
    }) : () -> ()
    %barrier3A = arith.constant 0 : index
    tpu.barrier barrier_id(%barrier3A)
    %mul3A_42 = arith.constant 640 : i32
    %mul3A_43 = arith.muli %arg1, %mul3A_42 : i32
    "tpu.region"() ({
      %run_scoped3A = tpu.sem_alloc : memref<!tpu.dma_semaphore, #tpu.memory_space<semaphore_mem>>
      %dma_start3A_51 = arith.constant 0 : i32
      %dma_start3A_52 = tpu.memref_slice %arg13[%dma_start3A_51, %mul3A_43] : memref<16x10240xf32, #tpu.memory_space<vmem_shared>> -> memref<16x640xf32, #tpu.memory_space<vmem_shared>>
      %dma_start3A_53 = arith.constant 0 : i32
      %dma_start3A_54 = tpu.memref_slice %arg13[%dma_start3A_53, %mul3A_43] : memref<16x10240xf32, #tpu.memory_space<vmem_shared>> -> memref<16x640xf32, #tpu.memory_space<vmem_shared>>
      tpu.enqueue_dma source(%dma_start3A_54 : memref<16x640xf32, #tpu.memory_space<vmem_shared>>) target(%arg10 : memref<16x640xf32, #tpu.memory_space<vmem>>) target_semaphore(%run_scoped3A : memref<!tpu.dma_semaphore, #tpu.memory_space<semaphore_mem>>)
      %dma_wait3A_55 = arith.constant 0 : i32
      %dma_wait3A_56 = tpu.memref_slice %arg13[%dma_wait3A_55, %mul3A_43] : memref<16x10240xf32, #tpu.memory_space<vmem_shared>> -> memref<16x640xf32, #tpu.memory_space<vmem_shared>>
      %dma_wait3A_57 = arith.constant 0 : i32
      %dma_wait3A_58 = tpu.memref_slice %arg13[%dma_wait3A_57, %mul3A_43] : memref<16x10240xf32, #tpu.memory_space<vmem_shared>> -> memref<16x640xf32, #tpu.memory_space<vmem_shared>>
      tpu.wait_dma2 semaphore(%run_scoped3A : memref<!tpu.dma_semaphore, #tpu.memory_space<semaphore_mem>>) src(%dma_wait3A_58 : memref<16x640xf32, #tpu.memory_space<vmem_shared>>) dst(%arg10 : memref<16x640xf32, #tpu.memory_space<vmem>>)
      tpu.yield
    }) : () -> ()
    %scan3A_44 = arith.constant 0 : i32
    %scan3A_45 = arith.constant 40 : i32
    %scan3A_46 = arith.addi %scan3A_44, %scan3A_45 : i32
    %scan3A_47 = arith.constant 4 : i32
    scf.for %scan3A_51 = %scan3A_44 to %scan3A_46 step %scan3A_47  : i32 {
      %mul3A_52 = arith.constant 1 : i32
      %mul3A_53 = arith.muli %scan3A_51, %mul3A_52 : i32
      %add3A_54 = arith.constant 0 : i32
      %add3A_55 = arith.addi %add3A_54, %mul3A_53 : i32
      %mul3A_56 = arith.constant 16 : i32
      %mul3A_57 = arith.muli %add3A_55, %mul3A_56 : i32
      %get3A = arith.constant 0 : i32
      %get3A_58 = arith.index_cast %get3A : i32 to index
      %get3A_59 = arith.index_cast %mul3A_57 : i32 to index
      %get3A_60 = tpu.vector_load %arg10[%get3A_58, %get3A_59] {strides = array<i32>} : memref<16x640xf32, #tpu.memory_space<vmem>>, vector<16xf32>,
      %mul3A_61 = arith.constant 16 : i32
      %mul3A_62 = arith.muli %add3A_55, %mul3A_61 : i32
      %get3A_63 = arith.constant 1 : i32
      %get3A_64 = arith.index_cast %get3A_63 : i32 to index
      %get3A_65 = arith.index_cast %mul3A_62 : i32 to index
      %get3A_66 = tpu.vector_load %arg10[%get3A_64, %get3A_65] {strides = array<i32>} : memref<16x640xf32, #tpu.memory_space<vmem>>, vector<16xf32>,
      %add3A_67 = arith.addf %get3A_60, %get3A_66 : vector<16xf32>
      %mul3A_68 = arith.constant 16 : i32
      %mul3A_69 = arith.muli %add3A_55, %mul3A_68 : i32
      %get3A_70 = arith.constant 2 : i32
      %get3A_71 = arith.index_cast %get3A_70 : i32 to index
      %get3A_72 = arith.index_cast %mul3A_69 : i32 to index
      %get3A_73 = tpu.vector_load %arg10[%get3A_71, %get3A_72] {strides = array<i32>} : memref<16x640xf32, #tpu.memory_space<vmem>>, vector<16xf32>,
      %add3A_74 = arith.addf %add3A_67, %get3A_73 : vector<16xf32>
      %mul3A_75 = arith.constant 16 : i32
      %mul3A_76 = arith.muli %add3A_55, %mul3A_75 : i32
      %get3A_77 = arith.constant 3 : i32
      %get3A_78 = arith.index_cast %get3A_77 : i32 to index
      %get3A_79 = arith.index_cast %mul3A_76 : i32 to index
      %get3A_80 = tpu.vector_load %arg10[%get3A_78, %get3A_79] {strides = array<i32>} : memref<16x640xf32, #tpu.memory_space<vmem>>, vector<16xf32>,
      %add3A_81 = arith.addf %add3A_74, %get3A_80 : vector<16xf32>
      %mul3A_82 = arith.constant 16 : i32
      %mul3A_83 = arith.muli %add3A_55, %mul3A_82 : i32
      %get3A_84 = arith.constant 4 : i32
      %get3A_85 = arith.index_cast %get3A_84 : i32 to index
      %get3A_86 = arith.index_cast %mul3A_83 : i32 to index
      %get3A_87 = tpu.vector_load %arg10[%get3A_85, %get3A_86] {strides = array<i32>} : memref<16x640xf32, #tpu.memory_space<vmem>>, vector<16xf32>,
      %add3A_88 = arith.addf %add3A_81, %get3A_87 : vector<16xf32>
      %mul3A_89 = arith.constant 16 : i32
      %mul3A_90 = arith.muli %add3A_55, %mul3A_89 : i32
      %get3A_91 = arith.constant 5 : i32
      %get3A_92 = arith.index_cast %get3A_91 : i32 to index
      %get3A_93 = arith.index_cast %mul3A_90 : i32 to index
      %get3A_94 = tpu.vector_load %arg10[%get3A_92, %get3A_93] {strides = array<i32>} : memref<16x640xf32, #tpu.memory_space<vmem>>, vector<16xf32>,
      %add3A_95 = arith.addf %add3A_88, %get3A_94 : vector<16xf32>
      %mul3A_96 = arith.constant 16 : i32
      %mul3A_97 = arith.muli %add3A_55, %mul3A_96 : i32
      %get3A_98 = arith.constant 6 : i32
      %get3A_99 = arith.index_cast %get3A_98 : i32 to index
      %get3A_100 = arith.index_cast %mul3A_97 : i32 to index
      %get3A_101 = tpu.vector_load %arg10[%get3A_99, %get3A_100] {strides = array<i32>} : memref<16x640xf32, #tpu.memory_space<vmem>>, vector<16xf32>,
      %add3A_102 = arith.addf %add3A_95, %get3A_101 : vector<16xf32>
      %mul3A_103 = arith.constant 16 : i32
      %mul3A_104 = arith.muli %add3A_55, %mul3A_103 : i32
      %get3A_105 = arith.constant 7 : i32
      %get3A_106 = arith.index_cast %get3A_105 : i32 to index
      %get3A_107 = arith.index_cast %mul3A_104 : i32 to index
      %get3A_108 = tpu.vector_load %arg10[%get3A_106, %get3A_107] {strides = array<i32>} : memref<16x640xf32, #tpu.memory_space<vmem>>, vector<16xf32>,
      %add3A_109 = arith.addf %add3A_102, %get3A_108 : vector<16xf32>
      %mul3A_110 = arith.constant 16 : i32
      %mul3A_111 = arith.muli %add3A_55, %mul3A_110 : i32
      %get3A_112 = arith.constant 8 : i32
      %get3A_113 = arith.index_cast %get3A_112 : i32 to index
      %get3A_114 = arith.index_cast %mul3A_111 : i32 to index
      %get3A_115 = tpu.vector_load %arg10[%get3A_113, %get3A_114] {strides = array<i32>} : memref<16x640xf32, #tpu.memory_space<vmem>>, vector<16xf32>,
      %add3A_116 = arith.addf %add3A_109, %get3A_115 : vector<16xf32>
      %mul3A_117 = arith.constant 16 : i32
      %mul3A_118 = arith.muli %add3A_55, %mul3A_117 : i32
      %get3A_119 = arith.constant 9 : i32
      %get3A_120 = arith.index_cast %get3A_119 : i32 to index
      %get3A_121 = arith.index_cast %mul3A_118 : i32 to index
      %get3A_122 = tpu.vector_load %arg10[%get3A_120, %get3A_121] {strides = array<i32>} : memref<16x640xf32, #tpu.memory_space<vmem>>, vector<16xf32>,
      %add3A_123 = arith.addf %add3A_116, %get3A_122 : vector<16xf32>
      %mul3A_124 = arith.constant 16 : i32
      %mul3A_125 = arith.muli %add3A_55, %mul3A_124 : i32
      %get3A_126 = arith.constant 10 : i32
      %get3A_127 = arith.index_cast %get3A_126 : i32 to index
      %get3A_128 = arith.index_cast %mul3A_125 : i32 to index
      %get3A_129 = tpu.vector_load %arg10[%get3A_127, %get3A_128] {strides = array<i32>} : memref<16x640xf32, #tpu.memory_space<vmem>>, vector<16xf32>,
      %add3A_130 = arith.addf %add3A_123, %get3A_129 : vector<16xf32>
      %mul3A_131 = arith.constant 16 : i32
      %mul3A_132 = arith.muli %add3A_55, %mul3A_131 : i32
      %get3A_133 = arith.constant 11 : i32
      %get3A_134 = arith.index_cast %get3A_133 : i32 to index
      %get3A_135 = arith.index_cast %mul3A_132 : i32 to index
      %get3A_136 = tpu.vector_load %arg10[%get3A_134, %get3A_135] {strides = array<i32>} : memref<16x640xf32, #tpu.memory_space<vmem>>, vector<16xf32>,
      %add3A_137 = arith.addf %add3A_130, %get3A_136 : vector<16xf32>
      %mul3A_138 = arith.constant 16 : i32
      %mul3A_139 = arith.muli %add3A_55, %mul3A_138 : i32
      %get3A_140 = arith.constant 12 : i32
      %get3A_141 = arith.index_cast %get3A_140 : i32 to index
      %get3A_142 = arith.index_cast %mul3A_139 : i32 to index
      %get3A_143 = tpu.vector_load %arg10[%get3A_141, %get3A_142] {strides = array<i32>} : memref<16x640xf32, #tpu.memory_space<vmem>>, vector<16xf32>,
      %add3A_144 = arith.addf %add3A_137, %get3A_143 : vector<16xf32>
      %mul3A_145 = arith.constant 16 : i32
      %mul3A_146 = arith.muli %add3A_55, %mul3A_145 : i32
      %get3A_147 = arith.constant 13 : i32
      %get3A_148 = arith.index_cast %get3A_147 : i32 to index
      %get3A_149 = arith.index_cast %mul3A_146 : i32 to index
      %get3A_150 = tpu.vector_load %arg10[%get3A_148, %get3A_149] {strides = array<i32>} : memref<16x640xf32, #tpu.memory_space<vmem>>, vector<16xf32>,
      %add3A_151 = arith.addf %add3A_144, %get3A_150 : vector<16xf32>
      %mul3A_152 = arith.constant 16 : i32
      %mul3A_153 = arith.muli %add3A_55, %mul3A_152 : i32
      %get3A_154 = arith.constant 14 : i32
      %get3A_155 = arith.index_cast %get3A_154 : i32 to index
      %get3A_156 = arith.index_cast %mul3A_153 : i32 to index
      %get3A_157 = tpu.vector_load %arg10[%get3A_155, %get3A_156] {strides = array<i32>} : memref<16x640xf32, #tpu.memory_space<vmem>>, vector<16xf32>,
      %add3A_158 = arith.addf %add3A_151, %get3A_157 : vector<16xf32>
      %mul3A_159 = arith.constant 16 : i32
      %mul3A_160 = arith.muli %add3A_55, %mul3A_159 : i32
      %get3A_161 = arith.constant 15 : i32
      %get3A_162 = arith.index_cast %get3A_161 : i32 to index
      %get3A_163 = arith.index_cast %mul3A_160 : i32 to index
      %get3A_164 = tpu.vector_load %arg10[%get3A_162, %get3A_163] {strides = array<i32>} : memref<16x640xf32, #tpu.memory_space<vmem>>, vector<16xf32>,
      %add3A_165 = arith.addf %add3A_158, %get3A_164 : vector<16xf32>
      %mul3A_166 = arith.constant 16 : i32
      %mul3A_167 = arith.muli %add3A_55, %mul3A_166 : i32
      %swap3A = arith.index_cast %mul3A_167 : i32 to index
      %swap3A_168 = tpu.vector_load %arg11[%swap3A] {strides = array<i32>} : memref<640xf32, #tpu.memory_space<vmem>>, vector<16xf32>,
      tpu.vector_store %arg11[%swap3A], %add3A_165 {strides = array<i32>} : memref<640xf32, #tpu.memory_space<vmem>>, vector<16xf32>,
      %scan3A_169 = arith.constant 1 : i32
      %scan3A_170 = arith.addi %scan3A_51, %scan3A_169 : i32
      %mul3A_171 = arith.constant 1 : i32
      %mul3A_172 = arith.muli %scan3A_170, %mul3A_171 : i32
      %add3A_173 = arith.constant 0 : i32
      %add3A_174 = arith.addi %add3A_173, %mul3A_172 : i32
      %mul3A_175 = arith.constant 16 : i32
      %mul3A_176 = arith.muli %add3A_174, %mul3A_175 : i32
      %get3A_177 = arith.constant 0 : i32
      %get3A_178 = arith.index_cast %get3A_177 : i32 to index
      %get3A_179 = arith.index_cast %mul3A_176 : i32 to index
      %get3A_180 = tpu.vector_load %arg10[%get3A_178, %get3A_179] {strides = array<i32>} : memref<16x640xf32, #tpu.memory_space<vmem>>, vector<16xf32>,
      %mul3A_181 = arith.constant 16 : i32
      %mul3A_182 = arith.muli %add3A_174, %mul3A_181 : i32
      %get3A_183 = arith.constant 1 : i32
      %get3A_184 = arith.index_cast %get3A_183 : i32 to index
      %get3A_185 = arith.index_cast %mul3A_182 : i32 to index
      %get3A_186 = tpu.vector_load %arg10[%get3A_184, %get3A_185] {strides = array<i32>} : memref<16x640xf32, #tpu.memory_space<vmem>>, vector<16xf32>,
      %add3A_187 = arith.addf %get3A_180, %get3A_186 : vector<16xf32>
      %mul3A_188 = arith.constant 16 : i32
      %mul3A_189 = arith.muli %add3A_174, %mul3A_188 : i32
      %get3A_190 = arith.constant 2 : i32
      %get3A_191 = arith.index_cast %get3A_190 : i32 to index
      %get3A_192 = arith.index_cast %mul3A_189 : i32 to index
      %get3A_193 = tpu.vector_load %arg10[%get3A_191, %get3A_192] {strides = array<i32>} : memref<16x640xf32, #tpu.memory_space<vmem>>, vector<16xf32>,
      %add3A_194 = arith.addf %add3A_187, %get3A_193 : vector<16xf32>
      %mul3A_195 = arith.constant 16 : i32
      %mul3A_196 = arith.muli %add3A_174, %mul3A_195 : i32
      %get3A_197 = arith.constant 3 : i32
      %get3A_198 = arith.index_cast %get3A_197 : i32 to index
      %get3A_199 = arith.index_cast %mul3A_196 : i32 to index
      %get3A_200 = tpu.vector_load %arg10[%get3A_198, %get3A_199] {strides = array<i32>} : memref<16x640xf32, #tpu.memory_space<vmem>>, vector<16xf32>,
      %add3A_201 = arith.addf %add3A_194, %get3A_200 : vector<16xf32>
      %mul3A_202 = arith.constant 16 : i32
      %mul3A_203 = arith.muli %add3A_174, %mul3A_202 : i32
      %get3A_204 = arith.constant 4 : i32
      %get3A_205 = arith.index_cast %get3A_204 : i32 to index
      %get3A_206 = arith.index_cast %mul3A_203 : i32 to index
      %get3A_207 = tpu.vector_load %arg10[%get3A_205, %get3A_206] {strides = array<i32>} : memref<16x640xf32, #tpu.memory_space<vmem>>, vector<16xf32>,
      %add3A_208 = arith.addf %add3A_201, %get3A_207 : vector<16xf32>
      %mul3A_209 = arith.constant 16 : i32
      %mul3A_210 = arith.muli %add3A_174, %mul3A_209 : i32
      %get3A_211 = arith.constant 5 : i32
      %get3A_212 = arith.index_cast %get3A_211 : i32 to index
      %get3A_213 = arith.index_cast %mul3A_210 : i32 to index
      %get3A_214 = tpu.vector_load %arg10[%get3A_212, %get3A_213] {strides = array<i32>} : memref<16x640xf32, #tpu.memory_space<vmem>>, vector<16xf32>,
      %add3A_215 = arith.addf %add3A_208, %get3A_214 : vector<16xf32>
      %mul3A_216 = arith.constant 16 : i32
      %mul3A_217 = arith.muli %add3A_174, %mul3A_216 : i32
      %get3A_218 = arith.constant 6 : i32
      %get3A_219 = arith.index_cast %get3A_218 : i32 to index
      %get3A_220 = arith.index_cast %mul3A_217 : i32 to index
      %get3A_221 = tpu.vector_load %arg10[%get3A_219, %get3A_220] {strides = array<i32>} : memref<16x640xf32, #tpu.memory_space<vmem>>, vector<16xf32>,
      %add3A_222 = arith.addf %add3A_215, %get3A_221 : vector<16xf32>
      %mul3A_223 = arith.constant 16 : i32
      %mul3A_224 = arith.muli %add3A_174, %mul3A_223 : i32
      %get3A_225 = arith.constant 7 : i32
      %get3A_226 = arith.index_cast %get3A_225 : i32 to index
      %get3A_227 = arith.index_cast %mul3A_224 : i32 to index
      %get3A_228 = tpu.vector_load %arg10[%get3A_226, %get3A_227] {strides = array<i32>} : memref<16x640xf32, #tpu.memory_space<vmem>>, vector<16xf32>,
      %add3A_229 = arith.addf %add3A_222, %get3A_228 : vector<16xf32>
      %mul3A_230 = arith.constant 16 : i32
      %mul3A_231 = arith.muli %add3A_174, %mul3A_230 : i32
      %get3A_232 = arith.constant 8 : i32
      %get3A_233 = arith.index_cast %get3A_232 : i32 to index
      %get3A_234 = arith.index_cast %mul3A_231 : i32 to index
      %get3A_235 = tpu.vector_load %arg10[%get3A_233, %get3A_234] {strides = array<i32>} : memref<16x640xf32, #tpu.memory_space<vmem>>, vector<16xf32>,
      %add3A_236 = arith.addf %add3A_229, %get3A_235 : vector<16xf32>
      %mul3A_237 = arith.constant 16 : i32
      %mul3A_238 = arith.muli %add3A_174, %mul3A_237 : i32
      %get3A_239 = arith.constant 9 : i32
      %get3A_240 = arith.index_cast %get3A_239 : i32 to index
      %get3A_241 = arith.index_cast %mul3A_238 : i32 to index
      %get3A_242 = tpu.vector_load %arg10[%get3A_240, %get3A_241] {strides = array<i32>} : memref<16x640xf32, #tpu.memory_space<vmem>>, vector<16xf32>,
      %add3A_243 = arith.addf %add3A_236, %get3A_242 : vector<16xf32>
      %mul3A_244 = arith.constant 16 : i32
      %mul3A_245 = arith.muli %add3A_174, %mul3A_244 : i32
      %get3A_246 = arith.constant 10 : i32
      %get3A_247 = arith.index_cast %get3A_246 : i32 to index
      %get3A_248 = arith.index_cast %mul3A_245 : i32 to index
      %get3A_249 = tpu.vector_load %arg10[%get3A_247, %get3A_248] {strides = array<i32>} : memref<16x640xf32, #tpu.memory_space<vmem>>, vector<16xf32>,
      %add3A_250 = arith.addf %add3A_243, %get3A_249 : vector<16xf32>
      %mul3A_251 = arith.constant 16 : i32
      %mul3A_252 = arith.muli %add3A_174, %mul3A_251 : i32
      %get3A_253 = arith.constant 11 : i32
      %get3A_254 = arith.index_cast %get3A_253 : i32 to index
      %get3A_255 = arith.index_cast %mul3A_252 : i32 to index
      %get3A_256 = tpu.vector_load %arg10[%get3A_254, %get3A_255] {strides = array<i32>} : memref<16x640xf32, #tpu.memory_space<vmem>>, vector<16xf32>,
      %add3A_257 = arith.addf %add3A_250, %get3A_256 : vector<16xf32>
      %mul3A_258 = arith.constant 16 : i32
      %mul3A_259 = arith.muli %add3A_174, %mul3A_258 : i32
      %get3A_260 = arith.constant 12 : i32
      %get3A_261 = arith.index_cast %get3A_260 : i32 to index
      %get3A_262 = arith.index_cast %mul3A_259 : i32 to index
      %get3A_263 = tpu.vector_load %arg10[%get3A_261, %get3A_262] {strides = array<i32>} : memref<16x640xf32, #tpu.memory_space<vmem>>, vector<16xf32>,
      %add3A_264 = arith.addf %add3A_257, %get3A_263 : vector<16xf32>
      %mul3A_265 = arith.constant 16 : i32
      %mul3A_266 = arith.muli %add3A_174, %mul3A_265 : i32
      %get3A_267 = arith.constant 13 : i32
      %get3A_268 = arith.index_cast %get3A_267 : i32 to index
      %get3A_269 = arith.index_cast %mul3A_266 : i32 to index
      %get3A_270 = tpu.vector_load %arg10[%get3A_268, %get3A_269] {strides = array<i32>} : memref<16x640xf32, #tpu.memory_space<vmem>>, vector<16xf32>,
      %add3A_271 = arith.addf %add3A_264, %get3A_270 : vector<16xf32>
      %mul3A_272 = arith.constant 16 : i32
      %mul3A_273 = arith.muli %add3A_174, %mul3A_272 : i32
      %get3A_274 = arith.constant 14 : i32
      %get3A_275 = arith.index_cast %get3A_274 : i32 to index
      %get3A_276 = arith.index_cast %mul3A_273 : i32 to index
      %get3A_277 = tpu.vector_load %arg10[%get3A_275, %get3A_276] {strides = array<i32>} : memref<16x640xf32, #tpu.memory_space<vmem>>, vector<16xf32>,
      %add3A_278 = arith.addf %add3A_271, %get3A_277 : vector<16xf32>
      %mul3A_279 = arith.constant 16 : i32
      %mul3A_280 = arith.muli %add3A_174, %mul3A_279 : i32
      %get3A_281 = arith.constant 15 : i32
      %get3A_282 = arith.index_cast %get3A_281 : i32 to index
      %get3A_283 = arith.index_cast %mul3A_280 : i32 to index
      %get3A_284 = tpu.vector_load %arg10[%get3A_282, %get3A_283] {strides = array<i32>} : memref<16x640xf32, #tpu.memory_space<vmem>>, vector<16xf32>,
      %add3A_285 = arith.addf %add3A_278, %get3A_284 : vector<16xf32>
      %mul3A_286 = arith.constant 16 : i32
      %mul3A_287 = arith.muli %add3A_174, %mul3A_286 : i32
      %swap3A_288 = arith.index_cast %mul3A_287 : i32 to index
      %swap3A_289 = tpu.vector_load %arg11[%swap3A_288] {strides = array<i32>} : memref<640xf32, #tpu.memory_space<vmem>>, vector<16xf32>,
      tpu.vector_store %arg11[%swap3A_288], %add3A_285 {strides = array<i32>} : memref<640xf32, #tpu.memory_space<vmem>>, vector<16xf32>,
      %scan3A_290 = arith.constant 2 : i32
      %scan3A_291 = arith.addi %scan3A_51, %scan3A_290 : i32
      %mul3A_292 = arith.constant 1 : i32
      %mul3A_293 = arith.muli %scan3A_291, %mul3A_292 : i32
      %add3A_294 = arith.constant 0 : i32
      %add3A_295 = arith.addi %add3A_294, %mul3A_293 : i32
      %mul3A_296 = arith.constant 16 : i32
      %mul3A_297 = arith.muli %add3A_295, %mul3A_296 : i32
      %get3A_298 = arith.constant 0 : i32
      %get3A_299 = arith.index_cast %get3A_298 : i32 to index
      %get3A_300 = arith.index_cast %mul3A_297 : i32 to index
      %get3A_301 = tpu.vector_load %arg10[%get3A_299, %get3A_300] {strides = array<i32>} : memref<16x640xf32, #tpu.memory_space<vmem>>, vector<16xf32>,
      %mul3A_302 = arith.constant 16 : i32
      %mul3A_303 = arith.muli %add3A_295, %mul3A_302 : i32
      %get3A_304 = arith.constant 1 : i32
      %get3A_305 = arith.index_cast %get3A_304 : i32 to index
      %get3A_306 = arith.index_cast %mul3A_303 : i32 to index
      %get3A_307 = tpu.vector_load %arg10[%get3A_305, %get3A_306] {strides = array<i32>} : memref<16x640xf32, #tpu.memory_space<vmem>>, vector<16xf32>,
      %add3A_308 = arith.addf %get3A_301, %get3A_307 : vector<16xf32>
      %mul3A_309 = arith.constant 16 : i32
      %mul3A_310 = arith.muli %add3A_295, %mul3A_309 : i32
      %get3A_311 = arith.constant 2 : i32
      %get3A_312 = arith.index_cast %get3A_311 : i32 to index
      %get3A_313 = arith.index_cast %mul3A_310 : i32 to index
      %get3A_314 = tpu.vector_load %arg10[%get3A_312, %get3A_313] {strides = array<i32>} : memref<16x640xf32, #tpu.memory_space<vmem>>, vector<16xf32>,
      %add3A_315 = arith.addf %add3A_308, %get3A_314 : vector<16xf32>
      %mul3A_316 = arith.constant 16 : i32
      %mul3A_317 = arith.muli %add3A_295, %mul3A_316 : i32
      %get3A_318 = arith.constant 3 : i32
      %get3A_319 = arith.index_cast %get3A_318 : i32 to index
      %get3A_320 = arith.index_cast %mul3A_317 : i32 to index
      %get3A_321 = tpu.vector_load %arg10[%get3A_319, %get3A_320] {strides = array<i32>} : memref<16x640xf32, #tpu.memory_space<vmem>>, vector<16xf32>,
      %add3A_322 = arith.addf %add3A_315, %get3A_321 : vector<16xf32>
      %mul3A_323 = arith.constant 16 : i32
      %mul3A_324 = arith.muli %add3A_295, %mul3A_323 : i32
      %get3A_325 = arith.constant 4 : i32
      %get3A_326 = arith.index_cast %get3A_325 : i32 to index
      %get3A_327 = arith.index_cast %mul3A_324 : i32 to index
      %get3A_328 = tpu.vector_load %arg10[%get3A_326, %get3A_327] {strides = array<i32>} : memref<16x640xf32, #tpu.memory_space<vmem>>, vector<16xf32>,
      %add3A_329 = arith.addf %add3A_322, %get3A_328 : vector<16xf32>
      %mul3A_330 = arith.constant 16 : i32
      %mul3A_331 = arith.muli %add3A_295, %mul3A_330 : i32
      %get3A_332 = arith.constant 5 : i32
      %get3A_333 = arith.index_cast %get3A_332 : i32 to index
      %get3A_334 = arith.index_cast %mul3A_331 : i32 to index
      %get3A_335 = tpu.vector_load %arg10[%get3A_333, %get3A_334] {strides = array<i32>} : memref<16x640xf32, #tpu.memory_space<vmem>>, vector<16xf32>,
      %add3A_336 = arith.addf %add3A_329, %get3A_335 : vector<16xf32>
      %mul3A_337 = arith.constant 16 : i32
      %mul3A_338 = arith.muli %add3A_295, %mul3A_337 : i32
      %get3A_339 = arith.constant 6 : i32
      %get3A_340 = arith.index_cast %get3A_339 : i32 to index
      %get3A_341 = arith.index_cast %mul3A_338 : i32 to index
      %get3A_342 = tpu.vector_load %arg10[%get3A_340, %get3A_341] {strides = array<i32>} : memref<16x640xf32, #tpu.memory_space<vmem>>, vector<16xf32>,
      %add3A_343 = arith.addf %add3A_336, %get3A_342 : vector<16xf32>
      %mul3A_344 = arith.constant 16 : i32
      %mul3A_345 = arith.muli %add3A_295, %mul3A_344 : i32
      %get3A_346 = arith.constant 7 : i32
      %get3A_347 = arith.index_cast %get3A_346 : i32 to index
      %get3A_348 = arith.index_cast %mul3A_345 : i32 to index
      %get3A_349 = tpu.vector_load %arg10[%get3A_347, %get3A_348] {strides = array<i32>} : memref<16x640xf32, #tpu.memory_space<vmem>>, vector<16xf32>,
      %add3A_350 = arith.addf %add3A_343, %get3A_349 : vector<16xf32>
      %mul3A_351 = arith.constant 16 : i32
      %mul3A_352 = arith.muli %add3A_295, %mul3A_351 : i32
      %get3A_353 = arith.constant 8 : i32
      %get3A_354 = arith.index_cast %get3A_353 : i32 to index
      %get3A_355 = arith.index_cast %mul3A_352 : i32 to index
      %get3A_356 = tpu.vector_load %arg10[%get3A_354, %get3A_355] {strides = array<i32>} : memref<16x640xf32, #tpu.memory_space<vmem>>, vector<16xf32>,
      %add3A_357 = arith.addf %add3A_350, %get3A_356 : vector<16xf32>
      %mul3A_358 = arith.constant 16 : i32
      %mul3A_359 = arith.muli %add3A_295, %mul3A_358 : i32
      %get3A_360 = arith.constant 9 : i32
      %get3A_361 = arith.index_cast %get3A_360 : i32 to index
      %get3A_362 = arith.index_cast %mul3A_359 : i32 to index
      %get3A_363 = tpu.vector_load %arg10[%get3A_361, %get3A_362] {strides = array<i32>} : memref<16x640xf32, #tpu.memory_space<vmem>>, vector<16xf32>,
      %add3A_364 = arith.addf %add3A_357, %get3A_363 : vector<16xf32>
      %mul3A_365 = arith.constant 16 : i32
      %mul3A_366 = arith.muli %add3A_295, %mul3A_365 : i32
      %get3A_367 = arith.constant 10 : i32
      %get3A_368 = arith.index_cast %get3A_367 : i32 to index
      %get3A_369 = arith.index_cast %mul3A_366 : i32 to index
      %get3A_370 = tpu.vector_load %arg10[%get3A_368, %get3A_369] {strides = array<i32>} : memref<16x640xf32, #tpu.memory_space<vmem>>, vector<16xf32>,
      %add3A_371 = arith.addf %add3A_364, %get3A_370 : vector<16xf32>
      %mul3A_372 = arith.constant 16 : i32
      %mul3A_373 = arith.muli %add3A_295, %mul3A_372 : i32
      %get3A_374 = arith.constant 11 : i32
      %get3A_375 = arith.index_cast %get3A_374 : i32 to index
      %get3A_376 = arith.index_cast %mul3A_373 : i32 to index
      %get3A_377 = tpu.vector_load %arg10[%get3A_375, %get3A_376] {strides = array<i32>} : memref<16x640xf32, #tpu.memory_space<vmem>>, vector<16xf32>,
      %add3A_378 = arith.addf %add3A_371, %get3A_377 : vector<16xf32>
      %mul3A_379 = arith.constant 16 : i32
      %mul3A_380 = arith.muli %add3A_295, %mul3A_379 : i32
      %get3A_381 = arith.constant 12 : i32
      %get3A_382 = arith.index_cast %get3A_381 : i32 to index
      %get3A_383 = arith.index_cast %mul3A_380 : i32 to index
      %get3A_384 = tpu.vector_load %arg10[%get3A_382, %get3A_383] {strides = array<i32>} : memref<16x640xf32, #tpu.memory_space<vmem>>, vector<16xf32>,
      %add3A_385 = arith.addf %add3A_378, %get3A_384 : vector<16xf32>
      %mul3A_386 = arith.constant 16 : i32
      %mul3A_387 = arith.muli %add3A_295, %mul3A_386 : i32
      %get3A_388 = arith.constant 13 : i32
      %get3A_389 = arith.index_cast %get3A_388 : i32 to index
      %get3A_390 = arith.index_cast %mul3A_387 : i32 to index
      %get3A_391 = tpu.vector_load %arg10[%get3A_389, %get3A_390] {strides = array<i32>} : memref<16x640xf32, #tpu.memory_space<vmem>>, vector<16xf32>,
      %add3A_392 = arith.addf %add3A_385, %get3A_391 : vector<16xf32>
      %mul3A_393 = arith.constant 16 : i32
      %mul3A_394 = arith.muli %add3A_295, %mul3A_393 : i32
      %get3A_395 = arith.constant 14 : i32
      %get3A_396 = arith.index_cast %get3A_395 : i32 to index
      %get3A_397 = arith.index_cast %mul3A_394 : i32 to index
      %get3A_398 = tpu.vector_load %arg10[%get3A_396, %get3A_397] {strides = array<i32>} : memref<16x640xf32, #tpu.memory_space<vmem>>, vector<16xf32>,
      %add3A_399 = arith.addf %add3A_392, %get3A_398 : vector<16xf32>
      %mul3A_400 = arith.constant 16 : i32
      %mul3A_401 = arith.muli %add3A_295, %mul3A_400 : i32
      %get3A_402 = arith.constant 15 : i32
      %get3A_403 = arith.index_cast %get3A_402 : i32 to index
      %get3A_404 = arith.index_cast %mul3A_401 : i32 to index
      %get3A_405 = tpu.vector_load %arg10[%get3A_403, %get3A_404] {strides = array<i32>} : memref<16x640xf32, #tpu.memory_space<vmem>>, vector<16xf32>,
      %add3A_406 = arith.addf %add3A_399, %get3A_405 : vector<16xf32>
      %mul3A_407 = arith.constant 16 : i32
      %mul3A_408 = arith.muli %add3A_295, %mul3A_407 : i32
      %swap3A_409 = arith.index_cast %mul3A_408 : i32 to index
      %swap3A_410 = tpu.vector_load %arg11[%swap3A_409] {strides = array<i32>} : memref<640xf32, #tpu.memory_space<vmem>>, vector<16xf32>,
      tpu.vector_store %arg11[%swap3A_409], %add3A_406 {strides = array<i32>} : memref<640xf32, #tpu.memory_space<vmem>>, vector<16xf32>,
      %scan3A_411 = arith.constant 3 : i32
      %scan3A_412 = arith.addi %scan3A_51, %scan3A_411 : i32
      %mul3A_413 = arith.constant 1 : i32
      %mul3A_414 = arith.muli %scan3A_412, %mul3A_413 : i32
      %add3A_415 = arith.constant 0 : i32
      %add3A_416 = arith.addi %add3A_415, %mul3A_414 : i32
      %mul3A_417 = arith.constant 16 : i32
      %mul3A_418 = arith.muli %add3A_416, %mul3A_417 : i32
      %get3A_419 = arith.constant 0 : i32
      %get3A_420 = arith.index_cast %get3A_419 : i32 to index
      %get3A_421 = arith.index_cast %mul3A_418 : i32 to index
      %get3A_422 = tpu.vector_load %arg10[%get3A_420, %get3A_421] {strides = array<i32>} : memref<16x640xf32, #tpu.memory_space<vmem>>, vector<16xf32>,
      %mul3A_423 = arith.constant 16 : i32
      %mul3A_424 = arith.muli %add3A_416, %mul3A_423 : i32
      %get3A_425 = arith.constant 1 : i32
      %get3A_426 = arith.index_cast %get3A_425 : i32 to index
      %get3A_427 = arith.index_cast %mul3A_424 : i32 to index
      %get3A_428 = tpu.vector_load %arg10[%get3A_426, %get3A_427] {strides = array<i32>} : memref<16x640xf32, #tpu.memory_space<vmem>>, vector<16xf32>,
      %add3A_429 = arith.addf %get3A_422, %get3A_428 : vector<16xf32>
      %mul3A_430 = arith.constant 16 : i32
      %mul3A_431 = arith.muli %add3A_416, %mul3A_430 : i32
      %get3A_432 = arith.constant 2 : i32
      %get3A_433 = arith.index_cast %get3A_432 : i32 to index
      %get3A_434 = arith.index_cast %mul3A_431 : i32 to index
      %get3A_435 = tpu.vector_load %arg10[%get3A_433, %get3A_434] {strides = array<i32>} : memref<16x640xf32, #tpu.memory_space<vmem>>, vector<16xf32>,
      %add3A_436 = arith.addf %add3A_429, %get3A_435 : vector<16xf32>
      %mul3A_437 = arith.constant 16 : i32
      %mul3A_438 = arith.muli %add3A_416, %mul3A_437 : i32
      %get3A_439 = arith.constant 3 : i32
      %get3A_440 = arith.index_cast %get3A_439 : i32 to index
      %get3A_441 = arith.index_cast %mul3A_438 : i32 to index
      %get3A_442 = tpu.vector_load %arg10[%get3A_440, %get3A_441] {strides = array<i32>} : memref<16x640xf32, #tpu.memory_space<vmem>>, vector<16xf32>,
      %add3A_443 = arith.addf %add3A_436, %get3A_442 : vector<16xf32>
      %mul3A_444 = arith.constant 16 : i32
      %mul3A_445 = arith.muli %add3A_416, %mul3A_444 : i32
      %get3A_446 = arith.constant 4 : i32
      %get3A_447 = arith.index_cast %get3A_446 : i32 to index
      %get3A_448 = arith.index_cast %mul3A_445 : i32 to index
      %get3A_449 = tpu.vector_load %arg10[%get3A_447, %get3A_448] {strides = array<i32>} : memref<16x640xf32, #tpu.memory_space<vmem>>, vector<16xf32>,
      %add3A_450 = arith.addf %add3A_443, %get3A_449 : vector<16xf32>
      %mul3A_451 = arith.constant 16 : i32
      %mul3A_452 = arith.muli %add3A_416, %mul3A_451 : i32
      %get3A_453 = arith.constant 5 : i32
      %get3A_454 = arith.index_cast %get3A_453 : i32 to index
      %get3A_455 = arith.index_cast %mul3A_452 : i32 to index
      %get3A_456 = tpu.vector_load %arg10[%get3A_454, %get3A_455] {strides = array<i32>} : memref<16x640xf32, #tpu.memory_space<vmem>>, vector<16xf32>,
      %add3A_457 = arith.addf %add3A_450, %get3A_456 : vector<16xf32>
      %mul3A_458 = arith.constant 16 : i32
      %mul3A_459 = arith.muli %add3A_416, %mul3A_458 : i32
      %get3A_460 = arith.constant 6 : i32
      %get3A_461 = arith.index_cast %get3A_460 : i32 to index
      %get3A_462 = arith.index_cast %mul3A_459 : i32 to index
      %get3A_463 = tpu.vector_load %arg10[%get3A_461, %get3A_462] {strides = array<i32>} : memref<16x640xf32, #tpu.memory_space<vmem>>, vector<16xf32>,
      %add3A_464 = arith.addf %add3A_457, %get3A_463 : vector<16xf32>
      %mul3A_465 = arith.constant 16 : i32
      %mul3A_466 = arith.muli %add3A_416, %mul3A_465 : i32
      %get3A_467 = arith.constant 7 : i32
      %get3A_468 = arith.index_cast %get3A_467 : i32 to index
      %get3A_469 = arith.index_cast %mul3A_466 : i32 to index
      %get3A_470 = tpu.vector_load %arg10[%get3A_468, %get3A_469] {strides = array<i32>} : memref<16x640xf32, #tpu.memory_space<vmem>>, vector<16xf32>,
      %add3A_471 = arith.addf %add3A_464, %get3A_470 : vector<16xf32>
      %mul3A_472 = arith.constant 16 : i32
      %mul3A_473 = arith.muli %add3A_416, %mul3A_472 : i32
      %get3A_474 = arith.constant 8 : i32
      %get3A_475 = arith.index_cast %get3A_474 : i32 to index
      %get3A_476 = arith.index_cast %mul3A_473 : i32 to index
      %get3A_477 = tpu.vector_load %arg10[%get3A_475, %get3A_476] {strides = array<i32>} : memref<16x640xf32, #tpu.memory_space<vmem>>, vector<16xf32>,
      %add3A_478 = arith.addf %add3A_471, %get3A_477 : vector<16xf32>
      %mul3A_479 = arith.constant 16 : i32
      %mul3A_480 = arith.muli %add3A_416, %mul3A_479 : i32
      %get3A_481 = arith.constant 9 : i32
      %get3A_482 = arith.index_cast %get3A_481 : i32 to index
      %get3A_483 = arith.index_cast %mul3A_480 : i32 to index
      %get3A_484 = tpu.vector_load %arg10[%get3A_482, %get3A_483] {strides = array<i32>} : memref<16x640xf32, #tpu.memory_space<vmem>>, vector<16xf32>,
      %add3A_485 = arith.addf %add3A_478, %get3A_484 : vector<16xf32>
      %mul3A_486 = arith.constant 16 : i32
      %mul3A_487 = arith.muli %add3A_416, %mul3A_486 : i32
      %get3A_488 = arith.constant 10 : i32
      %get3A_489 = arith.index_cast %get3A_488 : i32 to index
      %get3A_490 = arith.index_cast %mul3A_487 : i32 to index
      %get3A_491 = tpu.vector_load %arg10[%get3A_489, %get3A_490] {strides = array<i32>} : memref<16x640xf32, #tpu.memory_space<vmem>>, vector<16xf32>,
      %add3A_492 = arith.addf %add3A_485, %get3A_491 : vector<16xf32>
      %mul3A_493 = arith.constant 16 : i32
      %mul3A_494 = arith.muli %add3A_416, %mul3A_493 : i32
      %get3A_495 = arith.constant 11 : i32
      %get3A_496 = arith.index_cast %get3A_495 : i32 to index
      %get3A_497 = arith.index_cast %mul3A_494 : i32 to index
      %get3A_498 = tpu.vector_load %arg10[%get3A_496, %get3A_497] {strides = array<i32>} : memref<16x640xf32, #tpu.memory_space<vmem>>, vector<16xf32>,
      %add3A_499 = arith.addf %add3A_492, %get3A_498 : vector<16xf32>
      %mul3A_500 = arith.constant 16 : i32
      %mul3A_501 = arith.muli %add3A_416, %mul3A_500 : i32
      %get3A_502 = arith.constant 12 : i32
      %get3A_503 = arith.index_cast %get3A_502 : i32 to index
      %get3A_504 = arith.index_cast %mul3A_501 : i32 to index
      %get3A_505 = tpu.vector_load %arg10[%get3A_503, %get3A_504] {strides = array<i32>} : memref<16x640xf32, #tpu.memory_space<vmem>>, vector<16xf32>,
      %add3A_506 = arith.addf %add3A_499, %get3A_505 : vector<16xf32>
      %mul3A_507 = arith.constant 16 : i32
      %mul3A_508 = arith.muli %add3A_416, %mul3A_507 : i32
      %get3A_509 = arith.constant 13 : i32
      %get3A_510 = arith.index_cast %get3A_509 : i32 to index
      %get3A_511 = arith.index_cast %mul3A_508 : i32 to index
      %get3A_512 = tpu.vector_load %arg10[%get3A_510, %get3A_511] {strides = array<i32>} : memref<16x640xf32, #tpu.memory_space<vmem>>, vector<16xf32>,
      %add3A_513 = arith.addf %add3A_506, %get3A_512 : vector<16xf32>
      %mul3A_514 = arith.constant 16 : i32
      %mul3A_515 = arith.muli %add3A_416, %mul3A_514 : i32
      %get3A_516 = arith.constant 14 : i32
      %get3A_517 = arith.index_cast %get3A_516 : i32 to index
      %get3A_518 = arith.index_cast %mul3A_515 : i32 to index
      %get3A_519 = tpu.vector_load %arg10[%get3A_517, %get3A_518] {strides = array<i32>} : memref<16x640xf32, #tpu.memory_space<vmem>>, vector<16xf32>,
      %add3A_520 = arith.addf %add3A_513, %get3A_519 : vector<16xf32>
      %mul3A_521 = arith.constant 16 : i32
      %mul3A_522 = arith.muli %add3A_416, %mul3A_521 : i32
      %get3A_523 = arith.constant 15 : i32
      %get3A_524 = arith.index_cast %get3A_523 : i32 to index
      %get3A_525 = arith.index_cast %mul3A_522 : i32 to index
      %get3A_526 = tpu.vector_load %arg10[%get3A_524, %get3A_525] {strides = array<i32>} : memref<16x640xf32, #tpu.memory_space<vmem>>, vector<16xf32>,
      %add3A_527 = arith.addf %add3A_520, %get3A_526 : vector<16xf32>
      %mul3A_528 = arith.constant 16 : i32
      %mul3A_529 = arith.muli %add3A_416, %mul3A_528 : i32
      %swap3A_530 = arith.index_cast %mul3A_529 : i32 to index
      %swap3A_531 = tpu.vector_load %arg11[%swap3A_530] {strides = array<i32>} : memref<640xf32, #tpu.memory_space<vmem>>, vector<16xf32>,
      tpu.vector_store %arg11[%swap3A_530], %add3A_527 {strides = array<i32>} : memref<640xf32, #tpu.memory_space<vmem>>, vector<16xf32>,
    }
    %scan3A_48 = arith.constant 40 : i32
    %mul3A_49 = arith.constant 640 : i32
    %mul3A_50 = arith.muli %arg1, %mul3A_49 : i32
    "tpu.region"() ({
      %run_scoped3A = tpu.sem_alloc : memref<!tpu.dma_semaphore, #tpu.memory_space<semaphore_mem>>
      %dma_start3A_51 = tpu.memref_slice %arg4[%arg0, %mul3A_50] : memref<2x10240xf32, #tpu.memory_space<hbm>> -> memref<1x640xf32, #tpu.memory_space<hbm>>
      %dma_start3A_52 = tpu.memref_squeeze %dma_start3A_51 : memref<1x640xf32, #tpu.memory_space<hbm>> -> memref<640xf32, #tpu.memory_space<hbm>>
      %dma_start3A_53 = tpu.memref_slice %arg4[%arg0, %mul3A_50] : memref<2x10240xf32, #tpu.memory_space<hbm>> -> memref<1x640xf32, #tpu.memory_space<hbm>>
      %dma_start3A_54 = tpu.memref_squeeze %dma_start3A_53 : memref<1x640xf32, #tpu.memory_space<hbm>> -> memref<640xf32, #tpu.memory_space<hbm>>
      tpu.enqueue_dma source(%arg11 : memref<640xf32, #tpu.memory_space<vmem>>) target(%dma_start3A_54 : memref<640xf32, #tpu.memory_space<hbm>>) target_semaphore(%run_scoped3A : memref<!tpu.dma_semaphore, #tpu.memory_space<semaphore_mem>>)
      %dma_wait3A_55 = tpu.memref_slice %arg4[%arg0, %mul3A_50] : memref<2x10240xf32, #tpu.memory_space<hbm>> -> memref<1x640xf32, #tpu.memory_space<hbm>>
      %dma_wait3A_56 = tpu.memref_squeeze %dma_wait3A_55 : memref<1x640xf32, #tpu.memory_space<hbm>> -> memref<640xf32, #tpu.memory_space<hbm>>
      %dma_wait3A_57 = tpu.memref_slice %arg4[%arg0, %mul3A_50] : memref<2x10240xf32, #tpu.memory_space<hbm>> -> memref<1x640xf32, #tpu.memory_space<hbm>>
      %dma_wait3A_58 = tpu.memref_squeeze %dma_wait3A_57 : memref<1x640xf32, #tpu.memory_space<hbm>> -> memref<640xf32, #tpu.memory_space<hbm>>
      tpu.wait_dma2 semaphore(%run_scoped3A : memref<!tpu.dma_semaphore, #tpu.memory_space<semaphore_mem>>) src(%arg11 : memref<640xf32, #tpu.memory_space<vmem>>) dst(%dma_wait3A_58 : memref<640xf32, #tpu.memory_space<hbm>>)
      tpu.yield
    }) : () -> ()
    return
  }
}

#map = affine_map<(d0, d1) -> (0, 0)>
#map1 = affine_map<(d0, d1) -> (0)>
#map2 = affine_map<(d0, d1) -> (0, 0, 0)>
module attributes {stable_mosaic.version = 14 : i64} {
  func.func @agg_kernel(%arg0: i32, %arg1: i32, %arg2: memref<2x320000xi32, #tpu.memory_space<hbm>>, %arg3: memref<320000xf32, #tpu.memory_space<hbm>>, %arg4: memref<10000x128xf32, #tpu.memory_space<hbm>>, %arg5: memref<1x10240xf32, #tpu.memory_space<hbm>>, %arg6: memref<2x10240x128xf32, #tpu.memory_space<hbm>>, %arg7: memref<4x2x128xi32, #tpu.memory_space<vmem>>, %arg8: memref<4x128xf32, #tpu.memory_space<vmem>>, %arg9: memref<2x128x128xf32, #tpu.memory_space<vmem>>, %arg10: memref<10240xf32, #tpu.memory_space<vmem>>, %arg11: memref<128xf32, #tpu.memory_space<vmem>>, %arg12: memref<4x!tpu.dma_semaphore, #tpu.memory_space<semaphore_mem>>, %arg13: memref<4x!tpu.dma_semaphore, #tpu.memory_space<semaphore_mem>>, %arg14: memref<2x!tpu.dma_semaphore, #tpu.memory_space<semaphore_mem>>, %arg15: memref<2x!tpu.dma_semaphore, #tpu.memory_space<semaphore_mem>>, %arg16: memref<10240x128xf32, #tpu.memory_space<vmem_shared>>) attributes {dimension_semantics = [#tpu.dimension_semantics<core_parallel>, #tpu.dimension_semantics<subcore_parallel>], iteration_bounds = array<i64: 2, 16>, scalar_prefetch = 0 : i64, scratch_operands = 10 : i64, tpu.core_type = #tpu.core_type<sc_vector_subcore>, window_params = [{transform_indices = #map}, {transform_indices = #map1}, {transform_indices = #map}, {transform_indices = #map}, {transform_indices = #map2}]} {
    %mul3A = arith.constant 2 : i32
    %mul3A_0 = arith.muli %arg1, %mul3A : i32
    %add3A = arith.addi %mul3A_0, %arg0 : i32
    %lt3A = arith.constant 4 : i32
    %lt3A_1 = arith.cmpi slt, %add3A, %lt3A : i32
    %jit3A = arith.constant 1 : i32
    %jit3A_2 = arith.constant 0 : i32
    %select_n3A = arith.select %lt3A_1, %jit3A, %jit3A_2 : i32
    %add3A_3 = arith.constant 78 : i32
    %add3A_4 = arith.addi %add3A_3, %select_n3A : i32
    %run_scoped3A = arith.constant 0 : i32
    "tpu.region"() ({
      %run_scoped3A_89 = tpu.sem_alloc : memref<!tpu.dma_semaphore, #tpu.memory_space<semaphore_mem>>
      %dma_start3A_90 = arith.constant 0 : i32
      %dma_start3A_91 = tpu.memref_slice %arg5[%run_scoped3A, %dma_start3A_90] : memref<1x10240xf32, #tpu.memory_space<hbm>> -> memref<1x10240xf32, #tpu.memory_space<hbm>>
      %dma_start3A_92 = tpu.memref_squeeze %dma_start3A_91 : memref<1x10240xf32, #tpu.memory_space<hbm>> -> memref<10240xf32, #tpu.memory_space<hbm>>
      %dma_start3A_93 = arith.constant 0 : i32
      %dma_start3A_94 = tpu.memref_slice %arg5[%run_scoped3A, %dma_start3A_93] : memref<1x10240xf32, #tpu.memory_space<hbm>> -> memref<1x10240xf32, #tpu.memory_space<hbm>>
      %dma_start3A_95 = tpu.memref_squeeze %dma_start3A_94 : memref<1x10240xf32, #tpu.memory_space<hbm>> -> memref<10240xf32, #tpu.memory_space<hbm>>
      tpu.enqueue_dma source(%dma_start3A_95 : memref<10240xf32, #tpu.memory_space<hbm>>) target(%arg10 : memref<10240xf32, #tpu.memory_space<vmem>>) target_semaphore(%run_scoped3A_89 : memref<!tpu.dma_semaphore, #tpu.memory_space<semaphore_mem>>)
      %dma_wait3A = arith.constant 0 : i32
      %dma_wait3A_96 = tpu.memref_slice %arg5[%run_scoped3A, %dma_wait3A] : memref<1x10240xf32, #tpu.memory_space<hbm>> -> memref<1x10240xf32, #tpu.memory_space<hbm>>
      %dma_wait3A_97 = tpu.memref_squeeze %dma_wait3A_96 : memref<1x10240xf32, #tpu.memory_space<hbm>> -> memref<10240xf32, #tpu.memory_space<hbm>>
      %dma_wait3A_98 = arith.constant 0 : i32
      %dma_wait3A_99 = tpu.memref_slice %arg5[%run_scoped3A, %dma_wait3A_98] : memref<1x10240xf32, #tpu.memory_space<hbm>> -> memref<1x10240xf32, #tpu.memory_space<hbm>>
      %dma_wait3A_100 = tpu.memref_squeeze %dma_wait3A_99 : memref<1x10240xf32, #tpu.memory_space<hbm>> -> memref<10240xf32, #tpu.memory_space<hbm>>
      tpu.wait_dma2 semaphore(%run_scoped3A_89 : memref<!tpu.dma_semaphore, #tpu.memory_space<semaphore_mem>>) src(%dma_wait3A_100 : memref<10240xf32, #tpu.memory_space<hbm>>) dst(%arg10 : memref<10240xf32, #tpu.memory_space<vmem>>)
      tpu.yield
    }) : () -> ()
    %scan3A = arith.constant 0 : i32
    %scan3A_5 = arith.constant 128 : i32
    %scan3A_6 = arith.addi %scan3A, %scan3A_5 : i32
    %scan3A_7 = arith.constant 1 : i32
    scf.for %scan3A_89 = %scan3A to %scan3A_6 step %scan3A_7  : i32 {
      %mul3A_90 = arith.constant 1 : i32
      %mul3A_91 = arith.muli %scan3A_89, %mul3A_90 : i32
      %add3A_92 = arith.constant 0 : i32
      %add3A_93 = arith.addi %add3A_92, %mul3A_91 : i32
      %broadcast_in_dim3A = arith.constant 0.000000e+00 : f32
      %broadcast_in_dim3A_94 = vector.broadcast %broadcast_in_dim3A : f32 to vector<16xf32>
      %swap3A = arith.constant 0 : i32
      %swap3A_95 = arith.index_cast %swap3A : i32 to index
      %swap3A_96 = arith.index_cast %add3A_93 : i32 to index
      %swap3A_97 = arith.constant 0 : index
      %swap3A_98 = tpu.vector_load %arg9[%swap3A_95, %swap3A_96, %swap3A_97] {strides = array<i32>} : memref<2x128x128xf32, #tpu.memory_space<vmem>>, vector<16xf32>,
      tpu.vector_store %arg9[%swap3A_95, %swap3A_96, %swap3A_97], %broadcast_in_dim3A_94 {strides = array<i32>} : memref<2x128x128xf32, #tpu.memory_space<vmem>>, vector<16xf32>,
      %broadcast_in_dim3A_99 = arith.constant 0.000000e+00 : f32
      %broadcast_in_dim3A_100 = vector.broadcast %broadcast_in_dim3A_99 : f32 to vector<16xf32>
      %swap3A_101 = arith.constant 0 : i32
      %swap3A_102 = arith.index_cast %swap3A_101 : i32 to index
      %swap3A_103 = arith.index_cast %add3A_93 : i32 to index
      %swap3A_104 = arith.constant 16 : index
      %swap3A_105 = tpu.vector_load %arg9[%swap3A_102, %swap3A_103, %swap3A_104] {strides = array<i32>} : memref<2x128x128xf32, #tpu.memory_space<vmem>>, vector<16xf32>,
      tpu.vector_store %arg9[%swap3A_102, %swap3A_103, %swap3A_104], %broadcast_in_dim3A_100 {strides = array<i32>} : memref<2x128x128xf32, #tpu.memory_space<vmem>>, vector<16xf32>,
      %broadcast_in_dim3A_106 = arith.constant 0.000000e+00 : f32
      %broadcast_in_dim3A_107 = vector.broadcast %broadcast_in_dim3A_106 : f32 to vector<16xf32>
      %swap3A_108 = arith.constant 0 : i32
      %swap3A_109 = arith.index_cast %swap3A_108 : i32 to index
      %swap3A_110 = arith.index_cast %add3A_93 : i32 to index
      %swap3A_111 = arith.constant 32 : index
      %swap3A_112 = tpu.vector_load %arg9[%swap3A_109, %swap3A_110, %swap3A_111] {strides = array<i32>} : memref<2x128x128xf32, #tpu.memory_space<vmem>>, vector<16xf32>,
      tpu.vector_store %arg9[%swap3A_109, %swap3A_110, %swap3A_111], %broadcast_in_dim3A_107 {strides = array<i32>} : memref<2x128x128xf32, #tpu.memory_space<vmem>>, vector<16xf32>,
      %broadcast_in_dim3A_113 = arith.constant 0.000000e+00 : f32
      %broadcast_in_dim3A_114 = vector.broadcast %broadcast_in_dim3A_113 : f32 to vector<16xf32>
      %swap3A_115 = arith.constant 0 : i32
      %swap3A_116 = arith.index_cast %swap3A_115 : i32 to index
      %swap3A_117 = arith.index_cast %add3A_93 : i32 to index
      %swap3A_118 = arith.constant 48 : index
      %swap3A_119 = tpu.vector_load %arg9[%swap3A_116, %swap3A_117, %swap3A_118] {strides = array<i32>} : memref<2x128x128xf32, #tpu.memory_space<vmem>>, vector<16xf32>,
      tpu.vector_store %arg9[%swap3A_116, %swap3A_117, %swap3A_118], %broadcast_in_dim3A_114 {strides = array<i32>} : memref<2x128x128xf32, #tpu.memory_space<vmem>>, vector<16xf32>,
      %broadcast_in_dim3A_120 = arith.constant 0.000000e+00 : f32
      %broadcast_in_dim3A_121 = vector.broadcast %broadcast_in_dim3A_120 : f32 to vector<16xf32>
      %swap3A_122 = arith.constant 0 : i32
      %swap3A_123 = arith.index_cast %swap3A_122 : i32 to index
      %swap3A_124 = arith.index_cast %add3A_93 : i32 to index
      %swap3A_125 = arith.constant 64 : index
      %swap3A_126 = tpu.vector_load %arg9[%swap3A_123, %swap3A_124, %swap3A_125] {strides = array<i32>} : memref<2x128x128xf32, #tpu.memory_space<vmem>>, vector<16xf32>,
      tpu.vector_store %arg9[%swap3A_123, %swap3A_124, %swap3A_125], %broadcast_in_dim3A_121 {strides = array<i32>} : memref<2x128x128xf32, #tpu.memory_space<vmem>>, vector<16xf32>,
      %broadcast_in_dim3A_127 = arith.constant 0.000000e+00 : f32
      %broadcast_in_dim3A_128 = vector.broadcast %broadcast_in_dim3A_127 : f32 to vector<16xf32>
      %swap3A_129 = arith.constant 0 : i32
      %swap3A_130 = arith.index_cast %swap3A_129 : i32 to index
      %swap3A_131 = arith.index_cast %add3A_93 : i32 to index
      %swap3A_132 = arith.constant 80 : index
      %swap3A_133 = tpu.vector_load %arg9[%swap3A_130, %swap3A_131, %swap3A_132] {strides = array<i32>} : memref<2x128x128xf32, #tpu.memory_space<vmem>>, vector<16xf32>,
      tpu.vector_store %arg9[%swap3A_130, %swap3A_131, %swap3A_132], %broadcast_in_dim3A_128 {strides = array<i32>} : memref<2x128x128xf32, #tpu.memory_space<vmem>>, vector<16xf32>,
      %broadcast_in_dim3A_134 = arith.constant 0.000000e+00 : f32
      %broadcast_in_dim3A_135 = vector.broadcast %broadcast_in_dim3A_134 : f32 to vector<16xf32>
      %swap3A_136 = arith.constant 0 : i32
      %swap3A_137 = arith.index_cast %swap3A_136 : i32 to index
      %swap3A_138 = arith.index_cast %add3A_93 : i32 to index
      %swap3A_139 = arith.constant 96 : index
      %swap3A_140 = tpu.vector_load %arg9[%swap3A_137, %swap3A_138, %swap3A_139] {strides = array<i32>} : memref<2x128x128xf32, #tpu.memory_space<vmem>>, vector<16xf32>,
      tpu.vector_store %arg9[%swap3A_137, %swap3A_138, %swap3A_139], %broadcast_in_dim3A_135 {strides = array<i32>} : memref<2x128x128xf32, #tpu.memory_space<vmem>>, vector<16xf32>,
      %broadcast_in_dim3A_141 = arith.constant 0.000000e+00 : f32
      %broadcast_in_dim3A_142 = vector.broadcast %broadcast_in_dim3A_141 : f32 to vector<16xf32>
      %swap3A_143 = arith.constant 0 : i32
      %swap3A_144 = arith.index_cast %swap3A_143 : i32 to index
      %swap3A_145 = arith.index_cast %add3A_93 : i32 to index
      %swap3A_146 = arith.constant 112 : index
      %swap3A_147 = tpu.vector_load %arg9[%swap3A_144, %swap3A_145, %swap3A_146] {strides = array<i32>} : memref<2x128x128xf32, #tpu.memory_space<vmem>>, vector<16xf32>,
      tpu.vector_store %arg9[%swap3A_144, %swap3A_145, %swap3A_146], %broadcast_in_dim3A_142 {strides = array<i32>} : memref<2x128x128xf32, #tpu.memory_space<vmem>>, vector<16xf32>,
    }
    %scan3A_8 = arith.constant 128 : i32
    %mul3A_9 = arith.constant 640 : i32
    %mul3A_10 = arith.muli %arg1, %mul3A_9 : i32
    %add3A_11 = arith.constant 0 : i32
    %add3A_12 = arith.addi %mul3A_10, %add3A_11 : i32
    %run_scoped3A_13 = arith.constant 0 : i32
    "tpu.region"() ({
      %run_scoped3A_89 = tpu.sem_alloc : memref<!tpu.dma_semaphore, #tpu.memory_space<semaphore_mem>>
      %dma_start3A_90 = arith.constant 0 : i32
      %dma_start3A_91 = arith.constant 0 : i32
      %dma_start3A_92 = tpu.memref_slice %arg9[%run_scoped3A_13, %dma_start3A_90, %dma_start3A_91] : memref<2x128x128xf32, #tpu.memory_space<vmem>> -> memref<1x128x128xf32, #tpu.memory_space<vmem>>
      %dma_start3A_93 = tpu.memref_squeeze %dma_start3A_92 : memref<1x128x128xf32, #tpu.memory_space<vmem>> -> memref<128x128xf32, #tpu.memory_space<vmem>>
      %dma_start3A_94 = arith.constant 0 : i32
      %dma_start3A_95 = tpu.memref_slice %arg16[%add3A_12, %dma_start3A_94] : memref<10240x128xf32, #tpu.memory_space<vmem_shared>> -> memref<128x128xf32, #tpu.memory_space<vmem_shared>>
      %dma_start3A_96 = arith.constant 0 : i32
      %dma_start3A_97 = tpu.memref_slice %arg16[%add3A_12, %dma_start3A_96] : memref<10240x128xf32, #tpu.memory_space<vmem_shared>> -> memref<128x128xf32, #tpu.memory_space<vmem_shared>>
      %dma_start3A_98 = arith.constant 0 : i32
      %dma_start3A_99 = arith.constant 0 : i32
      %dma_start3A_100 = tpu.memref_slice %arg9[%run_scoped3A_13, %dma_start3A_98, %dma_start3A_99] : memref<2x128x128xf32, #tpu.memory_space<vmem>> -> memref<1x128x128xf32, #tpu.memory_space<vmem>>
      %dma_start3A_101 = tpu.memref_squeeze %dma_start3A_100 : memref<1x128x128xf32, #tpu.memory_space<vmem>> -> memref<128x128xf32, #tpu.memory_space<vmem>>
      tpu.enqueue_dma source(%dma_start3A_101 : memref<128x128xf32, #tpu.memory_space<vmem>>) target(%dma_start3A_97 : memref<128x128xf32, #tpu.memory_space<vmem_shared>>) target_semaphore(%run_scoped3A_89 : memref<!tpu.dma_semaphore, #tpu.memory_space<semaphore_mem>>)
      %dma_wait3A = arith.constant 0 : i32
      %dma_wait3A_102 = arith.constant 0 : i32
      %dma_wait3A_103 = tpu.memref_slice %arg9[%run_scoped3A_13, %dma_wait3A, %dma_wait3A_102] : memref<2x128x128xf32, #tpu.memory_space<vmem>> -> memref<1x128x128xf32, #tpu.memory_space<vmem>>
      %dma_wait3A_104 = tpu.memref_squeeze %dma_wait3A_103 : memref<1x128x128xf32, #tpu.memory_space<vmem>> -> memref<128x128xf32, #tpu.memory_space<vmem>>
      %dma_wait3A_105 = arith.constant 0 : i32
      %dma_wait3A_106 = tpu.memref_slice %arg16[%add3A_12, %dma_wait3A_105] : memref<10240x128xf32, #tpu.memory_space<vmem_shared>> -> memref<128x128xf32, #tpu.memory_space<vmem_shared>>
      %dma_wait3A_107 = arith.constant 0 : i32
      %dma_wait3A_108 = tpu.memref_slice %arg16[%add3A_12, %dma_wait3A_107] : memref<10240x128xf32, #tpu.memory_space<vmem_shared>> -> memref<128x128xf32, #tpu.memory_space<vmem_shared>>
      %dma_wait3A_109 = arith.constant 0 : i32
      %dma_wait3A_110 = arith.constant 0 : i32
      %dma_wait3A_111 = tpu.memref_slice %arg9[%run_scoped3A_13, %dma_wait3A_109, %dma_wait3A_110] : memref<2x128x128xf32, #tpu.memory_space<vmem>> -> memref<1x128x128xf32, #tpu.memory_space<vmem>>
      %dma_wait3A_112 = tpu.memref_squeeze %dma_wait3A_111 : memref<1x128x128xf32, #tpu.memory_space<vmem>> -> memref<128x128xf32, #tpu.memory_space<vmem>>
      tpu.wait_dma2 semaphore(%run_scoped3A_89 : memref<!tpu.dma_semaphore, #tpu.memory_space<semaphore_mem>>) src(%dma_wait3A_112 : memref<128x128xf32, #tpu.memory_space<vmem>>) dst(%dma_wait3A_108 : memref<128x128xf32, #tpu.memory_space<vmem_shared>>)
      tpu.yield
    }) : () -> ()
    %mul3A_14 = arith.constant 640 : i32
    %mul3A_15 = arith.muli %arg1, %mul3A_14 : i32
    %add3A_16 = arith.constant 128 : i32
    %add3A_17 = arith.addi %mul3A_15, %add3A_16 : i32
    %run_scoped3A_18 = arith.constant 0 : i32
    "tpu.region"() ({
      %run_scoped3A_89 = tpu.sem_alloc : memref<!tpu.dma_semaphore, #tpu.memory_space<semaphore_mem>>
      %dma_start3A_90 = arith.constant 0 : i32
      %dma_start3A_91 = arith.constant 0 : i32
      %dma_start3A_92 = tpu.memref_slice %arg9[%run_scoped3A_18, %dma_start3A_90, %dma_start3A_91] : memref<2x128x128xf32, #tpu.memory_space<vmem>> -> memref<1x128x128xf32, #tpu.memory_space<vmem>>
      %dma_start3A_93 = tpu.memref_squeeze %dma_start3A_92 : memref<1x128x128xf32, #tpu.memory_space<vmem>> -> memref<128x128xf32, #tpu.memory_space<vmem>>
      %dma_start3A_94 = arith.constant 0 : i32
      %dma_start3A_95 = tpu.memref_slice %arg16[%add3A_17, %dma_start3A_94] : memref<10240x128xf32, #tpu.memory_space<vmem_shared>> -> memref<128x128xf32, #tpu.memory_space<vmem_shared>>
      %dma_start3A_96 = arith.constant 0 : i32
      %dma_start3A_97 = tpu.memref_slice %arg16[%add3A_17, %dma_start3A_96] : memref<10240x128xf32, #tpu.memory_space<vmem_shared>> -> memref<128x128xf32, #tpu.memory_space<vmem_shared>>
      %dma_start3A_98 = arith.constant 0 : i32
      %dma_start3A_99 = arith.constant 0 : i32
      %dma_start3A_100 = tpu.memref_slice %arg9[%run_scoped3A_18, %dma_start3A_98, %dma_start3A_99] : memref<2x128x128xf32, #tpu.memory_space<vmem>> -> memref<1x128x128xf32, #tpu.memory_space<vmem>>
      %dma_start3A_101 = tpu.memref_squeeze %dma_start3A_100 : memref<1x128x128xf32, #tpu.memory_space<vmem>> -> memref<128x128xf32, #tpu.memory_space<vmem>>
      tpu.enqueue_dma source(%dma_start3A_101 : memref<128x128xf32, #tpu.memory_space<vmem>>) target(%dma_start3A_97 : memref<128x128xf32, #tpu.memory_space<vmem_shared>>) target_semaphore(%run_scoped3A_89 : memref<!tpu.dma_semaphore, #tpu.memory_space<semaphore_mem>>)
      %dma_wait3A = arith.constant 0 : i32
      %dma_wait3A_102 = arith.constant 0 : i32
      %dma_wait3A_103 = tpu.memref_slice %arg9[%run_scoped3A_18, %dma_wait3A, %dma_wait3A_102] : memref<2x128x128xf32, #tpu.memory_space<vmem>> -> memref<1x128x128xf32, #tpu.memory_space<vmem>>
      %dma_wait3A_104 = tpu.memref_squeeze %dma_wait3A_103 : memref<1x128x128xf32, #tpu.memory_space<vmem>> -> memref<128x128xf32, #tpu.memory_space<vmem>>
      %dma_wait3A_105 = arith.constant 0 : i32
      %dma_wait3A_106 = tpu.memref_slice %arg16[%add3A_17, %dma_wait3A_105] : memref<10240x128xf32, #tpu.memory_space<vmem_shared>> -> memref<128x128xf32, #tpu.memory_space<vmem_shared>>
      %dma_wait3A_107 = arith.constant 0 : i32
      %dma_wait3A_108 = tpu.memref_slice %arg16[%add3A_17, %dma_wait3A_107] : memref<10240x128xf32, #tpu.memory_space<vmem_shared>> -> memref<128x128xf32, #tpu.memory_space<vmem_shared>>
      %dma_wait3A_109 = arith.constant 0 : i32
      %dma_wait3A_110 = arith.constant 0 : i32
      %dma_wait3A_111 = tpu.memref_slice %arg9[%run_scoped3A_18, %dma_wait3A_109, %dma_wait3A_110] : memref<2x128x128xf32, #tpu.memory_space<vmem>> -> memref<1x128x128xf32, #tpu.memory_space<vmem>>
      %dma_wait3A_112 = tpu.memref_squeeze %dma_wait3A_111 : memref<1x128x128xf32, #tpu.memory_space<vmem>> -> memref<128x128xf32, #tpu.memory_space<vmem>>
      tpu.wait_dma2 semaphore(%run_scoped3A_89 : memref<!tpu.dma_semaphore, #tpu.memory_space<semaphore_mem>>) src(%dma_wait3A_112 : memref<128x128xf32, #tpu.memory_space<vmem>>) dst(%dma_wait3A_108 : memref<128x128xf32, #tpu.memory_space<vmem_shared>>)
      tpu.yield
    }) : () -> ()
    %mul3A_19 = arith.constant 640 : i32
    %mul3A_20 = arith.muli %arg1, %mul3A_19 : i32
    %add3A_21 = arith.constant 256 : i32
    %add3A_22 = arith.addi %mul3A_20, %add3A_21 : i32
    %run_scoped3A_23 = arith.constant 0 : i32
    "tpu.region"() ({
      %run_scoped3A_89 = tpu.sem_alloc : memref<!tpu.dma_semaphore, #tpu.memory_space<semaphore_mem>>
      %dma_start3A_90 = arith.constant 0 : i32
      %dma_start3A_91 = arith.constant 0 : i32
      %dma_start3A_92 = tpu.memref_slice %arg9[%run_scoped3A_23, %dma_start3A_90, %dma_start3A_91] : memref<2x128x128xf32, #tpu.memory_space<vmem>> -> memref<1x128x128xf32, #tpu.memory_space<vmem>>
      %dma_start3A_93 = tpu.memref_squeeze %dma_start3A_92 : memref<1x128x128xf32, #tpu.memory_space<vmem>> -> memref<128x128xf32, #tpu.memory_space<vmem>>
      %dma_start3A_94 = arith.constant 0 : i32
      %dma_start3A_95 = tpu.memref_slice %arg16[%add3A_22, %dma_start3A_94] : memref<10240x128xf32, #tpu.memory_space<vmem_shared>> -> memref<128x128xf32, #tpu.memory_space<vmem_shared>>
      %dma_start3A_96 = arith.constant 0 : i32
      %dma_start3A_97 = tpu.memref_slice %arg16[%add3A_22, %dma_start3A_96] : memref<10240x128xf32, #tpu.memory_space<vmem_shared>> -> memref<128x128xf32, #tpu.memory_space<vmem_shared>>
      %dma_start3A_98 = arith.constant 0 : i32
      %dma_start3A_99 = arith.constant 0 : i32
      %dma_start3A_100 = tpu.memref_slice %arg9[%run_scoped3A_23, %dma_start3A_98, %dma_start3A_99] : memref<2x128x128xf32, #tpu.memory_space<vmem>> -> memref<1x128x128xf32, #tpu.memory_space<vmem>>
      %dma_start3A_101 = tpu.memref_squeeze %dma_start3A_100 : memref<1x128x128xf32, #tpu.memory_space<vmem>> -> memref<128x128xf32, #tpu.memory_space<vmem>>
      tpu.enqueue_dma source(%dma_start3A_101 : memref<128x128xf32, #tpu.memory_space<vmem>>) target(%dma_start3A_97 : memref<128x128xf32, #tpu.memory_space<vmem_shared>>) target_semaphore(%run_scoped3A_89 : memref<!tpu.dma_semaphore, #tpu.memory_space<semaphore_mem>>)
      %dma_wait3A = arith.constant 0 : i32
      %dma_wait3A_102 = arith.constant 0 : i32
      %dma_wait3A_103 = tpu.memref_slice %arg9[%run_scoped3A_23, %dma_wait3A, %dma_wait3A_102] : memref<2x128x128xf32, #tpu.memory_space<vmem>> -> memref<1x128x128xf32, #tpu.memory_space<vmem>>
      %dma_wait3A_104 = tpu.memref_squeeze %dma_wait3A_103 : memref<1x128x128xf32, #tpu.memory_space<vmem>> -> memref<128x128xf32, #tpu.memory_space<vmem>>
      %dma_wait3A_105 = arith.constant 0 : i32
      %dma_wait3A_106 = tpu.memref_slice %arg16[%add3A_22, %dma_wait3A_105] : memref<10240x128xf32, #tpu.memory_space<vmem_shared>> -> memref<128x128xf32, #tpu.memory_space<vmem_shared>>
      %dma_wait3A_107 = arith.constant 0 : i32
      %dma_wait3A_108 = tpu.memref_slice %arg16[%add3A_22, %dma_wait3A_107] : memref<10240x128xf32, #tpu.memory_space<vmem_shared>> -> memref<128x128xf32, #tpu.memory_space<vmem_shared>>
      %dma_wait3A_109 = arith.constant 0 : i32
      %dma_wait3A_110 = arith.constant 0 : i32
      %dma_wait3A_111 = tpu.memref_slice %arg9[%run_scoped3A_23, %dma_wait3A_109, %dma_wait3A_110] : memref<2x128x128xf32, #tpu.memory_space<vmem>> -> memref<1x128x128xf32, #tpu.memory_space<vmem>>
      %dma_wait3A_112 = tpu.memref_squeeze %dma_wait3A_111 : memref<1x128x128xf32, #tpu.memory_space<vmem>> -> memref<128x128xf32, #tpu.memory_space<vmem>>
      tpu.wait_dma2 semaphore(%run_scoped3A_89 : memref<!tpu.dma_semaphore, #tpu.memory_space<semaphore_mem>>) src(%dma_wait3A_112 : memref<128x128xf32, #tpu.memory_space<vmem>>) dst(%dma_wait3A_108 : memref<128x128xf32, #tpu.memory_space<vmem_shared>>)
      tpu.yield
    }) : () -> ()
    %mul3A_24 = arith.constant 640 : i32
    %mul3A_25 = arith.muli %arg1, %mul3A_24 : i32
    %add3A_26 = arith.constant 384 : i32
    %add3A_27 = arith.addi %mul3A_25, %add3A_26 : i32
    %run_scoped3A_28 = arith.constant 0 : i32
    "tpu.region"() ({
      %run_scoped3A_89 = tpu.sem_alloc : memref<!tpu.dma_semaphore, #tpu.memory_space<semaphore_mem>>
      %dma_start3A_90 = arith.constant 0 : i32
      %dma_start3A_91 = arith.constant 0 : i32
      %dma_start3A_92 = tpu.memref_slice %arg9[%run_scoped3A_28, %dma_start3A_90, %dma_start3A_91] : memref<2x128x128xf32, #tpu.memory_space<vmem>> -> memref<1x128x128xf32, #tpu.memory_space<vmem>>
      %dma_start3A_93 = tpu.memref_squeeze %dma_start3A_92 : memref<1x128x128xf32, #tpu.memory_space<vmem>> -> memref<128x128xf32, #tpu.memory_space<vmem>>
      %dma_start3A_94 = arith.constant 0 : i32
      %dma_start3A_95 = tpu.memref_slice %arg16[%add3A_27, %dma_start3A_94] : memref<10240x128xf32, #tpu.memory_space<vmem_shared>> -> memref<128x128xf32, #tpu.memory_space<vmem_shared>>
      %dma_start3A_96 = arith.constant 0 : i32
      %dma_start3A_97 = tpu.memref_slice %arg16[%add3A_27, %dma_start3A_96] : memref<10240x128xf32, #tpu.memory_space<vmem_shared>> -> memref<128x128xf32, #tpu.memory_space<vmem_shared>>
      %dma_start3A_98 = arith.constant 0 : i32
      %dma_start3A_99 = arith.constant 0 : i32
      %dma_start3A_100 = tpu.memref_slice %arg9[%run_scoped3A_28, %dma_start3A_98, %dma_start3A_99] : memref<2x128x128xf32, #tpu.memory_space<vmem>> -> memref<1x128x128xf32, #tpu.memory_space<vmem>>
      %dma_start3A_101 = tpu.memref_squeeze %dma_start3A_100 : memref<1x128x128xf32, #tpu.memory_space<vmem>> -> memref<128x128xf32, #tpu.memory_space<vmem>>
      tpu.enqueue_dma source(%dma_start3A_101 : memref<128x128xf32, #tpu.memory_space<vmem>>) target(%dma_start3A_97 : memref<128x128xf32, #tpu.memory_space<vmem_shared>>) target_semaphore(%run_scoped3A_89 : memref<!tpu.dma_semaphore, #tpu.memory_space<semaphore_mem>>)
      %dma_wait3A = arith.constant 0 : i32
      %dma_wait3A_102 = arith.constant 0 : i32
      %dma_wait3A_103 = tpu.memref_slice %arg9[%run_scoped3A_28, %dma_wait3A, %dma_wait3A_102] : memref<2x128x128xf32, #tpu.memory_space<vmem>> -> memref<1x128x128xf32, #tpu.memory_space<vmem>>
      %dma_wait3A_104 = tpu.memref_squeeze %dma_wait3A_103 : memref<1x128x128xf32, #tpu.memory_space<vmem>> -> memref<128x128xf32, #tpu.memory_space<vmem>>
      %dma_wait3A_105 = arith.constant 0 : i32
      %dma_wait3A_106 = tpu.memref_slice %arg16[%add3A_27, %dma_wait3A_105] : memref<10240x128xf32, #tpu.memory_space<vmem_shared>> -> memref<128x128xf32, #tpu.memory_space<vmem_shared>>
      %dma_wait3A_107 = arith.constant 0 : i32
      %dma_wait3A_108 = tpu.memref_slice %arg16[%add3A_27, %dma_wait3A_107] : memref<10240x128xf32, #tpu.memory_space<vmem_shared>> -> memref<128x128xf32, #tpu.memory_space<vmem_shared>>
      %dma_wait3A_109 = arith.constant 0 : i32
      %dma_wait3A_110 = arith.constant 0 : i32
      %dma_wait3A_111 = tpu.memref_slice %arg9[%run_scoped3A_28, %dma_wait3A_109, %dma_wait3A_110] : memref<2x128x128xf32, #tpu.memory_space<vmem>> -> memref<1x128x128xf32, #tpu.memory_space<vmem>>
      %dma_wait3A_112 = tpu.memref_squeeze %dma_wait3A_111 : memref<1x128x128xf32, #tpu.memory_space<vmem>> -> memref<128x128xf32, #tpu.memory_space<vmem>>
      tpu.wait_dma2 semaphore(%run_scoped3A_89 : memref<!tpu.dma_semaphore, #tpu.memory_space<semaphore_mem>>) src(%dma_wait3A_112 : memref<128x128xf32, #tpu.memory_space<vmem>>) dst(%dma_wait3A_108 : memref<128x128xf32, #tpu.memory_space<vmem_shared>>)
      tpu.yield
    }) : () -> ()
    %mul3A_29 = arith.constant 640 : i32
    %mul3A_30 = arith.muli %arg1, %mul3A_29 : i32
    %add3A_31 = arith.constant 512 : i32
    %add3A_32 = arith.addi %mul3A_30, %add3A_31 : i32
    %run_scoped3A_33 = arith.constant 0 : i32
    "tpu.region"() ({
      %run_scoped3A_89 = tpu.sem_alloc : memref<!tpu.dma_semaphore, #tpu.memory_space<semaphore_mem>>
      %dma_start3A_90 = arith.constant 0 : i32
      %dma_start3A_91 = arith.constant 0 : i32
      %dma_start3A_92 = tpu.memref_slice %arg9[%run_scoped3A_33, %dma_start3A_90, %dma_start3A_91] : memref<2x128x128xf32, #tpu.memory_space<vmem>> -> memref<1x128x128xf32, #tpu.memory_space<vmem>>
      %dma_start3A_93 = tpu.memref_squeeze %dma_start3A_92 : memref<1x128x128xf32, #tpu.memory_space<vmem>> -> memref<128x128xf32, #tpu.memory_space<vmem>>
      %dma_start3A_94 = arith.constant 0 : i32
      %dma_start3A_95 = tpu.memref_slice %arg16[%add3A_32, %dma_start3A_94] : memref<10240x128xf32, #tpu.memory_space<vmem_shared>> -> memref<128x128xf32, #tpu.memory_space<vmem_shared>>
      %dma_start3A_96 = arith.constant 0 : i32
      %dma_start3A_97 = tpu.memref_slice %arg16[%add3A_32, %dma_start3A_96] : memref<10240x128xf32, #tpu.memory_space<vmem_shared>> -> memref<128x128xf32, #tpu.memory_space<vmem_shared>>
      %dma_start3A_98 = arith.constant 0 : i32
      %dma_start3A_99 = arith.constant 0 : i32
      %dma_start3A_100 = tpu.memref_slice %arg9[%run_scoped3A_33, %dma_start3A_98, %dma_start3A_99] : memref<2x128x128xf32, #tpu.memory_space<vmem>> -> memref<1x128x128xf32, #tpu.memory_space<vmem>>
      %dma_start3A_101 = tpu.memref_squeeze %dma_start3A_100 : memref<1x128x128xf32, #tpu.memory_space<vmem>> -> memref<128x128xf32, #tpu.memory_space<vmem>>
      tpu.enqueue_dma source(%dma_start3A_101 : memref<128x128xf32, #tpu.memory_space<vmem>>) target(%dma_start3A_97 : memref<128x128xf32, #tpu.memory_space<vmem_shared>>) target_semaphore(%run_scoped3A_89 : memref<!tpu.dma_semaphore, #tpu.memory_space<semaphore_mem>>)
      %dma_wait3A = arith.constant 0 : i32
      %dma_wait3A_102 = arith.constant 0 : i32
      %dma_wait3A_103 = tpu.memref_slice %arg9[%run_scoped3A_33, %dma_wait3A, %dma_wait3A_102] : memref<2x128x128xf32, #tpu.memory_space<vmem>> -> memref<1x128x128xf32, #tpu.memory_space<vmem>>
      %dma_wait3A_104 = tpu.memref_squeeze %dma_wait3A_103 : memref<1x128x128xf32, #tpu.memory_space<vmem>> -> memref<128x128xf32, #tpu.memory_space<vmem>>
      %dma_wait3A_105 = arith.constant 0 : i32
      %dma_wait3A_106 = tpu.memref_slice %arg16[%add3A_32, %dma_wait3A_105] : memref<10240x128xf32, #tpu.memory_space<vmem_shared>> -> memref<128x128xf32, #tpu.memory_space<vmem_shared>>
      %dma_wait3A_107 = arith.constant 0 : i32
      %dma_wait3A_108 = tpu.memref_slice %arg16[%add3A_32, %dma_wait3A_107] : memref<10240x128xf32, #tpu.memory_space<vmem_shared>> -> memref<128x128xf32, #tpu.memory_space<vmem_shared>>
      %dma_wait3A_109 = arith.constant 0 : i32
      %dma_wait3A_110 = arith.constant 0 : i32
      %dma_wait3A_111 = tpu.memref_slice %arg9[%run_scoped3A_33, %dma_wait3A_109, %dma_wait3A_110] : memref<2x128x128xf32, #tpu.memory_space<vmem>> -> memref<1x128x128xf32, #tpu.memory_space<vmem>>
      %dma_wait3A_112 = tpu.memref_squeeze %dma_wait3A_111 : memref<1x128x128xf32, #tpu.memory_space<vmem>> -> memref<128x128xf32, #tpu.memory_space<vmem>>
      tpu.wait_dma2 semaphore(%run_scoped3A_89 : memref<!tpu.dma_semaphore, #tpu.memory_space<semaphore_mem>>) src(%dma_wait3A_112 : memref<128x128xf32, #tpu.memory_space<vmem>>) dst(%dma_wait3A_108 : memref<128x128xf32, #tpu.memory_space<vmem_shared>>)
      tpu.yield
    }) : () -> ()
    %barrier3A = arith.constant 0 : index
    tpu.barrier barrier_id(%barrier3A)
    %rem3A = arith.constant 0 : i32
    %rem3A_34 = arith.constant 4 : i32
    %rem3A_35 = arith.remsi %rem3A, %rem3A_34 : i32
    %add3A_36 = arith.constant 0 : i32
    %add3A_37 = arith.addi %add3A_36, %add3A : i32
    %mul3A_38 = arith.constant 128 : i32
    %mul3A_39 = arith.muli %add3A_37, %mul3A_38 : i32
    %dma_start3A = arith.constant 0 : i32
    %dma_start3A_40 = arith.constant 0 : i32
    %dma_start3A_41 = tpu.memref_slice %arg7[%rem3A_35, %dma_start3A, %dma_start3A_40] : memref<4x2x128xi32, #tpu.memory_space<vmem>> -> memref<1x2x128xi32, #tpu.memory_space<vmem>>
    %dma_start3A_42 = tpu.memref_squeeze %dma_start3A_41 : memref<1x2x128xi32, #tpu.memory_space<vmem>> -> memref<2x128xi32, #tpu.memory_space<vmem>>
    %dma_start3A_43 = arith.constant 0 : i32
    %dma_start3A_44 = tpu.memref_slice %arg2[%dma_start3A_43, %mul3A_39] : memref<2x320000xi32, #tpu.memory_space<hbm>> -> memref<2x128xi32, #tpu.memory_space<hbm>>
    %dma_start3A_45 = tpu.memref_slice %arg12[%rem3A_35] : memref<4x!tpu.dma_semaphore, #tpu.memory_space<semaphore_mem>> -> memref<1x!tpu.dma_semaphore, #tpu.memory_space<semaphore_mem>>
    %dma_start3A_46 = tpu.memref_squeeze %dma_start3A_45 : memref<1x!tpu.dma_semaphore, #tpu.memory_space<semaphore_mem>> -> memref<!tpu.dma_semaphore, #tpu.memory_space<semaphore_mem>>
    %dma_start3A_47 = arith.constant 0 : i32
    %dma_start3A_48 = arith.constant 0 : i32
    %dma_start3A_49 = tpu.memref_slice %arg7[%rem3A_35, %dma_start3A_47, %dma_start3A_48] : memref<4x2x128xi32, #tpu.memory_space<vmem>> -> memref<1x2x128xi32, #tpu.memory_space<vmem>>
    %dma_start3A_50 = tpu.memref_squeeze %dma_start3A_49 : memref<1x2x128xi32, #tpu.memory_space<vmem>> -> memref<2x128xi32, #tpu.memory_space<vmem>>
    %dma_start3A_51 = arith.constant 0 : i32
    %dma_start3A_52 = tpu.memref_slice %arg2[%dma_start3A_51, %mul3A_39] : memref<2x320000xi32, #tpu.memory_space<hbm>> -> memref<2x128xi32, #tpu.memory_space<hbm>>
    tpu.enqueue_dma source(%dma_start3A_52 : memref<2x128xi32, #tpu.memory_space<hbm>>) target(%dma_start3A_50 : memref<2x128xi32, #tpu.memory_space<vmem>>) target_semaphore(%dma_start3A_46 : memref<!tpu.dma_semaphore, #tpu.memory_space<semaphore_mem>>)
    %mul3A_53 = arith.constant 128 : i32
    %mul3A_54 = arith.muli %add3A_37, %mul3A_53 : i32
    %dma_start3A_55 = arith.constant 0 : i32
    %dma_start3A_56 = tpu.memref_slice %arg8[%rem3A_35, %dma_start3A_55] : memref<4x128xf32, #tpu.memory_space<vmem>> -> memref<1x128xf32, #tpu.memory_space<vmem>>
    %dma_start3A_57 = tpu.memref_squeeze %dma_start3A_56 : memref<1x128xf32, #tpu.memory_space<vmem>> -> memref<128xf32, #tpu.memory_space<vmem>>
    %dma_start3A_58 = tpu.memref_slice %arg3[%mul3A_54] : memref<320000xf32, #tpu.memory_space<hbm>> -> memref<128xf32, #tpu.memory_space<hbm>>
    %dma_start3A_59 = tpu.memref_slice %arg13[%rem3A_35] : memref<4x!tpu.dma_semaphore, #tpu.memory_space<semaphore_mem>> -> memref<1x!tpu.dma_semaphore, #tpu.memory_space<semaphore_mem>>
    %dma_start3A_60 = tpu.memref_squeeze %dma_start3A_59 : memref<1x!tpu.dma_semaphore, #tpu.memory_space<semaphore_mem>> -> memref<!tpu.dma_semaphore, #tpu.memory_space<semaphore_mem>>
    %dma_start3A_61 = arith.constant 0 : i32
    %dma_start3A_62 = tpu.memref_slice %arg8[%rem3A_35, %dma_start3A_61] : memref<4x128xf32, #tpu.memory_space<vmem>> -> memref<1x128xf32, #tpu.memory_space<vmem>>
    %dma_start3A_63 = tpu.memref_squeeze %dma_start3A_62 : memref<1x128xf32, #tpu.memory_space<vmem>> -> memref<128xf32, #tpu.memory_space<vmem>>
    %dma_start3A_64 = tpu.memref_slice %arg3[%mul3A_54] : memref<320000xf32, #tpu.memory_space<hbm>> -> memref<128xf32, #tpu.memory_space<hbm>>
    tpu.enqueue_dma source(%dma_start3A_64 : memref<128xf32, #tpu.memory_space<hbm>>) target(%dma_start3A_63 : memref<128xf32, #tpu.memory_space<vmem>>) target_semaphore(%dma_start3A_60 : memref<!tpu.dma_semaphore, #tpu.memory_space<semaphore_mem>>)
    %gt3A = arith.constant 1 : i32
    %gt3A_65 = arith.cmpi sgt, %add3A_4, %gt3A : i32
    %convert_element_type3A = arith.extui %gt3A_65 : i1 to i32
    %cond3A = arith.constant 0 : i32
    %cond3A_66 = arith.cmpi ne, %convert_element_type3A, %cond3A : i32
    scf.if %cond3A_66 {
      %rem3A_89 = arith.constant 1 : i32
      %rem3A_90 = arith.constant 4 : i32
      %rem3A_91 = arith.remsi %rem3A_89, %rem3A_90 : i32
      %add3A_92 = arith.constant 32 : i32
      %add3A_93 = arith.addi %add3A_92, %add3A : i32
      %mul3A_94 = arith.constant 128 : i32
      %mul3A_95 = arith.muli %add3A_93, %mul3A_94 : i32
      %dma_start3A_96 = arith.constant 0 : i32
      %dma_start3A_97 = arith.constant 0 : i32
      %dma_start3A_98 = tpu.memref_slice %arg7[%rem3A_91, %dma_start3A_96, %dma_start3A_97] : memref<4x2x128xi32, #tpu.memory_space<vmem>> -> memref<1x2x128xi32, #tpu.memory_space<vmem>>
      %dma_start3A_99 = tpu.memref_squeeze %dma_start3A_98 : memref<1x2x128xi32, #tpu.memory_space<vmem>> -> memref<2x128xi32, #tpu.memory_space<vmem>>
      %dma_start3A_100 = arith.constant 0 : i32
      %dma_start3A_101 = tpu.memref_slice %arg2[%dma_start3A_100, %mul3A_95] : memref<2x320000xi32, #tpu.memory_space<hbm>> -> memref<2x128xi32, #tpu.memory_space<hbm>>
      %dma_start3A_102 = tpu.memref_slice %arg12[%rem3A_91] : memref<4x!tpu.dma_semaphore, #tpu.memory_space<semaphore_mem>> -> memref<1x!tpu.dma_semaphore, #tpu.memory_space<semaphore_mem>>
      %dma_start3A_103 = tpu.memref_squeeze %dma_start3A_102 : memref<1x!tpu.dma_semaphore, #tpu.memory_space<semaphore_mem>> -> memref<!tpu.dma_semaphore, #tpu.memory_space<semaphore_mem>>
      %dma_start3A_104 = arith.constant 0 : i32
      %dma_start3A_105 = arith.constant 0 : i32
      %dma_start3A_106 = tpu.memref_slice %arg7[%rem3A_91, %dma_start3A_104, %dma_start3A_105] : memref<4x2x128xi32, #tpu.memory_space<vmem>> -> memref<1x2x128xi32, #tpu.memory_space<vmem>>
      %dma_start3A_107 = tpu.memref_squeeze %dma_start3A_106 : memref<1x2x128xi32, #tpu.memory_space<vmem>> -> memref<2x128xi32, #tpu.memory_space<vmem>>
      %dma_start3A_108 = arith.constant 0 : i32
      %dma_start3A_109 = tpu.memref_slice %arg2[%dma_start3A_108, %mul3A_95] : memref<2x320000xi32, #tpu.memory_space<hbm>> -> memref<2x128xi32, #tpu.memory_space<hbm>>
      tpu.enqueue_dma source(%dma_start3A_109 : memref<2x128xi32, #tpu.memory_space<hbm>>) target(%dma_start3A_107 : memref<2x128xi32, #tpu.memory_space<vmem>>) target_semaphore(%dma_start3A_103 : memref<!tpu.dma_semaphore, #tpu.memory_space<semaphore_mem>>)
      %mul3A_110 = arith.constant 128 : i32
      %mul3A_111 = arith.muli %add3A_93, %mul3A_110 : i32
      %dma_start3A_112 = arith.constant 0 : i32
      %dma_start3A_113 = tpu.memref_slice %arg8[%rem3A_91, %dma_start3A_112] : memref<4x128xf32, #tpu.memory_space<vmem>> -> memref<1x128xf32, #tpu.memory_space<vmem>>
      %dma_start3A_114 = tpu.memref_squeeze %dma_start3A_113 : memref<1x128xf32, #tpu.memory_space<vmem>> -> memref<128xf32, #tpu.memory_space<vmem>>
      %dma_start3A_115 = tpu.memref_slice %arg3[%mul3A_111] : memref<320000xf32, #tpu.memory_space<hbm>> -> memref<128xf32, #tpu.memory_space<hbm>>
      %dma_start3A_116 = tpu.memref_slice %arg13[%rem3A_91] : memref<4x!tpu.dma_semaphore, #tpu.memory_space<semaphore_mem>> -> memref<1x!tpu.dma_semaphore, #tpu.memory_space<semaphore_mem>>
      %dma_start3A_117 = tpu.memref_squeeze %dma_start3A_116 : memref<1x!tpu.dma_semaphore, #tpu.memory_space<semaphore_mem>> -> memref<!tpu.dma_semaphore, #tpu.memory_space<semaphore_mem>>
      %dma_start3A_118 = arith.constant 0 : i32
      %dma_start3A_119 = tpu.memref_slice %arg8[%rem3A_91, %dma_start3A_118] : memref<4x128xf32, #tpu.memory_space<vmem>> -> memref<1x128xf32, #tpu.memory_space<vmem>>
      %dma_start3A_120 = tpu.memref_squeeze %dma_start3A_119 : memref<1x128xf32, #tpu.memory_space<vmem>> -> memref<128xf32, #tpu.memory_space<vmem>>
      %dma_start3A_121 = tpu.memref_slice %arg3[%mul3A_111] : memref<320000xf32, #tpu.memory_space<hbm>> -> memref<128xf32, #tpu.memory_space<hbm>>
      tpu.enqueue_dma source(%dma_start3A_121 : memref<128xf32, #tpu.memory_space<hbm>>) target(%dma_start3A_120 : memref<128xf32, #tpu.memory_space<vmem>>) target_semaphore(%dma_start3A_117 : memref<!tpu.dma_semaphore, #tpu.memory_space<semaphore_mem>>)
    } else {
    }
    %scan3A_67 = arith.constant 0 : i32
    %scan3A_68 = arith.constant 79 : i32
    %scan3A_69 = arith.addi %scan3A_67, %scan3A_68 : i32
    %scan3A_70 = arith.constant 1 : i32
    scf.for %scan3A_89 = %scan3A_67 to %scan3A_69 step %scan3A_70  : i32 {
      %mul3A_90 = arith.constant 1 : i32
      %mul3A_91 = arith.muli %scan3A_89, %mul3A_90 : i32
      %add3A_92 = arith.constant 0 : i32
      %add3A_93 = arith.addi %add3A_92, %mul3A_91 : i32
      %lt3A_94 = arith.cmpi slt, %add3A_93, %add3A_4 : i32
      %convert_element_type3A_95 = arith.extui %lt3A_94 : i1 to i32
      %cond3A_96 = arith.constant 0 : i32
      %cond3A_97 = arith.cmpi ne, %convert_element_type3A_95, %cond3A_96 : i32
      scf.if %cond3A_97 {
        %rem3A_98 = arith.constant 4 : i32
        %rem3A_99 = arith.remsi %add3A_93, %rem3A_98 : i32
        %rem3A_100 = arith.constant 2 : i32
        %rem3A_101 = arith.remsi %add3A_93, %rem3A_100 : i32
        %eq3A = arith.constant 0 : i32
        %eq3A_102 = arith.cmpi eq, %add3A_93, %eq3A : i32
        %convert_element_type3A_103 = arith.extui %eq3A_102 : i1 to i32
        %cond3A_104 = arith.constant 0 : i32
        %cond3A_105 = arith.cmpi ne, %convert_element_type3A_103, %cond3A_104 : i32
        scf.if %cond3A_105 {
          %dma_wait3A_339 = arith.constant 0 : i32
          %dma_wait3A_340 = arith.constant 0 : i32
          %dma_wait3A_341 = tpu.memref_slice %arg7[%rem3A_99, %dma_wait3A_339, %dma_wait3A_340] : memref<4x2x128xi32, #tpu.memory_space<vmem>> -> memref<1x2x128xi32, #tpu.memory_space<vmem>>
          %dma_wait3A_342 = tpu.memref_squeeze %dma_wait3A_341 : memref<1x2x128xi32, #tpu.memory_space<vmem>> -> memref<2x128xi32, #tpu.memory_space<vmem>>
          %dma_wait3A_343 = arith.constant 0 : i32
          %dma_wait3A_344 = arith.constant 0 : i32
          %dma_wait3A_345 = tpu.memref_slice %arg2[%dma_wait3A_343, %dma_wait3A_344] : memref<2x320000xi32, #tpu.memory_space<hbm>> -> memref<2x128xi32, #tpu.memory_space<hbm>>
          %dma_wait3A_346 = tpu.memref_slice %arg12[%rem3A_99] : memref<4x!tpu.dma_semaphore, #tpu.memory_space<semaphore_mem>> -> memref<1x!tpu.dma_semaphore, #tpu.memory_space<semaphore_mem>>
          %dma_wait3A_347 = tpu.memref_squeeze %dma_wait3A_346 : memref<1x!tpu.dma_semaphore, #tpu.memory_space<semaphore_mem>> -> memref<!tpu.dma_semaphore, #tpu.memory_space<semaphore_mem>>
          %dma_wait3A_348 = arith.constant 0 : i32
          %dma_wait3A_349 = arith.constant 0 : i32
          %dma_wait3A_350 = tpu.memref_slice %arg7[%rem3A_99, %dma_wait3A_348, %dma_wait3A_349] : memref<4x2x128xi32, #tpu.memory_space<vmem>> -> memref<1x2x128xi32, #tpu.memory_space<vmem>>
          %dma_wait3A_351 = tpu.memref_squeeze %dma_wait3A_350 : memref<1x2x128xi32, #tpu.memory_space<vmem>> -> memref<2x128xi32, #tpu.memory_space<vmem>>
          %dma_wait3A_352 = arith.constant 0 : i32
          %dma_wait3A_353 = arith.constant 0 : i32
          %dma_wait3A_354 = tpu.memref_slice %arg2[%dma_wait3A_352, %dma_wait3A_353] : memref<2x320000xi32, #tpu.memory_space<hbm>> -> memref<2x128xi32, #tpu.memory_space<hbm>>
          tpu.wait_dma2 semaphore(%dma_wait3A_347 : memref<!tpu.dma_semaphore, #tpu.memory_space<semaphore_mem>>) src(%dma_wait3A_354 : memref<2x128xi32, #tpu.memory_space<hbm>>) dst(%dma_wait3A_351 : memref<2x128xi32, #tpu.memory_space<vmem>>)
          %dma_wait3A_355 = arith.constant 0 : i32
          %dma_wait3A_356 = tpu.memref_slice %arg8[%rem3A_99, %dma_wait3A_355] : memref<4x128xf32, #tpu.memory_space<vmem>> -> memref<1x128xf32, #tpu.memory_space<vmem>>
          %dma_wait3A_357 = tpu.memref_squeeze %dma_wait3A_356 : memref<1x128xf32, #tpu.memory_space<vmem>> -> memref<128xf32, #tpu.memory_space<vmem>>
          %dma_wait3A_358 = arith.constant 0 : i32
          %dma_wait3A_359 = tpu.memref_slice %arg3[%dma_wait3A_358] : memref<320000xf32, #tpu.memory_space<hbm>> -> memref<128xf32, #tpu.memory_space<hbm>>
          %dma_wait3A_360 = tpu.memref_slice %arg13[%rem3A_99] : memref<4x!tpu.dma_semaphore, #tpu.memory_space<semaphore_mem>> -> memref<1x!tpu.dma_semaphore, #tpu.memory_space<semaphore_mem>>
          %dma_wait3A_361 = tpu.memref_squeeze %dma_wait3A_360 : memref<1x!tpu.dma_semaphore, #tpu.memory_space<semaphore_mem>> -> memref<!tpu.dma_semaphore, #tpu.memory_space<semaphore_mem>>
          %dma_wait3A_362 = arith.constant 0 : i32
          %dma_wait3A_363 = tpu.memref_slice %arg8[%rem3A_99, %dma_wait3A_362] : memref<4x128xf32, #tpu.memory_space<vmem>> -> memref<1x128xf32, #tpu.memory_space<vmem>>
          %dma_wait3A_364 = tpu.memref_squeeze %dma_wait3A_363 : memref<1x128xf32, #tpu.memory_space<vmem>> -> memref<128xf32, #tpu.memory_space<vmem>>
          %dma_wait3A_365 = arith.constant 0 : i32
          %dma_wait3A_366 = tpu.memref_slice %arg3[%dma_wait3A_365] : memref<320000xf32, #tpu.memory_space<hbm>> -> memref<128xf32, #tpu.memory_space<hbm>>
          tpu.wait_dma2 semaphore(%dma_wait3A_361 : memref<!tpu.dma_semaphore, #tpu.memory_space<semaphore_mem>>) src(%dma_wait3A_366 : memref<128xf32, #tpu.memory_space<hbm>>) dst(%dma_wait3A_364 : memref<128xf32, #tpu.memory_space<vmem>>)
          %rem3A_367 = arith.constant 0 : i32
          %rem3A_368 = arith.constant 4 : i32
          %rem3A_369 = arith.remsi %rem3A_367, %rem3A_368 : i32
          %rem3A_370 = arith.constant 0 : i32
          %rem3A_371 = arith.constant 2 : i32
          %rem3A_372 = arith.remsi %rem3A_370, %rem3A_371 : i32
          %dma_start3A_373 = arith.constant 0 : i32
          %dma_start3A_374 = arith.constant 0 : i32
          %dma_start3A_375 = arith.constant 0 : i32
          %dma_start3A_376 = tpu.memref_slice %arg9[%rem3A_372, %dma_start3A_374, %dma_start3A_375] : memref<2x128x128xf32, #tpu.memory_space<vmem>> -> memref<1x128x128xf32, #tpu.memory_space<vmem>>
          %dma_start3A_377 = tpu.memref_squeeze %dma_start3A_376 : memref<1x128x128xf32, #tpu.memory_space<vmem>> -> memref<128x128xf32, #tpu.memory_space<vmem>>
          %dma_start3A_378 = arith.constant 0 : i32
          %dma_start3A_379 = tpu.memref_slice %arg7[%rem3A_369, %dma_start3A_373, %dma_start3A_378] : memref<4x2x128xi32, #tpu.memory_space<vmem>> -> memref<1x1x128xi32, #tpu.memory_space<vmem>>
          %dma_start3A_380 = tpu.memref_squeeze %dma_start3A_379 : memref<1x1x128xi32, #tpu.memory_space<vmem>> -> memref<128xi32, #tpu.memory_space<vmem>>
          %dma_start3A_381 = arith.constant 0 : i32
          %dma_start3A_382 = arith.constant 0 : i32
          %dma_start3A_383 = tpu.memref_slice %arg4[%dma_start3A_381, %dma_start3A_382] : memref<10000x128xf32, #tpu.memory_space<hbm>> -> memref<10000x128xf32, #tpu.memory_space<hbm>>
          %dma_start3A_384 = tpu.memref_slice %arg14[%rem3A_372] : memref<2x!tpu.dma_semaphore, #tpu.memory_space<semaphore_mem>> -> memref<1x!tpu.dma_semaphore, #tpu.memory_space<semaphore_mem>>
          %dma_start3A_385 = tpu.memref_squeeze %dma_start3A_384 : memref<1x!tpu.dma_semaphore, #tpu.memory_space<semaphore_mem>> -> memref<!tpu.dma_semaphore, #tpu.memory_space<semaphore_mem>>
          tpu.enqueue_indirect_dma source(%dma_start3A_383 : memref<10000x128xf32, #tpu.memory_space<hbm>>) target(%dma_start3A_377 : memref<128x128xf32, #tpu.memory_space<vmem>>) offsets(%dma_start3A_380 : memref<128xi32, #tpu.memory_space<vmem>>) semaphore(%dma_start3A_385 : memref<!tpu.dma_semaphore, #tpu.memory_space<semaphore_mem>>)
        } else {
        }
        %ge3A_106 = arith.constant 1 : i32
        %ge3A_107 = arith.cmpi sge, %add3A_93, %ge3A_106 : i32
        %convert_element_type3A_108 = arith.extui %ge3A_107 : i1 to i32
        %cond3A_109 = arith.constant 0 : i32
        %cond3A_110 = arith.cmpi ne, %convert_element_type3A_108, %cond3A_109 : i32
        scf.if %cond3A_110 {
          %add3A_339 = arith.constant 1 : i32
          %add3A_340 = arith.addi %add3A_93, %add3A_339 : i32
          %sub3A_341 = arith.constant 2 : i32
          %sub3A_342 = arith.subi %add3A_340, %sub3A_341 : i32
          %rem3A_343 = arith.constant 4 : i32
          %rem3A_344 = arith.remsi %sub3A_342, %rem3A_343 : i32
          %rem3A_345 = arith.constant 2 : i32
          %rem3A_346 = arith.remsi %sub3A_342, %rem3A_345 : i32
          %dma_wait3A_347 = arith.constant 1 : i32
          %dma_wait3A_348 = arith.constant 0 : i32
          %dma_wait3A_349 = arith.constant 0 : i32
          %dma_wait3A_350 = tpu.memref_slice %arg9[%rem3A_346, %dma_wait3A_348, %dma_wait3A_349] : memref<2x128x128xf32, #tpu.memory_space<vmem>> -> memref<1x128x128xf32, #tpu.memory_space<vmem>>
          %dma_wait3A_351 = tpu.memref_squeeze %dma_wait3A_350 : memref<1x128x128xf32, #tpu.memory_space<vmem>> -> memref<128x128xf32, #tpu.memory_space<vmem>>
          %dma_wait3A_352 = arith.constant 0 : i32
          %dma_wait3A_353 = tpu.memref_slice %arg7[%rem3A_344, %dma_wait3A_347, %dma_wait3A_352] : memref<4x2x128xi32, #tpu.memory_space<vmem>> -> memref<1x1x128xi32, #tpu.memory_space<vmem>>
          %dma_wait3A_354 = tpu.memref_squeeze %dma_wait3A_353 : memref<1x1x128xi32, #tpu.memory_space<vmem>> -> memref<128xi32, #tpu.memory_space<vmem>>
          %dma_wait3A_355 = arith.constant 0 : i32
          %dma_wait3A_356 = arith.constant 0 : i32
          %dma_wait3A_357 = tpu.memref_slice %arg16[%dma_wait3A_355, %dma_wait3A_356] : memref<10240x128xf32, #tpu.memory_space<vmem_shared>> -> memref<10240x128xf32, #tpu.memory_space<vmem_shared>>
          %dma_wait3A_358 = tpu.memref_slice %arg15[%rem3A_346] : memref<2x!tpu.dma_semaphore, #tpu.memory_space<semaphore_mem>> -> memref<1x!tpu.dma_semaphore, #tpu.memory_space<semaphore_mem>>
          %dma_wait3A_359 = tpu.memref_squeeze %dma_wait3A_358 : memref<1x!tpu.dma_semaphore, #tpu.memory_space<semaphore_mem>> -> memref<!tpu.dma_semaphore, #tpu.memory_space<semaphore_mem>>
          tpu.wait_indirect_dma semaphore(%dma_wait3A_359 : memref<!tpu.dma_semaphore, #tpu.memory_space<semaphore_mem>>) src(%dma_wait3A_351 : memref<128x128xf32, #tpu.memory_space<vmem>>) dst(%dma_wait3A_357 : memref<10240x128xf32, #tpu.memory_space<vmem_shared>>)
        } else {
        }
        %add3A_111 = arith.constant 1 : i32
        %add3A_112 = arith.addi %add3A_93, %add3A_111 : i32
        %lt3A_113 = arith.cmpi slt, %add3A_112, %add3A_4 : i32
        %convert_element_type3A_114 = arith.extui %lt3A_113 : i1 to i32
        %cond3A_115 = arith.constant 0 : i32
        %cond3A_116 = arith.cmpi ne, %convert_element_type3A_114, %cond3A_115 : i32
        scf.if %cond3A_116 {
          %add3A_339 = arith.constant 1 : i32
          %add3A_340 = arith.addi %add3A_93, %add3A_339 : i32
          %rem3A_341 = arith.constant 4 : i32
          %rem3A_342 = arith.remsi %add3A_340, %rem3A_341 : i32
          %dma_wait3A_343 = arith.constant 0 : i32
          %dma_wait3A_344 = arith.constant 0 : i32
          %dma_wait3A_345 = tpu.memref_slice %arg7[%rem3A_342, %dma_wait3A_343, %dma_wait3A_344] : memref<4x2x128xi32, #tpu.memory_space<vmem>> -> memref<1x2x128xi32, #tpu.memory_space<vmem>>
          %dma_wait3A_346 = tpu.memref_squeeze %dma_wait3A_345 : memref<1x2x128xi32, #tpu.memory_space<vmem>> -> memref<2x128xi32, #tpu.memory_space<vmem>>
          %dma_wait3A_347 = arith.constant 0 : i32
          %dma_wait3A_348 = arith.constant 0 : i32
          %dma_wait3A_349 = tpu.memref_slice %arg2[%dma_wait3A_347, %dma_wait3A_348] : memref<2x320000xi32, #tpu.memory_space<hbm>> -> memref<2x128xi32, #tpu.memory_space<hbm>>
          %dma_wait3A_350 = tpu.memref_slice %arg12[%rem3A_342] : memref<4x!tpu.dma_semaphore, #tpu.memory_space<semaphore_mem>> -> memref<1x!tpu.dma_semaphore, #tpu.memory_space<semaphore_mem>>
          %dma_wait3A_351 = tpu.memref_squeeze %dma_wait3A_350 : memref<1x!tpu.dma_semaphore, #tpu.memory_space<semaphore_mem>> -> memref<!tpu.dma_semaphore, #tpu.memory_space<semaphore_mem>>
          %dma_wait3A_352 = arith.constant 0 : i32
          %dma_wait3A_353 = arith.constant 0 : i32
          %dma_wait3A_354 = tpu.memref_slice %arg7[%rem3A_342, %dma_wait3A_352, %dma_wait3A_353] : memref<4x2x128xi32, #tpu.memory_space<vmem>> -> memref<1x2x128xi32, #tpu.memory_space<vmem>>
          %dma_wait3A_355 = tpu.memref_squeeze %dma_wait3A_354 : memref<1x2x128xi32, #tpu.memory_space<vmem>> -> memref<2x128xi32, #tpu.memory_space<vmem>>
          %dma_wait3A_356 = arith.constant 0 : i32
          %dma_wait3A_357 = arith.constant 0 : i32
          %dma_wait3A_358 = tpu.memref_slice %arg2[%dma_wait3A_356, %dma_wait3A_357] : memref<2x320000xi32, #tpu.memory_space<hbm>> -> memref<2x128xi32, #tpu.memory_space<hbm>>
          tpu.wait_dma2 semaphore(%dma_wait3A_351 : memref<!tpu.dma_semaphore, #tpu.memory_space<semaphore_mem>>) src(%dma_wait3A_358 : memref<2x128xi32, #tpu.memory_space<hbm>>) dst(%dma_wait3A_355 : memref<2x128xi32, #tpu.memory_space<vmem>>)
          %dma_wait3A_359 = arith.constant 0 : i32
          %dma_wait3A_360 = tpu.memref_slice %arg8[%rem3A_342, %dma_wait3A_359] : memref<4x128xf32, #tpu.memory_space<vmem>> -> memref<1x128xf32, #tpu.memory_space<vmem>>
          %dma_wait3A_361 = tpu.memref_squeeze %dma_wait3A_360 : memref<1x128xf32, #tpu.memory_space<vmem>> -> memref<128xf32, #tpu.memory_space<vmem>>
          %dma_wait3A_362 = arith.constant 0 : i32
          %dma_wait3A_363 = tpu.memref_slice %arg3[%dma_wait3A_362] : memref<320000xf32, #tpu.memory_space<hbm>> -> memref<128xf32, #tpu.memory_space<hbm>>
          %dma_wait3A_364 = tpu.memref_slice %arg13[%rem3A_342] : memref<4x!tpu.dma_semaphore, #tpu.memory_space<semaphore_mem>> -> memref<1x!tpu.dma_semaphore, #tpu.memory_space<semaphore_mem>>
          %dma_wait3A_365 = tpu.memref_squeeze %dma_wait3A_364 : memref<1x!tpu.dma_semaphore, #tpu.memory_space<semaphore_mem>> -> memref<!tpu.dma_semaphore, #tpu.memory_space<semaphore_mem>>
          %dma_wait3A_366 = arith.constant 0 : i32
          %dma_wait3A_367 = tpu.memref_slice %arg8[%rem3A_342, %dma_wait3A_366] : memref<4x128xf32, #tpu.memory_space<vmem>> -> memref<1x128xf32, #tpu.memory_space<vmem>>
          %dma_wait3A_368 = tpu.memref_squeeze %dma_wait3A_367 : memref<1x128xf32, #tpu.memory_space<vmem>> -> memref<128xf32, #tpu.memory_space<vmem>>
          %dma_wait3A_369 = arith.constant 0 : i32
          %dma_wait3A_370 = tpu.memref_slice %arg3[%dma_wait3A_369] : memref<320000xf32, #tpu.memory_space<hbm>> -> memref<128xf32, #tpu.memory_space<hbm>>
          tpu.wait_dma2 semaphore(%dma_wait3A_365 : memref<!tpu.dma_semaphore, #tpu.memory_space<semaphore_mem>>) src(%dma_wait3A_370 : memref<128xf32, #tpu.memory_space<hbm>>) dst(%dma_wait3A_368 : memref<128xf32, #tpu.memory_space<vmem>>)
          %add3A_371 = arith.constant 1 : i32
          %add3A_372 = arith.addi %add3A_93, %add3A_371 : i32
          %rem3A_373 = arith.constant 4 : i32
          %rem3A_374 = arith.remsi %add3A_372, %rem3A_373 : i32
          %rem3A_375 = arith.constant 2 : i32
          %rem3A_376 = arith.remsi %add3A_372, %rem3A_375 : i32
          %dma_start3A_377 = arith.constant 0 : i32
          %dma_start3A_378 = arith.constant 0 : i32
          %dma_start3A_379 = arith.constant 0 : i32
          %dma_start3A_380 = tpu.memref_slice %arg9[%rem3A_376, %dma_start3A_378, %dma_start3A_379] : memref<2x128x128xf32, #tpu.memory_space<vmem>> -> memref<1x128x128xf32, #tpu.memory_space<vmem>>
          %dma_start3A_381 = tpu.memref_squeeze %dma_start3A_380 : memref<1x128x128xf32, #tpu.memory_space<vmem>> -> memref<128x128xf32, #tpu.memory_space<vmem>>
          %dma_start3A_382 = arith.constant 0 : i32
          %dma_start3A_383 = tpu.memref_slice %arg7[%rem3A_374, %dma_start3A_377, %dma_start3A_382] : memref<4x2x128xi32, #tpu.memory_space<vmem>> -> memref<1x1x128xi32, #tpu.memory_space<vmem>>
          %dma_start3A_384 = tpu.memref_squeeze %dma_start3A_383 : memref<1x1x128xi32, #tpu.memory_space<vmem>> -> memref<128xi32, #tpu.memory_space<vmem>>
          %dma_start3A_385 = arith.constant 0 : i32
          %dma_start3A_386 = arith.constant 0 : i32
          %dma_start3A_387 = tpu.memref_slice %arg4[%dma_start3A_385, %dma_start3A_386] : memref<10000x128xf32, #tpu.memory_space<hbm>> -> memref<10000x128xf32, #tpu.memory_space<hbm>>
          %dma_start3A_388 = tpu.memref_slice %arg14[%rem3A_376] : memref<2x!tpu.dma_semaphore, #tpu.memory_space<semaphore_mem>> -> memref<1x!tpu.dma_semaphore, #tpu.memory_space<semaphore_mem>>
          %dma_start3A_389 = tpu.memref_squeeze %dma_start3A_388 : memref<1x!tpu.dma_semaphore, #tpu.memory_space<semaphore_mem>> -> memref<!tpu.dma_semaphore, #tpu.memory_space<semaphore_mem>>
          tpu.enqueue_indirect_dma source(%dma_start3A_387 : memref<10000x128xf32, #tpu.memory_space<hbm>>) target(%dma_start3A_381 : memref<128x128xf32, #tpu.memory_space<vmem>>) offsets(%dma_start3A_384 : memref<128xi32, #tpu.memory_space<vmem>>) semaphore(%dma_start3A_389 : memref<!tpu.dma_semaphore, #tpu.memory_space<semaphore_mem>>)
        } else {
        }
        %add3A_117 = arith.constant 2 : i32
        %add3A_118 = arith.addi %add3A_93, %add3A_117 : i32
        %lt3A_119 = arith.cmpi slt, %add3A_118, %add3A_4 : i32
        %convert_element_type3A_120 = arith.extui %lt3A_119 : i1 to i32
        %cond3A_121 = arith.constant 0 : i32
        %cond3A_122 = arith.cmpi ne, %convert_element_type3A_120, %cond3A_121 : i32
        scf.if %cond3A_122 {
          %add3A_339 = arith.constant 2 : i32
          %add3A_340 = arith.addi %add3A_93, %add3A_339 : i32
          %rem3A_341 = arith.constant 4 : i32
          %rem3A_342 = arith.remsi %add3A_340, %rem3A_341 : i32
          %mul3A_343 = arith.constant 32 : i32
          %mul3A_344 = arith.muli %add3A_340, %mul3A_343 : i32
          %add3A_345 = arith.addi %mul3A_344, %add3A : i32
          %mul3A_346 = arith.constant 128 : i32
          %mul3A_347 = arith.muli %add3A_345, %mul3A_346 : i32
          %dma_start3A_348 = arith.constant 0 : i32
          %dma_start3A_349 = arith.constant 0 : i32
          %dma_start3A_350 = tpu.memref_slice %arg7[%rem3A_342, %dma_start3A_348, %dma_start3A_349] : memref<4x2x128xi32, #tpu.memory_space<vmem>> -> memref<1x2x128xi32, #tpu.memory_space<vmem>>
          %dma_start3A_351 = tpu.memref_squeeze %dma_start3A_350 : memref<1x2x128xi32, #tpu.memory_space<vmem>> -> memref<2x128xi32, #tpu.memory_space<vmem>>
          %dma_start3A_352 = arith.constant 0 : i32
          %dma_start3A_353 = tpu.memref_slice %arg2[%dma_start3A_352, %mul3A_347] : memref<2x320000xi32, #tpu.memory_space<hbm>> -> memref<2x128xi32, #tpu.memory_space<hbm>>
          %dma_start3A_354 = tpu.memref_slice %arg12[%rem3A_342] : memref<4x!tpu.dma_semaphore, #tpu.memory_space<semaphore_mem>> -> memref<1x!tpu.dma_semaphore, #tpu.memory_space<semaphore_mem>>
          %dma_start3A_355 = tpu.memref_squeeze %dma_start3A_354 : memref<1x!tpu.dma_semaphore, #tpu.memory_space<semaphore_mem>> -> memref<!tpu.dma_semaphore, #tpu.memory_space<semaphore_mem>>
          %dma_start3A_356 = arith.constant 0 : i32
          %dma_start3A_357 = arith.constant 0 : i32
          %dma_start3A_358 = tpu.memref_slice %arg7[%rem3A_342, %dma_start3A_356, %dma_start3A_357] : memref<4x2x128xi32, #tpu.memory_space<vmem>> -> memref<1x2x128xi32, #tpu.memory_space<vmem>>
          %dma_start3A_359 = tpu.memref_squeeze %dma_start3A_358 : memref<1x2x128xi32, #tpu.memory_space<vmem>> -> memref<2x128xi32, #tpu.memory_space<vmem>>
          %dma_start3A_360 = arith.constant 0 : i32
          %dma_start3A_361 = tpu.memref_slice %arg2[%dma_start3A_360, %mul3A_347] : memref<2x320000xi32, #tpu.memory_space<hbm>> -> memref<2x128xi32, #tpu.memory_space<hbm>>
          tpu.enqueue_dma source(%dma_start3A_361 : memref<2x128xi32, #tpu.memory_space<hbm>>) target(%dma_start3A_359 : memref<2x128xi32, #tpu.memory_space<vmem>>) target_semaphore(%dma_start3A_355 : memref<!tpu.dma_semaphore, #tpu.memory_space<semaphore_mem>>)
          %mul3A_362 = arith.constant 128 : i32
          %mul3A_363 = arith.muli %add3A_345, %mul3A_362 : i32
          %dma_start3A_364 = arith.constant 0 : i32
          %dma_start3A_365 = tpu.memref_slice %arg8[%rem3A_342, %dma_start3A_364] : memref<4x128xf32, #tpu.memory_space<vmem>> -> memref<1x128xf32, #tpu.memory_space<vmem>>
          %dma_start3A_366 = tpu.memref_squeeze %dma_start3A_365 : memref<1x128xf32, #tpu.memory_space<vmem>> -> memref<128xf32, #tpu.memory_space<vmem>>
          %dma_start3A_367 = tpu.memref_slice %arg3[%mul3A_363] : memref<320000xf32, #tpu.memory_space<hbm>> -> memref<128xf32, #tpu.memory_space<hbm>>
          %dma_start3A_368 = tpu.memref_slice %arg13[%rem3A_342] : memref<4x!tpu.dma_semaphore, #tpu.memory_space<semaphore_mem>> -> memref<1x!tpu.dma_semaphore, #tpu.memory_space<semaphore_mem>>
          %dma_start3A_369 = tpu.memref_squeeze %dma_start3A_368 : memref<1x!tpu.dma_semaphore, #tpu.memory_space<semaphore_mem>> -> memref<!tpu.dma_semaphore, #tpu.memory_space<semaphore_mem>>
          %dma_start3A_370 = arith.constant 0 : i32
          %dma_start3A_371 = tpu.memref_slice %arg8[%rem3A_342, %dma_start3A_370] : memref<4x128xf32, #tpu.memory_space<vmem>> -> memref<1x128xf32, #tpu.memory_space<vmem>>
          %dma_start3A_372 = tpu.memref_squeeze %dma_start3A_371 : memref<1x128xf32, #tpu.memory_space<vmem>> -> memref<128xf32, #tpu.memory_space<vmem>>
          %dma_start3A_373 = tpu.memref_slice %arg3[%mul3A_363] : memref<320000xf32, #tpu.memory_space<hbm>> -> memref<128xf32, #tpu.memory_space<hbm>>
          tpu.enqueue_dma source(%dma_start3A_373 : memref<128xf32, #tpu.memory_space<hbm>>) target(%dma_start3A_372 : memref<128xf32, #tpu.memory_space<vmem>>) target_semaphore(%dma_start3A_369 : memref<!tpu.dma_semaphore, #tpu.memory_space<semaphore_mem>>)
        } else {
        }
        %rem3A_123 = arith.constant 4 : i32
        %rem3A_124 = arith.remsi %add3A_93, %rem3A_123 : i32
        %rem3A_125 = arith.constant 2 : i32
        %rem3A_126 = arith.remsi %add3A_93, %rem3A_125 : i32
        %dma_wait3A = arith.constant 0 : i32
        %dma_wait3A_127 = arith.constant 0 : i32
        %dma_wait3A_128 = arith.constant 0 : i32
        %dma_wait3A_129 = tpu.memref_slice %arg9[%rem3A_126, %dma_wait3A_127, %dma_wait3A_128] : memref<2x128x128xf32, #tpu.memory_space<vmem>> -> memref<1x128x128xf32, #tpu.memory_space<vmem>>
        %dma_wait3A_130 = tpu.memref_squeeze %dma_wait3A_129 : memref<1x128x128xf32, #tpu.memory_space<vmem>> -> memref<128x128xf32, #tpu.memory_space<vmem>>
        %dma_wait3A_131 = arith.constant 0 : i32
        %dma_wait3A_132 = tpu.memref_slice %arg7[%rem3A_124, %dma_wait3A, %dma_wait3A_131] : memref<4x2x128xi32, #tpu.memory_space<vmem>> -> memref<1x1x128xi32, #tpu.memory_space<vmem>>
        %dma_wait3A_133 = tpu.memref_squeeze %dma_wait3A_132 : memref<1x1x128xi32, #tpu.memory_space<vmem>> -> memref<128xi32, #tpu.memory_space<vmem>>
        %dma_wait3A_134 = arith.constant 0 : i32
        %dma_wait3A_135 = arith.constant 0 : i32
        %dma_wait3A_136 = tpu.memref_slice %arg4[%dma_wait3A_134, %dma_wait3A_135] : memref<10000x128xf32, #tpu.memory_space<hbm>> -> memref<10000x128xf32, #tpu.memory_space<hbm>>
        %dma_wait3A_137 = tpu.memref_slice %arg14[%rem3A_126] : memref<2x!tpu.dma_semaphore, #tpu.memory_space<semaphore_mem>> -> memref<1x!tpu.dma_semaphore, #tpu.memory_space<semaphore_mem>>
        %dma_wait3A_138 = tpu.memref_squeeze %dma_wait3A_137 : memref<1x!tpu.dma_semaphore, #tpu.memory_space<semaphore_mem>> -> memref<!tpu.dma_semaphore, #tpu.memory_space<semaphore_mem>>
        tpu.wait_indirect_dma semaphore(%dma_wait3A_138 : memref<!tpu.dma_semaphore, #tpu.memory_space<semaphore_mem>>) src(%dma_wait3A_136 : memref<10000x128xf32, #tpu.memory_space<hbm>>) dst(%dma_wait3A_130 : memref<128x128xf32, #tpu.memory_space<vmem>>)
        %scan3A_139 = arith.constant 0 : i32
        %mul3A_140 = arith.constant 1 : i32
        %mul3A_141 = arith.muli %scan3A_139, %mul3A_140 : i32
        %add3A_142 = arith.constant 0 : i32
        %add3A_143 = arith.addi %add3A_142, %mul3A_141 : i32
        %mul3A_144 = arith.constant 16 : i32
        %mul3A_145 = arith.muli %add3A_143, %mul3A_144 : i32
        %get3A = arith.constant 0 : i32
        %get3A_146 = arith.index_cast %rem3A_99 : i32 to index
        %get3A_147 = arith.index_cast %get3A : i32 to index
        %get3A_148 = arith.index_cast %mul3A_145 : i32 to index
        %get3A_149 = tpu.vector_load %arg7[%get3A_146, %get3A_147, %get3A_148] {strides = array<i32>} : memref<4x2x128xi32, #tpu.memory_space<vmem>>, vector<16xi32>,
        %gather3A = tpu.vector_load_idx %arg10[%get3A_149] : memref<10240xf32, #tpu.memory_space<vmem>>[vector<16xi32>], vector<16xf32>,
        %mul3A_150 = arith.constant 16 : i32
        %mul3A_151 = arith.muli %add3A_143, %mul3A_150 : i32
        %get3A_152 = arith.index_cast %rem3A_99 : i32 to index
        %get3A_153 = arith.index_cast %mul3A_151 : i32 to index
        %get3A_154 = tpu.vector_load %arg8[%get3A_152, %get3A_153] {strides = array<i32>} : memref<4x128xf32, #tpu.memory_space<vmem>>, vector<16xf32>,
        %mul3A_155 = arith.mulf %gather3A, %get3A_154 : vector<16xf32>
        %mul3A_156 = arith.constant 16 : i32
        %mul3A_157 = arith.muli %add3A_143, %mul3A_156 : i32
        %swap3A = arith.index_cast %mul3A_157 : i32 to index
        %swap3A_158 = tpu.vector_load %arg11[%swap3A] {strides = array<i32>} : memref<128xf32, #tpu.memory_space<vmem>>, vector<16xf32>,
        tpu.vector_store %arg11[%swap3A], %mul3A_155 {strides = array<i32>} : memref<128xf32, #tpu.memory_space<vmem>>, vector<16xf32>,
        %scan3A_159 = arith.constant 1 : i32
        %mul3A_160 = arith.constant 1 : i32
        %mul3A_161 = arith.muli %scan3A_159, %mul3A_160 : i32
        %add3A_162 = arith.constant 0 : i32
        %add3A_163 = arith.addi %add3A_162, %mul3A_161 : i32
        %mul3A_164 = arith.constant 16 : i32
        %mul3A_165 = arith.muli %add3A_163, %mul3A_164 : i32
        %get3A_166 = arith.constant 0 : i32
        %get3A_167 = arith.index_cast %rem3A_99 : i32 to index
        %get3A_168 = arith.index_cast %get3A_166 : i32 to index
        %get3A_169 = arith.index_cast %mul3A_165 : i32 to index
        %get3A_170 = tpu.vector_load %arg7[%get3A_167, %get3A_168, %get3A_169] {strides = array<i32>} : memref<4x2x128xi32, #tpu.memory_space<vmem>>, vector<16xi32>,
        %gather3A_171 = tpu.vector_load_idx %arg10[%get3A_170] : memref<10240xf32, #tpu.memory_space<vmem>>[vector<16xi32>], vector<16xf32>,
        %mul3A_172 = arith.constant 16 : i32
        %mul3A_173 = arith.muli %add3A_163, %mul3A_172 : i32
        %get3A_174 = arith.index_cast %rem3A_99 : i32 to index
        %get3A_175 = arith.index_cast %mul3A_173 : i32 to index
        %get3A_176 = tpu.vector_load %arg8[%get3A_174, %get3A_175] {strides = array<i32>} : memref<4x128xf32, #tpu.memory_space<vmem>>, vector<16xf32>,
        %mul3A_177 = arith.mulf %gather3A_171, %get3A_176 : vector<16xf32>
        %mul3A_178 = arith.constant 16 : i32
        %mul3A_179 = arith.muli %add3A_163, %mul3A_178 : i32
        %swap3A_180 = arith.index_cast %mul3A_179 : i32 to index
        %swap3A_181 = tpu.vector_load %arg11[%swap3A_180] {strides = array<i32>} : memref<128xf32, #tpu.memory_space<vmem>>, vector<16xf32>,
        tpu.vector_store %arg11[%swap3A_180], %mul3A_177 {strides = array<i32>} : memref<128xf32, #tpu.memory_space<vmem>>, vector<16xf32>,
        %scan3A_182 = arith.constant 2 : i32
        %mul3A_183 = arith.constant 1 : i32
        %mul3A_184 = arith.muli %scan3A_182, %mul3A_183 : i32
        %add3A_185 = arith.constant 0 : i32
        %add3A_186 = arith.addi %add3A_185, %mul3A_184 : i32
        %mul3A_187 = arith.constant 16 : i32
        %mul3A_188 = arith.muli %add3A_186, %mul3A_187 : i32
        %get3A_189 = arith.constant 0 : i32
        %get3A_190 = arith.index_cast %rem3A_99 : i32 to index
        %get3A_191 = arith.index_cast %get3A_189 : i32 to index
        %get3A_192 = arith.index_cast %mul3A_188 : i32 to index
        %get3A_193 = tpu.vector_load %arg7[%get3A_190, %get3A_191, %get3A_192] {strides = array<i32>} : memref<4x2x128xi32, #tpu.memory_space<vmem>>, vector<16xi32>,
        %gather3A_194 = tpu.vector_load_idx %arg10[%get3A_193] : memref<10240xf32, #tpu.memory_space<vmem>>[vector<16xi32>], vector<16xf32>,
        %mul3A_195 = arith.constant 16 : i32
        %mul3A_196 = arith.muli %add3A_186, %mul3A_195 : i32
        %get3A_197 = arith.index_cast %rem3A_99 : i32 to index
        %get3A_198 = arith.index_cast %mul3A_196 : i32 to index
        %get3A_199 = tpu.vector_load %arg8[%get3A_197, %get3A_198] {strides = array<i32>} : memref<4x128xf32, #tpu.memory_space<vmem>>, vector<16xf32>,
        %mul3A_200 = arith.mulf %gather3A_194, %get3A_199 : vector<16xf32>
        %mul3A_201 = arith.constant 16 : i32
        %mul3A_202 = arith.muli %add3A_186, %mul3A_201 : i32
        %swap3A_203 = arith.index_cast %mul3A_202 : i32 to index
        %swap3A_204 = tpu.vector_load %arg11[%swap3A_203] {strides = array<i32>} : memref<128xf32, #tpu.memory_space<vmem>>, vector<16xf32>,
        tpu.vector_store %arg11[%swap3A_203], %mul3A_200 {strides = array<i32>} : memref<128xf32, #tpu.memory_space<vmem>>, vector<16xf32>,
        %scan3A_205 = arith.constant 3 : i32
        %mul3A_206 = arith.constant 1 : i32
        %mul3A_207 = arith.muli %scan3A_205, %mul3A_206 : i32
        %add3A_208 = arith.constant 0 : i32
        %add3A_209 = arith.addi %add3A_208, %mul3A_207 : i32
        %mul3A_210 = arith.constant 16 : i32
        %mul3A_211 = arith.muli %add3A_209, %mul3A_210 : i32
        %get3A_212 = arith.constant 0 : i32
        %get3A_213 = arith.index_cast %rem3A_99 : i32 to index
        %get3A_214 = arith.index_cast %get3A_212 : i32 to index
        %get3A_215 = arith.index_cast %mul3A_211 : i32 to index
        %get3A_216 = tpu.vector_load %arg7[%get3A_213, %get3A_214, %get3A_215] {strides = array<i32>} : memref<4x2x128xi32, #tpu.memory_space<vmem>>, vector<16xi32>,
        %gather3A_217 = tpu.vector_load_idx %arg10[%get3A_216] : memref<10240xf32, #tpu.memory_space<vmem>>[vector<16xi32>], vector<16xf32>,
        %mul3A_218 = arith.constant 16 : i32
        %mul3A_219 = arith.muli %add3A_209, %mul3A_218 : i32
        %get3A_220 = arith.index_cast %rem3A_99 : i32 to index
        %get3A_221 = arith.index_cast %mul3A_219 : i32 to index
        %get3A_222 = tpu.vector_load %arg8[%get3A_220, %get3A_221] {strides = array<i32>} : memref<4x128xf32, #tpu.memory_space<vmem>>, vector<16xf32>,
        %mul3A_223 = arith.mulf %gather3A_217, %get3A_222 : vector<16xf32>
        %mul3A_224 = arith.constant 16 : i32
        %mul3A_225 = arith.muli %add3A_209, %mul3A_224 : i32
        %swap3A_226 = arith.index_cast %mul3A_225 : i32 to index
        %swap3A_227 = tpu.vector_load %arg11[%swap3A_226] {strides = array<i32>} : memref<128xf32, #tpu.memory_space<vmem>>, vector<16xf32>,
        tpu.vector_store %arg11[%swap3A_226], %mul3A_223 {strides = array<i32>} : memref<128xf32, #tpu.memory_space<vmem>>, vector<16xf32>,
        %scan3A_228 = arith.constant 4 : i32
        %mul3A_229 = arith.constant 1 : i32
        %mul3A_230 = arith.muli %scan3A_228, %mul3A_229 : i32
        %add3A_231 = arith.constant 0 : i32
        %add3A_232 = arith.addi %add3A_231, %mul3A_230 : i32
        %mul3A_233 = arith.constant 16 : i32
        %mul3A_234 = arith.muli %add3A_232, %mul3A_233 : i32
        %get3A_235 = arith.constant 0 : i32
        %get3A_236 = arith.index_cast %rem3A_99 : i32 to index
        %get3A_237 = arith.index_cast %get3A_235 : i32 to index
        %get3A_238 = arith.index_cast %mul3A_234 : i32 to index
        %get3A_239 = tpu.vector_load %arg7[%get3A_236, %get3A_237, %get3A_238] {strides = array<i32>} : memref<4x2x128xi32, #tpu.memory_space<vmem>>, vector<16xi32>,
        %gather3A_240 = tpu.vector_load_idx %arg10[%get3A_239] : memref<10240xf32, #tpu.memory_space<vmem>>[vector<16xi32>], vector<16xf32>,
        %mul3A_241 = arith.constant 16 : i32
        %mul3A_242 = arith.muli %add3A_232, %mul3A_241 : i32
        %get3A_243 = arith.index_cast %rem3A_99 : i32 to index
        %get3A_244 = arith.index_cast %mul3A_242 : i32 to index
        %get3A_245 = tpu.vector_load %arg8[%get3A_243, %get3A_244] {strides = array<i32>} : memref<4x128xf32, #tpu.memory_space<vmem>>, vector<16xf32>,
        %mul3A_246 = arith.mulf %gather3A_240, %get3A_245 : vector<16xf32>
        %mul3A_247 = arith.constant 16 : i32
        %mul3A_248 = arith.muli %add3A_232, %mul3A_247 : i32
        %swap3A_249 = arith.index_cast %mul3A_248 : i32 to index
        %swap3A_250 = tpu.vector_load %arg11[%swap3A_249] {strides = array<i32>} : memref<128xf32, #tpu.memory_space<vmem>>, vector<16xf32>,
        tpu.vector_store %arg11[%swap3A_249], %mul3A_246 {strides = array<i32>} : memref<128xf32, #tpu.memory_space<vmem>>, vector<16xf32>,
        %scan3A_251 = arith.constant 5 : i32
        %mul3A_252 = arith.constant 1 : i32
        %mul3A_253 = arith.muli %scan3A_251, %mul3A_252 : i32
        %add3A_254 = arith.constant 0 : i32
        %add3A_255 = arith.addi %add3A_254, %mul3A_253 : i32
        %mul3A_256 = arith.constant 16 : i32
        %mul3A_257 = arith.muli %add3A_255, %mul3A_256 : i32
        %get3A_258 = arith.constant 0 : i32
        %get3A_259 = arith.index_cast %rem3A_99 : i32 to index
        %get3A_260 = arith.index_cast %get3A_258 : i32 to index
        %get3A_261 = arith.index_cast %mul3A_257 : i32 to index
        %get3A_262 = tpu.vector_load %arg7[%get3A_259, %get3A_260, %get3A_261] {strides = array<i32>} : memref<4x2x128xi32, #tpu.memory_space<vmem>>, vector<16xi32>,
        %gather3A_263 = tpu.vector_load_idx %arg10[%get3A_262] : memref<10240xf32, #tpu.memory_space<vmem>>[vector<16xi32>], vector<16xf32>,
        %mul3A_264 = arith.constant 16 : i32
        %mul3A_265 = arith.muli %add3A_255, %mul3A_264 : i32
        %get3A_266 = arith.index_cast %rem3A_99 : i32 to index
        %get3A_267 = arith.index_cast %mul3A_265 : i32 to index
        %get3A_268 = tpu.vector_load %arg8[%get3A_266, %get3A_267] {strides = array<i32>} : memref<4x128xf32, #tpu.memory_space<vmem>>, vector<16xf32>,
        %mul3A_269 = arith.mulf %gather3A_263, %get3A_268 : vector<16xf32>
        %mul3A_270 = arith.constant 16 : i32
        %mul3A_271 = arith.muli %add3A_255, %mul3A_270 : i32
        %swap3A_272 = arith.index_cast %mul3A_271 : i32 to index
        %swap3A_273 = tpu.vector_load %arg11[%swap3A_272] {strides = array<i32>} : memref<128xf32, #tpu.memory_space<vmem>>, vector<16xf32>,
        tpu.vector_store %arg11[%swap3A_272], %mul3A_269 {strides = array<i32>} : memref<128xf32, #tpu.memory_space<vmem>>, vector<16xf32>,
        %scan3A_274 = arith.constant 6 : i32
        %mul3A_275 = arith.constant 1 : i32
        %mul3A_276 = arith.muli %scan3A_274, %mul3A_275 : i32
        %add3A_277 = arith.constant 0 : i32
        %add3A_278 = arith.addi %add3A_277, %mul3A_276 : i32
        %mul3A_279 = arith.constant 16 : i32
        %mul3A_280 = arith.muli %add3A_278, %mul3A_279 : i32
        %get3A_281 = arith.constant 0 : i32
        %get3A_282 = arith.index_cast %rem3A_99 : i32 to index
        %get3A_283 = arith.index_cast %get3A_281 : i32 to index
        %get3A_284 = arith.index_cast %mul3A_280 : i32 to index
        %get3A_285 = tpu.vector_load %arg7[%get3A_282, %get3A_283, %get3A_284] {strides = array<i32>} : memref<4x2x128xi32, #tpu.memory_space<vmem>>, vector<16xi32>,
        %gather3A_286 = tpu.vector_load_idx %arg10[%get3A_285] : memref<10240xf32, #tpu.memory_space<vmem>>[vector<16xi32>], vector<16xf32>,
        %mul3A_287 = arith.constant 16 : i32
        %mul3A_288 = arith.muli %add3A_278, %mul3A_287 : i32
        %get3A_289 = arith.index_cast %rem3A_99 : i32 to index
        %get3A_290 = arith.index_cast %mul3A_288 : i32 to index
        %get3A_291 = tpu.vector_load %arg8[%get3A_289, %get3A_290] {strides = array<i32>} : memref<4x128xf32, #tpu.memory_space<vmem>>, vector<16xf32>,
        %mul3A_292 = arith.mulf %gather3A_286, %get3A_291 : vector<16xf32>
        %mul3A_293 = arith.constant 16 : i32
        %mul3A_294 = arith.muli %add3A_278, %mul3A_293 : i32
        %swap3A_295 = arith.index_cast %mul3A_294 : i32 to index
        %swap3A_296 = tpu.vector_load %arg11[%swap3A_295] {strides = array<i32>} : memref<128xf32, #tpu.memory_space<vmem>>, vector<16xf32>,
        tpu.vector_store %arg11[%swap3A_295], %mul3A_292 {strides = array<i32>} : memref<128xf32, #tpu.memory_space<vmem>>, vector<16xf32>,
        %scan3A_297 = arith.constant 7 : i32
        %mul3A_298 = arith.constant 1 : i32
        %mul3A_299 = arith.muli %scan3A_297, %mul3A_298 : i32
        %add3A_300 = arith.constant 0 : i32
        %add3A_301 = arith.addi %add3A_300, %mul3A_299 : i32
        %mul3A_302 = arith.constant 16 : i32
        %mul3A_303 = arith.muli %add3A_301, %mul3A_302 : i32
        %get3A_304 = arith.constant 0 : i32
        %get3A_305 = arith.index_cast %rem3A_99 : i32 to index
        %get3A_306 = arith.index_cast %get3A_304 : i32 to index
        %get3A_307 = arith.index_cast %mul3A_303 : i32 to index
        %get3A_308 = tpu.vector_load %arg7[%get3A_305, %get3A_306, %get3A_307] {strides = array<i32>} : memref<4x2x128xi32, #tpu.memory_space<vmem>>, vector<16xi32>,
        %gather3A_309 = tpu.vector_load_idx %arg10[%get3A_308] : memref<10240xf32, #tpu.memory_space<vmem>>[vector<16xi32>], vector<16xf32>,
        %mul3A_310 = arith.constant 16 : i32
        %mul3A_311 = arith.muli %add3A_301, %mul3A_310 : i32
        %get3A_312 = arith.index_cast %rem3A_99 : i32 to index
        %get3A_313 = arith.index_cast %mul3A_311 : i32 to index
        %get3A_314 = tpu.vector_load %arg8[%get3A_312, %get3A_313] {strides = array<i32>} : memref<4x128xf32, #tpu.memory_space<vmem>>, vector<16xf32>,
        %mul3A_315 = arith.mulf %gather3A_309, %get3A_314 : vector<16xf32>
        %mul3A_316 = arith.constant 16 : i32
        %mul3A_317 = arith.muli %add3A_301, %mul3A_316 : i32
        %swap3A_318 = arith.index_cast %mul3A_317 : i32 to index
        %swap3A_319 = tpu.vector_load %arg11[%swap3A_318] {strides = array<i32>} : memref<128xf32, #tpu.memory_space<vmem>>, vector<16xf32>,
        tpu.vector_store %arg11[%swap3A_318], %mul3A_315 {strides = array<i32>} : memref<128xf32, #tpu.memory_space<vmem>>, vector<16xf32>,
        %scan3A_320 = arith.constant 8 : i32
        %scan3A_321 = arith.constant 0 : i32
        %scan3A_322 = arith.constant 128 : i32
        %scan3A_323 = arith.addi %scan3A_321, %scan3A_322 : i32
        %scan3A_324 = arith.constant 16 : i32
        scf.for %scan3A_339 = %scan3A_321 to %scan3A_323 step %scan3A_324  : i32 {
          %mul3A_340 = arith.constant 1 : i32
          %mul3A_341 = arith.muli %scan3A_339, %mul3A_340 : i32
          %add3A_342 = arith.constant 0 : i32
          %add3A_343 = arith.addi %add3A_342, %mul3A_341 : i32
          %broadcast_in_dim3A = vector.broadcast %add3A_343 : i32 to vector<16xi32>
          %gather3A_344 = tpu.vector_load_idx %arg11[%broadcast_in_dim3A] : memref<128xf32, #tpu.memory_space<vmem>>[vector<16xi32>], vector<16xf32>,
          %get3A_345 = arith.index_cast %rem3A_101 : i32 to index
          %get3A_346 = arith.index_cast %add3A_343 : i32 to index
          %get3A_347 = arith.constant 0 : index
          %get3A_348 = tpu.vector_load %arg9[%get3A_345, %get3A_346, %get3A_347] {strides = array<i32>} : memref<2x128x128xf32, #tpu.memory_space<vmem>>, vector<16xf32>,
          %mul3A_349 = arith.mulf %get3A_348, %gather3A_344 : vector<16xf32>
          %swap3A_350 = arith.index_cast %rem3A_101 : i32 to index
          %swap3A_351 = arith.index_cast %add3A_343 : i32 to index
          %swap3A_352 = arith.constant 0 : index
          %swap3A_353 = tpu.vector_load %arg9[%swap3A_350, %swap3A_351, %swap3A_352] {strides = array<i32>} : memref<2x128x128xf32, #tpu.memory_space<vmem>>, vector<16xf32>,
          tpu.vector_store %arg9[%swap3A_350, %swap3A_351, %swap3A_352], %mul3A_349 {strides = array<i32>} : memref<2x128x128xf32, #tpu.memory_space<vmem>>, vector<16xf32>,
          %get3A_354 = arith.index_cast %rem3A_101 : i32 to index
          %get3A_355 = arith.index_cast %add3A_343 : i32 to index
          %get3A_356 = arith.constant 16 : index
          %get3A_357 = tpu.vector_load %arg9[%get3A_354, %get3A_355, %get3A_356] {strides = array<i32>} : memref<2x128x128xf32, #tpu.memory_space<vmem>>, vector<16xf32>,
          %mul3A_358 = arith.mulf %get3A_357, %gather3A_344 : vector<16xf32>
          %swap3A_359 = arith.index_cast %rem3A_101 : i32 to index
          %swap3A_360 = arith.index_cast %add3A_343 : i32 to index
          %swap3A_361 = arith.constant 16 : index
          %swap3A_362 = tpu.vector_load %arg9[%swap3A_359, %swap3A_360, %swap3A_361] {strides = array<i32>} : memref<2x128x128xf32, #tpu.memory_space<vmem>>, vector<16xf32>,
          tpu.vector_store %arg9[%swap3A_359, %swap3A_360, %swap3A_361], %mul3A_358 {strides = array<i32>} : memref<2x128x128xf32, #tpu.memory_space<vmem>>, vector<16xf32>,
          %get3A_363 = arith.index_cast %rem3A_101 : i32 to index
          %get3A_364 = arith.index_cast %add3A_343 : i32 to index
          %get3A_365 = arith.constant 32 : index
          %get3A_366 = tpu.vector_load %arg9[%get3A_363, %get3A_364, %get3A_365] {strides = array<i32>} : memref<2x128x128xf32, #tpu.memory_space<vmem>>, vector<16xf32>,
          %mul3A_367 = arith.mulf %get3A_366, %gather3A_344 : vector<16xf32>
          %swap3A_368 = arith.index_cast %rem3A_101 : i32 to index
          %swap3A_369 = arith.index_cast %add3A_343 : i32 to index
          %swap3A_370 = arith.constant 32 : index
          %swap3A_371 = tpu.vector_load %arg9[%swap3A_368, %swap3A_369, %swap3A_370] {strides = array<i32>} : memref<2x128x128xf32, #tpu.memory_space<vmem>>, vector<16xf32>,
          tpu.vector_store %arg9[%swap3A_368, %swap3A_369, %swap3A_370], %mul3A_367 {strides = array<i32>} : memref<2x128x128xf32, #tpu.memory_space<vmem>>, vector<16xf32>,
          %get3A_372 = arith.index_cast %rem3A_101 : i32 to index
          %get3A_373 = arith.index_cast %add3A_343 : i32 to index
          %get3A_374 = arith.constant 48 : index
          %get3A_375 = tpu.vector_load %arg9[%get3A_372, %get3A_373, %get3A_374] {strides = array<i32>} : memref<2x128x128xf32, #tpu.memory_space<vmem>>, vector<16xf32>,
          %mul3A_376 = arith.mulf %get3A_375, %gather3A_344 : vector<16xf32>
          %swap3A_377 = arith.index_cast %rem3A_101 : i32 to index
          %swap3A_378 = arith.index_cast %add3A_343 : i32 to index
          %swap3A_379 = arith.constant 48 : index
          %swap3A_380 = tpu.vector_load %arg9[%swap3A_377, %swap3A_378, %swap3A_379] {strides = array<i32>} : memref<2x128x128xf32, #tpu.memory_space<vmem>>, vector<16xf32>,
          tpu.vector_store %arg9[%swap3A_377, %swap3A_378, %swap3A_379], %mul3A_376 {strides = array<i32>} : memref<2x128x128xf32, #tpu.memory_space<vmem>>, vector<16xf32>,
          %get3A_381 = arith.index_cast %rem3A_101 : i32 to index
          %get3A_382 = arith.index_cast %add3A_343 : i32 to index
          %get3A_383 = arith.constant 64 : index
          %get3A_384 = tpu.vector_load %arg9[%get3A_381, %get3A_382, %get3A_383] {strides = array<i32>} : memref<2x128x128xf32, #tpu.memory_space<vmem>>, vector<16xf32>,
          %mul3A_385 = arith.mulf %get3A_384, %gather3A_344 : vector<16xf32>
          %swap3A_386 = arith.index_cast %rem3A_101 : i32 to index
          %swap3A_387 = arith.index_cast %add3A_343 : i32 to index
          %swap3A_388 = arith.constant 64 : index
          %swap3A_389 = tpu.vector_load %arg9[%swap3A_386, %swap3A_387, %swap3A_388] {strides = array<i32>} : memref<2x128x128xf32, #tpu.memory_space<vmem>>, vector<16xf32>,
          tpu.vector_store %arg9[%swap3A_386, %swap3A_387, %swap3A_388], %mul3A_385 {strides = array<i32>} : memref<2x128x128xf32, #tpu.memory_space<vmem>>, vector<16xf32>,
          %get3A_390 = arith.index_cast %rem3A_101 : i32 to index
          %get3A_391 = arith.index_cast %add3A_343 : i32 to index
          %get3A_392 = arith.constant 80 : index
          %get3A_393 = tpu.vector_load %arg9[%get3A_390, %get3A_391, %get3A_392] {strides = array<i32>} : memref<2x128x128xf32, #tpu.memory_space<vmem>>, vector<16xf32>,
          %mul3A_394 = arith.mulf %get3A_393, %gather3A_344 : vector<16xf32>
          %swap3A_395 = arith.index_cast %rem3A_101 : i32 to index
          %swap3A_396 = arith.index_cast %add3A_343 : i32 to index
          %swap3A_397 = arith.constant 80 : index
          %swap3A_398 = tpu.vector_load %arg9[%swap3A_395, %swap3A_396, %swap3A_397] {strides = array<i32>} : memref<2x128x128xf32, #tpu.memory_space<vmem>>, vector<16xf32>,
          tpu.vector_store %arg9[%swap3A_395, %swap3A_396, %swap3A_397], %mul3A_394 {strides = array<i32>} : memref<2x128x128xf32, #tpu.memory_space<vmem>>, vector<16xf32>,
          %get3A_399 = arith.index_cast %rem3A_101 : i32 to index
          %get3A_400 = arith.index_cast %add3A_343 : i32 to index
          %get3A_401 = arith.constant 96 : index
          %get3A_402 = tpu.vector_load %arg9[%get3A_399, %get3A_400, %get3A_401] {strides = array<i32>} : memref<2x128x128xf32, #tpu.memory_space<vmem>>, vector<16xf32>,
          %mul3A_403 = arith.mulf %get3A_402, %gather3A_344 : vector<16xf32>
          %swap3A_404 = arith.index_cast %rem3A_101 : i32 to index
          %swap3A_405 = arith.index_cast %add3A_343 : i32 to index
          %swap3A_406 = arith.constant 96 : index
          %swap3A_407 = tpu.vector_load %arg9[%swap3A_404, %swap3A_405, %swap3A_406] {strides = array<i32>} : memref<2x128x128xf32, #tpu.memory_space<vmem>>, vector<16xf32>,
          tpu.vector_store %arg9[%swap3A_404, %swap3A_405, %swap3A_406], %mul3A_403 {strides = array<i32>} : memref<2x128x128xf32, #tpu.memory_space<vmem>>, vector<16xf32>,
          %get3A_408 = arith.index_cast %rem3A_101 : i32 to index
          %get3A_409 = arith.index_cast %add3A_343 : i32 to index
          %get3A_410 = arith.constant 112 : index
          %get3A_411 = tpu.vector_load %arg9[%get3A_408, %get3A_409, %get3A_410] {strides = array<i32>} : memref<2x128x128xf32, #tpu.memory_space<vmem>>, vector<16xf32>,
          %mul3A_412 = arith.mulf %get3A_411, %gather3A_344 : vector<16xf32>
          %swap3A_413 = arith.index_cast %rem3A_101 : i32 to index
          %swap3A_414 = arith.index_cast %add3A_343 : i32 to index
          %swap3A_415 = arith.constant 112 : index
          %swap3A_416 = tpu.vector_load %arg9[%swap3A_413, %swap3A_414, %swap3A_415] {strides = array<i32>} : memref<2x128x128xf32, #tpu.memory_space<vmem>>, vector<16xf32>,
          tpu.vector_store %arg9[%swap3A_413, %swap3A_414, %swap3A_415], %mul3A_412 {strides = array<i32>} : memref<2x128x128xf32, #tpu.memory_space<vmem>>, vector<16xf32>,
          %scan3A_417 = arith.constant 1 : i32
          %scan3A_418 = arith.addi %scan3A_339, %scan3A_417 : i32
          %mul3A_419 = arith.constant 1 : i32
          %mul3A_420 = arith.muli %scan3A_418, %mul3A_419 : i32
          %add3A_421 = arith.constant 0 : i32
          %add3A_422 = arith.addi %add3A_421, %mul3A_420 : i32
          %broadcast_in_dim3A_423 = vector.broadcast %add3A_422 : i32 to vector<16xi32>
          %gather3A_424 = tpu.vector_load_idx %arg11[%broadcast_in_dim3A_423] : memref<128xf32, #tpu.memory_space<vmem>>[vector<16xi32>], vector<16xf32>,
          %get3A_425 = arith.index_cast %rem3A_101 : i32 to index
          %get3A_426 = arith.index_cast %add3A_422 : i32 to index
          %get3A_427 = arith.constant 0 : index
          %get3A_428 = tpu.vector_load %arg9[%get3A_425, %get3A_426, %get3A_427] {strides = array<i32>} : memref<2x128x128xf32, #tpu.memory_space<vmem>>, vector<16xf32>,
          %mul3A_429 = arith.mulf %get3A_428, %gather3A_424 : vector<16xf32>
          %swap3A_430 = arith.index_cast %rem3A_101 : i32 to index
          %swap3A_431 = arith.index_cast %add3A_422 : i32 to index
          %swap3A_432 = arith.constant 0 : index
          %swap3A_433 = tpu.vector_load %arg9[%swap3A_430, %swap3A_431, %swap3A_432] {strides = array<i32>} : memref<2x128x128xf32, #tpu.memory_space<vmem>>, vector<16xf32>,
          tpu.vector_store %arg9[%swap3A_430, %swap3A_431, %swap3A_432], %mul3A_429 {strides = array<i32>} : memref<2x128x128xf32, #tpu.memory_space<vmem>>, vector<16xf32>,
          %get3A_434 = arith.index_cast %rem3A_101 : i32 to index
          %get3A_435 = arith.index_cast %add3A_422 : i32 to index
          %get3A_436 = arith.constant 16 : index
          %get3A_437 = tpu.vector_load %arg9[%get3A_434, %get3A_435, %get3A_436] {strides = array<i32>} : memref<2x128x128xf32, #tpu.memory_space<vmem>>, vector<16xf32>,
          %mul3A_438 = arith.mulf %get3A_437, %gather3A_424 : vector<16xf32>
          %swap3A_439 = arith.index_cast %rem3A_101 : i32 to index
          %swap3A_440 = arith.index_cast %add3A_422 : i32 to index
          %swap3A_441 = arith.constant 16 : index
          %swap3A_442 = tpu.vector_load %arg9[%swap3A_439, %swap3A_440, %swap3A_441] {strides = array<i32>} : memref<2x128x128xf32, #tpu.memory_space<vmem>>, vector<16xf32>,
          tpu.vector_store %arg9[%swap3A_439, %swap3A_440, %swap3A_441], %mul3A_438 {strides = array<i32>} : memref<2x128x128xf32, #tpu.memory_space<vmem>>, vector<16xf32>,
          %get3A_443 = arith.index_cast %rem3A_101 : i32 to index
          %get3A_444 = arith.index_cast %add3A_422 : i32 to index
          %get3A_445 = arith.constant 32 : index
          %get3A_446 = tpu.vector_load %arg9[%get3A_443, %get3A_444, %get3A_445] {strides = array<i32>} : memref<2x128x128xf32, #tpu.memory_space<vmem>>, vector<16xf32>,
          %mul3A_447 = arith.mulf %get3A_446, %gather3A_424 : vector<16xf32>
          %swap3A_448 = arith.index_cast %rem3A_101 : i32 to index
          %swap3A_449 = arith.index_cast %add3A_422 : i32 to index
          %swap3A_450 = arith.constant 32 : index
          %swap3A_451 = tpu.vector_load %arg9[%swap3A_448, %swap3A_449, %swap3A_450] {strides = array<i32>} : memref<2x128x128xf32, #tpu.memory_space<vmem>>, vector<16xf32>,
          tpu.vector_store %arg9[%swap3A_448, %swap3A_449, %swap3A_450], %mul3A_447 {strides = array<i32>} : memref<2x128x128xf32, #tpu.memory_space<vmem>>, vector<16xf32>,
          %get3A_452 = arith.index_cast %rem3A_101 : i32 to index
          %get3A_453 = arith.index_cast %add3A_422 : i32 to index
          %get3A_454 = arith.constant 48 : index
          %get3A_455 = tpu.vector_load %arg9[%get3A_452, %get3A_453, %get3A_454] {strides = array<i32>} : memref<2x128x128xf32, #tpu.memory_space<vmem>>, vector<16xf32>,
          %mul3A_456 = arith.mulf %get3A_455, %gather3A_424 : vector<16xf32>
          %swap3A_457 = arith.index_cast %rem3A_101 : i32 to index
          %swap3A_458 = arith.index_cast %add3A_422 : i32 to index
          %swap3A_459 = arith.constant 48 : index
          %swap3A_460 = tpu.vector_load %arg9[%swap3A_457, %swap3A_458, %swap3A_459] {strides = array<i32>} : memref<2x128x128xf32, #tpu.memory_space<vmem>>, vector<16xf32>,
          tpu.vector_store %arg9[%swap3A_457, %swap3A_458, %swap3A_459], %mul3A_456 {strides = array<i32>} : memref<2x128x128xf32, #tpu.memory_space<vmem>>, vector<16xf32>,
          %get3A_461 = arith.index_cast %rem3A_101 : i32 to index
          %get3A_462 = arith.index_cast %add3A_422 : i32 to index
          %get3A_463 = arith.constant 64 : index
          %get3A_464 = tpu.vector_load %arg9[%get3A_461, %get3A_462, %get3A_463] {strides = array<i32>} : memref<2x128x128xf32, #tpu.memory_space<vmem>>, vector<16xf32>,
          %mul3A_465 = arith.mulf %get3A_464, %gather3A_424 : vector<16xf32>
          %swap3A_466 = arith.index_cast %rem3A_101 : i32 to index
          %swap3A_467 = arith.index_cast %add3A_422 : i32 to index
          %swap3A_468 = arith.constant 64 : index
          %swap3A_469 = tpu.vector_load %arg9[%swap3A_466, %swap3A_467, %swap3A_468] {strides = array<i32>} : memref<2x128x128xf32, #tpu.memory_space<vmem>>, vector<16xf32>,
          tpu.vector_store %arg9[%swap3A_466, %swap3A_467, %swap3A_468], %mul3A_465 {strides = array<i32>} : memref<2x128x128xf32, #tpu.memory_space<vmem>>, vector<16xf32>,
          %get3A_470 = arith.index_cast %rem3A_101 : i32 to index
          %get3A_471 = arith.index_cast %add3A_422 : i32 to index
          %get3A_472 = arith.constant 80 : index
          %get3A_473 = tpu.vector_load %arg9[%get3A_470, %get3A_471, %get3A_472] {strides = array<i32>} : memref<2x128x128xf32, #tpu.memory_space<vmem>>, vector<16xf32>,
          %mul3A_474 = arith.mulf %get3A_473, %gather3A_424 : vector<16xf32>
          %swap3A_475 = arith.index_cast %rem3A_101 : i32 to index
          %swap3A_476 = arith.index_cast %add3A_422 : i32 to index
          %swap3A_477 = arith.constant 80 : index
          %swap3A_478 = tpu.vector_load %arg9[%swap3A_475, %swap3A_476, %swap3A_477] {strides = array<i32>} : memref<2x128x128xf32, #tpu.memory_space<vmem>>, vector<16xf32>,
          tpu.vector_store %arg9[%swap3A_475, %swap3A_476, %swap3A_477], %mul3A_474 {strides = array<i32>} : memref<2x128x128xf32, #tpu.memory_space<vmem>>, vector<16xf32>,
          %get3A_479 = arith.index_cast %rem3A_101 : i32 to index
          %get3A_480 = arith.index_cast %add3A_422 : i32 to index
          %get3A_481 = arith.constant 96 : index
          %get3A_482 = tpu.vector_load %arg9[%get3A_479, %get3A_480, %get3A_481] {strides = array<i32>} : memref<2x128x128xf32, #tpu.memory_space<vmem>>, vector<16xf32>,
          %mul3A_483 = arith.mulf %get3A_482, %gather3A_424 : vector<16xf32>
          %swap3A_484 = arith.index_cast %rem3A_101 : i32 to index
          %swap3A_485 = arith.index_cast %add3A_422 : i32 to index
          %swap3A_486 = arith.constant 96 : index
          %swap3A_487 = tpu.vector_load %arg9[%swap3A_484, %swap3A_485, %swap3A_486] {strides = array<i32>} : memref<2x128x128xf32, #tpu.memory_space<vmem>>, vector<16xf32>,
          tpu.vector_store %arg9[%swap3A_484, %swap3A_485, %swap3A_486], %mul3A_483 {strides = array<i32>} : memref<2x128x128xf32, #tpu.memory_space<vmem>>, vector<16xf32>,
          %get3A_488 = arith.index_cast %rem3A_101 : i32 to index
          %get3A_489 = arith.index_cast %add3A_422 : i32 to index
          %get3A_490 = arith.constant 112 : index
          %get3A_491 = tpu.vector_load %arg9[%get3A_488, %get3A_489, %get3A_490] {strides = array<i32>} : memref<2x128x128xf32, #tpu.memory_space<vmem>>, vector<16xf32>,
          %mul3A_492 = arith.mulf %get3A_491, %gather3A_424 : vector<16xf32>
          %swap3A_493 = arith.index_cast %rem3A_101 : i32 to index
          %swap3A_494 = arith.index_cast %add3A_422 : i32 to index
          %swap3A_495 = arith.constant 112 : index
          %swap3A_496 = tpu.vector_load %arg9[%swap3A_493, %swap3A_494, %swap3A_495] {strides = array<i32>} : memref<2x128x128xf32, #tpu.memory_space<vmem>>, vector<16xf32>,
          tpu.vector_store %arg9[%swap3A_493, %swap3A_494, %swap3A_495], %mul3A_492 {strides = array<i32>} : memref<2x128x128xf32, #tpu.memory_space<vmem>>, vector<16xf32>,
          %scan3A_497 = arith.constant 2 : i32
          %scan3A_498 = arith.addi %scan3A_339, %scan3A_497 : i32
          %mul3A_499 = arith.constant 1 : i32
          %mul3A_500 = arith.muli %scan3A_498, %mul3A_499 : i32
          %add3A_501 = arith.constant 0 : i32
          %add3A_502 = arith.addi %add3A_501, %mul3A_500 : i32
          %broadcast_in_dim3A_503 = vector.broadcast %add3A_502 : i32 to vector<16xi32>
          %gather3A_504 = tpu.vector_load_idx %arg11[%broadcast_in_dim3A_503] : memref<128xf32, #tpu.memory_space<vmem>>[vector<16xi32>], vector<16xf32>,
          %get3A_505 = arith.index_cast %rem3A_101 : i32 to index
          %get3A_506 = arith.index_cast %add3A_502 : i32 to index
          %get3A_507 = arith.constant 0 : index
          %get3A_508 = tpu.vector_load %arg9[%get3A_505, %get3A_506, %get3A_507] {strides = array<i32>} : memref<2x128x128xf32, #tpu.memory_space<vmem>>, vector<16xf32>,
          %mul3A_509 = arith.mulf %get3A_508, %gather3A_504 : vector<16xf32>
          %swap3A_510 = arith.index_cast %rem3A_101 : i32 to index
          %swap3A_511 = arith.index_cast %add3A_502 : i32 to index
          %swap3A_512 = arith.constant 0 : index
          %swap3A_513 = tpu.vector_load %arg9[%swap3A_510, %swap3A_511, %swap3A_512] {strides = array<i32>} : memref<2x128x128xf32, #tpu.memory_space<vmem>>, vector<16xf32>,
          tpu.vector_store %arg9[%swap3A_510, %swap3A_511, %swap3A_512], %mul3A_509 {strides = array<i32>} : memref<2x128x128xf32, #tpu.memory_space<vmem>>, vector<16xf32>,
          %get3A_514 = arith.index_cast %rem3A_101 : i32 to index
          %get3A_515 = arith.index_cast %add3A_502 : i32 to index
          %get3A_516 = arith.constant 16 : index
          %get3A_517 = tpu.vector_load %arg9[%get3A_514, %get3A_515, %get3A_516] {strides = array<i32>} : memref<2x128x128xf32, #tpu.memory_space<vmem>>, vector<16xf32>,
          %mul3A_518 = arith.mulf %get3A_517, %gather3A_504 : vector<16xf32>
          %swap3A_519 = arith.index_cast %rem3A_101 : i32 to index
          %swap3A_520 = arith.index_cast %add3A_502 : i32 to index
          %swap3A_521 = arith.constant 16 : index
          %swap3A_522 = tpu.vector_load %arg9[%swap3A_519, %swap3A_520, %swap3A_521] {strides = array<i32>} : memref<2x128x128xf32, #tpu.memory_space<vmem>>, vector<16xf32>,
          tpu.vector_store %arg9[%swap3A_519, %swap3A_520, %swap3A_521], %mul3A_518 {strides = array<i32>} : memref<2x128x128xf32, #tpu.memory_space<vmem>>, vector<16xf32>,
          %get3A_523 = arith.index_cast %rem3A_101 : i32 to index
          %get3A_524 = arith.index_cast %add3A_502 : i32 to index
          %get3A_525 = arith.constant 32 : index
          %get3A_526 = tpu.vector_load %arg9[%get3A_523, %get3A_524, %get3A_525] {strides = array<i32>} : memref<2x128x128xf32, #tpu.memory_space<vmem>>, vector<16xf32>,
          %mul3A_527 = arith.mulf %get3A_526, %gather3A_504 : vector<16xf32>
          %swap3A_528 = arith.index_cast %rem3A_101 : i32 to index
          %swap3A_529 = arith.index_cast %add3A_502 : i32 to index
          %swap3A_530 = arith.constant 32 : index
          %swap3A_531 = tpu.vector_load %arg9[%swap3A_528, %swap3A_529, %swap3A_530] {strides = array<i32>} : memref<2x128x128xf32, #tpu.memory_space<vmem>>, vector<16xf32>,
          tpu.vector_store %arg9[%swap3A_528, %swap3A_529, %swap3A_530], %mul3A_527 {strides = array<i32>} : memref<2x128x128xf32, #tpu.memory_space<vmem>>, vector<16xf32>,
          %get3A_532 = arith.index_cast %rem3A_101 : i32 to index
          %get3A_533 = arith.index_cast %add3A_502 : i32 to index
          %get3A_534 = arith.constant 48 : index
          %get3A_535 = tpu.vector_load %arg9[%get3A_532, %get3A_533, %get3A_534] {strides = array<i32>} : memref<2x128x128xf32, #tpu.memory_space<vmem>>, vector<16xf32>,
          %mul3A_536 = arith.mulf %get3A_535, %gather3A_504 : vector<16xf32>
          %swap3A_537 = arith.index_cast %rem3A_101 : i32 to index
          %swap3A_538 = arith.index_cast %add3A_502 : i32 to index
          %swap3A_539 = arith.constant 48 : index
          %swap3A_540 = tpu.vector_load %arg9[%swap3A_537, %swap3A_538, %swap3A_539] {strides = array<i32>} : memref<2x128x128xf32, #tpu.memory_space<vmem>>, vector<16xf32>,
          tpu.vector_store %arg9[%swap3A_537, %swap3A_538, %swap3A_539], %mul3A_536 {strides = array<i32>} : memref<2x128x128xf32, #tpu.memory_space<vmem>>, vector<16xf32>,
          %get3A_541 = arith.index_cast %rem3A_101 : i32 to index
          %get3A_542 = arith.index_cast %add3A_502 : i32 to index
          %get3A_543 = arith.constant 64 : index
          %get3A_544 = tpu.vector_load %arg9[%get3A_541, %get3A_542, %get3A_543] {strides = array<i32>} : memref<2x128x128xf32, #tpu.memory_space<vmem>>, vector<16xf32>,
          %mul3A_545 = arith.mulf %get3A_544, %gather3A_504 : vector<16xf32>
          %swap3A_546 = arith.index_cast %rem3A_101 : i32 to index
          %swap3A_547 = arith.index_cast %add3A_502 : i32 to index
          %swap3A_548 = arith.constant 64 : index
          %swap3A_549 = tpu.vector_load %arg9[%swap3A_546, %swap3A_547, %swap3A_548] {strides = array<i32>} : memref<2x128x128xf32, #tpu.memory_space<vmem>>, vector<16xf32>,
          tpu.vector_store %arg9[%swap3A_546, %swap3A_547, %swap3A_548], %mul3A_545 {strides = array<i32>} : memref<2x128x128xf32, #tpu.memory_space<vmem>>, vector<16xf32>,
          %get3A_550 = arith.index_cast %rem3A_101 : i32 to index
          %get3A_551 = arith.index_cast %add3A_502 : i32 to index
          %get3A_552 = arith.constant 80 : index
          %get3A_553 = tpu.vector_load %arg9[%get3A_550, %get3A_551, %get3A_552] {strides = array<i32>} : memref<2x128x128xf32, #tpu.memory_space<vmem>>, vector<16xf32>,
          %mul3A_554 = arith.mulf %get3A_553, %gather3A_504 : vector<16xf32>
          %swap3A_555 = arith.index_cast %rem3A_101 : i32 to index
          %swap3A_556 = arith.index_cast %add3A_502 : i32 to index
          %swap3A_557 = arith.constant 80 : index
          %swap3A_558 = tpu.vector_load %arg9[%swap3A_555, %swap3A_556, %swap3A_557] {strides = array<i32>} : memref<2x128x128xf32, #tpu.memory_space<vmem>>, vector<16xf32>,
          tpu.vector_store %arg9[%swap3A_555, %swap3A_556, %swap3A_557], %mul3A_554 {strides = array<i32>} : memref<2x128x128xf32, #tpu.memory_space<vmem>>, vector<16xf32>,
          %get3A_559 = arith.index_cast %rem3A_101 : i32 to index
          %get3A_560 = arith.index_cast %add3A_502 : i32 to index
          %get3A_561 = arith.constant 96 : index
          %get3A_562 = tpu.vector_load %arg9[%get3A_559, %get3A_560, %get3A_561] {strides = array<i32>} : memref<2x128x128xf32, #tpu.memory_space<vmem>>, vector<16xf32>,
          %mul3A_563 = arith.mulf %get3A_562, %gather3A_504 : vector<16xf32>
          %swap3A_564 = arith.index_cast %rem3A_101 : i32 to index
          %swap3A_565 = arith.index_cast %add3A_502 : i32 to index
          %swap3A_566 = arith.constant 96 : index
          %swap3A_567 = tpu.vector_load %arg9[%swap3A_564, %swap3A_565, %swap3A_566] {strides = array<i32>} : memref<2x128x128xf32, #tpu.memory_space<vmem>>, vector<16xf32>,
          tpu.vector_store %arg9[%swap3A_564, %swap3A_565, %swap3A_566], %mul3A_563 {strides = array<i32>} : memref<2x128x128xf32, #tpu.memory_space<vmem>>, vector<16xf32>,
          %get3A_568 = arith.index_cast %rem3A_101 : i32 to index
          %get3A_569 = arith.index_cast %add3A_502 : i32 to index
          %get3A_570 = arith.constant 112 : index
          %get3A_571 = tpu.vector_load %arg9[%get3A_568, %get3A_569, %get3A_570] {strides = array<i32>} : memref<2x128x128xf32, #tpu.memory_space<vmem>>, vector<16xf32>,
          %mul3A_572 = arith.mulf %get3A_571, %gather3A_504 : vector<16xf32>
          %swap3A_573 = arith.index_cast %rem3A_101 : i32 to index
          %swap3A_574 = arith.index_cast %add3A_502 : i32 to index
          %swap3A_575 = arith.constant 112 : index
          %swap3A_576 = tpu.vector_load %arg9[%swap3A_573, %swap3A_574, %swap3A_575] {strides = array<i32>} : memref<2x128x128xf32, #tpu.memory_space<vmem>>, vector<16xf32>,
          tpu.vector_store %arg9[%swap3A_573, %swap3A_574, %swap3A_575], %mul3A_572 {strides = array<i32>} : memref<2x128x128xf32, #tpu.memory_space<vmem>>, vector<16xf32>,
          %scan3A_577 = arith.constant 3 : i32
          %scan3A_578 = arith.addi %scan3A_339, %scan3A_577 : i32
          %mul3A_579 = arith.constant 1 : i32
          %mul3A_580 = arith.muli %scan3A_578, %mul3A_579 : i32
          %add3A_581 = arith.constant 0 : i32
          %add3A_582 = arith.addi %add3A_581, %mul3A_580 : i32
          %broadcast_in_dim3A_583 = vector.broadcast %add3A_582 : i32 to vector<16xi32>
          %gather3A_584 = tpu.vector_load_idx %arg11[%broadcast_in_dim3A_583] : memref<128xf32, #tpu.memory_space<vmem>>[vector<16xi32>], vector<16xf32>,
          %get3A_585 = arith.index_cast %rem3A_101 : i32 to index
          %get3A_586 = arith.index_cast %add3A_582 : i32 to index
          %get3A_587 = arith.constant 0 : index
          %get3A_588 = tpu.vector_load %arg9[%get3A_585, %get3A_586, %get3A_587] {strides = array<i32>} : memref<2x128x128xf32, #tpu.memory_space<vmem>>, vector<16xf32>,
          %mul3A_589 = arith.mulf %get3A_588, %gather3A_584 : vector<16xf32>
          %swap3A_590 = arith.index_cast %rem3A_101 : i32 to index
          %swap3A_591 = arith.index_cast %add3A_582 : i32 to index
          %swap3A_592 = arith.constant 0 : index
          %swap3A_593 = tpu.vector_load %arg9[%swap3A_590, %swap3A_591, %swap3A_592] {strides = array<i32>} : memref<2x128x128xf32, #tpu.memory_space<vmem>>, vector<16xf32>,
          tpu.vector_store %arg9[%swap3A_590, %swap3A_591, %swap3A_592], %mul3A_589 {strides = array<i32>} : memref<2x128x128xf32, #tpu.memory_space<vmem>>, vector<16xf32>,
          %get3A_594 = arith.index_cast %rem3A_101 : i32 to index
          %get3A_595 = arith.index_cast %add3A_582 : i32 to index
          %get3A_596 = arith.constant 16 : index
          %get3A_597 = tpu.vector_load %arg9[%get3A_594, %get3A_595, %get3A_596] {strides = array<i32>} : memref<2x128x128xf32, #tpu.memory_space<vmem>>, vector<16xf32>,
          %mul3A_598 = arith.mulf %get3A_597, %gather3A_584 : vector<16xf32>
          %swap3A_599 = arith.index_cast %rem3A_101 : i32 to index
          %swap3A_600 = arith.index_cast %add3A_582 : i32 to index
          %swap3A_601 = arith.constant 16 : index
          %swap3A_602 = tpu.vector_load %arg9[%swap3A_599, %swap3A_600, %swap3A_601] {strides = array<i32>} : memref<2x128x128xf32, #tpu.memory_space<vmem>>, vector<16xf32>,
          tpu.vector_store %arg9[%swap3A_599, %swap3A_600, %swap3A_601], %mul3A_598 {strides = array<i32>} : memref<2x128x128xf32, #tpu.memory_space<vmem>>, vector<16xf32>,
          %get3A_603 = arith.index_cast %rem3A_101 : i32 to index
          %get3A_604 = arith.index_cast %add3A_582 : i32 to index
          %get3A_605 = arith.constant 32 : index
          %get3A_606 = tpu.vector_load %arg9[%get3A_603, %get3A_604, %get3A_605] {strides = array<i32>} : memref<2x128x128xf32, #tpu.memory_space<vmem>>, vector<16xf32>,
          %mul3A_607 = arith.mulf %get3A_606, %gather3A_584 : vector<16xf32>
          %swap3A_608 = arith.index_cast %rem3A_101 : i32 to index
          %swap3A_609 = arith.index_cast %add3A_582 : i32 to index
          %swap3A_610 = arith.constant 32 : index
          %swap3A_611 = tpu.vector_load %arg9[%swap3A_608, %swap3A_609, %swap3A_610] {strides = array<i32>} : memref<2x128x128xf32, #tpu.memory_space<vmem>>, vector<16xf32>,
          tpu.vector_store %arg9[%swap3A_608, %swap3A_609, %swap3A_610], %mul3A_607 {strides = array<i32>} : memref<2x128x128xf32, #tpu.memory_space<vmem>>, vector<16xf32>,
          %get3A_612 = arith.index_cast %rem3A_101 : i32 to index
          %get3A_613 = arith.index_cast %add3A_582 : i32 to index
          %get3A_614 = arith.constant 48 : index
          %get3A_615 = tpu.vector_load %arg9[%get3A_612, %get3A_613, %get3A_614] {strides = array<i32>} : memref<2x128x128xf32, #tpu.memory_space<vmem>>, vector<16xf32>,
          %mul3A_616 = arith.mulf %get3A_615, %gather3A_584 : vector<16xf32>
          %swap3A_617 = arith.index_cast %rem3A_101 : i32 to index
          %swap3A_618 = arith.index_cast %add3A_582 : i32 to index
          %swap3A_619 = arith.constant 48 : index
          %swap3A_620 = tpu.vector_load %arg9[%swap3A_617, %swap3A_618, %swap3A_619] {strides = array<i32>} : memref<2x128x128xf32, #tpu.memory_space<vmem>>, vector<16xf32>,
          tpu.vector_store %arg9[%swap3A_617, %swap3A_618, %swap3A_619], %mul3A_616 {strides = array<i32>} : memref<2x128x128xf32, #tpu.memory_space<vmem>>, vector<16xf32>,
          %get3A_621 = arith.index_cast %rem3A_101 : i32 to index
          %get3A_622 = arith.index_cast %add3A_582 : i32 to index
          %get3A_623 = arith.constant 64 : index
          %get3A_624 = tpu.vector_load %arg9[%get3A_621, %get3A_622, %get3A_623] {strides = array<i32>} : memref<2x128x128xf32, #tpu.memory_space<vmem>>, vector<16xf32>,
          %mul3A_625 = arith.mulf %get3A_624, %gather3A_584 : vector<16xf32>
          %swap3A_626 = arith.index_cast %rem3A_101 : i32 to index
          %swap3A_627 = arith.index_cast %add3A_582 : i32 to index
          %swap3A_628 = arith.constant 64 : index
          %swap3A_629 = tpu.vector_load %arg9[%swap3A_626, %swap3A_627, %swap3A_628] {strides = array<i32>} : memref<2x128x128xf32, #tpu.memory_space<vmem>>, vector<16xf32>,
          tpu.vector_store %arg9[%swap3A_626, %swap3A_627, %swap3A_628], %mul3A_625 {strides = array<i32>} : memref<2x128x128xf32, #tpu.memory_space<vmem>>, vector<16xf32>,
          %get3A_630 = arith.index_cast %rem3A_101 : i32 to index
          %get3A_631 = arith.index_cast %add3A_582 : i32 to index
          %get3A_632 = arith.constant 80 : index
          %get3A_633 = tpu.vector_load %arg9[%get3A_630, %get3A_631, %get3A_632] {strides = array<i32>} : memref<2x128x128xf32, #tpu.memory_space<vmem>>, vector<16xf32>,
          %mul3A_634 = arith.mulf %get3A_633, %gather3A_584 : vector<16xf32>
          %swap3A_635 = arith.index_cast %rem3A_101 : i32 to index
          %swap3A_636 = arith.index_cast %add3A_582 : i32 to index
          %swap3A_637 = arith.constant 80 : index
          %swap3A_638 = tpu.vector_load %arg9[%swap3A_635, %swap3A_636, %swap3A_637] {strides = array<i32>} : memref<2x128x128xf32, #tpu.memory_space<vmem>>, vector<16xf32>,
          tpu.vector_store %arg9[%swap3A_635, %swap3A_636, %swap3A_637], %mul3A_634 {strides = array<i32>} : memref<2x128x128xf32, #tpu.memory_space<vmem>>, vector<16xf32>,
          %get3A_639 = arith.index_cast %rem3A_101 : i32 to index
          %get3A_640 = arith.index_cast %add3A_582 : i32 to index
          %get3A_641 = arith.constant 96 : index
          %get3A_642 = tpu.vector_load %arg9[%get3A_639, %get3A_640, %get3A_641] {strides = array<i32>} : memref<2x128x128xf32, #tpu.memory_space<vmem>>, vector<16xf32>,
          %mul3A_643 = arith.mulf %get3A_642, %gather3A_584 : vector<16xf32>
          %swap3A_644 = arith.index_cast %rem3A_101 : i32 to index
          %swap3A_645 = arith.index_cast %add3A_582 : i32 to index
          %swap3A_646 = arith.constant 96 : index
          %swap3A_647 = tpu.vector_load %arg9[%swap3A_644, %swap3A_645, %swap3A_646] {strides = array<i32>} : memref<2x128x128xf32, #tpu.memory_space<vmem>>, vector<16xf32>,
          tpu.vector_store %arg9[%swap3A_644, %swap3A_645, %swap3A_646], %mul3A_643 {strides = array<i32>} : memref<2x128x128xf32, #tpu.memory_space<vmem>>, vector<16xf32>,
          %get3A_648 = arith.index_cast %rem3A_101 : i32 to index
          %get3A_649 = arith.index_cast %add3A_582 : i32 to index
          %get3A_650 = arith.constant 112 : index
          %get3A_651 = tpu.vector_load %arg9[%get3A_648, %get3A_649, %get3A_650] {strides = array<i32>} : memref<2x128x128xf32, #tpu.memory_space<vmem>>, vector<16xf32>,
          %mul3A_652 = arith.mulf %get3A_651, %gather3A_584 : vector<16xf32>
          %swap3A_653 = arith.index_cast %rem3A_101 : i32 to index
          %swap3A_654 = arith.index_cast %add3A_582 : i32 to index
          %swap3A_655 = arith.constant 112 : index
          %swap3A_656 = tpu.vector_load %arg9[%swap3A_653, %swap3A_654, %swap3A_655] {strides = array<i32>} : memref<2x128x128xf32, #tpu.memory_space<vmem>>, vector<16xf32>,
          tpu.vector_store %arg9[%swap3A_653, %swap3A_654, %swap3A_655], %mul3A_652 {strides = array<i32>} : memref<2x128x128xf32, #tpu.memory_space<vmem>>, vector<16xf32>,
          %scan3A_657 = arith.constant 4 : i32
          %scan3A_658 = arith.addi %scan3A_339, %scan3A_657 : i32
          %mul3A_659 = arith.constant 1 : i32
          %mul3A_660 = arith.muli %scan3A_658, %mul3A_659 : i32
          %add3A_661 = arith.constant 0 : i32
          %add3A_662 = arith.addi %add3A_661, %mul3A_660 : i32
          %broadcast_in_dim3A_663 = vector.broadcast %add3A_662 : i32 to vector<16xi32>
          %gather3A_664 = tpu.vector_load_idx %arg11[%broadcast_in_dim3A_663] : memref<128xf32, #tpu.memory_space<vmem>>[vector<16xi32>], vector<16xf32>,
          %get3A_665 = arith.index_cast %rem3A_101 : i32 to index
          %get3A_666 = arith.index_cast %add3A_662 : i32 to index
          %get3A_667 = arith.constant 0 : index
          %get3A_668 = tpu.vector_load %arg9[%get3A_665, %get3A_666, %get3A_667] {strides = array<i32>} : memref<2x128x128xf32, #tpu.memory_space<vmem>>, vector<16xf32>,
          %mul3A_669 = arith.mulf %get3A_668, %gather3A_664 : vector<16xf32>
          %swap3A_670 = arith.index_cast %rem3A_101 : i32 to index
          %swap3A_671 = arith.index_cast %add3A_662 : i32 to index
          %swap3A_672 = arith.constant 0 : index
          %swap3A_673 = tpu.vector_load %arg9[%swap3A_670, %swap3A_671, %swap3A_672] {strides = array<i32>} : memref<2x128x128xf32, #tpu.memory_space<vmem>>, vector<16xf32>,
          tpu.vector_store %arg9[%swap3A_670, %swap3A_671, %swap3A_672], %mul3A_669 {strides = array<i32>} : memref<2x128x128xf32, #tpu.memory_space<vmem>>, vector<16xf32>,
          %get3A_674 = arith.index_cast %rem3A_101 : i32 to index
          %get3A_675 = arith.index_cast %add3A_662 : i32 to index
          %get3A_676 = arith.constant 16 : index
          %get3A_677 = tpu.vector_load %arg9[%get3A_674, %get3A_675, %get3A_676] {strides = array<i32>} : memref<2x128x128xf32, #tpu.memory_space<vmem>>, vector<16xf32>,
          %mul3A_678 = arith.mulf %get3A_677, %gather3A_664 : vector<16xf32>
          %swap3A_679 = arith.index_cast %rem3A_101 : i32 to index
          %swap3A_680 = arith.index_cast %add3A_662 : i32 to index
          %swap3A_681 = arith.constant 16 : index
          %swap3A_682 = tpu.vector_load %arg9[%swap3A_679, %swap3A_680, %swap3A_681] {strides = array<i32>} : memref<2x128x128xf32, #tpu.memory_space<vmem>>, vector<16xf32>,
          tpu.vector_store %arg9[%swap3A_679, %swap3A_680, %swap3A_681], %mul3A_678 {strides = array<i32>} : memref<2x128x128xf32, #tpu.memory_space<vmem>>, vector<16xf32>,
          %get3A_683 = arith.index_cast %rem3A_101 : i32 to index
          %get3A_684 = arith.index_cast %add3A_662 : i32 to index
          %get3A_685 = arith.constant 32 : index
          %get3A_686 = tpu.vector_load %arg9[%get3A_683, %get3A_684, %get3A_685] {strides = array<i32>} : memref<2x128x128xf32, #tpu.memory_space<vmem>>, vector<16xf32>,
          %mul3A_687 = arith.mulf %get3A_686, %gather3A_664 : vector<16xf32>
          %swap3A_688 = arith.index_cast %rem3A_101 : i32 to index
          %swap3A_689 = arith.index_cast %add3A_662 : i32 to index
          %swap3A_690 = arith.constant 32 : index
          %swap3A_691 = tpu.vector_load %arg9[%swap3A_688, %swap3A_689, %swap3A_690] {strides = array<i32>} : memref<2x128x128xf32, #tpu.memory_space<vmem>>, vector<16xf32>,
          tpu.vector_store %arg9[%swap3A_688, %swap3A_689, %swap3A_690], %mul3A_687 {strides = array<i32>} : memref<2x128x128xf32, #tpu.memory_space<vmem>>, vector<16xf32>,
          %get3A_692 = arith.index_cast %rem3A_101 : i32 to index
          %get3A_693 = arith.index_cast %add3A_662 : i32 to index
          %get3A_694 = arith.constant 48 : index
          %get3A_695 = tpu.vector_load %arg9[%get3A_692, %get3A_693, %get3A_694] {strides = array<i32>} : memref<2x128x128xf32, #tpu.memory_space<vmem>>, vector<16xf32>,
          %mul3A_696 = arith.mulf %get3A_695, %gather3A_664 : vector<16xf32>
          %swap3A_697 = arith.index_cast %rem3A_101 : i32 to index
          %swap3A_698 = arith.index_cast %add3A_662 : i32 to index
          %swap3A_699 = arith.constant 48 : index
          %swap3A_700 = tpu.vector_load %arg9[%swap3A_697, %swap3A_698, %swap3A_699] {strides = array<i32>} : memref<2x128x128xf32, #tpu.memory_space<vmem>>, vector<16xf32>,
          tpu.vector_store %arg9[%swap3A_697, %swap3A_698, %swap3A_699], %mul3A_696 {strides = array<i32>} : memref<2x128x128xf32, #tpu.memory_space<vmem>>, vector<16xf32>,
          %get3A_701 = arith.index_cast %rem3A_101 : i32 to index
          %get3A_702 = arith.index_cast %add3A_662 : i32 to index
          %get3A_703 = arith.constant 64 : index
          %get3A_704 = tpu.vector_load %arg9[%get3A_701, %get3A_702, %get3A_703] {strides = array<i32>} : memref<2x128x128xf32, #tpu.memory_space<vmem>>, vector<16xf32>,
          %mul3A_705 = arith.mulf %get3A_704, %gather3A_664 : vector<16xf32>
          %swap3A_706 = arith.index_cast %rem3A_101 : i32 to index
          %swap3A_707 = arith.index_cast %add3A_662 : i32 to index
          %swap3A_708 = arith.constant 64 : index
          %swap3A_709 = tpu.vector_load %arg9[%swap3A_706, %swap3A_707, %swap3A_708] {strides = array<i32>} : memref<2x128x128xf32, #tpu.memory_space<vmem>>, vector<16xf32>,
          tpu.vector_store %arg9[%swap3A_706, %swap3A_707, %swap3A_708], %mul3A_705 {strides = array<i32>} : memref<2x128x128xf32, #tpu.memory_space<vmem>>, vector<16xf32>,
          %get3A_710 = arith.index_cast %rem3A_101 : i32 to index
          %get3A_711 = arith.index_cast %add3A_662 : i32 to index
          %get3A_712 = arith.constant 80 : index
          %get3A_713 = tpu.vector_load %arg9[%get3A_710, %get3A_711, %get3A_712] {strides = array<i32>} : memref<2x128x128xf32, #tpu.memory_space<vmem>>, vector<16xf32>,
          %mul3A_714 = arith.mulf %get3A_713, %gather3A_664 : vector<16xf32>
          %swap3A_715 = arith.index_cast %rem3A_101 : i32 to index
          %swap3A_716 = arith.index_cast %add3A_662 : i32 to index
          %swap3A_717 = arith.constant 80 : index
          %swap3A_718 = tpu.vector_load %arg9[%swap3A_715, %swap3A_716, %swap3A_717] {strides = array<i32>} : memref<2x128x128xf32, #tpu.memory_space<vmem>>, vector<16xf32>,
          tpu.vector_store %arg9[%swap3A_715, %swap3A_716, %swap3A_717], %mul3A_714 {strides = array<i32>} : memref<2x128x128xf32, #tpu.memory_space<vmem>>, vector<16xf32>,
          %get3A_719 = arith.index_cast %rem3A_101 : i32 to index
          %get3A_720 = arith.index_cast %add3A_662 : i32 to index
          %get3A_721 = arith.constant 96 : index
          %get3A_722 = tpu.vector_load %arg9[%get3A_719, %get3A_720, %get3A_721] {strides = array<i32>} : memref<2x128x128xf32, #tpu.memory_space<vmem>>, vector<16xf32>,
          %mul3A_723 = arith.mulf %get3A_722, %gather3A_664 : vector<16xf32>
          %swap3A_724 = arith.index_cast %rem3A_101 : i32 to index
          %swap3A_725 = arith.index_cast %add3A_662 : i32 to index
          %swap3A_726 = arith.constant 96 : index
          %swap3A_727 = tpu.vector_load %arg9[%swap3A_724, %swap3A_725, %swap3A_726] {strides = array<i32>} : memref<2x128x128xf32, #tpu.memory_space<vmem>>, vector<16xf32>,
          tpu.vector_store %arg9[%swap3A_724, %swap3A_725, %swap3A_726], %mul3A_723 {strides = array<i32>} : memref<2x128x128xf32, #tpu.memory_space<vmem>>, vector<16xf32>,
          %get3A_728 = arith.index_cast %rem3A_101 : i32 to index
          %get3A_729 = arith.index_cast %add3A_662 : i32 to index
          %get3A_730 = arith.constant 112 : index
          %get3A_731 = tpu.vector_load %arg9[%get3A_728, %get3A_729, %get3A_730] {strides = array<i32>} : memref<2x128x128xf32, #tpu.memory_space<vmem>>, vector<16xf32>,
          %mul3A_732 = arith.mulf %get3A_731, %gather3A_664 : vector<16xf32>
          %swap3A_733 = arith.index_cast %rem3A_101 : i32 to index
          %swap3A_734 = arith.index_cast %add3A_662 : i32 to index
          %swap3A_735 = arith.constant 112 : index
          %swap3A_736 = tpu.vector_load %arg9[%swap3A_733, %swap3A_734, %swap3A_735] {strides = array<i32>} : memref<2x128x128xf32, #tpu.memory_space<vmem>>, vector<16xf32>,
          tpu.vector_store %arg9[%swap3A_733, %swap3A_734, %swap3A_735], %mul3A_732 {strides = array<i32>} : memref<2x128x128xf32, #tpu.memory_space<vmem>>, vector<16xf32>,
          %scan3A_737 = arith.constant 5 : i32
          %scan3A_738 = arith.addi %scan3A_339, %scan3A_737 : i32
          %mul3A_739 = arith.constant 1 : i32
          %mul3A_740 = arith.muli %scan3A_738, %mul3A_739 : i32
          %add3A_741 = arith.constant 0 : i32
          %add3A_742 = arith.addi %add3A_741, %mul3A_740 : i32
          %broadcast_in_dim3A_743 = vector.broadcast %add3A_742 : i32 to vector<16xi32>
          %gather3A_744 = tpu.vector_load_idx %arg11[%broadcast_in_dim3A_743] : memref<128xf32, #tpu.memory_space<vmem>>[vector<16xi32>], vector<16xf32>,
          %get3A_745 = arith.index_cast %rem3A_101 : i32 to index
          %get3A_746 = arith.index_cast %add3A_742 : i32 to index
          %get3A_747 = arith.constant 0 : index
          %get3A_748 = tpu.vector_load %arg9[%get3A_745, %get3A_746, %get3A_747] {strides = array<i32>} : memref<2x128x128xf32, #tpu.memory_space<vmem>>, vector<16xf32>,
          %mul3A_749 = arith.mulf %get3A_748, %gather3A_744 : vector<16xf32>
          %swap3A_750 = arith.index_cast %rem3A_101 : i32 to index
          %swap3A_751 = arith.index_cast %add3A_742 : i32 to index
          %swap3A_752 = arith.constant 0 : index
          %swap3A_753 = tpu.vector_load %arg9[%swap3A_750, %swap3A_751, %swap3A_752] {strides = array<i32>} : memref<2x128x128xf32, #tpu.memory_space<vmem>>, vector<16xf32>,
          tpu.vector_store %arg9[%swap3A_750, %swap3A_751, %swap3A_752], %mul3A_749 {strides = array<i32>} : memref<2x128x128xf32, #tpu.memory_space<vmem>>, vector<16xf32>,
          %get3A_754 = arith.index_cast %rem3A_101 : i32 to index
          %get3A_755 = arith.index_cast %add3A_742 : i32 to index
          %get3A_756 = arith.constant 16 : index
          %get3A_757 = tpu.vector_load %arg9[%get3A_754, %get3A_755, %get3A_756] {strides = array<i32>} : memref<2x128x128xf32, #tpu.memory_space<vmem>>, vector<16xf32>,
          %mul3A_758 = arith.mulf %get3A_757, %gather3A_744 : vector<16xf32>
          %swap3A_759 = arith.index_cast %rem3A_101 : i32 to index
          %swap3A_760 = arith.index_cast %add3A_742 : i32 to index
          %swap3A_761 = arith.constant 16 : index
          %swap3A_762 = tpu.vector_load %arg9[%swap3A_759, %swap3A_760, %swap3A_761] {strides = array<i32>} : memref<2x128x128xf32, #tpu.memory_space<vmem>>, vector<16xf32>,
          tpu.vector_store %arg9[%swap3A_759, %swap3A_760, %swap3A_761], %mul3A_758 {strides = array<i32>} : memref<2x128x128xf32, #tpu.memory_space<vmem>>, vector<16xf32>,
          %get3A_763 = arith.index_cast %rem3A_101 : i32 to index
          %get3A_764 = arith.index_cast %add3A_742 : i32 to index
          %get3A_765 = arith.constant 32 : index
          %get3A_766 = tpu.vector_load %arg9[%get3A_763, %get3A_764, %get3A_765] {strides = array<i32>} : memref<2x128x128xf32, #tpu.memory_space<vmem>>, vector<16xf32>,
          %mul3A_767 = arith.mulf %get3A_766, %gather3A_744 : vector<16xf32>
          %swap3A_768 = arith.index_cast %rem3A_101 : i32 to index
          %swap3A_769 = arith.index_cast %add3A_742 : i32 to index
          %swap3A_770 = arith.constant 32 : index
          %swap3A_771 = tpu.vector_load %arg9[%swap3A_768, %swap3A_769, %swap3A_770] {strides = array<i32>} : memref<2x128x128xf32, #tpu.memory_space<vmem>>, vector<16xf32>,
          tpu.vector_store %arg9[%swap3A_768, %swap3A_769, %swap3A_770], %mul3A_767 {strides = array<i32>} : memref<2x128x128xf32, #tpu.memory_space<vmem>>, vector<16xf32>,
          %get3A_772 = arith.index_cast %rem3A_101 : i32 to index
          %get3A_773 = arith.index_cast %add3A_742 : i32 to index
          %get3A_774 = arith.constant 48 : index
          %get3A_775 = tpu.vector_load %arg9[%get3A_772, %get3A_773, %get3A_774] {strides = array<i32>} : memref<2x128x128xf32, #tpu.memory_space<vmem>>, vector<16xf32>,
          %mul3A_776 = arith.mulf %get3A_775, %gather3A_744 : vector<16xf32>
          %swap3A_777 = arith.index_cast %rem3A_101 : i32 to index
          %swap3A_778 = arith.index_cast %add3A_742 : i32 to index
          %swap3A_779 = arith.constant 48 : index
          %swap3A_780 = tpu.vector_load %arg9[%swap3A_777, %swap3A_778, %swap3A_779] {strides = array<i32>} : memref<2x128x128xf32, #tpu.memory_space<vmem>>, vector<16xf32>,
          tpu.vector_store %arg9[%swap3A_777, %swap3A_778, %swap3A_779], %mul3A_776 {strides = array<i32>} : memref<2x128x128xf32, #tpu.memory_space<vmem>>, vector<16xf32>,
          %get3A_781 = arith.index_cast %rem3A_101 : i32 to index
          %get3A_782 = arith.index_cast %add3A_742 : i32 to index
          %get3A_783 = arith.constant 64 : index
          %get3A_784 = tpu.vector_load %arg9[%get3A_781, %get3A_782, %get3A_783] {strides = array<i32>} : memref<2x128x128xf32, #tpu.memory_space<vmem>>, vector<16xf32>,
          %mul3A_785 = arith.mulf %get3A_784, %gather3A_744 : vector<16xf32>
          %swap3A_786 = arith.index_cast %rem3A_101 : i32 to index
          %swap3A_787 = arith.index_cast %add3A_742 : i32 to index
          %swap3A_788 = arith.constant 64 : index
          %swap3A_789 = tpu.vector_load %arg9[%swap3A_786, %swap3A_787, %swap3A_788] {strides = array<i32>} : memref<2x128x128xf32, #tpu.memory_space<vmem>>, vector<16xf32>,
          tpu.vector_store %arg9[%swap3A_786, %swap3A_787, %swap3A_788], %mul3A_785 {strides = array<i32>} : memref<2x128x128xf32, #tpu.memory_space<vmem>>, vector<16xf32>,
          %get3A_790 = arith.index_cast %rem3A_101 : i32 to index
          %get3A_791 = arith.index_cast %add3A_742 : i32 to index
          %get3A_792 = arith.constant 80 : index
          %get3A_793 = tpu.vector_load %arg9[%get3A_790, %get3A_791, %get3A_792] {strides = array<i32>} : memref<2x128x128xf32, #tpu.memory_space<vmem>>, vector<16xf32>,
          %mul3A_794 = arith.mulf %get3A_793, %gather3A_744 : vector<16xf32>
          %swap3A_795 = arith.index_cast %rem3A_101 : i32 to index
          %swap3A_796 = arith.index_cast %add3A_742 : i32 to index
          %swap3A_797 = arith.constant 80 : index
          %swap3A_798 = tpu.vector_load %arg9[%swap3A_795, %swap3A_796, %swap3A_797] {strides = array<i32>} : memref<2x128x128xf32, #tpu.memory_space<vmem>>, vector<16xf32>,
          tpu.vector_store %arg9[%swap3A_795, %swap3A_796, %swap3A_797], %mul3A_794 {strides = array<i32>} : memref<2x128x128xf32, #tpu.memory_space<vmem>>, vector<16xf32>,
          %get3A_799 = arith.index_cast %rem3A_101 : i32 to index
          %get3A_800 = arith.index_cast %add3A_742 : i32 to index
          %get3A_801 = arith.constant 96 : index
          %get3A_802 = tpu.vector_load %arg9[%get3A_799, %get3A_800, %get3A_801] {strides = array<i32>} : memref<2x128x128xf32, #tpu.memory_space<vmem>>, vector<16xf32>,
          %mul3A_803 = arith.mulf %get3A_802, %gather3A_744 : vector<16xf32>
          %swap3A_804 = arith.index_cast %rem3A_101 : i32 to index
          %swap3A_805 = arith.index_cast %add3A_742 : i32 to index
          %swap3A_806 = arith.constant 96 : index
          %swap3A_807 = tpu.vector_load %arg9[%swap3A_804, %swap3A_805, %swap3A_806] {strides = array<i32>} : memref<2x128x128xf32, #tpu.memory_space<vmem>>, vector<16xf32>,
          tpu.vector_store %arg9[%swap3A_804, %swap3A_805, %swap3A_806], %mul3A_803 {strides = array<i32>} : memref<2x128x128xf32, #tpu.memory_space<vmem>>, vector<16xf32>,
          %get3A_808 = arith.index_cast %rem3A_101 : i32 to index
          %get3A_809 = arith.index_cast %add3A_742 : i32 to index
          %get3A_810 = arith.constant 112 : index
          %get3A_811 = tpu.vector_load %arg9[%get3A_808, %get3A_809, %get3A_810] {strides = array<i32>} : memref<2x128x128xf32, #tpu.memory_space<vmem>>, vector<16xf32>,
          %mul3A_812 = arith.mulf %get3A_811, %gather3A_744 : vector<16xf32>
          %swap3A_813 = arith.index_cast %rem3A_101 : i32 to index
          %swap3A_814 = arith.index_cast %add3A_742 : i32 to index
          %swap3A_815 = arith.constant 112 : index
          %swap3A_816 = tpu.vector_load %arg9[%swap3A_813, %swap3A_814, %swap3A_815] {strides = array<i32>} : memref<2x128x128xf32, #tpu.memory_space<vmem>>, vector<16xf32>,
          tpu.vector_store %arg9[%swap3A_813, %swap3A_814, %swap3A_815], %mul3A_812 {strides = array<i32>} : memref<2x128x128xf32, #tpu.memory_space<vmem>>, vector<16xf32>,
          %scan3A_817 = arith.constant 6 : i32
          %scan3A_818 = arith.addi %scan3A_339, %scan3A_817 : i32
          %mul3A_819 = arith.constant 1 : i32
          %mul3A_820 = arith.muli %scan3A_818, %mul3A_819 : i32
          %add3A_821 = arith.constant 0 : i32
          %add3A_822 = arith.addi %add3A_821, %mul3A_820 : i32
          %broadcast_in_dim3A_823 = vector.broadcast %add3A_822 : i32 to vector<16xi32>
          %gather3A_824 = tpu.vector_load_idx %arg11[%broadcast_in_dim3A_823] : memref<128xf32, #tpu.memory_space<vmem>>[vector<16xi32>], vector<16xf32>,
          %get3A_825 = arith.index_cast %rem3A_101 : i32 to index
          %get3A_826 = arith.index_cast %add3A_822 : i32 to index
          %get3A_827 = arith.constant 0 : index
          %get3A_828 = tpu.vector_load %arg9[%get3A_825, %get3A_826, %get3A_827] {strides = array<i32>} : memref<2x128x128xf32, #tpu.memory_space<vmem>>, vector<16xf32>,
          %mul3A_829 = arith.mulf %get3A_828, %gather3A_824 : vector<16xf32>
          %swap3A_830 = arith.index_cast %rem3A_101 : i32 to index
          %swap3A_831 = arith.index_cast %add3A_822 : i32 to index
          %swap3A_832 = arith.constant 0 : index
          %swap3A_833 = tpu.vector_load %arg9[%swap3A_830, %swap3A_831, %swap3A_832] {strides = array<i32>} : memref<2x128x128xf32, #tpu.memory_space<vmem>>, vector<16xf32>,
          tpu.vector_store %arg9[%swap3A_830, %swap3A_831, %swap3A_832], %mul3A_829 {strides = array<i32>} : memref<2x128x128xf32, #tpu.memory_space<vmem>>, vector<16xf32>,
          %get3A_834 = arith.index_cast %rem3A_101 : i32 to index
          %get3A_835 = arith.index_cast %add3A_822 : i32 to index
          %get3A_836 = arith.constant 16 : index
          %get3A_837 = tpu.vector_load %arg9[%get3A_834, %get3A_835, %get3A_836] {strides = array<i32>} : memref<2x128x128xf32, #tpu.memory_space<vmem>>, vector<16xf32>,
          %mul3A_838 = arith.mulf %get3A_837, %gather3A_824 : vector<16xf32>
          %swap3A_839 = arith.index_cast %rem3A_101 : i32 to index
          %swap3A_840 = arith.index_cast %add3A_822 : i32 to index
          %swap3A_841 = arith.constant 16 : index
          %swap3A_842 = tpu.vector_load %arg9[%swap3A_839, %swap3A_840, %swap3A_841] {strides = array<i32>} : memref<2x128x128xf32, #tpu.memory_space<vmem>>, vector<16xf32>,
          tpu.vector_store %arg9[%swap3A_839, %swap3A_840, %swap3A_841], %mul3A_838 {strides = array<i32>} : memref<2x128x128xf32, #tpu.memory_space<vmem>>, vector<16xf32>,
          %get3A_843 = arith.index_cast %rem3A_101 : i32 to index
          %get3A_844 = arith.index_cast %add3A_822 : i32 to index
          %get3A_845 = arith.constant 32 : index
          %get3A_846 = tpu.vector_load %arg9[%get3A_843, %get3A_844, %get3A_845] {strides = array<i32>} : memref<2x128x128xf32, #tpu.memory_space<vmem>>, vector<16xf32>,
          %mul3A_847 = arith.mulf %get3A_846, %gather3A_824 : vector<16xf32>
          %swap3A_848 = arith.index_cast %rem3A_101 : i32 to index
          %swap3A_849 = arith.index_cast %add3A_822 : i32 to index
          %swap3A_850 = arith.constant 32 : index
          %swap3A_851 = tpu.vector_load %arg9[%swap3A_848, %swap3A_849, %swap3A_850] {strides = array<i32>} : memref<2x128x128xf32, #tpu.memory_space<vmem>>, vector<16xf32>,
          tpu.vector_store %arg9[%swap3A_848, %swap3A_849, %swap3A_850], %mul3A_847 {strides = array<i32>} : memref<2x128x128xf32, #tpu.memory_space<vmem>>, vector<16xf32>,
          %get3A_852 = arith.index_cast %rem3A_101 : i32 to index
          %get3A_853 = arith.index_cast %add3A_822 : i32 to index
          %get3A_854 = arith.constant 48 : index
          %get3A_855 = tpu.vector_load %arg9[%get3A_852, %get3A_853, %get3A_854] {strides = array<i32>} : memref<2x128x128xf32, #tpu.memory_space<vmem>>, vector<16xf32>,
          %mul3A_856 = arith.mulf %get3A_855, %gather3A_824 : vector<16xf32>
          %swap3A_857 = arith.index_cast %rem3A_101 : i32 to index
          %swap3A_858 = arith.index_cast %add3A_822 : i32 to index
          %swap3A_859 = arith.constant 48 : index
          %swap3A_860 = tpu.vector_load %arg9[%swap3A_857, %swap3A_858, %swap3A_859] {strides = array<i32>} : memref<2x128x128xf32, #tpu.memory_space<vmem>>, vector<16xf32>,
          tpu.vector_store %arg9[%swap3A_857, %swap3A_858, %swap3A_859], %mul3A_856 {strides = array<i32>} : memref<2x128x128xf32, #tpu.memory_space<vmem>>, vector<16xf32>,
          %get3A_861 = arith.index_cast %rem3A_101 : i32 to index
          %get3A_862 = arith.index_cast %add3A_822 : i32 to index
          %get3A_863 = arith.constant 64 : index
          %get3A_864 = tpu.vector_load %arg9[%get3A_861, %get3A_862, %get3A_863] {strides = array<i32>} : memref<2x128x128xf32, #tpu.memory_space<vmem>>, vector<16xf32>,
          %mul3A_865 = arith.mulf %get3A_864, %gather3A_824 : vector<16xf32>
          %swap3A_866 = arith.index_cast %rem3A_101 : i32 to index
          %swap3A_867 = arith.index_cast %add3A_822 : i32 to index
          %swap3A_868 = arith.constant 64 : index
          %swap3A_869 = tpu.vector_load %arg9[%swap3A_866, %swap3A_867, %swap3A_868] {strides = array<i32>} : memref<2x128x128xf32, #tpu.memory_space<vmem>>, vector<16xf32>,
          tpu.vector_store %arg9[%swap3A_866, %swap3A_867, %swap3A_868], %mul3A_865 {strides = array<i32>} : memref<2x128x128xf32, #tpu.memory_space<vmem>>, vector<16xf32>,
          %get3A_870 = arith.index_cast %rem3A_101 : i32 to index
          %get3A_871 = arith.index_cast %add3A_822 : i32 to index
          %get3A_872 = arith.constant 80 : index
          %get3A_873 = tpu.vector_load %arg9[%get3A_870, %get3A_871, %get3A_872] {strides = array<i32>} : memref<2x128x128xf32, #tpu.memory_space<vmem>>, vector<16xf32>,
          %mul3A_874 = arith.mulf %get3A_873, %gather3A_824 : vector<16xf32>
          %swap3A_875 = arith.index_cast %rem3A_101 : i32 to index
          %swap3A_876 = arith.index_cast %add3A_822 : i32 to index
          %swap3A_877 = arith.constant 80 : index
          %swap3A_878 = tpu.vector_load %arg9[%swap3A_875, %swap3A_876, %swap3A_877] {strides = array<i32>} : memref<2x128x128xf32, #tpu.memory_space<vmem>>, vector<16xf32>,
          tpu.vector_store %arg9[%swap3A_875, %swap3A_876, %swap3A_877], %mul3A_874 {strides = array<i32>} : memref<2x128x128xf32, #tpu.memory_space<vmem>>, vector<16xf32>,
          %get3A_879 = arith.index_cast %rem3A_101 : i32 to index
          %get3A_880 = arith.index_cast %add3A_822 : i32 to index
          %get3A_881 = arith.constant 96 : index
          %get3A_882 = tpu.vector_load %arg9[%get3A_879, %get3A_880, %get3A_881] {strides = array<i32>} : memref<2x128x128xf32, #tpu.memory_space<vmem>>, vector<16xf32>,
          %mul3A_883 = arith.mulf %get3A_882, %gather3A_824 : vector<16xf32>
          %swap3A_884 = arith.index_cast %rem3A_101 : i32 to index
          %swap3A_885 = arith.index_cast %add3A_822 : i32 to index
          %swap3A_886 = arith.constant 96 : index
          %swap3A_887 = tpu.vector_load %arg9[%swap3A_884, %swap3A_885, %swap3A_886] {strides = array<i32>} : memref<2x128x128xf32, #tpu.memory_space<vmem>>, vector<16xf32>,
          tpu.vector_store %arg9[%swap3A_884, %swap3A_885, %swap3A_886], %mul3A_883 {strides = array<i32>} : memref<2x128x128xf32, #tpu.memory_space<vmem>>, vector<16xf32>,
          %get3A_888 = arith.index_cast %rem3A_101 : i32 to index
          %get3A_889 = arith.index_cast %add3A_822 : i32 to index
          %get3A_890 = arith.constant 112 : index
          %get3A_891 = tpu.vector_load %arg9[%get3A_888, %get3A_889, %get3A_890] {strides = array<i32>} : memref<2x128x128xf32, #tpu.memory_space<vmem>>, vector<16xf32>,
          %mul3A_892 = arith.mulf %get3A_891, %gather3A_824 : vector<16xf32>
          %swap3A_893 = arith.index_cast %rem3A_101 : i32 to index
          %swap3A_894 = arith.index_cast %add3A_822 : i32 to index
          %swap3A_895 = arith.constant 112 : index
          %swap3A_896 = tpu.vector_load %arg9[%swap3A_893, %swap3A_894, %swap3A_895] {strides = array<i32>} : memref<2x128x128xf32, #tpu.memory_space<vmem>>, vector<16xf32>,
          tpu.vector_store %arg9[%swap3A_893, %swap3A_894, %swap3A_895], %mul3A_892 {strides = array<i32>} : memref<2x128x128xf32, #tpu.memory_space<vmem>>, vector<16xf32>,
          %scan3A_897 = arith.constant 7 : i32
          %scan3A_898 = arith.addi %scan3A_339, %scan3A_897 : i32
          %mul3A_899 = arith.constant 1 : i32
          %mul3A_900 = arith.muli %scan3A_898, %mul3A_899 : i32
          %add3A_901 = arith.constant 0 : i32
          %add3A_902 = arith.addi %add3A_901, %mul3A_900 : i32
          %broadcast_in_dim3A_903 = vector.broadcast %add3A_902 : i32 to vector<16xi32>
          %gather3A_904 = tpu.vector_load_idx %arg11[%broadcast_in_dim3A_903] : memref<128xf32, #tpu.memory_space<vmem>>[vector<16xi32>], vector<16xf32>,
          %get3A_905 = arith.index_cast %rem3A_101 : i32 to index
          %get3A_906 = arith.index_cast %add3A_902 : i32 to index
          %get3A_907 = arith.constant 0 : index
          %get3A_908 = tpu.vector_load %arg9[%get3A_905, %get3A_906, %get3A_907] {strides = array<i32>} : memref<2x128x128xf32, #tpu.memory_space<vmem>>, vector<16xf32>,
          %mul3A_909 = arith.mulf %get3A_908, %gather3A_904 : vector<16xf32>
          %swap3A_910 = arith.index_cast %rem3A_101 : i32 to index
          %swap3A_911 = arith.index_cast %add3A_902 : i32 to index
          %swap3A_912 = arith.constant 0 : index
          %swap3A_913 = tpu.vector_load %arg9[%swap3A_910, %swap3A_911, %swap3A_912] {strides = array<i32>} : memref<2x128x128xf32, #tpu.memory_space<vmem>>, vector<16xf32>,
          tpu.vector_store %arg9[%swap3A_910, %swap3A_911, %swap3A_912], %mul3A_909 {strides = array<i32>} : memref<2x128x128xf32, #tpu.memory_space<vmem>>, vector<16xf32>,
          %get3A_914 = arith.index_cast %rem3A_101 : i32 to index
          %get3A_915 = arith.index_cast %add3A_902 : i32 to index
          %get3A_916 = arith.constant 16 : index
          %get3A_917 = tpu.vector_load %arg9[%get3A_914, %get3A_915, %get3A_916] {strides = array<i32>} : memref<2x128x128xf32, #tpu.memory_space<vmem>>, vector<16xf32>,
          %mul3A_918 = arith.mulf %get3A_917, %gather3A_904 : vector<16xf32>
          %swap3A_919 = arith.index_cast %rem3A_101 : i32 to index
          %swap3A_920 = arith.index_cast %add3A_902 : i32 to index
          %swap3A_921 = arith.constant 16 : index
          %swap3A_922 = tpu.vector_load %arg9[%swap3A_919, %swap3A_920, %swap3A_921] {strides = array<i32>} : memref<2x128x128xf32, #tpu.memory_space<vmem>>, vector<16xf32>,
          tpu.vector_store %arg9[%swap3A_919, %swap3A_920, %swap3A_921], %mul3A_918 {strides = array<i32>} : memref<2x128x128xf32, #tpu.memory_space<vmem>>, vector<16xf32>,
          %get3A_923 = arith.index_cast %rem3A_101 : i32 to index
          %get3A_924 = arith.index_cast %add3A_902 : i32 to index
          %get3A_925 = arith.constant 32 : index
          %get3A_926 = tpu.vector_load %arg9[%get3A_923, %get3A_924, %get3A_925] {strides = array<i32>} : memref<2x128x128xf32, #tpu.memory_space<vmem>>, vector<16xf32>,
          %mul3A_927 = arith.mulf %get3A_926, %gather3A_904 : vector<16xf32>
          %swap3A_928 = arith.index_cast %rem3A_101 : i32 to index
          %swap3A_929 = arith.index_cast %add3A_902 : i32 to index
          %swap3A_930 = arith.constant 32 : index
          %swap3A_931 = tpu.vector_load %arg9[%swap3A_928, %swap3A_929, %swap3A_930] {strides = array<i32>} : memref<2x128x128xf32, #tpu.memory_space<vmem>>, vector<16xf32>,
          tpu.vector_store %arg9[%swap3A_928, %swap3A_929, %swap3A_930], %mul3A_927 {strides = array<i32>} : memref<2x128x128xf32, #tpu.memory_space<vmem>>, vector<16xf32>,
          %get3A_932 = arith.index_cast %rem3A_101 : i32 to index
          %get3A_933 = arith.index_cast %add3A_902 : i32 to index
          %get3A_934 = arith.constant 48 : index
          %get3A_935 = tpu.vector_load %arg9[%get3A_932, %get3A_933, %get3A_934] {strides = array<i32>} : memref<2x128x128xf32, #tpu.memory_space<vmem>>, vector<16xf32>,
          %mul3A_936 = arith.mulf %get3A_935, %gather3A_904 : vector<16xf32>
          %swap3A_937 = arith.index_cast %rem3A_101 : i32 to index
          %swap3A_938 = arith.index_cast %add3A_902 : i32 to index
          %swap3A_939 = arith.constant 48 : index
          %swap3A_940 = tpu.vector_load %arg9[%swap3A_937, %swap3A_938, %swap3A_939] {strides = array<i32>} : memref<2x128x128xf32, #tpu.memory_space<vmem>>, vector<16xf32>,
          tpu.vector_store %arg9[%swap3A_937, %swap3A_938, %swap3A_939], %mul3A_936 {strides = array<i32>} : memref<2x128x128xf32, #tpu.memory_space<vmem>>, vector<16xf32>,
          %get3A_941 = arith.index_cast %rem3A_101 : i32 to index
          %get3A_942 = arith.index_cast %add3A_902 : i32 to index
          %get3A_943 = arith.constant 64 : index
          %get3A_944 = tpu.vector_load %arg9[%get3A_941, %get3A_942, %get3A_943] {strides = array<i32>} : memref<2x128x128xf32, #tpu.memory_space<vmem>>, vector<16xf32>,
          %mul3A_945 = arith.mulf %get3A_944, %gather3A_904 : vector<16xf32>
          %swap3A_946 = arith.index_cast %rem3A_101 : i32 to index
          %swap3A_947 = arith.index_cast %add3A_902 : i32 to index
          %swap3A_948 = arith.constant 64 : index
          %swap3A_949 = tpu.vector_load %arg9[%swap3A_946, %swap3A_947, %swap3A_948] {strides = array<i32>} : memref<2x128x128xf32, #tpu.memory_space<vmem>>, vector<16xf32>,
          tpu.vector_store %arg9[%swap3A_946, %swap3A_947, %swap3A_948], %mul3A_945 {strides = array<i32>} : memref<2x128x128xf32, #tpu.memory_space<vmem>>, vector<16xf32>,
          %get3A_950 = arith.index_cast %rem3A_101 : i32 to index
          %get3A_951 = arith.index_cast %add3A_902 : i32 to index
          %get3A_952 = arith.constant 80 : index
          %get3A_953 = tpu.vector_load %arg9[%get3A_950, %get3A_951, %get3A_952] {strides = array<i32>} : memref<2x128x128xf32, #tpu.memory_space<vmem>>, vector<16xf32>,
          %mul3A_954 = arith.mulf %get3A_953, %gather3A_904 : vector<16xf32>
          %swap3A_955 = arith.index_cast %rem3A_101 : i32 to index
          %swap3A_956 = arith.index_cast %add3A_902 : i32 to index
          %swap3A_957 = arith.constant 80 : index
          %swap3A_958 = tpu.vector_load %arg9[%swap3A_955, %swap3A_956, %swap3A_957] {strides = array<i32>} : memref<2x128x128xf32, #tpu.memory_space<vmem>>, vector<16xf32>,
          tpu.vector_store %arg9[%swap3A_955, %swap3A_956, %swap3A_957], %mul3A_954 {strides = array<i32>} : memref<2x128x128xf32, #tpu.memory_space<vmem>>, vector<16xf32>,
          %get3A_959 = arith.index_cast %rem3A_101 : i32 to index
          %get3A_960 = arith.index_cast %add3A_902 : i32 to index
          %get3A_961 = arith.constant 96 : index
          %get3A_962 = tpu.vector_load %arg9[%get3A_959, %get3A_960, %get3A_961] {strides = array<i32>} : memref<2x128x128xf32, #tpu.memory_space<vmem>>, vector<16xf32>,
          %mul3A_963 = arith.mulf %get3A_962, %gather3A_904 : vector<16xf32>
          %swap3A_964 = arith.index_cast %rem3A_101 : i32 to index
          %swap3A_965 = arith.index_cast %add3A_902 : i32 to index
          %swap3A_966 = arith.constant 96 : index
          %swap3A_967 = tpu.vector_load %arg9[%swap3A_964, %swap3A_965, %swap3A_966] {strides = array<i32>} : memref<2x128x128xf32, #tpu.memory_space<vmem>>, vector<16xf32>,
          tpu.vector_store %arg9[%swap3A_964, %swap3A_965, %swap3A_966], %mul3A_963 {strides = array<i32>} : memref<2x128x128xf32, #tpu.memory_space<vmem>>, vector<16xf32>,
          %get3A_968 = arith.index_cast %rem3A_101 : i32 to index
          %get3A_969 = arith.index_cast %add3A_902 : i32 to index
          %get3A_970 = arith.constant 112 : index
          %get3A_971 = tpu.vector_load %arg9[%get3A_968, %get3A_969, %get3A_970] {strides = array<i32>} : memref<2x128x128xf32, #tpu.memory_space<vmem>>, vector<16xf32>,
          %mul3A_972 = arith.mulf %get3A_971, %gather3A_904 : vector<16xf32>
          %swap3A_973 = arith.index_cast %rem3A_101 : i32 to index
          %swap3A_974 = arith.index_cast %add3A_902 : i32 to index
          %swap3A_975 = arith.constant 112 : index
          %swap3A_976 = tpu.vector_load %arg9[%swap3A_973, %swap3A_974, %swap3A_975] {strides = array<i32>} : memref<2x128x128xf32, #tpu.memory_space<vmem>>, vector<16xf32>,
          tpu.vector_store %arg9[%swap3A_973, %swap3A_974, %swap3A_975], %mul3A_972 {strides = array<i32>} : memref<2x128x128xf32, #tpu.memory_space<vmem>>, vector<16xf32>,
          %scan3A_977 = arith.constant 8 : i32
          %scan3A_978 = arith.addi %scan3A_339, %scan3A_977 : i32
          %mul3A_979 = arith.constant 1 : i32
          %mul3A_980 = arith.muli %scan3A_978, %mul3A_979 : i32
          %add3A_981 = arith.constant 0 : i32
          %add3A_982 = arith.addi %add3A_981, %mul3A_980 : i32
          %broadcast_in_dim3A_983 = vector.broadcast %add3A_982 : i32 to vector<16xi32>
          %gather3A_984 = tpu.vector_load_idx %arg11[%broadcast_in_dim3A_983] : memref<128xf32, #tpu.memory_space<vmem>>[vector<16xi32>], vector<16xf32>,
          %get3A_985 = arith.index_cast %rem3A_101 : i32 to index
          %get3A_986 = arith.index_cast %add3A_982 : i32 to index
          %get3A_987 = arith.constant 0 : index
          %get3A_988 = tpu.vector_load %arg9[%get3A_985, %get3A_986, %get3A_987] {strides = array<i32>} : memref<2x128x128xf32, #tpu.memory_space<vmem>>, vector<16xf32>,
          %mul3A_989 = arith.mulf %get3A_988, %gather3A_984 : vector<16xf32>
          %swap3A_990 = arith.index_cast %rem3A_101 : i32 to index
          %swap3A_991 = arith.index_cast %add3A_982 : i32 to index
          %swap3A_992 = arith.constant 0 : index
          %swap3A_993 = tpu.vector_load %arg9[%swap3A_990, %swap3A_991, %swap3A_992] {strides = array<i32>} : memref<2x128x128xf32, #tpu.memory_space<vmem>>, vector<16xf32>,
          tpu.vector_store %arg9[%swap3A_990, %swap3A_991, %swap3A_992], %mul3A_989 {strides = array<i32>} : memref<2x128x128xf32, #tpu.memory_space<vmem>>, vector<16xf32>,
          %get3A_994 = arith.index_cast %rem3A_101 : i32 to index
          %get3A_995 = arith.index_cast %add3A_982 : i32 to index
          %get3A_996 = arith.constant 16 : index
          %get3A_997 = tpu.vector_load %arg9[%get3A_994, %get3A_995, %get3A_996] {strides = array<i32>} : memref<2x128x128xf32, #tpu.memory_space<vmem>>, vector<16xf32>,
          %mul3A_998 = arith.mulf %get3A_997, %gather3A_984 : vector<16xf32>
          %swap3A_999 = arith.index_cast %rem3A_101 : i32 to index
          %swap3A_1000 = arith.index_cast %add3A_982 : i32 to index
          %swap3A_1001 = arith.constant 16 : index
          %swap3A_1002 = tpu.vector_load %arg9[%swap3A_999, %swap3A_1000, %swap3A_1001] {strides = array<i32>} : memref<2x128x128xf32, #tpu.memory_space<vmem>>, vector<16xf32>,
          tpu.vector_store %arg9[%swap3A_999, %swap3A_1000, %swap3A_1001], %mul3A_998 {strides = array<i32>} : memref<2x128x128xf32, #tpu.memory_space<vmem>>, vector<16xf32>,
          %get3A_1003 = arith.index_cast %rem3A_101 : i32 to index
          %get3A_1004 = arith.index_cast %add3A_982 : i32 to index
          %get3A_1005 = arith.constant 32 : index
          %get3A_1006 = tpu.vector_load %arg9[%get3A_1003, %get3A_1004, %get3A_1005] {strides = array<i32>} : memref<2x128x128xf32, #tpu.memory_space<vmem>>, vector<16xf32>,
          %mul3A_1007 = arith.mulf %get3A_1006, %gather3A_984 : vector<16xf32>
          %swap3A_1008 = arith.index_cast %rem3A_101 : i32 to index
          %swap3A_1009 = arith.index_cast %add3A_982 : i32 to index
          %swap3A_1010 = arith.constant 32 : index
          %swap3A_1011 = tpu.vector_load %arg9[%swap3A_1008, %swap3A_1009, %swap3A_1010] {strides = array<i32>} : memref<2x128x128xf32, #tpu.memory_space<vmem>>, vector<16xf32>,
          tpu.vector_store %arg9[%swap3A_1008, %swap3A_1009, %swap3A_1010], %mul3A_1007 {strides = array<i32>} : memref<2x128x128xf32, #tpu.memory_space<vmem>>, vector<16xf32>,
          %get3A_1012 = arith.index_cast %rem3A_101 : i32 to index
          %get3A_1013 = arith.index_cast %add3A_982 : i32 to index
          %get3A_1014 = arith.constant 48 : index
          %get3A_1015 = tpu.vector_load %arg9[%get3A_1012, %get3A_1013, %get3A_1014] {strides = array<i32>} : memref<2x128x128xf32, #tpu.memory_space<vmem>>, vector<16xf32>,
          %mul3A_1016 = arith.mulf %get3A_1015, %gather3A_984 : vector<16xf32>
          %swap3A_1017 = arith.index_cast %rem3A_101 : i32 to index
          %swap3A_1018 = arith.index_cast %add3A_982 : i32 to index
          %swap3A_1019 = arith.constant 48 : index
          %swap3A_1020 = tpu.vector_load %arg9[%swap3A_1017, %swap3A_1018, %swap3A_1019] {strides = array<i32>} : memref<2x128x128xf32, #tpu.memory_space<vmem>>, vector<16xf32>,
          tpu.vector_store %arg9[%swap3A_1017, %swap3A_1018, %swap3A_1019], %mul3A_1016 {strides = array<i32>} : memref<2x128x128xf32, #tpu.memory_space<vmem>>, vector<16xf32>,
          %get3A_1021 = arith.index_cast %rem3A_101 : i32 to index
          %get3A_1022 = arith.index_cast %add3A_982 : i32 to index
          %get3A_1023 = arith.constant 64 : index
          %get3A_1024 = tpu.vector_load %arg9[%get3A_1021, %get3A_1022, %get3A_1023] {strides = array<i32>} : memref<2x128x128xf32, #tpu.memory_space<vmem>>, vector<16xf32>,
          %mul3A_1025 = arith.mulf %get3A_1024, %gather3A_984 : vector<16xf32>
          %swap3A_1026 = arith.index_cast %rem3A_101 : i32 to index
          %swap3A_1027 = arith.index_cast %add3A_982 : i32 to index
          %swap3A_1028 = arith.constant 64 : index
          %swap3A_1029 = tpu.vector_load %arg9[%swap3A_1026, %swap3A_1027, %swap3A_1028] {strides = array<i32>} : memref<2x128x128xf32, #tpu.memory_space<vmem>>, vector<16xf32>,
          tpu.vector_store %arg9[%swap3A_1026, %swap3A_1027, %swap3A_1028], %mul3A_1025 {strides = array<i32>} : memref<2x128x128xf32, #tpu.memory_space<vmem>>, vector<16xf32>,
          %get3A_1030 = arith.index_cast %rem3A_101 : i32 to index
          %get3A_1031 = arith.index_cast %add3A_982 : i32 to index
          %get3A_1032 = arith.constant 80 : index
          %get3A_1033 = tpu.vector_load %arg9[%get3A_1030, %get3A_1031, %get3A_1032] {strides = array<i32>} : memref<2x128x128xf32, #tpu.memory_space<vmem>>, vector<16xf32>,
          %mul3A_1034 = arith.mulf %get3A_1033, %gather3A_984 : vector<16xf32>
          %swap3A_1035 = arith.index_cast %rem3A_101 : i32 to index
          %swap3A_1036 = arith.index_cast %add3A_982 : i32 to index
          %swap3A_1037 = arith.constant 80 : index
          %swap3A_1038 = tpu.vector_load %arg9[%swap3A_1035, %swap3A_1036, %swap3A_1037] {strides = array<i32>} : memref<2x128x128xf32, #tpu.memory_space<vmem>>, vector<16xf32>,
          tpu.vector_store %arg9[%swap3A_1035, %swap3A_1036, %swap3A_1037], %mul3A_1034 {strides = array<i32>} : memref<2x128x128xf32, #tpu.memory_space<vmem>>, vector<16xf32>,
          %get3A_1039 = arith.index_cast %rem3A_101 : i32 to index
          %get3A_1040 = arith.index_cast %add3A_982 : i32 to index
          %get3A_1041 = arith.constant 96 : index
          %get3A_1042 = tpu.vector_load %arg9[%get3A_1039, %get3A_1040, %get3A_1041] {strides = array<i32>} : memref<2x128x128xf32, #tpu.memory_space<vmem>>, vector<16xf32>,
          %mul3A_1043 = arith.mulf %get3A_1042, %gather3A_984 : vector<16xf32>
          %swap3A_1044 = arith.index_cast %rem3A_101 : i32 to index
          %swap3A_1045 = arith.index_cast %add3A_982 : i32 to index
          %swap3A_1046 = arith.constant 96 : index
          %swap3A_1047 = tpu.vector_load %arg9[%swap3A_1044, %swap3A_1045, %swap3A_1046] {strides = array<i32>} : memref<2x128x128xf32, #tpu.memory_space<vmem>>, vector<16xf32>,
          tpu.vector_store %arg9[%swap3A_1044, %swap3A_1045, %swap3A_1046], %mul3A_1043 {strides = array<i32>} : memref<2x128x128xf32, #tpu.memory_space<vmem>>, vector<16xf32>,
          %get3A_1048 = arith.index_cast %rem3A_101 : i32 to index
          %get3A_1049 = arith.index_cast %add3A_982 : i32 to index
          %get3A_1050 = arith.constant 112 : index
          %get3A_1051 = tpu.vector_load %arg9[%get3A_1048, %get3A_1049, %get3A_1050] {strides = array<i32>} : memref<2x128x128xf32, #tpu.memory_space<vmem>>, vector<16xf32>,
          %mul3A_1052 = arith.mulf %get3A_1051, %gather3A_984 : vector<16xf32>
          %swap3A_1053 = arith.index_cast %rem3A_101 : i32 to index
          %swap3A_1054 = arith.index_cast %add3A_982 : i32 to index
          %swap3A_1055 = arith.constant 112 : index
          %swap3A_1056 = tpu.vector_load %arg9[%swap3A_1053, %swap3A_1054, %swap3A_1055] {strides = array<i32>} : memref<2x128x128xf32, #tpu.memory_space<vmem>>, vector<16xf32>,
          tpu.vector_store %arg9[%swap3A_1053, %swap3A_1054, %swap3A_1055], %mul3A_1052 {strides = array<i32>} : memref<2x128x128xf32, #tpu.memory_space<vmem>>, vector<16xf32>,
          %scan3A_1057 = arith.constant 9 : i32
          %scan3A_1058 = arith.addi %scan3A_339, %scan3A_1057 : i32
          %mul3A_1059 = arith.constant 1 : i32
          %mul3A_1060 = arith.muli %scan3A_1058, %mul3A_1059 : i32
          %add3A_1061 = arith.constant 0 : i32
          %add3A_1062 = arith.addi %add3A_1061, %mul3A_1060 : i32
          %broadcast_in_dim3A_1063 = vector.broadcast %add3A_1062 : i32 to vector<16xi32>
          %gather3A_1064 = tpu.vector_load_idx %arg11[%broadcast_in_dim3A_1063] : memref<128xf32, #tpu.memory_space<vmem>>[vector<16xi32>], vector<16xf32>,
          %get3A_1065 = arith.index_cast %rem3A_101 : i32 to index
          %get3A_1066 = arith.index_cast %add3A_1062 : i32 to index
          %get3A_1067 = arith.constant 0 : index
          %get3A_1068 = tpu.vector_load %arg9[%get3A_1065, %get3A_1066, %get3A_1067] {strides = array<i32>} : memref<2x128x128xf32, #tpu.memory_space<vmem>>, vector<16xf32>,
          %mul3A_1069 = arith.mulf %get3A_1068, %gather3A_1064 : vector<16xf32>
          %swap3A_1070 = arith.index_cast %rem3A_101 : i32 to index
          %swap3A_1071 = arith.index_cast %add3A_1062 : i32 to index
          %swap3A_1072 = arith.constant 0 : index
          %swap3A_1073 = tpu.vector_load %arg9[%swap3A_1070, %swap3A_1071, %swap3A_1072] {strides = array<i32>} : memref<2x128x128xf32, #tpu.memory_space<vmem>>, vector<16xf32>,
          tpu.vector_store %arg9[%swap3A_1070, %swap3A_1071, %swap3A_1072], %mul3A_1069 {strides = array<i32>} : memref<2x128x128xf32, #tpu.memory_space<vmem>>, vector<16xf32>,
          %get3A_1074 = arith.index_cast %rem3A_101 : i32 to index
          %get3A_1075 = arith.index_cast %add3A_1062 : i32 to index
          %get3A_1076 = arith.constant 16 : index
          %get3A_1077 = tpu.vector_load %arg9[%get3A_1074, %get3A_1075, %get3A_1076] {strides = array<i32>} : memref<2x128x128xf32, #tpu.memory_space<vmem>>, vector<16xf32>,
          %mul3A_1078 = arith.mulf %get3A_1077, %gather3A_1064 : vector<16xf32>
          %swap3A_1079 = arith.index_cast %rem3A_101 : i32 to index
          %swap3A_1080 = arith.index_cast %add3A_1062 : i32 to index
          %swap3A_1081 = arith.constant 16 : index
          %swap3A_1082 = tpu.vector_load %arg9[%swap3A_1079, %swap3A_1080, %swap3A_1081] {strides = array<i32>} : memref<2x128x128xf32, #tpu.memory_space<vmem>>, vector<16xf32>,
          tpu.vector_store %arg9[%swap3A_1079, %swap3A_1080, %swap3A_1081], %mul3A_1078 {strides = array<i32>} : memref<2x128x128xf32, #tpu.memory_space<vmem>>, vector<16xf32>,
          %get3A_1083 = arith.index_cast %rem3A_101 : i32 to index
          %get3A_1084 = arith.index_cast %add3A_1062 : i32 to index
          %get3A_1085 = arith.constant 32 : index
          %get3A_1086 = tpu.vector_load %arg9[%get3A_1083, %get3A_1084, %get3A_1085] {strides = array<i32>} : memref<2x128x128xf32, #tpu.memory_space<vmem>>, vector<16xf32>,
          %mul3A_1087 = arith.mulf %get3A_1086, %gather3A_1064 : vector<16xf32>
          %swap3A_1088 = arith.index_cast %rem3A_101 : i32 to index
          %swap3A_1089 = arith.index_cast %add3A_1062 : i32 to index
          %swap3A_1090 = arith.constant 32 : index
          %swap3A_1091 = tpu.vector_load %arg9[%swap3A_1088, %swap3A_1089, %swap3A_1090] {strides = array<i32>} : memref<2x128x128xf32, #tpu.memory_space<vmem>>, vector<16xf32>,
          tpu.vector_store %arg9[%swap3A_1088, %swap3A_1089, %swap3A_1090], %mul3A_1087 {strides = array<i32>} : memref<2x128x128xf32, #tpu.memory_space<vmem>>, vector<16xf32>,
          %get3A_1092 = arith.index_cast %rem3A_101 : i32 to index
          %get3A_1093 = arith.index_cast %add3A_1062 : i32 to index
          %get3A_1094 = arith.constant 48 : index
          %get3A_1095 = tpu.vector_load %arg9[%get3A_1092, %get3A_1093, %get3A_1094] {strides = array<i32>} : memref<2x128x128xf32, #tpu.memory_space<vmem>>, vector<16xf32>,
          %mul3A_1096 = arith.mulf %get3A_1095, %gather3A_1064 : vector<16xf32>
          %swap3A_1097 = arith.index_cast %rem3A_101 : i32 to index
          %swap3A_1098 = arith.index_cast %add3A_1062 : i32 to index
          %swap3A_1099 = arith.constant 48 : index
          %swap3A_1100 = tpu.vector_load %arg9[%swap3A_1097, %swap3A_1098, %swap3A_1099] {strides = array<i32>} : memref<2x128x128xf32, #tpu.memory_space<vmem>>, vector<16xf32>,
          tpu.vector_store %arg9[%swap3A_1097, %swap3A_1098, %swap3A_1099], %mul3A_1096 {strides = array<i32>} : memref<2x128x128xf32, #tpu.memory_space<vmem>>, vector<16xf32>,
          %get3A_1101 = arith.index_cast %rem3A_101 : i32 to index
          %get3A_1102 = arith.index_cast %add3A_1062 : i32 to index
          %get3A_1103 = arith.constant 64 : index
          %get3A_1104 = tpu.vector_load %arg9[%get3A_1101, %get3A_1102, %get3A_1103] {strides = array<i32>} : memref<2x128x128xf32, #tpu.memory_space<vmem>>, vector<16xf32>,
          %mul3A_1105 = arith.mulf %get3A_1104, %gather3A_1064 : vector<16xf32>
          %swap3A_1106 = arith.index_cast %rem3A_101 : i32 to index
          %swap3A_1107 = arith.index_cast %add3A_1062 : i32 to index
          %swap3A_1108 = arith.constant 64 : index
          %swap3A_1109 = tpu.vector_load %arg9[%swap3A_1106, %swap3A_1107, %swap3A_1108] {strides = array<i32>} : memref<2x128x128xf32, #tpu.memory_space<vmem>>, vector<16xf32>,
          tpu.vector_store %arg9[%swap3A_1106, %swap3A_1107, %swap3A_1108], %mul3A_1105 {strides = array<i32>} : memref<2x128x128xf32, #tpu.memory_space<vmem>>, vector<16xf32>,
          %get3A_1110 = arith.index_cast %rem3A_101 : i32 to index
          %get3A_1111 = arith.index_cast %add3A_1062 : i32 to index
          %get3A_1112 = arith.constant 80 : index
          %get3A_1113 = tpu.vector_load %arg9[%get3A_1110, %get3A_1111, %get3A_1112] {strides = array<i32>} : memref<2x128x128xf32, #tpu.memory_space<vmem>>, vector<16xf32>,
          %mul3A_1114 = arith.mulf %get3A_1113, %gather3A_1064 : vector<16xf32>
          %swap3A_1115 = arith.index_cast %rem3A_101 : i32 to index
          %swap3A_1116 = arith.index_cast %add3A_1062 : i32 to index
          %swap3A_1117 = arith.constant 80 : index
          %swap3A_1118 = tpu.vector_load %arg9[%swap3A_1115, %swap3A_1116, %swap3A_1117] {strides = array<i32>} : memref<2x128x128xf32, #tpu.memory_space<vmem>>, vector<16xf32>,
          tpu.vector_store %arg9[%swap3A_1115, %swap3A_1116, %swap3A_1117], %mul3A_1114 {strides = array<i32>} : memref<2x128x128xf32, #tpu.memory_space<vmem>>, vector<16xf32>,
          %get3A_1119 = arith.index_cast %rem3A_101 : i32 to index
          %get3A_1120 = arith.index_cast %add3A_1062 : i32 to index
          %get3A_1121 = arith.constant 96 : index
          %get3A_1122 = tpu.vector_load %arg9[%get3A_1119, %get3A_1120, %get3A_1121] {strides = array<i32>} : memref<2x128x128xf32, #tpu.memory_space<vmem>>, vector<16xf32>,
          %mul3A_1123 = arith.mulf %get3A_1122, %gather3A_1064 : vector<16xf32>
          %swap3A_1124 = arith.index_cast %rem3A_101 : i32 to index
          %swap3A_1125 = arith.index_cast %add3A_1062 : i32 to index
          %swap3A_1126 = arith.constant 96 : index
          %swap3A_1127 = tpu.vector_load %arg9[%swap3A_1124, %swap3A_1125, %swap3A_1126] {strides = array<i32>} : memref<2x128x128xf32, #tpu.memory_space<vmem>>, vector<16xf32>,
          tpu.vector_store %arg9[%swap3A_1124, %swap3A_1125, %swap3A_1126], %mul3A_1123 {strides = array<i32>} : memref<2x128x128xf32, #tpu.memory_space<vmem>>, vector<16xf32>,
          %get3A_1128 = arith.index_cast %rem3A_101 : i32 to index
          %get3A_1129 = arith.index_cast %add3A_1062 : i32 to index
          %get3A_1130 = arith.constant 112 : index
          %get3A_1131 = tpu.vector_load %arg9[%get3A_1128, %get3A_1129, %get3A_1130] {strides = array<i32>} : memref<2x128x128xf32, #tpu.memory_space<vmem>>, vector<16xf32>,
          %mul3A_1132 = arith.mulf %get3A_1131, %gather3A_1064 : vector<16xf32>
          %swap3A_1133 = arith.index_cast %rem3A_101 : i32 to index
          %swap3A_1134 = arith.index_cast %add3A_1062 : i32 to index
          %swap3A_1135 = arith.constant 112 : index
          %swap3A_1136 = tpu.vector_load %arg9[%swap3A_1133, %swap3A_1134, %swap3A_1135] {strides = array<i32>} : memref<2x128x128xf32, #tpu.memory_space<vmem>>, vector<16xf32>,
          tpu.vector_store %arg9[%swap3A_1133, %swap3A_1134, %swap3A_1135], %mul3A_1132 {strides = array<i32>} : memref<2x128x128xf32, #tpu.memory_space<vmem>>, vector<16xf32>,
          %scan3A_1137 = arith.constant 10 : i32
          %scan3A_1138 = arith.addi %scan3A_339, %scan3A_1137 : i32
          %mul3A_1139 = arith.constant 1 : i32
          %mul3A_1140 = arith.muli %scan3A_1138, %mul3A_1139 : i32
          %add3A_1141 = arith.constant 0 : i32
          %add3A_1142 = arith.addi %add3A_1141, %mul3A_1140 : i32
          %broadcast_in_dim3A_1143 = vector.broadcast %add3A_1142 : i32 to vector<16xi32>
          %gather3A_1144 = tpu.vector_load_idx %arg11[%broadcast_in_dim3A_1143] : memref<128xf32, #tpu.memory_space<vmem>>[vector<16xi32>], vector<16xf32>,
          %get3A_1145 = arith.index_cast %rem3A_101 : i32 to index
          %get3A_1146 = arith.index_cast %add3A_1142 : i32 to index
          %get3A_1147 = arith.constant 0 : index
          %get3A_1148 = tpu.vector_load %arg9[%get3A_1145, %get3A_1146, %get3A_1147] {strides = array<i32>} : memref<2x128x128xf32, #tpu.memory_space<vmem>>, vector<16xf32>,
          %mul3A_1149 = arith.mulf %get3A_1148, %gather3A_1144 : vector<16xf32>
          %swap3A_1150 = arith.index_cast %rem3A_101 : i32 to index
          %swap3A_1151 = arith.index_cast %add3A_1142 : i32 to index
          %swap3A_1152 = arith.constant 0 : index
          %swap3A_1153 = tpu.vector_load %arg9[%swap3A_1150, %swap3A_1151, %swap3A_1152] {strides = array<i32>} : memref<2x128x128xf32, #tpu.memory_space<vmem>>, vector<16xf32>,
          tpu.vector_store %arg9[%swap3A_1150, %swap3A_1151, %swap3A_1152], %mul3A_1149 {strides = array<i32>} : memref<2x128x128xf32, #tpu.memory_space<vmem>>, vector<16xf32>,
          %get3A_1154 = arith.index_cast %rem3A_101 : i32 to index
          %get3A_1155 = arith.index_cast %add3A_1142 : i32 to index
          %get3A_1156 = arith.constant 16 : index
          %get3A_1157 = tpu.vector_load %arg9[%get3A_1154, %get3A_1155, %get3A_1156] {strides = array<i32>} : memref<2x128x128xf32, #tpu.memory_space<vmem>>, vector<16xf32>,
          %mul3A_1158 = arith.mulf %get3A_1157, %gather3A_1144 : vector<16xf32>
          %swap3A_1159 = arith.index_cast %rem3A_101 : i32 to index
          %swap3A_1160 = arith.index_cast %add3A_1142 : i32 to index
          %swap3A_1161 = arith.constant 16 : index
          %swap3A_1162 = tpu.vector_load %arg9[%swap3A_1159, %swap3A_1160, %swap3A_1161] {strides = array<i32>} : memref<2x128x128xf32, #tpu.memory_space<vmem>>, vector<16xf32>,
          tpu.vector_store %arg9[%swap3A_1159, %swap3A_1160, %swap3A_1161], %mul3A_1158 {strides = array<i32>} : memref<2x128x128xf32, #tpu.memory_space<vmem>>, vector<16xf32>,
          %get3A_1163 = arith.index_cast %rem3A_101 : i32 to index
          %get3A_1164 = arith.index_cast %add3A_1142 : i32 to index
          %get3A_1165 = arith.constant 32 : index
          %get3A_1166 = tpu.vector_load %arg9[%get3A_1163, %get3A_1164, %get3A_1165] {strides = array<i32>} : memref<2x128x128xf32, #tpu.memory_space<vmem>>, vector<16xf32>,
          %mul3A_1167 = arith.mulf %get3A_1166, %gather3A_1144 : vector<16xf32>
          %swap3A_1168 = arith.index_cast %rem3A_101 : i32 to index
          %swap3A_1169 = arith.index_cast %add3A_1142 : i32 to index
          %swap3A_1170 = arith.constant 32 : index
          %swap3A_1171 = tpu.vector_load %arg9[%swap3A_1168, %swap3A_1169, %swap3A_1170] {strides = array<i32>} : memref<2x128x128xf32, #tpu.memory_space<vmem>>, vector<16xf32>,
          tpu.vector_store %arg9[%swap3A_1168, %swap3A_1169, %swap3A_1170], %mul3A_1167 {strides = array<i32>} : memref<2x128x128xf32, #tpu.memory_space<vmem>>, vector<16xf32>,
          %get3A_1172 = arith.index_cast %rem3A_101 : i32 to index
          %get3A_1173 = arith.index_cast %add3A_1142 : i32 to index
          %get3A_1174 = arith.constant 48 : index
          %get3A_1175 = tpu.vector_load %arg9[%get3A_1172, %get3A_1173, %get3A_1174] {strides = array<i32>} : memref<2x128x128xf32, #tpu.memory_space<vmem>>, vector<16xf32>,
          %mul3A_1176 = arith.mulf %get3A_1175, %gather3A_1144 : vector<16xf32>
          %swap3A_1177 = arith.index_cast %rem3A_101 : i32 to index
          %swap3A_1178 = arith.index_cast %add3A_1142 : i32 to index
          %swap3A_1179 = arith.constant 48 : index
          %swap3A_1180 = tpu.vector_load %arg9[%swap3A_1177, %swap3A_1178, %swap3A_1179] {strides = array<i32>} : memref<2x128x128xf32, #tpu.memory_space<vmem>>, vector<16xf32>,
          tpu.vector_store %arg9[%swap3A_1177, %swap3A_1178, %swap3A_1179], %mul3A_1176 {strides = array<i32>} : memref<2x128x128xf32, #tpu.memory_space<vmem>>, vector<16xf32>,
          %get3A_1181 = arith.index_cast %rem3A_101 : i32 to index
          %get3A_1182 = arith.index_cast %add3A_1142 : i32 to index
          %get3A_1183 = arith.constant 64 : index
          %get3A_1184 = tpu.vector_load %arg9[%get3A_1181, %get3A_1182, %get3A_1183] {strides = array<i32>} : memref<2x128x128xf32, #tpu.memory_space<vmem>>, vector<16xf32>,
          %mul3A_1185 = arith.mulf %get3A_1184, %gather3A_1144 : vector<16xf32>
          %swap3A_1186 = arith.index_cast %rem3A_101 : i32 to index
          %swap3A_1187 = arith.index_cast %add3A_1142 : i32 to index
          %swap3A_1188 = arith.constant 64 : index
          %swap3A_1189 = tpu.vector_load %arg9[%swap3A_1186, %swap3A_1187, %swap3A_1188] {strides = array<i32>} : memref<2x128x128xf32, #tpu.memory_space<vmem>>, vector<16xf32>,
          tpu.vector_store %arg9[%swap3A_1186, %swap3A_1187, %swap3A_1188], %mul3A_1185 {strides = array<i32>} : memref<2x128x128xf32, #tpu.memory_space<vmem>>, vector<16xf32>,
          %get3A_1190 = arith.index_cast %rem3A_101 : i32 to index
          %get3A_1191 = arith.index_cast %add3A_1142 : i32 to index
          %get3A_1192 = arith.constant 80 : index
          %get3A_1193 = tpu.vector_load %arg9[%get3A_1190, %get3A_1191, %get3A_1192] {strides = array<i32>} : memref<2x128x128xf32, #tpu.memory_space<vmem>>, vector<16xf32>,
          %mul3A_1194 = arith.mulf %get3A_1193, %gather3A_1144 : vector<16xf32>
          %swap3A_1195 = arith.index_cast %rem3A_101 : i32 to index
          %swap3A_1196 = arith.index_cast %add3A_1142 : i32 to index
          %swap3A_1197 = arith.constant 80 : index
          %swap3A_1198 = tpu.vector_load %arg9[%swap3A_1195, %swap3A_1196, %swap3A_1197] {strides = array<i32>} : memref<2x128x128xf32, #tpu.memory_space<vmem>>, vector<16xf32>,
          tpu.vector_store %arg9[%swap3A_1195, %swap3A_1196, %swap3A_1197], %mul3A_1194 {strides = array<i32>} : memref<2x128x128xf32, #tpu.memory_space<vmem>>, vector<16xf32>,
          %get3A_1199 = arith.index_cast %rem3A_101 : i32 to index
          %get3A_1200 = arith.index_cast %add3A_1142 : i32 to index
          %get3A_1201 = arith.constant 96 : index
          %get3A_1202 = tpu.vector_load %arg9[%get3A_1199, %get3A_1200, %get3A_1201] {strides = array<i32>} : memref<2x128x128xf32, #tpu.memory_space<vmem>>, vector<16xf32>,
          %mul3A_1203 = arith.mulf %get3A_1202, %gather3A_1144 : vector<16xf32>
          %swap3A_1204 = arith.index_cast %rem3A_101 : i32 to index
          %swap3A_1205 = arith.index_cast %add3A_1142 : i32 to index
          %swap3A_1206 = arith.constant 96 : index
          %swap3A_1207 = tpu.vector_load %arg9[%swap3A_1204, %swap3A_1205, %swap3A_1206] {strides = array<i32>} : memref<2x128x128xf32, #tpu.memory_space<vmem>>, vector<16xf32>,
          tpu.vector_store %arg9[%swap3A_1204, %swap3A_1205, %swap3A_1206], %mul3A_1203 {strides = array<i32>} : memref<2x128x128xf32, #tpu.memory_space<vmem>>, vector<16xf32>,
          %get3A_1208 = arith.index_cast %rem3A_101 : i32 to index
          %get3A_1209 = arith.index_cast %add3A_1142 : i32 to index
          %get3A_1210 = arith.constant 112 : index
          %get3A_1211 = tpu.vector_load %arg9[%get3A_1208, %get3A_1209, %get3A_1210] {strides = array<i32>} : memref<2x128x128xf32, #tpu.memory_space<vmem>>, vector<16xf32>,
          %mul3A_1212 = arith.mulf %get3A_1211, %gather3A_1144 : vector<16xf32>
          %swap3A_1213 = arith.index_cast %rem3A_101 : i32 to index
          %swap3A_1214 = arith.index_cast %add3A_1142 : i32 to index
          %swap3A_1215 = arith.constant 112 : index
          %swap3A_1216 = tpu.vector_load %arg9[%swap3A_1213, %swap3A_1214, %swap3A_1215] {strides = array<i32>} : memref<2x128x128xf32, #tpu.memory_space<vmem>>, vector<16xf32>,
          tpu.vector_store %arg9[%swap3A_1213, %swap3A_1214, %swap3A_1215], %mul3A_1212 {strides = array<i32>} : memref<2x128x128xf32, #tpu.memory_space<vmem>>, vector<16xf32>,
          %scan3A_1217 = arith.constant 11 : i32
          %scan3A_1218 = arith.addi %scan3A_339, %scan3A_1217 : i32
          %mul3A_1219 = arith.constant 1 : i32
          %mul3A_1220 = arith.muli %scan3A_1218, %mul3A_1219 : i32
          %add3A_1221 = arith.constant 0 : i32
          %add3A_1222 = arith.addi %add3A_1221, %mul3A_1220 : i32
          %broadcast_in_dim3A_1223 = vector.broadcast %add3A_1222 : i32 to vector<16xi32>
          %gather3A_1224 = tpu.vector_load_idx %arg11[%broadcast_in_dim3A_1223] : memref<128xf32, #tpu.memory_space<vmem>>[vector<16xi32>], vector<16xf32>,
          %get3A_1225 = arith.index_cast %rem3A_101 : i32 to index
          %get3A_1226 = arith.index_cast %add3A_1222 : i32 to index
          %get3A_1227 = arith.constant 0 : index
          %get3A_1228 = tpu.vector_load %arg9[%get3A_1225, %get3A_1226, %get3A_1227] {strides = array<i32>} : memref<2x128x128xf32, #tpu.memory_space<vmem>>, vector<16xf32>,
          %mul3A_1229 = arith.mulf %get3A_1228, %gather3A_1224 : vector<16xf32>
          %swap3A_1230 = arith.index_cast %rem3A_101 : i32 to index
          %swap3A_1231 = arith.index_cast %add3A_1222 : i32 to index
          %swap3A_1232 = arith.constant 0 : index
          %swap3A_1233 = tpu.vector_load %arg9[%swap3A_1230, %swap3A_1231, %swap3A_1232] {strides = array<i32>} : memref<2x128x128xf32, #tpu.memory_space<vmem>>, vector<16xf32>,
          tpu.vector_store %arg9[%swap3A_1230, %swap3A_1231, %swap3A_1232], %mul3A_1229 {strides = array<i32>} : memref<2x128x128xf32, #tpu.memory_space<vmem>>, vector<16xf32>,
          %get3A_1234 = arith.index_cast %rem3A_101 : i32 to index
          %get3A_1235 = arith.index_cast %add3A_1222 : i32 to index
          %get3A_1236 = arith.constant 16 : index
          %get3A_1237 = tpu.vector_load %arg9[%get3A_1234, %get3A_1235, %get3A_1236] {strides = array<i32>} : memref<2x128x128xf32, #tpu.memory_space<vmem>>, vector<16xf32>,
          %mul3A_1238 = arith.mulf %get3A_1237, %gather3A_1224 : vector<16xf32>
          %swap3A_1239 = arith.index_cast %rem3A_101 : i32 to index
          %swap3A_1240 = arith.index_cast %add3A_1222 : i32 to index
          %swap3A_1241 = arith.constant 16 : index
          %swap3A_1242 = tpu.vector_load %arg9[%swap3A_1239, %swap3A_1240, %swap3A_1241] {strides = array<i32>} : memref<2x128x128xf32, #tpu.memory_space<vmem>>, vector<16xf32>,
          tpu.vector_store %arg9[%swap3A_1239, %swap3A_1240, %swap3A_1241], %mul3A_1238 {strides = array<i32>} : memref<2x128x128xf32, #tpu.memory_space<vmem>>, vector<16xf32>,
          %get3A_1243 = arith.index_cast %rem3A_101 : i32 to index
          %get3A_1244 = arith.index_cast %add3A_1222 : i32 to index
          %get3A_1245 = arith.constant 32 : index
          %get3A_1246 = tpu.vector_load %arg9[%get3A_1243, %get3A_1244, %get3A_1245] {strides = array<i32>} : memref<2x128x128xf32, #tpu.memory_space<vmem>>, vector<16xf32>,
          %mul3A_1247 = arith.mulf %get3A_1246, %gather3A_1224 : vector<16xf32>
          %swap3A_1248 = arith.index_cast %rem3A_101 : i32 to index
          %swap3A_1249 = arith.index_cast %add3A_1222 : i32 to index
          %swap3A_1250 = arith.constant 32 : index
          %swap3A_1251 = tpu.vector_load %arg9[%swap3A_1248, %swap3A_1249, %swap3A_1250] {strides = array<i32>} : memref<2x128x128xf32, #tpu.memory_space<vmem>>, vector<16xf32>,
          tpu.vector_store %arg9[%swap3A_1248, %swap3A_1249, %swap3A_1250], %mul3A_1247 {strides = array<i32>} : memref<2x128x128xf32, #tpu.memory_space<vmem>>, vector<16xf32>,
          %get3A_1252 = arith.index_cast %rem3A_101 : i32 to index
          %get3A_1253 = arith.index_cast %add3A_1222 : i32 to index
          %get3A_1254 = arith.constant 48 : index
          %get3A_1255 = tpu.vector_load %arg9[%get3A_1252, %get3A_1253, %get3A_1254] {strides = array<i32>} : memref<2x128x128xf32, #tpu.memory_space<vmem>>, vector<16xf32>,
          %mul3A_1256 = arith.mulf %get3A_1255, %gather3A_1224 : vector<16xf32>
          %swap3A_1257 = arith.index_cast %rem3A_101 : i32 to index
          %swap3A_1258 = arith.index_cast %add3A_1222 : i32 to index
          %swap3A_1259 = arith.constant 48 : index
          %swap3A_1260 = tpu.vector_load %arg9[%swap3A_1257, %swap3A_1258, %swap3A_1259] {strides = array<i32>} : memref<2x128x128xf32, #tpu.memory_space<vmem>>, vector<16xf32>,
          tpu.vector_store %arg9[%swap3A_1257, %swap3A_1258, %swap3A_1259], %mul3A_1256 {strides = array<i32>} : memref<2x128x128xf32, #tpu.memory_space<vmem>>, vector<16xf32>,
          %get3A_1261 = arith.index_cast %rem3A_101 : i32 to index
          %get3A_1262 = arith.index_cast %add3A_1222 : i32 to index
          %get3A_1263 = arith.constant 64 : index
          %get3A_1264 = tpu.vector_load %arg9[%get3A_1261, %get3A_1262, %get3A_1263] {strides = array<i32>} : memref<2x128x128xf32, #tpu.memory_space<vmem>>, vector<16xf32>,
          %mul3A_1265 = arith.mulf %get3A_1264, %gather3A_1224 : vector<16xf32>
          %swap3A_1266 = arith.index_cast %rem3A_101 : i32 to index
          %swap3A_1267 = arith.index_cast %add3A_1222 : i32 to index
          %swap3A_1268 = arith.constant 64 : index
          %swap3A_1269 = tpu.vector_load %arg9[%swap3A_1266, %swap3A_1267, %swap3A_1268] {strides = array<i32>} : memref<2x128x128xf32, #tpu.memory_space<vmem>>, vector<16xf32>,
          tpu.vector_store %arg9[%swap3A_1266, %swap3A_1267, %swap3A_1268], %mul3A_1265 {strides = array<i32>} : memref<2x128x128xf32, #tpu.memory_space<vmem>>, vector<16xf32>,
          %get3A_1270 = arith.index_cast %rem3A_101 : i32 to index
          %get3A_1271 = arith.index_cast %add3A_1222 : i32 to index
          %get3A_1272 = arith.constant 80 : index
          %get3A_1273 = tpu.vector_load %arg9[%get3A_1270, %get3A_1271, %get3A_1272] {strides = array<i32>} : memref<2x128x128xf32, #tpu.memory_space<vmem>>, vector<16xf32>,
          %mul3A_1274 = arith.mulf %get3A_1273, %gather3A_1224 : vector<16xf32>
          %swap3A_1275 = arith.index_cast %rem3A_101 : i32 to index
          %swap3A_1276 = arith.index_cast %add3A_1222 : i32 to index
          %swap3A_1277 = arith.constant 80 : index
          %swap3A_1278 = tpu.vector_load %arg9[%swap3A_1275, %swap3A_1276, %swap3A_1277] {strides = array<i32>} : memref<2x128x128xf32, #tpu.memory_space<vmem>>, vector<16xf32>,
          tpu.vector_store %arg9[%swap3A_1275, %swap3A_1276, %swap3A_1277], %mul3A_1274 {strides = array<i32>} : memref<2x128x128xf32, #tpu.memory_space<vmem>>, vector<16xf32>,
          %get3A_1279 = arith.index_cast %rem3A_101 : i32 to index
          %get3A_1280 = arith.index_cast %add3A_1222 : i32 to index
          %get3A_1281 = arith.constant 96 : index
          %get3A_1282 = tpu.vector_load %arg9[%get3A_1279, %get3A_1280, %get3A_1281] {strides = array<i32>} : memref<2x128x128xf32, #tpu.memory_space<vmem>>, vector<16xf32>,
          %mul3A_1283 = arith.mulf %get3A_1282, %gather3A_1224 : vector<16xf32>
          %swap3A_1284 = arith.index_cast %rem3A_101 : i32 to index
          %swap3A_1285 = arith.index_cast %add3A_1222 : i32 to index
          %swap3A_1286 = arith.constant 96 : index
          %swap3A_1287 = tpu.vector_load %arg9[%swap3A_1284, %swap3A_1285, %swap3A_1286] {strides = array<i32>} : memref<2x128x128xf32, #tpu.memory_space<vmem>>, vector<16xf32>,
          tpu.vector_store %arg9[%swap3A_1284, %swap3A_1285, %swap3A_1286], %mul3A_1283 {strides = array<i32>} : memref<2x128x128xf32, #tpu.memory_space<vmem>>, vector<16xf32>,
          %get3A_1288 = arith.index_cast %rem3A_101 : i32 to index
          %get3A_1289 = arith.index_cast %add3A_1222 : i32 to index
          %get3A_1290 = arith.constant 112 : index
          %get3A_1291 = tpu.vector_load %arg9[%get3A_1288, %get3A_1289, %get3A_1290] {strides = array<i32>} : memref<2x128x128xf32, #tpu.memory_space<vmem>>, vector<16xf32>,
          %mul3A_1292 = arith.mulf %get3A_1291, %gather3A_1224 : vector<16xf32>
          %swap3A_1293 = arith.index_cast %rem3A_101 : i32 to index
          %swap3A_1294 = arith.index_cast %add3A_1222 : i32 to index
          %swap3A_1295 = arith.constant 112 : index
          %swap3A_1296 = tpu.vector_load %arg9[%swap3A_1293, %swap3A_1294, %swap3A_1295] {strides = array<i32>} : memref<2x128x128xf32, #tpu.memory_space<vmem>>, vector<16xf32>,
          tpu.vector_store %arg9[%swap3A_1293, %swap3A_1294, %swap3A_1295], %mul3A_1292 {strides = array<i32>} : memref<2x128x128xf32, #tpu.memory_space<vmem>>, vector<16xf32>,
          %scan3A_1297 = arith.constant 12 : i32
          %scan3A_1298 = arith.addi %scan3A_339, %scan3A_1297 : i32
          %mul3A_1299 = arith.constant 1 : i32
          %mul3A_1300 = arith.muli %scan3A_1298, %mul3A_1299 : i32
          %add3A_1301 = arith.constant 0 : i32
          %add3A_1302 = arith.addi %add3A_1301, %mul3A_1300 : i32
          %broadcast_in_dim3A_1303 = vector.broadcast %add3A_1302 : i32 to vector<16xi32>
          %gather3A_1304 = tpu.vector_load_idx %arg11[%broadcast_in_dim3A_1303] : memref<128xf32, #tpu.memory_space<vmem>>[vector<16xi32>], vector<16xf32>,
          %get3A_1305 = arith.index_cast %rem3A_101 : i32 to index
          %get3A_1306 = arith.index_cast %add3A_1302 : i32 to index
          %get3A_1307 = arith.constant 0 : index
          %get3A_1308 = tpu.vector_load %arg9[%get3A_1305, %get3A_1306, %get3A_1307] {strides = array<i32>} : memref<2x128x128xf32, #tpu.memory_space<vmem>>, vector<16xf32>,
          %mul3A_1309 = arith.mulf %get3A_1308, %gather3A_1304 : vector<16xf32>
          %swap3A_1310 = arith.index_cast %rem3A_101 : i32 to index
          %swap3A_1311 = arith.index_cast %add3A_1302 : i32 to index
          %swap3A_1312 = arith.constant 0 : index
          %swap3A_1313 = tpu.vector_load %arg9[%swap3A_1310, %swap3A_1311, %swap3A_1312] {strides = array<i32>} : memref<2x128x128xf32, #tpu.memory_space<vmem>>, vector<16xf32>,
          tpu.vector_store %arg9[%swap3A_1310, %swap3A_1311, %swap3A_1312], %mul3A_1309 {strides = array<i32>} : memref<2x128x128xf32, #tpu.memory_space<vmem>>, vector<16xf32>,
          %get3A_1314 = arith.index_cast %rem3A_101 : i32 to index
          %get3A_1315 = arith.index_cast %add3A_1302 : i32 to index
          %get3A_1316 = arith.constant 16 : index
          %get3A_1317 = tpu.vector_load %arg9[%get3A_1314, %get3A_1315, %get3A_1316] {strides = array<i32>} : memref<2x128x128xf32, #tpu.memory_space<vmem>>, vector<16xf32>,
          %mul3A_1318 = arith.mulf %get3A_1317, %gather3A_1304 : vector<16xf32>
          %swap3A_1319 = arith.index_cast %rem3A_101 : i32 to index
          %swap3A_1320 = arith.index_cast %add3A_1302 : i32 to index
          %swap3A_1321 = arith.constant 16 : index
          %swap3A_1322 = tpu.vector_load %arg9[%swap3A_1319, %swap3A_1320, %swap3A_1321] {strides = array<i32>} : memref<2x128x128xf32, #tpu.memory_space<vmem>>, vector<16xf32>,
          tpu.vector_store %arg9[%swap3A_1319, %swap3A_1320, %swap3A_1321], %mul3A_1318 {strides = array<i32>} : memref<2x128x128xf32, #tpu.memory_space<vmem>>, vector<16xf32>,
          %get3A_1323 = arith.index_cast %rem3A_101 : i32 to index
          %get3A_1324 = arith.index_cast %add3A_1302 : i32 to index
          %get3A_1325 = arith.constant 32 : index
          %get3A_1326 = tpu.vector_load %arg9[%get3A_1323, %get3A_1324, %get3A_1325] {strides = array<i32>} : memref<2x128x128xf32, #tpu.memory_space<vmem>>, vector<16xf32>,
          %mul3A_1327 = arith.mulf %get3A_1326, %gather3A_1304 : vector<16xf32>
          %swap3A_1328 = arith.index_cast %rem3A_101 : i32 to index
          %swap3A_1329 = arith.index_cast %add3A_1302 : i32 to index
          %swap3A_1330 = arith.constant 32 : index
          %swap3A_1331 = tpu.vector_load %arg9[%swap3A_1328, %swap3A_1329, %swap3A_1330] {strides = array<i32>} : memref<2x128x128xf32, #tpu.memory_space<vmem>>, vector<16xf32>,
          tpu.vector_store %arg9[%swap3A_1328, %swap3A_1329, %swap3A_1330], %mul3A_1327 {strides = array<i32>} : memref<2x128x128xf32, #tpu.memory_space<vmem>>, vector<16xf32>,
          %get3A_1332 = arith.index_cast %rem3A_101 : i32 to index
          %get3A_1333 = arith.index_cast %add3A_1302 : i32 to index
          %get3A_1334 = arith.constant 48 : index
          %get3A_1335 = tpu.vector_load %arg9[%get3A_1332, %get3A_1333, %get3A_1334] {strides = array<i32>} : memref<2x128x128xf32, #tpu.memory_space<vmem>>, vector<16xf32>,
          %mul3A_1336 = arith.mulf %get3A_1335, %gather3A_1304 : vector<16xf32>
          %swap3A_1337 = arith.index_cast %rem3A_101 : i32 to index
          %swap3A_1338 = arith.index_cast %add3A_1302 : i32 to index
          %swap3A_1339 = arith.constant 48 : index
          %swap3A_1340 = tpu.vector_load %arg9[%swap3A_1337, %swap3A_1338, %swap3A_1339] {strides = array<i32>} : memref<2x128x128xf32, #tpu.memory_space<vmem>>, vector<16xf32>,
          tpu.vector_store %arg9[%swap3A_1337, %swap3A_1338, %swap3A_1339], %mul3A_1336 {strides = array<i32>} : memref<2x128x128xf32, #tpu.memory_space<vmem>>, vector<16xf32>,
          %get3A_1341 = arith.index_cast %rem3A_101 : i32 to index
          %get3A_1342 = arith.index_cast %add3A_1302 : i32 to index
          %get3A_1343 = arith.constant 64 : index
          %get3A_1344 = tpu.vector_load %arg9[%get3A_1341, %get3A_1342, %get3A_1343] {strides = array<i32>} : memref<2x128x128xf32, #tpu.memory_space<vmem>>, vector<16xf32>,
          %mul3A_1345 = arith.mulf %get3A_1344, %gather3A_1304 : vector<16xf32>
          %swap3A_1346 = arith.index_cast %rem3A_101 : i32 to index
          %swap3A_1347 = arith.index_cast %add3A_1302 : i32 to index
          %swap3A_1348 = arith.constant 64 : index
          %swap3A_1349 = tpu.vector_load %arg9[%swap3A_1346, %swap3A_1347, %swap3A_1348] {strides = array<i32>} : memref<2x128x128xf32, #tpu.memory_space<vmem>>, vector<16xf32>,
          tpu.vector_store %arg9[%swap3A_1346, %swap3A_1347, %swap3A_1348], %mul3A_1345 {strides = array<i32>} : memref<2x128x128xf32, #tpu.memory_space<vmem>>, vector<16xf32>,
          %get3A_1350 = arith.index_cast %rem3A_101 : i32 to index
          %get3A_1351 = arith.index_cast %add3A_1302 : i32 to index
          %get3A_1352 = arith.constant 80 : index
          %get3A_1353 = tpu.vector_load %arg9[%get3A_1350, %get3A_1351, %get3A_1352] {strides = array<i32>} : memref<2x128x128xf32, #tpu.memory_space<vmem>>, vector<16xf32>,
          %mul3A_1354 = arith.mulf %get3A_1353, %gather3A_1304 : vector<16xf32>
          %swap3A_1355 = arith.index_cast %rem3A_101 : i32 to index
          %swap3A_1356 = arith.index_cast %add3A_1302 : i32 to index
          %swap3A_1357 = arith.constant 80 : index
          %swap3A_1358 = tpu.vector_load %arg9[%swap3A_1355, %swap3A_1356, %swap3A_1357] {strides = array<i32>} : memref<2x128x128xf32, #tpu.memory_space<vmem>>, vector<16xf32>,
          tpu.vector_store %arg9[%swap3A_1355, %swap3A_1356, %swap3A_1357], %mul3A_1354 {strides = array<i32>} : memref<2x128x128xf32, #tpu.memory_space<vmem>>, vector<16xf32>,
          %get3A_1359 = arith.index_cast %rem3A_101 : i32 to index
          %get3A_1360 = arith.index_cast %add3A_1302 : i32 to index
          %get3A_1361 = arith.constant 96 : index
          %get3A_1362 = tpu.vector_load %arg9[%get3A_1359, %get3A_1360, %get3A_1361] {strides = array<i32>} : memref<2x128x128xf32, #tpu.memory_space<vmem>>, vector<16xf32>,
          %mul3A_1363 = arith.mulf %get3A_1362, %gather3A_1304 : vector<16xf32>
          %swap3A_1364 = arith.index_cast %rem3A_101 : i32 to index
          %swap3A_1365 = arith.index_cast %add3A_1302 : i32 to index
          %swap3A_1366 = arith.constant 96 : index
          %swap3A_1367 = tpu.vector_load %arg9[%swap3A_1364, %swap3A_1365, %swap3A_1366] {strides = array<i32>} : memref<2x128x128xf32, #tpu.memory_space<vmem>>, vector<16xf32>,
          tpu.vector_store %arg9[%swap3A_1364, %swap3A_1365, %swap3A_1366], %mul3A_1363 {strides = array<i32>} : memref<2x128x128xf32, #tpu.memory_space<vmem>>, vector<16xf32>,
          %get3A_1368 = arith.index_cast %rem3A_101 : i32 to index
          %get3A_1369 = arith.index_cast %add3A_1302 : i32 to index
          %get3A_1370 = arith.constant 112 : index
          %get3A_1371 = tpu.vector_load %arg9[%get3A_1368, %get3A_1369, %get3A_1370] {strides = array<i32>} : memref<2x128x128xf32, #tpu.memory_space<vmem>>, vector<16xf32>,
          %mul3A_1372 = arith.mulf %get3A_1371, %gather3A_1304 : vector<16xf32>
          %swap3A_1373 = arith.index_cast %rem3A_101 : i32 to index
          %swap3A_1374 = arith.index_cast %add3A_1302 : i32 to index
          %swap3A_1375 = arith.constant 112 : index
          %swap3A_1376 = tpu.vector_load %arg9[%swap3A_1373, %swap3A_1374, %swap3A_1375] {strides = array<i32>} : memref<2x128x128xf32, #tpu.memory_space<vmem>>, vector<16xf32>,
          tpu.vector_store %arg9[%swap3A_1373, %swap3A_1374, %swap3A_1375], %mul3A_1372 {strides = array<i32>} : memref<2x128x128xf32, #tpu.memory_space<vmem>>, vector<16xf32>,
          %scan3A_1377 = arith.constant 13 : i32
          %scan3A_1378 = arith.addi %scan3A_339, %scan3A_1377 : i32
          %mul3A_1379 = arith.constant 1 : i32
          %mul3A_1380 = arith.muli %scan3A_1378, %mul3A_1379 : i32
          %add3A_1381 = arith.constant 0 : i32
          %add3A_1382 = arith.addi %add3A_1381, %mul3A_1380 : i32
          %broadcast_in_dim3A_1383 = vector.broadcast %add3A_1382 : i32 to vector<16xi32>
          %gather3A_1384 = tpu.vector_load_idx %arg11[%broadcast_in_dim3A_1383] : memref<128xf32, #tpu.memory_space<vmem>>[vector<16xi32>], vector<16xf32>,
          %get3A_1385 = arith.index_cast %rem3A_101 : i32 to index
          %get3A_1386 = arith.index_cast %add3A_1382 : i32 to index
          %get3A_1387 = arith.constant 0 : index
          %get3A_1388 = tpu.vector_load %arg9[%get3A_1385, %get3A_1386, %get3A_1387] {strides = array<i32>} : memref<2x128x128xf32, #tpu.memory_space<vmem>>, vector<16xf32>,
          %mul3A_1389 = arith.mulf %get3A_1388, %gather3A_1384 : vector<16xf32>
          %swap3A_1390 = arith.index_cast %rem3A_101 : i32 to index
          %swap3A_1391 = arith.index_cast %add3A_1382 : i32 to index
          %swap3A_1392 = arith.constant 0 : index
          %swap3A_1393 = tpu.vector_load %arg9[%swap3A_1390, %swap3A_1391, %swap3A_1392] {strides = array<i32>} : memref<2x128x128xf32, #tpu.memory_space<vmem>>, vector<16xf32>,
          tpu.vector_store %arg9[%swap3A_1390, %swap3A_1391, %swap3A_1392], %mul3A_1389 {strides = array<i32>} : memref<2x128x128xf32, #tpu.memory_space<vmem>>, vector<16xf32>,
          %get3A_1394 = arith.index_cast %rem3A_101 : i32 to index
          %get3A_1395 = arith.index_cast %add3A_1382 : i32 to index
          %get3A_1396 = arith.constant 16 : index
          %get3A_1397 = tpu.vector_load %arg9[%get3A_1394, %get3A_1395, %get3A_1396] {strides = array<i32>} : memref<2x128x128xf32, #tpu.memory_space<vmem>>, vector<16xf32>,
          %mul3A_1398 = arith.mulf %get3A_1397, %gather3A_1384 : vector<16xf32>
          %swap3A_1399 = arith.index_cast %rem3A_101 : i32 to index
          %swap3A_1400 = arith.index_cast %add3A_1382 : i32 to index
          %swap3A_1401 = arith.constant 16 : index
          %swap3A_1402 = tpu.vector_load %arg9[%swap3A_1399, %swap3A_1400, %swap3A_1401] {strides = array<i32>} : memref<2x128x128xf32, #tpu.memory_space<vmem>>, vector<16xf32>,
          tpu.vector_store %arg9[%swap3A_1399, %swap3A_1400, %swap3A_1401], %mul3A_1398 {strides = array<i32>} : memref<2x128x128xf32, #tpu.memory_space<vmem>>, vector<16xf32>,
          %get3A_1403 = arith.index_cast %rem3A_101 : i32 to index
          %get3A_1404 = arith.index_cast %add3A_1382 : i32 to index
          %get3A_1405 = arith.constant 32 : index
          %get3A_1406 = tpu.vector_load %arg9[%get3A_1403, %get3A_1404, %get3A_1405] {strides = array<i32>} : memref<2x128x128xf32, #tpu.memory_space<vmem>>, vector<16xf32>,
          %mul3A_1407 = arith.mulf %get3A_1406, %gather3A_1384 : vector<16xf32>
          %swap3A_1408 = arith.index_cast %rem3A_101 : i32 to index
          %swap3A_1409 = arith.index_cast %add3A_1382 : i32 to index
          %swap3A_1410 = arith.constant 32 : index
          %swap3A_1411 = tpu.vector_load %arg9[%swap3A_1408, %swap3A_1409, %swap3A_1410] {strides = array<i32>} : memref<2x128x128xf32, #tpu.memory_space<vmem>>, vector<16xf32>,
          tpu.vector_store %arg9[%swap3A_1408, %swap3A_1409, %swap3A_1410], %mul3A_1407 {strides = array<i32>} : memref<2x128x128xf32, #tpu.memory_space<vmem>>, vector<16xf32>,
          %get3A_1412 = arith.index_cast %rem3A_101 : i32 to index
          %get3A_1413 = arith.index_cast %add3A_1382 : i32 to index
          %get3A_1414 = arith.constant 48 : index
          %get3A_1415 = tpu.vector_load %arg9[%get3A_1412, %get3A_1413, %get3A_1414] {strides = array<i32>} : memref<2x128x128xf32, #tpu.memory_space<vmem>>, vector<16xf32>,
          %mul3A_1416 = arith.mulf %get3A_1415, %gather3A_1384 : vector<16xf32>
          %swap3A_1417 = arith.index_cast %rem3A_101 : i32 to index
          %swap3A_1418 = arith.index_cast %add3A_1382 : i32 to index
          %swap3A_1419 = arith.constant 48 : index
          %swap3A_1420 = tpu.vector_load %arg9[%swap3A_1417, %swap3A_1418, %swap3A_1419] {strides = array<i32>} : memref<2x128x128xf32, #tpu.memory_space<vmem>>, vector<16xf32>,
          tpu.vector_store %arg9[%swap3A_1417, %swap3A_1418, %swap3A_1419], %mul3A_1416 {strides = array<i32>} : memref<2x128x128xf32, #tpu.memory_space<vmem>>, vector<16xf32>,
          %get3A_1421 = arith.index_cast %rem3A_101 : i32 to index
          %get3A_1422 = arith.index_cast %add3A_1382 : i32 to index
          %get3A_1423 = arith.constant 64 : index
          %get3A_1424 = tpu.vector_load %arg9[%get3A_1421, %get3A_1422, %get3A_1423] {strides = array<i32>} : memref<2x128x128xf32, #tpu.memory_space<vmem>>, vector<16xf32>,
          %mul3A_1425 = arith.mulf %get3A_1424, %gather3A_1384 : vector<16xf32>
          %swap3A_1426 = arith.index_cast %rem3A_101 : i32 to index
          %swap3A_1427 = arith.index_cast %add3A_1382 : i32 to index
          %swap3A_1428 = arith.constant 64 : index
          %swap3A_1429 = tpu.vector_load %arg9[%swap3A_1426, %swap3A_1427, %swap3A_1428] {strides = array<i32>} : memref<2x128x128xf32, #tpu.memory_space<vmem>>, vector<16xf32>,
          tpu.vector_store %arg9[%swap3A_1426, %swap3A_1427, %swap3A_1428], %mul3A_1425 {strides = array<i32>} : memref<2x128x128xf32, #tpu.memory_space<vmem>>, vector<16xf32>,
          %get3A_1430 = arith.index_cast %rem3A_101 : i32 to index
          %get3A_1431 = arith.index_cast %add3A_1382 : i32 to index
          %get3A_1432 = arith.constant 80 : index
          %get3A_1433 = tpu.vector_load %arg9[%get3A_1430, %get3A_1431, %get3A_1432] {strides = array<i32>} : memref<2x128x128xf32, #tpu.memory_space<vmem>>, vector<16xf32>,
          %mul3A_1434 = arith.mulf %get3A_1433, %gather3A_1384 : vector<16xf32>
          %swap3A_1435 = arith.index_cast %rem3A_101 : i32 to index
          %swap3A_1436 = arith.index_cast %add3A_1382 : i32 to index
          %swap3A_1437 = arith.constant 80 : index
          %swap3A_1438 = tpu.vector_load %arg9[%swap3A_1435, %swap3A_1436, %swap3A_1437] {strides = array<i32>} : memref<2x128x128xf32, #tpu.memory_space<vmem>>, vector<16xf32>,
          tpu.vector_store %arg9[%swap3A_1435, %swap3A_1436, %swap3A_1437], %mul3A_1434 {strides = array<i32>} : memref<2x128x128xf32, #tpu.memory_space<vmem>>, vector<16xf32>,
          %get3A_1439 = arith.index_cast %rem3A_101 : i32 to index
          %get3A_1440 = arith.index_cast %add3A_1382 : i32 to index
          %get3A_1441 = arith.constant 96 : index
          %get3A_1442 = tpu.vector_load %arg9[%get3A_1439, %get3A_1440, %get3A_1441] {strides = array<i32>} : memref<2x128x128xf32, #tpu.memory_space<vmem>>, vector<16xf32>,
          %mul3A_1443 = arith.mulf %get3A_1442, %gather3A_1384 : vector<16xf32>
          %swap3A_1444 = arith.index_cast %rem3A_101 : i32 to index
          %swap3A_1445 = arith.index_cast %add3A_1382 : i32 to index
          %swap3A_1446 = arith.constant 96 : index
          %swap3A_1447 = tpu.vector_load %arg9[%swap3A_1444, %swap3A_1445, %swap3A_1446] {strides = array<i32>} : memref<2x128x128xf32, #tpu.memory_space<vmem>>, vector<16xf32>,
          tpu.vector_store %arg9[%swap3A_1444, %swap3A_1445, %swap3A_1446], %mul3A_1443 {strides = array<i32>} : memref<2x128x128xf32, #tpu.memory_space<vmem>>, vector<16xf32>,
          %get3A_1448 = arith.index_cast %rem3A_101 : i32 to index
          %get3A_1449 = arith.index_cast %add3A_1382 : i32 to index
          %get3A_1450 = arith.constant 112 : index
          %get3A_1451 = tpu.vector_load %arg9[%get3A_1448, %get3A_1449, %get3A_1450] {strides = array<i32>} : memref<2x128x128xf32, #tpu.memory_space<vmem>>, vector<16xf32>,
          %mul3A_1452 = arith.mulf %get3A_1451, %gather3A_1384 : vector<16xf32>
          %swap3A_1453 = arith.index_cast %rem3A_101 : i32 to index
          %swap3A_1454 = arith.index_cast %add3A_1382 : i32 to index
          %swap3A_1455 = arith.constant 112 : index
          %swap3A_1456 = tpu.vector_load %arg9[%swap3A_1453, %swap3A_1454, %swap3A_1455] {strides = array<i32>} : memref<2x128x128xf32, #tpu.memory_space<vmem>>, vector<16xf32>,
          tpu.vector_store %arg9[%swap3A_1453, %swap3A_1454, %swap3A_1455], %mul3A_1452 {strides = array<i32>} : memref<2x128x128xf32, #tpu.memory_space<vmem>>, vector<16xf32>,
          %scan3A_1457 = arith.constant 14 : i32
          %scan3A_1458 = arith.addi %scan3A_339, %scan3A_1457 : i32
          %mul3A_1459 = arith.constant 1 : i32
          %mul3A_1460 = arith.muli %scan3A_1458, %mul3A_1459 : i32
          %add3A_1461 = arith.constant 0 : i32
          %add3A_1462 = arith.addi %add3A_1461, %mul3A_1460 : i32
          %broadcast_in_dim3A_1463 = vector.broadcast %add3A_1462 : i32 to vector<16xi32>
          %gather3A_1464 = tpu.vector_load_idx %arg11[%broadcast_in_dim3A_1463] : memref<128xf32, #tpu.memory_space<vmem>>[vector<16xi32>], vector<16xf32>,
          %get3A_1465 = arith.index_cast %rem3A_101 : i32 to index
          %get3A_1466 = arith.index_cast %add3A_1462 : i32 to index
          %get3A_1467 = arith.constant 0 : index
          %get3A_1468 = tpu.vector_load %arg9[%get3A_1465, %get3A_1466, %get3A_1467] {strides = array<i32>} : memref<2x128x128xf32, #tpu.memory_space<vmem>>, vector<16xf32>,
          %mul3A_1469 = arith.mulf %get3A_1468, %gather3A_1464 : vector<16xf32>
          %swap3A_1470 = arith.index_cast %rem3A_101 : i32 to index
          %swap3A_1471 = arith.index_cast %add3A_1462 : i32 to index
          %swap3A_1472 = arith.constant 0 : index
          %swap3A_1473 = tpu.vector_load %arg9[%swap3A_1470, %swap3A_1471, %swap3A_1472] {strides = array<i32>} : memref<2x128x128xf32, #tpu.memory_space<vmem>>, vector<16xf32>,
          tpu.vector_store %arg9[%swap3A_1470, %swap3A_1471, %swap3A_1472], %mul3A_1469 {strides = array<i32>} : memref<2x128x128xf32, #tpu.memory_space<vmem>>, vector<16xf32>,
          %get3A_1474 = arith.index_cast %rem3A_101 : i32 to index
          %get3A_1475 = arith.index_cast %add3A_1462 : i32 to index
          %get3A_1476 = arith.constant 16 : index
          %get3A_1477 = tpu.vector_load %arg9[%get3A_1474, %get3A_1475, %get3A_1476] {strides = array<i32>} : memref<2x128x128xf32, #tpu.memory_space<vmem>>, vector<16xf32>,
          %mul3A_1478 = arith.mulf %get3A_1477, %gather3A_1464 : vector<16xf32>
          %swap3A_1479 = arith.index_cast %rem3A_101 : i32 to index
          %swap3A_1480 = arith.index_cast %add3A_1462 : i32 to index
          %swap3A_1481 = arith.constant 16 : index
          %swap3A_1482 = tpu.vector_load %arg9[%swap3A_1479, %swap3A_1480, %swap3A_1481] {strides = array<i32>} : memref<2x128x128xf32, #tpu.memory_space<vmem>>, vector<16xf32>,
          tpu.vector_store %arg9[%swap3A_1479, %swap3A_1480, %swap3A_1481], %mul3A_1478 {strides = array<i32>} : memref<2x128x128xf32, #tpu.memory_space<vmem>>, vector<16xf32>,
          %get3A_1483 = arith.index_cast %rem3A_101 : i32 to index
          %get3A_1484 = arith.index_cast %add3A_1462 : i32 to index
          %get3A_1485 = arith.constant 32 : index
          %get3A_1486 = tpu.vector_load %arg9[%get3A_1483, %get3A_1484, %get3A_1485] {strides = array<i32>} : memref<2x128x128xf32, #tpu.memory_space<vmem>>, vector<16xf32>,
          %mul3A_1487 = arith.mulf %get3A_1486, %gather3A_1464 : vector<16xf32>
          %swap3A_1488 = arith.index_cast %rem3A_101 : i32 to index
          %swap3A_1489 = arith.index_cast %add3A_1462 : i32 to index
          %swap3A_1490 = arith.constant 32 : index
          %swap3A_1491 = tpu.vector_load %arg9[%swap3A_1488, %swap3A_1489, %swap3A_1490] {strides = array<i32>} : memref<2x128x128xf32, #tpu.memory_space<vmem>>, vector<16xf32>,
          tpu.vector_store %arg9[%swap3A_1488, %swap3A_1489, %swap3A_1490], %mul3A_1487 {strides = array<i32>} : memref<2x128x128xf32, #tpu.memory_space<vmem>>, vector<16xf32>,
          %get3A_1492 = arith.index_cast %rem3A_101 : i32 to index
          %get3A_1493 = arith.index_cast %add3A_1462 : i32 to index
          %get3A_1494 = arith.constant 48 : index
          %get3A_1495 = tpu.vector_load %arg9[%get3A_1492, %get3A_1493, %get3A_1494] {strides = array<i32>} : memref<2x128x128xf32, #tpu.memory_space<vmem>>, vector<16xf32>,
          %mul3A_1496 = arith.mulf %get3A_1495, %gather3A_1464 : vector<16xf32>
          %swap3A_1497 = arith.index_cast %rem3A_101 : i32 to index
          %swap3A_1498 = arith.index_cast %add3A_1462 : i32 to index
          %swap3A_1499 = arith.constant 48 : index
          %swap3A_1500 = tpu.vector_load %arg9[%swap3A_1497, %swap3A_1498, %swap3A_1499] {strides = array<i32>} : memref<2x128x128xf32, #tpu.memory_space<vmem>>, vector<16xf32>,
          tpu.vector_store %arg9[%swap3A_1497, %swap3A_1498, %swap3A_1499], %mul3A_1496 {strides = array<i32>} : memref<2x128x128xf32, #tpu.memory_space<vmem>>, vector<16xf32>,
          %get3A_1501 = arith.index_cast %rem3A_101 : i32 to index
          %get3A_1502 = arith.index_cast %add3A_1462 : i32 to index
          %get3A_1503 = arith.constant 64 : index
          %get3A_1504 = tpu.vector_load %arg9[%get3A_1501, %get3A_1502, %get3A_1503] {strides = array<i32>} : memref<2x128x128xf32, #tpu.memory_space<vmem>>, vector<16xf32>,
          %mul3A_1505 = arith.mulf %get3A_1504, %gather3A_1464 : vector<16xf32>
          %swap3A_1506 = arith.index_cast %rem3A_101 : i32 to index
          %swap3A_1507 = arith.index_cast %add3A_1462 : i32 to index
          %swap3A_1508 = arith.constant 64 : index
          %swap3A_1509 = tpu.vector_load %arg9[%swap3A_1506, %swap3A_1507, %swap3A_1508] {strides = array<i32>} : memref<2x128x128xf32, #tpu.memory_space<vmem>>, vector<16xf32>,
          tpu.vector_store %arg9[%swap3A_1506, %swap3A_1507, %swap3A_1508], %mul3A_1505 {strides = array<i32>} : memref<2x128x128xf32, #tpu.memory_space<vmem>>, vector<16xf32>,
          %get3A_1510 = arith.index_cast %rem3A_101 : i32 to index
          %get3A_1511 = arith.index_cast %add3A_1462 : i32 to index
          %get3A_1512 = arith.constant 80 : index
          %get3A_1513 = tpu.vector_load %arg9[%get3A_1510, %get3A_1511, %get3A_1512] {strides = array<i32>} : memref<2x128x128xf32, #tpu.memory_space<vmem>>, vector<16xf32>,
          %mul3A_1514 = arith.mulf %get3A_1513, %gather3A_1464 : vector<16xf32>
          %swap3A_1515 = arith.index_cast %rem3A_101 : i32 to index
          %swap3A_1516 = arith.index_cast %add3A_1462 : i32 to index
          %swap3A_1517 = arith.constant 80 : index
          %swap3A_1518 = tpu.vector_load %arg9[%swap3A_1515, %swap3A_1516, %swap3A_1517] {strides = array<i32>} : memref<2x128x128xf32, #tpu.memory_space<vmem>>, vector<16xf32>,
          tpu.vector_store %arg9[%swap3A_1515, %swap3A_1516, %swap3A_1517], %mul3A_1514 {strides = array<i32>} : memref<2x128x128xf32, #tpu.memory_space<vmem>>, vector<16xf32>,
          %get3A_1519 = arith.index_cast %rem3A_101 : i32 to index
          %get3A_1520 = arith.index_cast %add3A_1462 : i32 to index
          %get3A_1521 = arith.constant 96 : index
          %get3A_1522 = tpu.vector_load %arg9[%get3A_1519, %get3A_1520, %get3A_1521] {strides = array<i32>} : memref<2x128x128xf32, #tpu.memory_space<vmem>>, vector<16xf32>,
          %mul3A_1523 = arith.mulf %get3A_1522, %gather3A_1464 : vector<16xf32>
          %swap3A_1524 = arith.index_cast %rem3A_101 : i32 to index
          %swap3A_1525 = arith.index_cast %add3A_1462 : i32 to index
          %swap3A_1526 = arith.constant 96 : index
          %swap3A_1527 = tpu.vector_load %arg9[%swap3A_1524, %swap3A_1525, %swap3A_1526] {strides = array<i32>} : memref<2x128x128xf32, #tpu.memory_space<vmem>>, vector<16xf32>,
          tpu.vector_store %arg9[%swap3A_1524, %swap3A_1525, %swap3A_1526], %mul3A_1523 {strides = array<i32>} : memref<2x128x128xf32, #tpu.memory_space<vmem>>, vector<16xf32>,
          %get3A_1528 = arith.index_cast %rem3A_101 : i32 to index
          %get3A_1529 = arith.index_cast %add3A_1462 : i32 to index
          %get3A_1530 = arith.constant 112 : index
          %get3A_1531 = tpu.vector_load %arg9[%get3A_1528, %get3A_1529, %get3A_1530] {strides = array<i32>} : memref<2x128x128xf32, #tpu.memory_space<vmem>>, vector<16xf32>,
          %mul3A_1532 = arith.mulf %get3A_1531, %gather3A_1464 : vector<16xf32>
          %swap3A_1533 = arith.index_cast %rem3A_101 : i32 to index
          %swap3A_1534 = arith.index_cast %add3A_1462 : i32 to index
          %swap3A_1535 = arith.constant 112 : index
          %swap3A_1536 = tpu.vector_load %arg9[%swap3A_1533, %swap3A_1534, %swap3A_1535] {strides = array<i32>} : memref<2x128x128xf32, #tpu.memory_space<vmem>>, vector<16xf32>,
          tpu.vector_store %arg9[%swap3A_1533, %swap3A_1534, %swap3A_1535], %mul3A_1532 {strides = array<i32>} : memref<2x128x128xf32, #tpu.memory_space<vmem>>, vector<16xf32>,
          %scan3A_1537 = arith.constant 15 : i32
          %scan3A_1538 = arith.addi %scan3A_339, %scan3A_1537 : i32
          %mul3A_1539 = arith.constant 1 : i32
          %mul3A_1540 = arith.muli %scan3A_1538, %mul3A_1539 : i32
          %add3A_1541 = arith.constant 0 : i32
          %add3A_1542 = arith.addi %add3A_1541, %mul3A_1540 : i32
          %broadcast_in_dim3A_1543 = vector.broadcast %add3A_1542 : i32 to vector<16xi32>
          %gather3A_1544 = tpu.vector_load_idx %arg11[%broadcast_in_dim3A_1543] : memref<128xf32, #tpu.memory_space<vmem>>[vector<16xi32>], vector<16xf32>,
          %get3A_1545 = arith.index_cast %rem3A_101 : i32 to index
          %get3A_1546 = arith.index_cast %add3A_1542 : i32 to index
          %get3A_1547 = arith.constant 0 : index
          %get3A_1548 = tpu.vector_load %arg9[%get3A_1545, %get3A_1546, %get3A_1547] {strides = array<i32>} : memref<2x128x128xf32, #tpu.memory_space<vmem>>, vector<16xf32>,
          %mul3A_1549 = arith.mulf %get3A_1548, %gather3A_1544 : vector<16xf32>
          %swap3A_1550 = arith.index_cast %rem3A_101 : i32 to index
          %swap3A_1551 = arith.index_cast %add3A_1542 : i32 to index
          %swap3A_1552 = arith.constant 0 : index
          %swap3A_1553 = tpu.vector_load %arg9[%swap3A_1550, %swap3A_1551, %swap3A_1552] {strides = array<i32>} : memref<2x128x128xf32, #tpu.memory_space<vmem>>, vector<16xf32>,
          tpu.vector_store %arg9[%swap3A_1550, %swap3A_1551, %swap3A_1552], %mul3A_1549 {strides = array<i32>} : memref<2x128x128xf32, #tpu.memory_space<vmem>>, vector<16xf32>,
          %get3A_1554 = arith.index_cast %rem3A_101 : i32 to index
          %get3A_1555 = arith.index_cast %add3A_1542 : i32 to index
          %get3A_1556 = arith.constant 16 : index
          %get3A_1557 = tpu.vector_load %arg9[%get3A_1554, %get3A_1555, %get3A_1556] {strides = array<i32>} : memref<2x128x128xf32, #tpu.memory_space<vmem>>, vector<16xf32>,
          %mul3A_1558 = arith.mulf %get3A_1557, %gather3A_1544 : vector<16xf32>
          %swap3A_1559 = arith.index_cast %rem3A_101 : i32 to index
          %swap3A_1560 = arith.index_cast %add3A_1542 : i32 to index
          %swap3A_1561 = arith.constant 16 : index
          %swap3A_1562 = tpu.vector_load %arg9[%swap3A_1559, %swap3A_1560, %swap3A_1561] {strides = array<i32>} : memref<2x128x128xf32, #tpu.memory_space<vmem>>, vector<16xf32>,
          tpu.vector_store %arg9[%swap3A_1559, %swap3A_1560, %swap3A_1561], %mul3A_1558 {strides = array<i32>} : memref<2x128x128xf32, #tpu.memory_space<vmem>>, vector<16xf32>,
          %get3A_1563 = arith.index_cast %rem3A_101 : i32 to index
          %get3A_1564 = arith.index_cast %add3A_1542 : i32 to index
          %get3A_1565 = arith.constant 32 : index
          %get3A_1566 = tpu.vector_load %arg9[%get3A_1563, %get3A_1564, %get3A_1565] {strides = array<i32>} : memref<2x128x128xf32, #tpu.memory_space<vmem>>, vector<16xf32>,
          %mul3A_1567 = arith.mulf %get3A_1566, %gather3A_1544 : vector<16xf32>
          %swap3A_1568 = arith.index_cast %rem3A_101 : i32 to index
          %swap3A_1569 = arith.index_cast %add3A_1542 : i32 to index
          %swap3A_1570 = arith.constant 32 : index
          %swap3A_1571 = tpu.vector_load %arg9[%swap3A_1568, %swap3A_1569, %swap3A_1570] {strides = array<i32>} : memref<2x128x128xf32, #tpu.memory_space<vmem>>, vector<16xf32>,
          tpu.vector_store %arg9[%swap3A_1568, %swap3A_1569, %swap3A_1570], %mul3A_1567 {strides = array<i32>} : memref<2x128x128xf32, #tpu.memory_space<vmem>>, vector<16xf32>,
          %get3A_1572 = arith.index_cast %rem3A_101 : i32 to index
          %get3A_1573 = arith.index_cast %add3A_1542 : i32 to index
          %get3A_1574 = arith.constant 48 : index
          %get3A_1575 = tpu.vector_load %arg9[%get3A_1572, %get3A_1573, %get3A_1574] {strides = array<i32>} : memref<2x128x128xf32, #tpu.memory_space<vmem>>, vector<16xf32>,
          %mul3A_1576 = arith.mulf %get3A_1575, %gather3A_1544 : vector<16xf32>
          %swap3A_1577 = arith.index_cast %rem3A_101 : i32 to index
          %swap3A_1578 = arith.index_cast %add3A_1542 : i32 to index
          %swap3A_1579 = arith.constant 48 : index
          %swap3A_1580 = tpu.vector_load %arg9[%swap3A_1577, %swap3A_1578, %swap3A_1579] {strides = array<i32>} : memref<2x128x128xf32, #tpu.memory_space<vmem>>, vector<16xf32>,
          tpu.vector_store %arg9[%swap3A_1577, %swap3A_1578, %swap3A_1579], %mul3A_1576 {strides = array<i32>} : memref<2x128x128xf32, #tpu.memory_space<vmem>>, vector<16xf32>,
          %get3A_1581 = arith.index_cast %rem3A_101 : i32 to index
          %get3A_1582 = arith.index_cast %add3A_1542 : i32 to index
          %get3A_1583 = arith.constant 64 : index
          %get3A_1584 = tpu.vector_load %arg9[%get3A_1581, %get3A_1582, %get3A_1583] {strides = array<i32>} : memref<2x128x128xf32, #tpu.memory_space<vmem>>, vector<16xf32>,
          %mul3A_1585 = arith.mulf %get3A_1584, %gather3A_1544 : vector<16xf32>
          %swap3A_1586 = arith.index_cast %rem3A_101 : i32 to index
          %swap3A_1587 = arith.index_cast %add3A_1542 : i32 to index
          %swap3A_1588 = arith.constant 64 : index
          %swap3A_1589 = tpu.vector_load %arg9[%swap3A_1586, %swap3A_1587, %swap3A_1588] {strides = array<i32>} : memref<2x128x128xf32, #tpu.memory_space<vmem>>, vector<16xf32>,
          tpu.vector_store %arg9[%swap3A_1586, %swap3A_1587, %swap3A_1588], %mul3A_1585 {strides = array<i32>} : memref<2x128x128xf32, #tpu.memory_space<vmem>>, vector<16xf32>,
          %get3A_1590 = arith.index_cast %rem3A_101 : i32 to index
          %get3A_1591 = arith.index_cast %add3A_1542 : i32 to index
          %get3A_1592 = arith.constant 80 : index
          %get3A_1593 = tpu.vector_load %arg9[%get3A_1590, %get3A_1591, %get3A_1592] {strides = array<i32>} : memref<2x128x128xf32, #tpu.memory_space<vmem>>, vector<16xf32>,
          %mul3A_1594 = arith.mulf %get3A_1593, %gather3A_1544 : vector<16xf32>
          %swap3A_1595 = arith.index_cast %rem3A_101 : i32 to index
          %swap3A_1596 = arith.index_cast %add3A_1542 : i32 to index
          %swap3A_1597 = arith.constant 80 : index
          %swap3A_1598 = tpu.vector_load %arg9[%swap3A_1595, %swap3A_1596, %swap3A_1597] {strides = array<i32>} : memref<2x128x128xf32, #tpu.memory_space<vmem>>, vector<16xf32>,
          tpu.vector_store %arg9[%swap3A_1595, %swap3A_1596, %swap3A_1597], %mul3A_1594 {strides = array<i32>} : memref<2x128x128xf32, #tpu.memory_space<vmem>>, vector<16xf32>,
          %get3A_1599 = arith.index_cast %rem3A_101 : i32 to index
          %get3A_1600 = arith.index_cast %add3A_1542 : i32 to index
          %get3A_1601 = arith.constant 96 : index
          %get3A_1602 = tpu.vector_load %arg9[%get3A_1599, %get3A_1600, %get3A_1601] {strides = array<i32>} : memref<2x128x128xf32, #tpu.memory_space<vmem>>, vector<16xf32>,
          %mul3A_1603 = arith.mulf %get3A_1602, %gather3A_1544 : vector<16xf32>
          %swap3A_1604 = arith.index_cast %rem3A_101 : i32 to index
          %swap3A_1605 = arith.index_cast %add3A_1542 : i32 to index
          %swap3A_1606 = arith.constant 96 : index
          %swap3A_1607 = tpu.vector_load %arg9[%swap3A_1604, %swap3A_1605, %swap3A_1606] {strides = array<i32>} : memref<2x128x128xf32, #tpu.memory_space<vmem>>, vector<16xf32>,
          tpu.vector_store %arg9[%swap3A_1604, %swap3A_1605, %swap3A_1606], %mul3A_1603 {strides = array<i32>} : memref<2x128x128xf32, #tpu.memory_space<vmem>>, vector<16xf32>,
          %get3A_1608 = arith.index_cast %rem3A_101 : i32 to index
          %get3A_1609 = arith.index_cast %add3A_1542 : i32 to index
          %get3A_1610 = arith.constant 112 : index
          %get3A_1611 = tpu.vector_load %arg9[%get3A_1608, %get3A_1609, %get3A_1610] {strides = array<i32>} : memref<2x128x128xf32, #tpu.memory_space<vmem>>, vector<16xf32>,
          %mul3A_1612 = arith.mulf %get3A_1611, %gather3A_1544 : vector<16xf32>
          %swap3A_1613 = arith.index_cast %rem3A_101 : i32 to index
          %swap3A_1614 = arith.index_cast %add3A_1542 : i32 to index
          %swap3A_1615 = arith.constant 112 : index
          %swap3A_1616 = tpu.vector_load %arg9[%swap3A_1613, %swap3A_1614, %swap3A_1615] {strides = array<i32>} : memref<2x128x128xf32, #tpu.memory_space<vmem>>, vector<16xf32>,
          tpu.vector_store %arg9[%swap3A_1613, %swap3A_1614, %swap3A_1615], %mul3A_1612 {strides = array<i32>} : memref<2x128x128xf32, #tpu.memory_space<vmem>>, vector<16xf32>,
        }
        %scan3A_325 = arith.constant 128 : i32
        %dma_start3A_326 = arith.constant 1 : i32
        %dma_start3A_327 = arith.constant 0 : i32
        %dma_start3A_328 = arith.constant 0 : i32
        %dma_start3A_329 = tpu.memref_slice %arg9[%rem3A_101, %dma_start3A_327, %dma_start3A_328] : memref<2x128x128xf32, #tpu.memory_space<vmem>> -> memref<1x128x128xf32, #tpu.memory_space<vmem>>
        %dma_start3A_330 = tpu.memref_squeeze %dma_start3A_329 : memref<1x128x128xf32, #tpu.memory_space<vmem>> -> memref<128x128xf32, #tpu.memory_space<vmem>>
        %dma_start3A_331 = arith.constant 0 : i32
        %dma_start3A_332 = tpu.memref_slice %arg7[%rem3A_99, %dma_start3A_326, %dma_start3A_331] : memref<4x2x128xi32, #tpu.memory_space<vmem>> -> memref<1x1x128xi32, #tpu.memory_space<vmem>>
        %dma_start3A_333 = tpu.memref_squeeze %dma_start3A_332 : memref<1x1x128xi32, #tpu.memory_space<vmem>> -> memref<128xi32, #tpu.memory_space<vmem>>
        %dma_start3A_334 = arith.constant 0 : i32
        %dma_start3A_335 = arith.constant 0 : i32
        %dma_start3A_336 = tpu.memref_slice %arg16[%dma_start3A_334, %dma_start3A_335] : memref<10240x128xf32, #tpu.memory_space<vmem_shared>> -> memref<10240x128xf32, #tpu.memory_space<vmem_shared>>
        %dma_start3A_337 = tpu.memref_slice %arg15[%rem3A_101] : memref<2x!tpu.dma_semaphore, #tpu.memory_space<semaphore_mem>> -> memref<1x!tpu.dma_semaphore, #tpu.memory_space<semaphore_mem>>
        %dma_start3A_338 = tpu.memref_squeeze %dma_start3A_337 : memref<1x!tpu.dma_semaphore, #tpu.memory_space<semaphore_mem>> -> memref<!tpu.dma_semaphore, #tpu.memory_space<semaphore_mem>>
        tpu.enqueue_indirect_dma source(%dma_start3A_330 : memref<128x128xf32, #tpu.memory_space<vmem>>) target(%dma_start3A_336 : memref<10240x128xf32, #tpu.memory_space<vmem_shared>>) offsets(%dma_start3A_333 : memref<128xi32, #tpu.memory_space<vmem>>) semaphore(%dma_start3A_338 : memref<!tpu.dma_semaphore, #tpu.memory_space<semaphore_mem>>) {add = true}
      } else {
      }
    }
    %scan3A_71 = arith.constant 79 : i32
    %scan3A_72 = arith.constant 0 : i32
    %mul3A_73 = arith.constant 1 : i32
    %mul3A_74 = arith.muli %scan3A_72, %mul3A_73 : i32
    %add3A_75 = arith.constant 0 : i32
    %add3A_76 = arith.addi %add3A_75, %mul3A_74 : i32
    %sub3A = arith.constant 1 : i32
    %sub3A_77 = arith.subi %add3A_4, %sub3A : i32
    %sub3A_78 = arith.subi %sub3A_77, %add3A_76 : i32
    %ge3A = arith.constant 0 : i32
    %ge3A_79 = arith.cmpi sge, %sub3A_78, %ge3A : i32
    %convert_element_type3A_80 = arith.extui %ge3A_79 : i1 to i32
    %cond3A_81 = arith.constant 0 : i32
    %cond3A_82 = arith.cmpi ne, %convert_element_type3A_80, %cond3A_81 : i32
    scf.if %cond3A_82 {
      %rem3A_89 = arith.constant 4 : i32
      %rem3A_90 = arith.remsi %sub3A_78, %rem3A_89 : i32
      %rem3A_91 = arith.constant 2 : i32
      %rem3A_92 = arith.remsi %sub3A_78, %rem3A_91 : i32
      %dma_wait3A = arith.constant 1 : i32
      %dma_wait3A_93 = arith.constant 0 : i32
      %dma_wait3A_94 = arith.constant 0 : i32
      %dma_wait3A_95 = tpu.memref_slice %arg9[%rem3A_92, %dma_wait3A_93, %dma_wait3A_94] : memref<2x128x128xf32, #tpu.memory_space<vmem>> -> memref<1x128x128xf32, #tpu.memory_space<vmem>>
      %dma_wait3A_96 = tpu.memref_squeeze %dma_wait3A_95 : memref<1x128x128xf32, #tpu.memory_space<vmem>> -> memref<128x128xf32, #tpu.memory_space<vmem>>
      %dma_wait3A_97 = arith.constant 0 : i32
      %dma_wait3A_98 = tpu.memref_slice %arg7[%rem3A_90, %dma_wait3A, %dma_wait3A_97] : memref<4x2x128xi32, #tpu.memory_space<vmem>> -> memref<1x1x128xi32, #tpu.memory_space<vmem>>
      %dma_wait3A_99 = tpu.memref_squeeze %dma_wait3A_98 : memref<1x1x128xi32, #tpu.memory_space<vmem>> -> memref<128xi32, #tpu.memory_space<vmem>>
      %dma_wait3A_100 = arith.constant 0 : i32
      %dma_wait3A_101 = arith.constant 0 : i32
      %dma_wait3A_102 = tpu.memref_slice %arg16[%dma_wait3A_100, %dma_wait3A_101] : memref<10240x128xf32, #tpu.memory_space<vmem_shared>> -> memref<10240x128xf32, #tpu.memory_space<vmem_shared>>
      %dma_wait3A_103 = tpu.memref_slice %arg15[%rem3A_92] : memref<2x!tpu.dma_semaphore, #tpu.memory_space<semaphore_mem>> -> memref<1x!tpu.dma_semaphore, #tpu.memory_space<semaphore_mem>>
      %dma_wait3A_104 = tpu.memref_squeeze %dma_wait3A_103 : memref<1x!tpu.dma_semaphore, #tpu.memory_space<semaphore_mem>> -> memref<!tpu.dma_semaphore, #tpu.memory_space<semaphore_mem>>
      tpu.wait_indirect_dma semaphore(%dma_wait3A_104 : memref<!tpu.dma_semaphore, #tpu.memory_space<semaphore_mem>>) src(%dma_wait3A_96 : memref<128x128xf32, #tpu.memory_space<vmem>>) dst(%dma_wait3A_102 : memref<10240x128xf32, #tpu.memory_space<vmem_shared>>)
    } else {
    }
    %scan3A_83 = arith.constant 1 : i32
    %barrier3A_84 = arith.constant 0 : index
    tpu.barrier barrier_id(%barrier3A_84)
    %mul3A_85 = arith.constant 640 : i32
    %mul3A_86 = arith.muli %arg1, %mul3A_85 : i32
    %mul3A_87 = arith.constant 640 : i32
    %mul3A_88 = arith.muli %arg1, %mul3A_87 : i32
    "tpu.region"() ({
      %run_scoped3A_89 = tpu.sem_alloc : memref<!tpu.dma_semaphore, #tpu.memory_space<semaphore_mem>>
      %dma_start3A_90 = arith.constant 0 : i32
      %dma_start3A_91 = tpu.memref_slice %arg6[%arg0, %mul3A_88, %dma_start3A_90] : memref<2x10240x128xf32, #tpu.memory_space<hbm>> -> memref<1x640x128xf32, #tpu.memory_space<hbm>>
      %dma_start3A_92 = tpu.memref_squeeze %dma_start3A_91 : memref<1x640x128xf32, #tpu.memory_space<hbm>> -> memref<640x128xf32, #tpu.memory_space<hbm>>
      %dma_start3A_93 = arith.constant 0 : i32
      %dma_start3A_94 = tpu.memref_slice %arg16[%mul3A_86, %dma_start3A_93] : memref<10240x128xf32, #tpu.memory_space<vmem_shared>> -> memref<640x128xf32, #tpu.memory_space<vmem_shared>>
      tpu.enqueue_dma source(%dma_start3A_94 : memref<640x128xf32, #tpu.memory_space<vmem_shared>>) target(%dma_start3A_92 : memref<640x128xf32, #tpu.memory_space<hbm>>) target_semaphore(%run_scoped3A_89 : memref<!tpu.dma_semaphore, #tpu.memory_space<semaphore_mem>>)
      %dma_wait3A = arith.constant 0 : i32
      %dma_wait3A_95 = tpu.memref_slice %arg6[%arg0, %mul3A_88, %dma_wait3A] : memref<2x10240x128xf32, #tpu.memory_space<hbm>> -> memref<1x640x128xf32, #tpu.memory_space<hbm>>
      %dma_wait3A_96 = tpu.memref_squeeze %dma_wait3A_95 : memref<1x640x128xf32, #tpu.memory_space<hbm>> -> memref<640x128xf32, #tpu.memory_space<hbm>>
      %dma_wait3A_97 = arith.constant 0 : i32
      %dma_wait3A_98 = tpu.memref_slice %arg16[%mul3A_86, %dma_wait3A_97] : memref<10240x128xf32, #tpu.memory_space<vmem_shared>> -> memref<640x128xf32, #tpu.memory_space<vmem_shared>>
      tpu.wait_dma2 semaphore(%run_scoped3A_89 : memref<!tpu.dma_semaphore, #tpu.memory_space<semaphore_mem>>) src(%dma_wait3A_98 : memref<640x128xf32, #tpu.memory_space<vmem_shared>>) dst(%dma_wait3A_96 : memref<640x128xf32, #tpu.memory_space<hbm>>)
      tpu.yield
    }) : () -> ()
    return
  }
}

module attributes {stable_mosaic.version = 14 : i64} {
  func.func @body(%arg0: memref<2x10240xf32, #tpu.memory_space<vmem>>, %arg1: memref<1x10240xf32, #tpu.memory_space<vmem>>) attributes {dimension_semantics = [], scalar_prefetch = 0 : i64, scratch_operands = 0 : i64, tpu.core_type = #tpu.core_type<tc>} {
    %get3A = arith.constant 0 : index
    %get3A_0 = arith.constant 0 : index
    %get3A_1 = vector.load %arg0[%get3A, %get3A_0] : memref<2x10240xf32, #tpu.memory_space<vmem>>, vector<1x10240xf32>
    %get3A_2 = vector.shape_cast %get3A_1 : vector<1x10240xf32> to vector<10240xf32>
    %get3A_3 = arith.constant 1 : index
    %get3A_4 = arith.constant 0 : index
    %get3A_5 = vector.load %arg0[%get3A_3, %get3A_4] : memref<2x10240xf32, #tpu.memory_space<vmem>>, vector<1x10240xf32>
    %get3A_6 = vector.shape_cast %get3A_5 : vector<1x10240xf32> to vector<10240xf32>
    %add3A = arith.addf %get3A_2, %get3A_6 : vector<10240xf32>
    %add3A_7 = arith.constant 1.000000e+00 : f32
    %add3A_8 = vector.broadcast %add3A_7 : f32 to vector<10240xf32>
    %add3A_9 = arith.addf %add3A, %add3A_8 : vector<10240xf32>
    %rsqrt3A = math.rsqrt %add3A_9 : vector<10240xf32>
    %broadcast_in_dim3A = vector.shape_cast %rsqrt3A : vector<10240xf32> to vector<1x10240xf32>
    %swap3A = arith.constant 0 : index
    %swap3A_10 = arith.constant 0 : index
    %swap3A_11 = vector.load %arg1[%swap3A, %swap3A_10] : memref<1x10240xf32, #tpu.memory_space<vmem>>, vector<1x10240xf32>
    tpu.vector_store %arg1[%swap3A, %swap3A_10], %broadcast_in_dim3A {strides = array<i32>} : memref<1x10240xf32, #tpu.memory_space<vmem>>, vector<1x10240xf32>,
    return
  }
}

module attributes {stable_mosaic.version = 14 : i64} {
  func.func @body(%arg0: i32, %arg1: memref<2x400x128xf32, #tpu.memory_space<vmem>>, %arg2: memref<400x128xf32, #tpu.memory_space<vmem>>, %arg3: memref<2x400x1xf32, #tpu.memory_space<vmem>>, %arg4: memref<1x128xf32, #tpu.memory_space<vmem>>, %arg5: memref<400x12x4x128xf32, #tpu.memory_space<vmem>>, %arg6: memref<400x128xf32, #tpu.memory_space<vmem>>) attributes {dimension_semantics = [#tpu.dimension_semantics<arbitrary>], iteration_bounds = array<i64: 25>, scalar_prefetch = 0 : i64, scratch_operands = 0 : i64, tpu.core_type = #tpu.core_type<tc>, window_params = [{transform_indices = @transform_0, window_bounds = array<i64: 2, 400, 128>}, {transform_indices = @transform_1, window_bounds = array<i64: 400, 128>}, {transform_indices = @transform_2, window_bounds = array<i64: 2, 400, 1>}, {pipeline_mode = #tpu.pipeline_mode<synchronous>, transform_indices = @transform_3, window_bounds = array<i64: 1, 128>}, {transform_indices = @transform_4, window_bounds = array<i64: 400, 12, 4, 128>}, {transform_indices = @transform_5, window_bounds = array<i64: 400, 128>}]} {
    %get3A = arith.constant 0 : index
    %get3A_0 = arith.constant 0 : index
    %get3A_1 = arith.constant 0 : index
    %get3A_2 = vector.load %arg1[%get3A, %get3A_0, %get3A_1] : memref<2x400x128xf32, #tpu.memory_space<vmem>>, vector<1x400x128xf32>
    %get3A_3 = vector.shape_cast %get3A_2 : vector<1x400x128xf32> to vector<400x128xf32>
    %get3A_4 = arith.constant 1 : index
    %get3A_5 = arith.constant 0 : index
    %get3A_6 = arith.constant 0 : index
    %get3A_7 = vector.load %arg1[%get3A_4, %get3A_5, %get3A_6] : memref<2x400x128xf32, #tpu.memory_space<vmem>>, vector<1x400x128xf32>
    %get3A_8 = vector.shape_cast %get3A_7 : vector<1x400x128xf32> to vector<400x128xf32>
    %add3A = arith.addf %get3A_3, %get3A_8 : vector<400x128xf32>
    %get3A_9 = arith.constant 0 : index
    %get3A_10 = arith.constant 0 : index
    %get3A_11 = arith.constant 0 : index
    %get3A_12 = vector.load %arg3[%get3A_9, %get3A_10, %get3A_11] : memref<2x400x1xf32, #tpu.memory_space<vmem>>, vector<1x400x1xf32>
    %get3A_13 = vector.shape_cast %get3A_12 : vector<1x400x1xf32> to vector<400x1xf32>
    %get3A_14 = arith.constant 1 : index
    %get3A_15 = arith.constant 0 : index
    %get3A_16 = arith.constant 0 : index
    %get3A_17 = vector.load %arg3[%get3A_14, %get3A_15, %get3A_16] : memref<2x400x1xf32, #tpu.memory_space<vmem>>, vector<1x400x1xf32>
    %get3A_18 = vector.shape_cast %get3A_17 : vector<1x400x1xf32> to vector<400x1xf32>
    %add3A_19 = arith.addf %get3A_13, %get3A_18 : vector<400x1xf32>
    %add3A_20 = arith.constant 1.000000e+00 : f32
    %add3A_21 = vector.broadcast %add3A_20 : f32 to vector<400x1xf32>
    %add3A_22 = arith.addf %add3A_19, %add3A_21 : vector<400x1xf32>
    %rsqrt3A = math.rsqrt %add3A_22 : vector<400x1xf32>
    %get3A_23 = arith.constant 0 : index
    %get3A_24 = arith.constant 0 : index
    %get3A_25 = vector.load %arg2[%get3A_23, %get3A_24] : memref<400x128xf32, #tpu.memory_space<vmem>>, vector<400x128xf32>
    %mul3A = vector.broadcast %rsqrt3A : vector<400x1xf32> to vector<400x128xf32>
    %mul3A_26 = arith.mulf %get3A_25, %mul3A : vector<400x128xf32>
    %add3A_27 = arith.addf %add3A, %mul3A_26 : vector<400x128xf32>
    %mul3A_28 = vector.broadcast %rsqrt3A : vector<400x1xf32> to vector<400x128xf32>
    %mul3A_29 = arith.mulf %add3A_27, %mul3A_28 : vector<400x128xf32>
    %get3A_30 = arith.constant 0 : index
    %get3A_31 = arith.constant 0 : index
    %get3A_32 = vector.load %arg4[%get3A_30, %get3A_31] : memref<1x128xf32, #tpu.memory_space<vmem>>, vector<1x128xf32>
    %add3A_33 = vector.broadcast %get3A_32 : vector<1x128xf32> to vector<400x128xf32>
    %add3A_34 = arith.addf %mul3A_29, %add3A_33 : vector<400x128xf32>
    %max3A = arith.constant 0.000000e+00 : f32
    %max3A_35 = vector.broadcast %max3A : f32 to vector<400x128xf32>
    %max3A_36 = arith.maximumf %add3A_34, %max3A_35 : vector<400x128xf32>
    %swap3A = arith.constant 0 : index
    %swap3A_37 = arith.constant 0 : index
    %swap3A_38 = vector.load %arg6[%swap3A, %swap3A_37] : memref<400x128xf32, #tpu.memory_space<vmem>>, vector<400x128xf32>
    tpu.vector_store %arg6[%swap3A, %swap3A_37], %max3A_36 {strides = array<i32>} : memref<400x128xf32, #tpu.memory_space<vmem>>, vector<400x128xf32>,
    %broadcast_in_dim3A = vector.shape_cast %max3A_36 : vector<400x128xf32> to vector<400x1x1x128xf32>
    %broadcast_in_dim3A_39 = vector.broadcast %broadcast_in_dim3A : vector<400x1x1x128xf32> to vector<400x12x4x128xf32>
    %swap3A_40 = arith.constant 0 : index
    %swap3A_41 = arith.constant 0 : index
    %swap3A_42 = arith.constant 0 : index
    %swap3A_43 = arith.constant 0 : index
    %swap3A_44 = vector.load %arg5[%swap3A_40, %swap3A_41, %swap3A_42, %swap3A_43] : memref<400x12x4x128xf32, #tpu.memory_space<vmem>>, vector<400x12x4x128xf32>
    tpu.vector_store %arg5[%swap3A_40, %swap3A_41, %swap3A_42, %swap3A_43], %broadcast_in_dim3A_39 {strides = array<i32>} : memref<400x12x4x128xf32, #tpu.memory_space<vmem>>, vector<400x12x4x128xf32>,
    return
  }
  func.func @transform_0(%arg0: i32) -> (i32, i32, i32) {
    %c0_i32 = arith.constant 0 : i32
    %c0_i32_0 = arith.constant 0 : i32
    %c0_i32_1 = arith.constant 0 : i32
    return %c0_i32, %arg0, %c0_i32_0 : i32, i32, i32
  }
  func.func @transform_1(%arg0: i32) -> (i32, i32) {
    %c0_i32 = arith.constant 0 : i32
    %c0_i32_0 = arith.constant 0 : i32
    return %arg0, %c0_i32 : i32, i32
  }
  func.func @transform_2(%arg0: i32) -> (i32, i32, i32) {
    %c0_i32 = arith.constant 0 : i32
    %c0_i32_0 = arith.constant 0 : i32
    %c0_i32_1 = arith.constant 0 : i32
    return %c0_i32, %arg0, %c0_i32_0 : i32, i32, i32
  }
  func.func @transform_3(%arg0: i32) -> (i32, i32) {
    %c0_i32 = arith.constant 0 : i32
    %c0_i32_0 = arith.constant 0 : i32
    %c0_i32_1 = arith.constant 0 : i32
    return %c0_i32, %c0_i32_0 : i32, i32
  }
  func.func @transform_4(%arg0: i32) -> (i32, i32, i32, i32) {
    %c0_i32 = arith.constant 0 : i32
    %c0_i32_0 = arith.constant 0 : i32
    %c0_i32_1 = arith.constant 0 : i32
    %c0_i32_2 = arith.constant 0 : i32
    return %arg0, %c0_i32, %c0_i32_0, %c0_i32_1 : i32, i32, i32, i32
  }
  func.func @transform_5(%arg0: i32) -> (i32, i32) {
    %c0_i32 = arith.constant 0 : i32
    %c0_i32_0 = arith.constant 0 : i32
    return %arg0, %c0_i32 : i32, i32
  }
}

module attributes {stable_mosaic.version = 14 : i64} {
  func.func @body(%arg0: i32, %arg1: memref<1000x128xf32, #tpu.memory_space<vmem>>, %arg2: memref<128x128xf32, #tpu.memory_space<vmem>>, %arg3: memref<1000x128xf32, #tpu.memory_space<vmem>>) attributes {dimension_semantics = [#tpu.dimension_semantics<arbitrary>], iteration_bounds = array<i64: 10>, scalar_prefetch = 0 : i64, scratch_operands = 0 : i64, tpu.core_type = #tpu.core_type<tc>, window_params = [{transform_indices = @transform_0, window_bounds = array<i64: 1000, 128>}, {pipeline_mode = #tpu.pipeline_mode<synchronous>, transform_indices = @transform_1, window_bounds = array<i64: 128, 128>}, {transform_indices = @transform_2, window_bounds = array<i64: 1000, 128>}]} {
    %get3A = arith.constant 0 : index
    %get3A_0 = arith.constant 0 : index
    %get3A_1 = vector.load %arg1[%get3A, %get3A_0] : memref<1000x128xf32, #tpu.memory_space<vmem>>, vector<1000x128xf32>
    %get3A_2 = arith.constant 0 : index
    %get3A_3 = arith.constant 0 : index
    %get3A_4 = vector.load %arg2[%get3A_2, %get3A_3] : memref<128x128xf32, #tpu.memory_space<vmem>>, vector<128x128xf32>
    %dot_general3A = arith.constant dense<0.000000e+00> : vector<1000x128xf32>
    %dot_general3A_5 = tpu.matmul %get3A_1, %get3A_4, %dot_general3A {dimension_numbers = #tpu.dot_dimension_numbers<[1], [1], [0], [0], [0, 0, 1, 0], [], []>, transpose_lhs_hint = false} : vector<1000x128xf32>, vector<128x128xf32>, vector<1000x128xf32> -> vector<1000x128xf32>
    %swap3A = arith.constant 0 : index
    %swap3A_6 = arith.constant 0 : index
    %swap3A_7 = vector.load %arg3[%swap3A, %swap3A_6] : memref<1000x128xf32, #tpu.memory_space<vmem>>, vector<1000x128xf32>
    tpu.vector_store %arg3[%swap3A, %swap3A_6], %dot_general3A_5 {strides = array<i32>} : memref<1000x128xf32, #tpu.memory_space<vmem>>, vector<1000x128xf32>,
    return
  }
  func.func @transform_0(%arg0: i32) -> (i32, i32) {
    %c0_i32 = arith.constant 0 : i32
    %c0_i32_0 = arith.constant 0 : i32
    return %arg0, %c0_i32 : i32, i32
  }
  func.func @transform_1(%arg0: i32) -> (i32, i32) {
    %c0_i32 = arith.constant 0 : i32
    %c0_i32_0 = arith.constant 0 : i32
    %c0_i32_1 = arith.constant 0 : i32
    return %c0_i32, %c0_i32_0 : i32, i32
  }
  func.func @transform_2(%arg0: i32) -> (i32, i32) {
    %c0_i32 = arith.constant 0 : i32
    %c0_i32_0 = arith.constant 0 : i32
    return %arg0, %c0_i32 : i32, i32
  }
}

</mosaic_0001>

<sc_bundles>
// kernel: kernel.10.cloned.1.call-start
scs
__scs_entry_jumppad:
0x0: {  	(pc) =	sbr.rel $0x88, $3  }
0x1: {  	(tag) =	ssettag $0x0;
	lr =	simm.s32 $0x1  }
0x2: {  	[smem:$0x3F9C] =	sst lr;
	_ =	strace $0xD0000000  }
0x3: {  	_ = 	snop  }
0x4: {  	_ = 	snop  }
0x5: {  	_ = 	snop  }
0x6: {  	_ = 	snop  }
0x7: {  	_ = 	snop  }
__scs_overlays_trampoline_lowered:
0x8: {  	[smem:$0x3FAB] =	sst s0  }
0x9: {  	[smem:$0x3FAC] =	sst s1  }
0xa: {  	[smem:$0x3FAD] =	sst s2  }
0xb: {  	[smem:$0x3FAE] =	sst s3  }
0xc: {  	[smem:$0x3FAF] =	sst s4  }
0xd: {  	[smem:$0x3FB0] =	sst s5  }
0xe: {  	[smem:$0x3FB1] =	sst s6  }
0xf: {  	[smem:$0x3FB2] =	sst s7  }
0x10: {  	[smem:$0x3FB3] =	sst s8  }
0x11: {  	[smem:$0x3FB4] =	sst s9;
	s0 =	simm.s32 @!p0 $0x0  }
0x12: {  	s1 =	sld [smem:$0x3F9A];
	s0 =	simm.s32 @p0 $0x1  }
0x13: {  	[smem:$0x3FB5] =	sst s0;
	s0 =	simm.s32 @!p1 $0x0  }
0x14: {  	s2 =	sld [smem:$0x3F99];
	s0 =	simm.s32 @p1 $0x1  }
0x15: {  	[smem:$0x3FB6] =	sst s0;
	s0 =	simm.s32 @!p2 $0x0  }
0x16: {  	s3 =	sld [smem:$0x3FDB];
	s0 =	simm.s32 @p2 $0x1  }
0x17: {  	s4 =	simm.s32 $0x1BF5;
	[smem:$0x3FB8] =	sst s0  }
0x18: {  	s0 =	sld [smem:$0x3F9B];
	_ =	swait.ge [sflag:s4], $0x0  }
0x19: {  	s7 =	sld [smem:$0x3F9C]  }
0x1a: {  	s8 =	sadd.s32 $0xFFFFE003, lr  }
0x1b: {  	s9 =	sadd.s32 $0xFFFFFEF7, lr;
	s5 =	simm.s32 $0xFFFFFFFF;
	p2 =	slt.u32 s8, $0xFFFFF086  }
0x1c: {  	p1 =	slt.u32 s9, $0xF7A;
	s5 =	simm.s32 @!p2 $0x0  }
0x1d: {  	s5 =	simm.s32 @p1 $0x1;
	p0 =	seq.s32 s7, s2  }
0x1e: {  	s7 =	smul.u32 @!p0 $0xF7A, s2;
	p2 =	seq.s32 @!p0 s5, $0x0  }
0x1f: {  	s9 =	smul.u32 $0xF7A, s1;
	s8 =	simm.s32 @!p0 $0x1BF5;
	p2 =	por !p2, p0  }
0x20: {  	[sflag:s8] =	ssyncset.s32 @!p0 $0xFFFFF086;
	s6 =	sadd.s32 @!p0 s3, s7;
	s7 =	simm.s32 @!p0 $0x108  }
0x21: {  	s3 =	sadd.s32 s3, s9;
	s6 =	sadd.s32 @!p0 $0x88, s6;
	s7 =	simm.s32 @p2 $0x1082  }
0x22: {  	[simem:s7], [sflag:s8] =	dma.local @!p0 [hbm:s6], $0xF7A  }
0x23: {  	s9 =	sor.u32 $0xD0000000, s2;
	s6 =	simm.s32 $0x108;
	_ =	swait.ge @!p0 [sflag:s8], $0x0  }
0x24: {  	s3 =	sadd.s32 $0x88, s3;
	s6 =	simm.s32 @!p1 $0x1082;
	[sflag:s4] =	ssyncset.s32 $0xFFFFF086  }
0x25: {  	[simem:s6], [sflag:s4] =	dma.local [hbm:s3], $0xF7A  }
0x26: {  	[smem:$0x3F9C] =	sst s1;
	(tag) =	ssettag s2;
	_ =	strace s9  }
0x27: {  	s1 =	sld [smem:$0x3FAC]  }
0x28: {  	s2 =	sld [smem:$0x3FAD]  }
0x29: {  	s4 =	sld [smem:$0x3FAF]  }
0x2a: {  	p0 =	seq.s32 s5, $0x0;
	s5 =	sld [smem:$0x3FB0]  }
0x2b: {  	s6 =	sld [smem:$0x3FB1]  }
0x2c: {  	s7 =	sld [smem:$0x3FB2]  }
0x2d: {  	s3 =	simm.s32 $0x108;
	s8 =	sld [smem:$0x3FB3]  }
0x2e: {  	s3 =	simm.s32 @!p0 $0x1082;
	s9 =	sld [smem:$0x3FB4]  }
0x2f: {  	lr =	sadd.s32 s0, s3;
	s0 =	sld [smem:$0x3FAB]  }
0x30: {  	s3 =	sld [smem:$0x3FAE]  }
0x31: {  	[smem:$0x3FB7] =	sst s10  }
0x32: {  	s10 =	sld [smem:$0x3FB5];
	_ =	sdelay $0x3  }
0x33: {  	p0 =	seq.s32 s10, $0x1;
	s10 =	sld [smem:$0x3FB7];
	_ =	sdelay $0x3  }
0x34: {  	[smem:$0x3FB7] =	sst s10  }
0x35: {  	s10 =	sld [smem:$0x3FB6];
	_ =	sdelay $0x3  }
0x36: {  	p1 =	seq.s32 s10, $0x1;
	s10 =	sld [smem:$0x3FB7];
	_ =	sdelay $0x3  }
0x37: {  	[smem:$0x3FB7] =	sst s10  }
0x38: {  	s10 =	sld [smem:$0x3FB8]  }
0x39: {  	_ = 	snop;
	(pc) =	sbr.ind lr, $3  }
0x3a: {  	_ = 	snop  }
0x3b: {  	_ = 	snop  }
0x3c: {  	p2 =	seq.s32 s10, $0x1;
	s10 =	sld [smem:$0x3FB7]  }
0x3d: {  	_ =	shalt  }
0x3e: {  	_ =	shalt  }
0x3f: {  	_ =	shalt  }
0x40: {  	_ =	shalt  }
0x41: {  	_ =	shalt  }
0x42: {  	_ =	shalt  }
0x43: {  	_ =	shalt  }
0x44: {  	_ =	shalt  }
0x45: {  	_ =	shalt  }
0x46: {  	_ =	shalt  }
0x47: {  	_ =	shalt  }
0x48: {  	_ =	shalt  }
0x49: {  	_ =	shalt  }
0x4a: {  	_ =	shalt  }
0x4b: {  	_ =	shalt  }
0x4c: {  	_ =	shalt  }
0x4d: {  	_ =	shalt  }
0x4e: {  	_ =	shalt  }
0x4f: {  	_ =	shalt  }
0x50: {  	_ =	shalt  }
0x51: {  	_ =	shalt  }
0x52: {  	_ =	shalt  }
0x53: {  	_ =	shalt  }
0x54: {  	_ =	shalt  }
0x55: {  	_ =	shalt  }
0x56: {  	_ =	shalt  }
0x57: {  	_ =	shalt  }
0x58: {  	_ =	shalt  }
0x59: {  	_ =	shalt  }
0x5a: {  	_ =	shalt  }
0x5b: {  	_ =	shalt  }
0x5c: {  	_ =	shalt  }
0x5d: {  	_ =	shalt  }
0x5e: {  	_ =	shalt  }
0x5f: {  	_ =	shalt  }
0x60: {  	_ =	shalt  }
0x61: {  	_ =	shalt  }
0x62: {  	_ =	shalt  }
0x63: {  	_ =	shalt  }
0x64: {  	_ =	shalt  }
0x65: {  	_ =	shalt  }
0x66: {  	_ =	shalt  }
0x67: {  	_ =	shalt  }
0x68: {  	_ =	shalt  }
0x69: {  	_ =	shalt  }
0x6a: {  	_ =	shalt  }
0x6b: {  	_ =	shalt  }
0x6c: {  	_ =	shalt  }
0x6d: {  	_ =	shalt  }
0x6e: {  	_ =	shalt  }
0x6f: {  	_ =	shalt  }
0x70: {  	_ =	shalt  }
0x71: {  	_ =	shalt  }
0x72: {  	_ =	shalt  }
0x73: {  	_ =	shalt  }
0x74: {  	_ =	shalt  }
0x75: {  	_ =	shalt  }
0x76: {  	_ =	shalt  }
0x77: {  	_ =	shalt  }
0x78: {  	_ =	shalt  }
0x79: {  	_ =	shalt  }
0x7a: {  	_ =	shalt  }
0x7b: {  	_ =	shalt  }
0x7c: {  	_ =	shalt  }
0x7d: {  	_ =	shalt  }
0x7e: {  	_ =	shalt  }
0x7f: {  	_ =	shalt  }
0x80: {  	_ =	shalt  }
0x81: {  	_ =	shalt  }
0x82: {  	_ =	shalt  }
0x83: {  	_ =	shalt  }
0x84: {  	_ =	shalt  }
0x85: {  	_ =	shalt  }
0x86: {  	_ =	shalt  }
0x87: {  	_ =	shalt  }
.Lfunc_end0:
.L_simem_size_0:
called_computation.1_lowered:
.L_overlay_start_0:
0x88: {  	s2 =	sld [smem:$0x3FD9]  }
0x89: {  	s3 =	sld [smem:$0x3FFE];
	_ =	sdelay $0x1  }
0x8a: {  	s1 =	srdreg.scid  }
0x8b: {  	s0 =	sand.u32 $0x1, s1  }
0x8c: {  	s14 =	sshll.u32 s0, $0xA;
	s2 =	sadd.s32 s3, s2  }
0x8d: {  	s2 =	sadd.s32 s2, s14  }
0x8e: {  	[smem:$0x3FC3] =	sst s2  }
0x8f: {  	_ = 	snop  }
0x90: {  	s2 =	sld [smem:$0x3FD0];
	_ =	sdelay $0x1  }
0x91: {  	s15 =	sld [smem:$0x3FC8]  }
0x92: {  	s5 =	simm.s32 $0xA;
	s6 =	simm.s32 $0x10;
	s4 =	sld [smem:$0x3FC7]  }
0x93: {  	[smem:s6], [sflag:s5] =	dma.local [hbm:s2], $0x1  }
0x94: {  	_ =	swait.eq [sflag:s5], $0x1  }
0x95: {  	[sflag:s5] =	ssyncset.done $0x0  }
0x96: {  	s16 =	sld [smem:$0x10];
	[sflag:s5] =	ssyncadd.s32 $0xFFFFFFFF  }
0x97: {  	s17 =	sld [smem:$0x11];
	(tm) =	ssettm $0x1  }
0x98: {  	s18 =	sld [smem:$0x3FFB];
	_ =	sdelay $0x3  }
0x99: {  	_ =	strace s18  }
0x9a: {  	s6 =	sld [smem:$0x3FFC];
	_ =	sdelay $0x3  }
0x9b: {  	_ =	strace s6  }
0x9c: {  	s6 =	sld [smem:$0x3FFD];
	_ =	sdelay $0x3  }
0x9d: {  	_ =	strace s6  }
0x9e: {  	_ =	strace $0x8FFFFFFF  }
0x9f: {  	s19 =	sld [smem:$0x3FDB];
	_ =	sdelay $0x1  }
0xa0: {  	s7 =	simm.s32 $_scs_section_size  }
0xa1: {  	s8 =	simm.s32 $_size__tile_overlayer_lowered;
	s9 =	simm.s32 $_tile_overlayer_lowered  }
0xa2: {  	s22 =	simm.s32 $0x1BFF;
	s21 =	sshll.u32 s9, $0x1;
	s6 =	sadd.s32 s7, s19  }
0xa3: {  	s10 =	simm.s32 $0x0;
	s20 =	sshll.u32 s8, $0x1;
	s8 =	sadd.s32 s21, s6  }
0xa4: {  	[timem:s10], [sflag:s22] =	dma.local [hbm:s8], s20  }
0xa5: {  	_ =	swait.ge [sflag:s22], s20  }
0xa6: {  	s7 =	ssub.s32 $0x0, s20;
	[sflag:s22] =	ssyncset.done $0x0  }
0xa7: {  	[sflag:s22] =	ssyncadd.s32 s7;
	_ =	sdelay $0x1  }
0xa8: {  	s23 =	simm.s32 $0x1B8B  }
0xa9: {  	_ =	swait.ge [sflag:s23], $0x1  }
0xaa: {  	[sflag:s23] =	ssyncset.done $0x0  }
0xab: {  	s25 =	simm.s32 $0x1B8E;
	s24 =	sld [smem:$0x3FFE];
	[sflag:s23] =	ssyncadd.s32 $0xFFFFFFFF  }
0xac: {  	s26 =	simm.s32 $execute0_lowered;
	[smem:$0x3FD2] =	sst s25  }
0xad: {  	s8 =	sshll.u32 s26, $0x1;
	_ =	strace $0x80000049;
	[dreg:$0x1] =	wrdreg $0xFFFFFFFF  }
0xae: {  	s28 =	simm.s32 $_size_execute0_lowered;
	s6 =	sadd.s32 s6, s8;
	[dreg:$0x0] =	wrdreg $0x0  }
0xaf: {  	s8 =	sshll.u32 s28, $0x1;
	[dreg:$0x2] =	wrdreg s6  }
0xb0: {  	[dreg:$0x3] =	wrdreg s8  }
0xb1: {  	[dreg:$0x4] =	wrdreg $0xC0  }
0xb2: {  	_ =	task [dreg:s10], $0x5FFFF  }
0xb3: {  	[dreg:$0x1] =	wrdreg $0xFFFFFFFF  }
0xb4: {  	[dreg:$0x0] =	wrdreg $0x60  }
0xb5: {  	[dreg:$0x2] =	wrdreg s15  }
0xb6: {  	[dreg:$0x3] =	wrdreg s4  }
0xb7: {  	[dreg:$0x4] =	wrdreg s17  }
0xb8: {  	[dreg:$0x5] =	wrdreg s24  }
0xb9: {  	[dreg:$0x6] =	wrdreg s16  }
0xba: {  	[dreg:$0x7] =	wrdreg $0xAE800  }
0xbb: {  	[dreg:$0x8] =	wrdreg $0x9  }
0xbc: {  	_ =	task.clear_ibuf [dreg:s10], $0x9FFFF;
	_ =	strace $0x90000049  }
0xbd: {  	s29 =	simm.s32 $0x9;
	_ =	strace $0x8000004B  }
0xbe: {  	_ =	swait.ge [sflag:s29], $0x1  }
0xbf: {  	[sflag:s29] =	ssyncadd.s32 $0xFFFFFFFF  }
0xc0: {  	_ =	strace $0x9000004B  }
0xc1: {  	_ =	sfence  }
0xc2: {  	s30 =	sld [smem:$0x0];
	_ =	sdelay $0x2  }
0xc3: {  	s31 =	sshll.u32 s1, $0xD;
	s1 =	sshrl.u32 s1, $0x2  }
0xc4: {  	s3 =	sand.u32 $0x4000, s31;
	s1 =	sadd.s32 s1, s30  }
0xc5: {  	s0 =	sor.u32 s3, s0;
	s1 =	sshll.u32 s1, $0x11  }
0xc6: {  	s0 =	sor.u32 s1, s0  }
0xc7: {  	s0 =	sadd.s32 $0x8F2B, s0  }
0xc8: {  	[sflag:s0] =	ssyncadd.remote.s32 $0x1  }
0xc9: {  	_ =	sfence.sel $0xFFFF  }
0xca: {  	[dreg:$0x0] =	wrdreg $0xFFFFFFFF;
	(pc) =	sbr.abs _section_cstart, $3  }
0xcb: {  	[dreg:$0x1] =	wrdreg $0xFFFFFFFF  }
0xcc: {  	_ =	task.clear_ibuf [dreg:s10], $0x2FFFF;
	_ =	strace $0x9FFFFFFF  }
0xcd: {  	(tm) =	ssettm $0x7FFFFFFF  }
tec
execute0_lowered:
.L_overlay_start_1:
0x0: {  	(tag) =	ssettag $0x1  }
0x1: {  	s1 =	rddreg [dreg:$0x0]  }
0x2: {  	s2 =	rddreg [dreg:$0x1]  }
0x3: {  	s3 =	rddreg [dreg:$0x2]  }
0x4: {  	s0 =	rddreg [dreg:$0x3]  }
0x5: {  	s6 =	rddreg [dreg:$0x4]  }
0x6: {  	s5 =	rddreg [dreg:$0x5];
	s7 =	srdreg.scid;
	s8 =	simm.s32 $0x0  }
0x7: {  	s4 =	stileid.u32;
	s22 =	simm.s32 $0x8600;
	s23 =	simm.s32 $0xD  }
0x8: {  	s29 =	simm.s32 $0xAE00;
	s30 =	simm.s32 $0x80;
	s31 =	simm.s32 $0x0  }
0x9: {  	s15 =	sand.u32 $0x1, s7;
	[smem:$0x7FF] =	sst s8;
	s9 =	smul.u32 $0x50000, s4  }
0xa: {  	s0 =	sadd.s32 $0x2600, s0;
	s10 =	sshll.u32 s4, $0x1;
	p0 =	sgt.u32 s4, $0x1  }
0xb: {  	s8 =	simm.s32 $0x4E;
	s21 =	smul.u32 $0x14000, s4;
	s24 =	ssub.s32 $0x2, s15  }
0xc: {  	_ =	strace $0x8000004A;
	[dreg:$0x7] =	wrdreg s0;
	s10 =	sor.u32 s15, s10  }
0xd: {  	s8 =	simm.s32 @!p0 $0x4F;
	s19 =	smul.u32 $0x140000, s15;
	s25 =	sshrl.u32 s24, $0x1  }
0xe: {  	s9 =	sshrl.u32 s9, $0x2;
	s16 =	sshll.u32 s10, $0x5;
	s18 =	sor.u32 $0x20, s10  }
0xf: {  	s17 =	sshll.u32 s10, $0x4;
	s0 =	ssub.s32 s24, s25;
	s9 =	sadd.s32 s9, s5  }
0x10: {  	s20 =	sshll.u32 s18, $0x5;
	s15 =	sadd.s32 s1, s16;
	s16 =	sadd.s32 s2, s17  }
0x11: {  	s18 =	sshll.u32 s18, $0x4;
	s19 =	sadd.s32 s21, s19;
	s24 =	simm.s32 $0x600  }
.Ltmp0:
0x12: {  	s26 =	sadd.s32 $0x4000, s9;
	s28 =	sadd.s32 $0x8000, s9;
	(pc) =	sbr.rel .LBB2_1-.Ltmp0, $4  }
0x13: {  	s13 =	sadd.s32 $0xC000, s9;
	s14 =	sadd.s32 $0x10000, s9;
	s17 =	sadd.s32 s1, s20  }
0x14: {  	s20 =	simm.s32 $0x1;
	s18 =	sadd.s32 s2, s18;
	[dreg:$0x8] =	wrdreg s26  }
0x15: {  	s21 =	sshrl.u32 s19, $0x3;
	[dreg:$0x9] =	wrdreg s28;
	s20 =	simm.s32 @!p0 $0x0  }
0x16: {  	v0 =	vimm.f32 $0.0e+00;
	s19 =	sadd.s32 $0xB, s20;
	s20 =	sadd.s32 s6, s21;
	s21 =	smax.u32 s0, $0x1  }
.LBB2_10:
0x17: {  	_ =	swait.ge [sflag:s19], $0x4000;
	s0 =	stileid.u32  }
0x18: {  	s4 =	sshrl.u32 s9, $0x3;
	s31 =	sadd.s32 $0x1, s31;
	[sflag:s19] =	ssyncset.done $0x0  }
0x19: {  	s0 =	sshll.u32 s0, $0x6;
	p0 =	sne.s32 s31, s21;
	[sflag:s19] =	ssyncadd.s32 $0xFFFFC000  }
.Ltmp1:
0x1a: {  	s0 =	sor.u32 $0x1C0D, s0;
	[bflag:$0x0] =	sbarrier.arrive $0xFFFF;
	(pc) =	sbr.rel @!p0 .LBB2_11-.Ltmp1, $4  }
0x1b: {  	[hbm:s20], [sflag:s0] =	dma.local [spmem:s4], $0x2800  }
0x1c: {  	_ =	swait.ge [sflag:s23], $0x2800  }
0x1d: {  	[sflag:s23] =	ssyncset.done $0x0  }
0x1e: {  	[sflag:s23] =	ssyncadd.s32 $0xFFFFD800  }
.LBB2_1:
0x1f: {  	s0 =	simm.s32 $0x0;
	s4 =	rddreg [dreg:$0x7]  }
0x20: {  	[tilespmem:s22], [sflag:$0xD] =	stream.linear.gather [hbm4b:s4+s0], $0x2800, $0x38;
	[tilespmem:$0x1EE80] =	vst v63  }
0x21: {  	_ =	swait.ge [sflag:s23], $0x2800  }
0x22: {  	[sflag:s23] =	ssyncset.done $0x0  }
0x23: {  	s6 =	simm.s32 $0x200;
	s0 =	simm.s32 $0x0;
	[sflag:s23] =	ssyncadd.s32 $0xFFFFD800  }
.LBB2_2:
0x24: {  	p0 =	sne.s32 s6, $0xFE00;
	[tilespmem:s0+$0x670] =	vst v0  }
0x25: {  	[tilespmem:s0+$0x600] =	vst v0  }
0x26: {  	[tilespmem:s0+$0x610] =	vst v0  }
.Ltmp2:
0x27: {  	[tilespmem:s0+$0x620] =	vst v0;
	(pc) =	sbr.rel @p0 .LBB2_2-.Ltmp2, $4  }
0x28: {  	[tilespmem:s0+$0x630] =	vst v0  }
0x29: {  	[tilespmem:s0+$0x640] =	vst v0  }
0x2a: {  	[tilespmem:s0+$0x650] =	vst v0  }
0x2b: {  	[tilespmem:s0+$0x660] =	vst v0;
	s0 =	sshra.s32 s6, $0x2;
	s6 =	sadd.s32 $0x200, s6  }
0x2c: {  	[tilespmem:s0+$0x670] =	vst v0  }
0x2d: {  	[tilespmem:s0+$0x600] =	vst v0  }
0x2e: {  	[tilespmem:s0+$0x610] =	vst v0  }
0x2f: {  	[tilespmem:s0+$0x620] =	vst v0  }
0x30: {  	[tilespmem:s0+$0x630] =	vst v0  }
0x31: {  	[tilespmem:s0+$0x640] =	vst v0  }
0x32: {  	[tilespmem:s0+$0x650] =	vst v0  }
0x33: {  	[tilespmem:s0+$0x660] =	vst v0  }
0x34: {  	[spmem:s9] =	stream.linear.scatter [tilespmem:s24], [sflag:$0xD], $0x4000, $0x38;
	[tilespmem:$0x1EE80] =	vst v63  }
0x35: {  	_ =	swait.ge [sflag:s23], $0x4000  }
0x36: {  	[sflag:s23] =	ssyncset.done $0x0  }
0x37: {  	s7 =	rddreg [dreg:$0x8];
	[sflag:s23] =	ssyncadd.s32 $0xFFFFC000  }
0x38: {  	[spmem:s7] =	stream.linear.scatter [tilespmem:s24], [sflag:$0xD], $0x4000, $0x38;
	[tilespmem:$0x1EE80] =	vst v63  }
0x39: {  	_ =	swait.ge [sflag:s23], $0x4000  }
0x3a: {  	[sflag:s23] =	ssyncset.done $0x0  }
0x3b: {  	s11 =	rddreg [dreg:$0x9];
	[sflag:s23] =	ssyncadd.s32 $0xFFFFC000  }
0x3c: {  	[spmem:s11] =	stream.linear.scatter [tilespmem:s24], [sflag:$0xD], $0x4000, $0x38;
	[tilespmem:$0x1EE80] =	vst v63  }
0x3d: {  	_ =	swait.ge [sflag:s23], $0x4000  }
0x3e: {  	[sflag:s23] =	ssyncset.done $0x0  }
0x3f: {  	[sflag:s23] =	ssyncadd.s32 $0xFFFFC000  }
0x40: {  	[spmem:s13] =	stream.linear.scatter [tilespmem:s24], [sflag:$0xD], $0x4000, $0x38;
	[tilespmem:$0x1EE80] =	vst v63  }
0x41: {  	_ =	swait.ge [sflag:s23], $0x4000  }
0x42: {  	[sflag:s23] =	ssyncset.done $0x0  }
0x43: {  	[sflag:s23] =	ssyncadd.s32 $0xFFFFC000  }
0x44: {  	[spmem:s14] =	stream.linear.scatter [tilespmem:s24], [sflag:$0xD], $0x4000, $0x38;
	[tilespmem:$0x1EE80] =	vst v63  }
0x45: {  	_ =	swait.ge [sflag:s23], $0x4000  }
0x46: {  	[sflag:s23] =	ssyncset.done $0x0  }
0x47: {  	[sflag:s23] =	ssyncadd.s32 $0xFFFFC000  }
0x48: {  	s25 =	simm.s32 $0x0;
	[bflag:$0x0] =	sbarrier.arrive $0xFFFF  }
0x49: {  	[tilespmem:s25], [sflag:$0x1] =	stream.linear.gather [hbm4b:s15+s25], $0x100, $0x38;
	[tilespmem:$0x1EE80] =	vst v63  }
0x4a: {  	s12 =	simm.s32 $0x400  }
0x4b: {  	[tilespmem:s12], [sflag:$0x5] =	stream.linear.gather [hbm4b:s16+s25], $0x80, $0x38;
	[tilespmem:$0x1EE80] =	vst v63  }
.Ltmp3:
0x4c: {  	_ = 	snop;
	(pc) =	sbr.rel .LBB2_4-.Ltmp3, $4  }
0x4d: {  	s26 =	simm.s32 $0x100  }
0x4e: {  	[tilespmem:s26], [sflag:$0x2] =	stream.linear.gather [hbm4b:s17+s25], $0x100, $0x38;
	[tilespmem:$0x1EE80] =	vst v63  }
0x4f: {  	s28 =	simm.s32 $0x480  }
0x50: {  	[tilespmem:s28], [sflag:$0x6] =	stream.linear.gather [hbm4b:s18+s25], $0x80, $0x38;
	[tilespmem:$0x1EE80] =	vst v63  }
.LBB2_5:
0x51: {  	s6 =	sadd.s32 $0x1, s25  }
.LBB2_9:
0x52: {  	p0 =	sne.s32 s6, $0x4F  }
.Ltmp4:
0x53: {  	_ = 	snop;
	(pc) =	sbr.rel @!p0 .LBB2_10-.Ltmp4, $2  }
0x54: {  	_ =	sdelay $0x2  }
0x55: {  	s25 =	smov.u32 s6  }
.LBB2_4:
0x56: {  	p0 =	slt.u32 s25, s8  }
.Ltmp5:
0x57: {  	_ = 	snop;
	(pc) =	sbr.rel @!p0 .LBB2_5-.Ltmp5, $1  }
0x58: {  	_ =	sdelay $0x3  }
0x59: {  	s0 =	sand.u32 $0x1, s25;
	p0 =	sne.s32 s25, $0x0  }
0x5a: {  	s6 =	sxor.u32 @p0 $0x1, s0  }
0x5b: {  	s6 =	sadd.s32 @p0 $0xB, s6  }
0x5c: {  	_ =	swait.ge @p0 [sflag:s6], $0x4000  }
0x5d: {  	s26 =	sand.u32 $0x3, s25;
	[sflag:s6] =	ssyncset.done @p0 $0x0  }
0x5e: {  	[sflag:s6] =	ssyncadd.s32 @p0 $0xFFFFC000;
	s6 =	sadd.s32 @!p0 $0x1, s26  }
0x5f: {  	_ =	swait.ge @!p0 [sflag:s6], $0x100  }
0x60: {  	[sflag:s6] =	ssyncset.done @!p0 $0x0  }
0x61: {  	[sflag:s6] =	ssyncadd.s32 @!p0 $0xFFFFFF00;
	s6 =	sadd.s32 @!p0 $0x5, s26  }
0x62: {  	_ =	swait.ge @!p0 [sflag:s6], $0x80  }
0x63: {  	s28 =	simm.s32 @!p0 $0x0;
	[sflag:s6] =	ssyncset.done @!p0 $0x0  }
0x64: {  	s4 =	simm.s32 @!p0 $0x600;
	[sflag:s6] =	ssyncadd.s32 @!p0 $0xFFFFFF80;
	s6 =	simm.s32 @!p0 $0x80  }
0x65: {  	[tilespmem:s4], [sflag:$0x9] =	stream.indirect.gather @!p0 [hbm4b:s3+s6], $0x80, s28, s6, $0xb8;
	[tilespmem:$0x1EE80] =	vst v63  }
0x66: {  	s6 =	sadd.s32 $0x1, s25  }
0x67: {  	p0 =	sge.u32 s6, s8  }
0x68: {  	s4 =	sand.u32 @!p0 $0x3, s6  }
0x69: {  	s28 =	sadd.s32 @!p0 $0x1, s4  }
0x6a: {  	_ =	swait.ge @!p0 [sflag:s28], $0x100  }
0x6b: {  	[sflag:s28] =	ssyncset.done @!p0 $0x0  }
0x6c: {  	s7 =	sand.u32 @!p0 $0x1, s6;
	[sflag:s28] =	ssyncadd.s32 @!p0 $0xFFFFFF00;
	s28 =	sadd.s32 @!p0 $0x5, s4  }
0x6d: {  	s11 =	sshll.u32 @!p0 s7, $0xE;
	_ =	swait.ge @!p0 [sflag:s28], $0x80  }
0x6e: {  	s7 =	sadd.s32 @!p0 $0x9, s7;
	s11 =	sor.u32 @!p0 $0x600, s11;
	[sflag:s28] =	ssyncset.done @!p0 $0x0  }
0x6f: {  	s4 =	sshll.u32 @!p0 s4, $0x8;
	[sflag:s28] =	ssyncadd.s32 @!p0 $0xFFFFFF80;
	s28 =	simm.s32 @!p0 $0x80  }
0x70: {  	[tilespmem:s11], [sflag:s7] =	stream.indirect.gather @!p0 [hbm4b:s3+s28], $0x80, s4, s28, $0xb8;
	[tilespmem:$0x1EE80] =	vst v63  }
0x71: {  	s4 =	sadd.s32 $0x2, s25  }
0x72: {  	p0 =	sge.u32 s4, s8  }
0x73: {  	s7 =	sshll.u32 @!p0 s4, $0x5  }
0x74: {  	s7 =	sor.u32 @!p0 s10, s7  }
0x75: {  	s4 =	sand.u32 @!p0 $0x3, s4;
	s12 =	simm.s32 @!p0 $0x0;
	s25 =	sshll.u32 @!p0 s7, $0x5  }
0x76: {  	s11 =	sshll.u32 @!p0 s4, $0x8;
	s28 =	sadd.s32 @!p0 $0x1, s4;
	s25 =	sadd.s32 @!p0 s1, s25  }
0x77: {  	[tilespmem:s11], [sflag:s28] =	stream.linear.gather @!p0 [hbm4b:s25+s12], $0x100, $0x38;
	[tilespmem:$0x1EE80] =	vst v63  }
0x78: {  	s7 =	sshll.u32 @!p0 s7, $0x4;
	s11 =	sshll.u32 @!p0 s4, $0x7  }
0x79: {  	s7 =	sadd.s32 @!p0 s2, s7;
	s4 =	sadd.s32 @!p0 $0x5, s4;
	s11 =	sor.u32 @!p0 $0x400, s11  }
0x7a: {  	[tilespmem:s11], [sflag:s4] =	stream.linear.gather @!p0 [hbm4b:s7+s12], $0x80, $0x38;
	[tilespmem:$0x1EE80] =	vst v63  }
0x7b: {  	s11 =	sadd.s32 $0x9, s0  }
0x7c: {  	_ =	swait.ge [sflag:s11], $0x4000  }
0x7d: {  	[sflag:s11] =	ssyncset.done $0x0  }
0x7e: {  	s25 =	sshll.u32 s26, $0x8;
	[sflag:s11] =	ssyncadd.s32 $0xFFFFC000  }
0x7f: {  	v1 =	vld [tilespmem:s25+$0x0];
	_ =	sdelay $0x5  }
0x80: {  	s12 =	sshll.u32 s26, $0x7  }
0x81: {  	v2 =	vld [tilespmem:s12+$0x400]  }
0x82: {  	v1 =	vld.idx.msk [tilespmem:v1+s22+$0x0], $0xffff;
	_ =	sdelay $0x4  }
0x83: {  	v1 =	vmul.f32 v2, v1;
	_ =	sdelay $0x1  }
0x84: {  	[tilespmem:$0xAE00] =	vst v1  }
0x85: {  	v1 =	vld [tilespmem:s25+$0x10];
	_ =	sdelay $0x6  }
0x86: {  	v2 =	vld [tilespmem:s12+$0x410]  }
0x87: {  	v1 =	vld.idx.msk [tilespmem:v1+s22+$0x0], $0xffff;
	_ =	sdelay $0x4  }
0x88: {  	v1 =	vmul.f32 v2, v1;
	_ =	sdelay $0x1  }
0x89: {  	[tilespmem:$0xAE10] =	vst v1  }
0x8a: {  	v1 =	vld [tilespmem:s25+$0x20];
	_ =	sdelay $0x6  }
0x8b: {  	v2 =	vld [tilespmem:s12+$0x420]  }
0x8c: {  	v1 =	vld.idx.msk [tilespmem:v1+s22+$0x0], $0xffff;
	_ =	sdelay $0x4  }
0x8d: {  	v1 =	vmul.f32 v2, v1;
	_ =	sdelay $0x1  }
0x8e: {  	[tilespmem:$0xAE20] =	vst v1  }
0x8f: {  	v1 =	vld [tilespmem:s25+$0x30];
	_ =	sdelay $0x6  }
0x90: {  	v2 =	vld [tilespmem:s12+$0x430]  }
0x91: {  	v1 =	vld.idx.msk [tilespmem:v1+s22+$0x0], $0xffff;
	_ =	sdelay $0x4  }
0x92: {  	v1 =	vmul.f32 v2, v1;
	_ =	sdelay $0x1  }
0x93: {  	[tilespmem:$0xAE30] =	vst v1  }
0x94: {  	v1 =	vld [tilespmem:s25+$0x40];
	_ =	sdelay $0x6  }
0x95: {  	v2 =	vld [tilespmem:s12+$0x440]  }
0x96: {  	v1 =	vld.idx.msk [tilespmem:v1+s22+$0x0], $0xffff;
	_ =	sdelay $0x4  }
0x97: {  	v1 =	vmul.f32 v2, v1;
	_ =	sdelay $0x1  }
0x98: {  	[tilespmem:$0xAE40] =	vst v1  }
0x99: {  	v1 =	vld [tilespmem:s25+$0x50];
	_ =	sdelay $0x6  }
0x9a: {  	v2 =	vld [tilespmem:s12+$0x450]  }
0x9b: {  	v1 =	vld.idx.msk [tilespmem:v1+s22+$0x0], $0xffff;
	_ =	sdelay $0x4  }
0x9c: {  	v1 =	vmul.f32 v2, v1;
	_ =	sdelay $0x1  }
0x9d: {  	[tilespmem:$0xAE50] =	vst v1  }
0x9e: {  	v1 =	vld [tilespmem:s25+$0x60];
	_ =	sdelay $0x6  }
0x9f: {  	v2 =	vld [tilespmem:s12+$0x460]  }
0xa0: {  	v1 =	vld.idx.msk [tilespmem:v1+s22+$0x0], $0xffff;
	_ =	sdelay $0x4  }
0xa1: {  	v1 =	vmul.f32 v2, v1;
	_ =	sdelay $0x1  }
0xa2: {  	[tilespmem:$0xAE60] =	vst v1  }
0xa3: {  	v1 =	vld [tilespmem:s25+$0x70];
	_ =	sdelay $0x6  }
0xa4: {  	v2 =	vld [tilespmem:s12+$0x470]  }
0xa5: {  	v1 =	vld.idx.msk [tilespmem:v1+s22+$0x0], $0xffff;
	_ =	sdelay $0x4  }
0xa6: {  	s26 =	sshll.u32 s0, $0xE;
	v1 =	vmul.f32 v2, v1  }
0xa7: {  	s26 =	sor.u32 $0x600, s26  }
0xa8: {  	s28 =	simm.s32 $0x0;
	[tilespmem:$0xAE70] =	vst v1;
	v1 =	vmov s26  }
.LBB2_7:
0xa9: {  	v2 =	vmov s28  }
0xaa: {  	v2 =	vand.u32 $0xFFFFFFF0, v2  }
0xab: {  	v2 =	vbroadcast v2, $0x0;
	_ =	sdelay $0x2  }
0xac: {  	s4 =	sshll.u32 s28, $0x7  }
0xad: {  	s4 =	sand.u32 $0x3FFFFF80, s4  }
0xae: {  	v3 =	vld.idx.msk [tilespmem:v1+s4+$0x0 ss:$0x1], $0xffff  }
0xaf: {  	v2 =	vld.idx.msk [tilespmem:v2+s29+$0x0], $0xffff;
	_ =	sdelay $0x4  }
0xb0: {  	v3 =	vmul.f32 v3, v2;
	_ =	sdelay $0x1  }
0xb1: {  	[tilespmem:v1+s4+$0x0 ss:$0x1] =	vst.idx.msk $0xffff, v3  }
0xb2: {  	v3 =	vld.idx.msk [tilespmem:v1+s4+$0x10 ss:$0x1], $0xffff;
	_ =	sdelay $0x4  }
0xb3: {  	v3 =	vmul.f32 v3, v2;
	_ =	sdelay $0x1  }
0xb4: {  	[tilespmem:v1+s4+$0x10 ss:$0x1] =	vst.idx.msk $0xffff, v3  }
0xb5: {  	v3 =	vld.idx.msk [tilespmem:v1+s4+$0x20 ss:$0x1], $0xffff;
	_ =	sdelay $0x4  }
0xb6: {  	v3 =	vmul.f32 v3, v2;
	_ =	sdelay $0x1  }
0xb7: {  	[tilespmem:v1+s4+$0x20 ss:$0x1] =	vst.idx.msk $0xffff, v3  }
0xb8: {  	v3 =	vld.idx.msk [tilespmem:v1+s4+$0x30 ss:$0x1], $0xffff;
	_ =	sdelay $0x4  }
0xb9: {  	v3 =	vmul.f32 v3, v2;
	_ =	sdelay $0x1  }
0xba: {  	[tilespmem:v1+s4+$0x30 ss:$0x1] =	vst.idx.msk $0xffff, v3  }
0xbb: {  	v3 =	vld.idx.msk [tilespmem:v1+s4+$0x40 ss:$0x1], $0xffff;
	_ =	sdelay $0x4  }
0xbc: {  	v3 =	vmul.f32 v3, v2;
	_ =	sdelay $0x1  }
0xbd: {  	[tilespmem:v1+s4+$0x40 ss:$0x1] =	vst.idx.msk $0xffff, v3  }
0xbe: {  	v3 =	vld.idx.msk [tilespmem:v1+s4+$0x50 ss:$0x1], $0xffff;
	_ =	sdelay $0x4  }
0xbf: {  	v3 =	vmul.f32 v3, v2;
	_ =	sdelay $0x1  }
0xc0: {  	[tilespmem:v1+s4+$0x50 ss:$0x1] =	vst.idx.msk $0xffff, v3  }
0xc1: {  	v3 =	vld.idx.msk [tilespmem:v1+s4+$0x60 ss:$0x1], $0xffff;
	_ =	sdelay $0x4  }
0xc2: {  	v3 =	vmul.f32 v3, v2;
	_ =	sdelay $0x1  }
0xc3: {  	s7 =	sor.u32 $0x1, s28;
	[tilespmem:v1+s4+$0x60 ss:$0x1] =	vst.idx.msk $0xffff, v3  }
0xc4: {  	v4 =	vmov s7;
	v3 =	vld.idx.msk [tilespmem:v1+s4+$0x70 ss:$0x1], $0xffff  }
0xc5: {  	v4 =	vand.u32 $0xFFFFFFF1, v4  }
0xc6: {  	v4 =	vbroadcast v4, $0x0;
	_ =	sdelay $0x2  }
0xc7: {  	v2 =	vmul.f32 v3, v2;
	_ =	sdelay $0x1  }
0xc8: {  	s11 =	sshll.u32 s7, $0x7;
	[tilespmem:v1+s4+$0x70 ss:$0x1] =	vst.idx.msk $0xffff, v2  }
0xc9: {  	s4 =	sand.u32 $0x3FFFFF80, s11;
	v2 =	vld.idx.msk [tilespmem:v4+s29+$0x0], $0xffff  }
0xca: {  	v3 =	vld.idx.msk [tilespmem:v1+s4+$0x0 ss:$0x1], $0xffff;
	_ =	sdelay $0x4  }
0xcb: {  	v3 =	vmul.f32 v3, v2;
	_ =	sdelay $0x1  }
0xcc: {  	[tilespmem:v1+s4+$0x0 ss:$0x1] =	vst.idx.msk $0xffff, v3  }
0xcd: {  	v3 =	vld.idx.msk [tilespmem:v1+s4+$0x10 ss:$0x1], $0xffff;
	_ =	sdelay $0x4  }
0xce: {  	v3 =	vmul.f32 v3, v2;
	_ =	sdelay $0x1  }
0xcf: {  	[tilespmem:v1+s4+$0x10 ss:$0x1] =	vst.idx.msk $0xffff, v3  }
0xd0: {  	v3 =	vld.idx.msk [tilespmem:v1+s4+$0x20 ss:$0x1], $0xffff;
	_ =	sdelay $0x4  }
0xd1: {  	v3 =	vmul.f32 v3, v2;
	_ =	sdelay $0x1  }
0xd2: {  	[tilespmem:v1+s4+$0x20 ss:$0x1] =	vst.idx.msk $0xffff, v3  }
0xd3: {  	v3 =	vld.idx.msk [tilespmem:v1+s4+$0x30 ss:$0x1], $0xffff;
	_ =	sdelay $0x4  }
0xd4: {  	v3 =	vmul.f32 v3, v2;
	_ =	sdelay $0x1  }
0xd5: {  	[tilespmem:v1+s4+$0x30 ss:$0x1] =	vst.idx.msk $0xffff, v3  }
0xd6: {  	v3 =	vld.idx.msk [tilespmem:v1+s4+$0x40 ss:$0x1], $0xffff;
	_ =	sdelay $0x4  }
0xd7: {  	v3 =	vmul.f32 v3, v2;
	_ =	sdelay $0x1  }
0xd8: {  	[tilespmem:v1+s4+$0x40 ss:$0x1] =	vst.idx.msk $0xffff, v3  }
0xd9: {  	v3 =	vld.idx.msk [tilespmem:v1+s4+$0x50 ss:$0x1], $0xffff;
	_ =	sdelay $0x4  }
0xda: {  	v3 =	vmul.f32 v3, v2;
	_ =	sdelay $0x1  }
0xdb: {  	[tilespmem:v1+s4+$0x50 ss:$0x1] =	vst.idx.msk $0xffff, v3  }
0xdc: {  	v3 =	vld.idx.msk [tilespmem:v1+s4+$0x60 ss:$0x1], $0xffff;
	_ =	sdelay $0x4  }
0xdd: {  	v3 =	vmul.f32 v3, v2;
	_ =	sdelay $0x1  }
0xde: {  	s12 =	sor.u32 $0x2, s28;
	[tilespmem:v1+s4+$0x60 ss:$0x1] =	vst.idx.msk $0xffff, v3  }
0xdf: {  	v50 =	vmov s12;
	v3 =	vld.idx.msk [tilespmem:v1+s4+$0x70 ss:$0x1], $0xffff  }
0xe0: {  	v4 =	vand.u32 $0xFFFFFFF2, v50  }
0xe1: {  	v4 =	vbroadcast v4, $0x0;
	_ =	sdelay $0x2  }
0xe2: {  	v2 =	vmul.f32 v3, v2;
	_ =	sdelay $0x1  }
0xe3: {  	s11 =	sshll.u32 s12, $0x7;
	[tilespmem:v1+s4+$0x70 ss:$0x1] =	vst.idx.msk $0xffff, v2  }
0xe4: {  	s4 =	sand.u32 $0x3FFFFF80, s11;
	v2 =	vld.idx.msk [tilespmem:v4+s29+$0x0], $0xffff  }
0xe5: {  	v3 =	vld.idx.msk [tilespmem:v1+s4+$0x0 ss:$0x1], $0xffff;
	_ =	sdelay $0x4  }
0xe6: {  	v3 =	vmul.f32 v3, v2;
	_ =	sdelay $0x1  }
0xe7: {  	[tilespmem:v1+s4+$0x0 ss:$0x1] =	vst.idx.msk $0xffff, v3  }
0xe8: {  	v3 =	vld.idx.msk [tilespmem:v1+s4+$0x10 ss:$0x1], $0xffff;
	_ =	sdelay $0x4  }
0xe9: {  	v3 =	vmul.f32 v3, v2;
	_ =	sdelay $0x1  }
0xea: {  	[tilespmem:v1+s4+$0x10 ss:$0x1] =	vst.idx.msk $0xffff, v3  }
0xeb: {  	v3 =	vld.idx.msk [tilespmem:v1+s4+$0x20 ss:$0x1], $0xffff;
	_ =	sdelay $0x4  }
0xec: {  	v3 =	vmul.f32 v3, v2;
	_ =	sdelay $0x1  }
0xed: {  	[tilespmem:v1+s4+$0x20 ss:$0x1] =	vst.idx.msk $0xffff, v3  }
0xee: {  	v3 =	vld.idx.msk [tilespmem:v1+s4+$0x30 ss:$0x1], $0xffff;
	_ =	sdelay $0x4  }
0xef: {  	v3 =	vmul.f32 v3, v2;
	_ =	sdelay $0x1  }
0xf0: {  	[tilespmem:v1+s4+$0x30 ss:$0x1] =	vst.idx.msk $0xffff, v3  }
0xf1: {  	v3 =	vld.idx.msk [tilespmem:v1+s4+$0x40 ss:$0x1], $0xffff;
	_ =	sdelay $0x4  }
0xf2: {  	v3 =	vmul.f32 v3, v2;
	_ =	sdelay $0x1  }
0xf3: {  	[tilespmem:v1+s4+$0x40 ss:$0x1] =	vst.idx.msk $0xffff, v3  }
0xf4: {  	v3 =	vld.idx.msk [tilespmem:v1+s4+$0x50 ss:$0x1], $0xffff;
	_ =	sdelay $0x4  }
0xf5: {  	v3 =	vmul.f32 v3, v2;
	_ =	sdelay $0x1  }
0xf6: {  	[tilespmem:v1+s4+$0x50 ss:$0x1] =	vst.idx.msk $0xffff, v3  }
0xf7: {  	v3 =	vld.idx.msk [tilespmem:v1+s4+$0x60 ss:$0x1], $0xffff;
	_ =	sdelay $0x4  }
0xf8: {  	v3 =	vmul.f32 v3, v2;
	_ =	sdelay $0x1  }
0xf9: {  	s12 =	sor.u32 $0x3, s28;
	[tilespmem:v1+s4+$0x60 ss:$0x1] =	vst.idx.msk $0xffff, v3  }
0xfa: {  	v51 =	vmov s12;
	v3 =	vld.idx.msk [tilespmem:v1+s4+$0x70 ss:$0x1], $0xffff  }
0xfb: {  	v4 =	vand.u32 $0xFFFFFFF3, v51  }
0xfc: {  	v4 =	vbroadcast v4, $0x0;
	_ =	sdelay $0x2  }
0xfd: {  	v2 =	vmul.f32 v3, v2;
	_ =	sdelay $0x1  }
0xfe: {  	s11 =	sshll.u32 s12, $0x7;
	[tilespmem:v1+s4+$0x70 ss:$0x1] =	vst.idx.msk $0xffff, v2  }
0xff: {  	s4 =	sand.u32 $0x3FFFFF80, s11;
	v2 =	vld.idx.msk [tilespmem:v4+s29+$0x0], $0xffff  }
0x100: {  	v3 =	vld.idx.msk [tilespmem:v1+s4+$0x0 ss:$0x1], $0xffff;
	_ =	sdelay $0x4  }
0x101: {  	v3 =	vmul.f32 v3, v2;
	_ =	sdelay $0x1  }
0x102: {  	[tilespmem:v1+s4+$0x0 ss:$0x1] =	vst.idx.msk $0xffff, v3  }
0x103: {  	v3 =	vld.idx.msk [tilespmem:v1+s4+$0x10 ss:$0x1], $0xffff;
	_ =	sdelay $0x4  }
0x104: {  	v3 =	vmul.f32 v3, v2;
	_ =	sdelay $0x1  }
0x105: {  	[tilespmem:v1+s4+$0x10 ss:$0x1] =	vst.idx.msk $0xffff, v3  }
0x106: {  	v3 =	vld.idx.msk [tilespmem:v1+s4+$0x20 ss:$0x1], $0xffff;
	_ =	sdelay $0x4  }
0x107: {  	v3 =	vmul.f32 v3, v2;
	_ =	sdelay $0x1  }
0x108: {  	[tilespmem:v1+s4+$0x20 ss:$0x1] =	vst.idx.msk $0xffff, v3  }
0x109: {  	v3 =	vld.idx.msk [tilespmem:v1+s4+$0x30 ss:$0x1], $0xffff;
	_ =	sdelay $0x4  }
0x10a: {  	v3 =	vmul.f32 v3, v2;
	_ =	sdelay $0x1  }
0x10b: {  	[tilespmem:v1+s4+$0x30 ss:$0x1] =	vst.idx.msk $0xffff, v3  }
0x10c: {  	v3 =	vld.idx.msk [tilespmem:v1+s4+$0x40 ss:$0x1], $0xffff;
	_ =	sdelay $0x4  }
0x10d: {  	v3 =	vmul.f32 v3, v2;
	_ =	sdelay $0x1  }
0x10e: {  	[tilespmem:v1+s4+$0x40 ss:$0x1] =	vst.idx.msk $0xffff, v3  }
0x10f: {  	v3 =	vld.idx.msk [tilespmem:v1+s4+$0x50 ss:$0x1], $0xffff;
	_ =	sdelay $0x4  }
0x110: {  	v3 =	vmul.f32 v3, v2;
	_ =	sdelay $0x1  }
0x111: {  	[tilespmem:v1+s4+$0x50 ss:$0x1] =	vst.idx.msk $0xffff, v3  }
0x112: {  	v3 =	vld.idx.msk [tilespmem:v1+s4+$0x60 ss:$0x1], $0xffff;
	_ =	sdelay $0x4  }
0x113: {  	v3 =	vmul.f32 v3, v2;
	_ =	sdelay $0x1  }
0x114: {  	s12 =	sor.u32 $0x4, s28;
	[tilespmem:v1+s4+$0x60 ss:$0x1] =	vst.idx.msk $0xffff, v3  }
0x115: {  	v52 =	vmov s12;
	v3 =	vld.idx.msk [tilespmem:v1+s4+$0x70 ss:$0x1], $0xffff  }
0x116: {  	v4 =	vand.u32 $0xFFFFFFF4, v52  }
0x117: {  	v4 =	vbroadcast v4, $0x0;
	_ =	sdelay $0x2  }
0x118: {  	v2 =	vmul.f32 v3, v2;
	_ =	sdelay $0x1  }
0x119: {  	s11 =	sshll.u32 s12, $0x7;
	[tilespmem:v1+s4+$0x70 ss:$0x1] =	vst.idx.msk $0xffff, v2  }
0x11a: {  	s4 =	sand.u32 $0x3FFFFF80, s11;
	v2 =	vld.idx.msk [tilespmem:v4+s29+$0x0], $0xffff  }
0x11b: {  	v3 =	vld.idx.msk [tilespmem:v1+s4+$0x0 ss:$0x1], $0xffff;
	_ =	sdelay $0x4  }
0x11c: {  	v3 =	vmul.f32 v3, v2;
	_ =	sdelay $0x1  }
0x11d: {  	[tilespmem:v1+s4+$0x0 ss:$0x1] =	vst.idx.msk $0xffff, v3  }
0x11e: {  	v3 =	vld.idx.msk [tilespmem:v1+s4+$0x10 ss:$0x1], $0xffff;
	_ =	sdelay $0x4  }
0x11f: {  	v3 =	vmul.f32 v3, v2;
	_ =	sdelay $0x1  }
0x120: {  	[tilespmem:v1+s4+$0x10 ss:$0x1] =	vst.idx.msk $0xffff, v3  }
0x121: {  	v3 =	vld.idx.msk [tilespmem:v1+s4+$0x20 ss:$0x1], $0xffff;
	_ =	sdelay $0x4  }
0x122: {  	v3 =	vmul.f32 v3, v2;
	_ =	sdelay $0x1  }
0x123: {  	[tilespmem:v1+s4+$0x20 ss:$0x1] =	vst.idx.msk $0xffff, v3  }
0x124: {  	v3 =	vld.idx.msk [tilespmem:v1+s4+$0x30 ss:$0x1], $0xffff;
	_ =	sdelay $0x4  }
0x125: {  	v3 =	vmul.f32 v3, v2;
	_ =	sdelay $0x1  }
0x126: {  	[tilespmem:v1+s4+$0x30 ss:$0x1] =	vst.idx.msk $0xffff, v3  }
0x127: {  	v3 =	vld.idx.msk [tilespmem:v1+s4+$0x40 ss:$0x1], $0xffff;
	_ =	sdelay $0x4  }
0x128: {  	v3 =	vmul.f32 v3, v2;
	_ =	sdelay $0x1  }
0x129: {  	[tilespmem:v1+s4+$0x40 ss:$0x1] =	vst.idx.msk $0xffff, v3  }
0x12a: {  	v3 =	vld.idx.msk [tilespmem:v1+s4+$0x50 ss:$0x1], $0xffff;
	_ =	sdelay $0x4  }
0x12b: {  	v3 =	vmul.f32 v3, v2;
	_ =	sdelay $0x1  }
0x12c: {  	[tilespmem:v1+s4+$0x50 ss:$0x1] =	vst.idx.msk $0xffff, v3  }
0x12d: {  	v3 =	vld.idx.msk [tilespmem:v1+s4+$0x60 ss:$0x1], $0xffff;
	_ =	sdelay $0x4  }
0x12e: {  	v3 =	vmul.f32 v3, v2;
	_ =	sdelay $0x1  }
0x12f: {  	s12 =	sor.u32 $0x5, s28;
	[tilespmem:v1+s4+$0x60 ss:$0x1] =	vst.idx.msk $0xffff, v3  }
0x130: {  	v53 =	vmov s12;
	v3 =	vld.idx.msk [tilespmem:v1+s4+$0x70 ss:$0x1], $0xffff  }
0x131: {  	v4 =	vand.u32 $0xFFFFFFF5, v53  }
0x132: {  	v4 =	vbroadcast v4, $0x0;
	_ =	sdelay $0x2  }
0x133: {  	v2 =	vmul.f32 v3, v2;
	_ =	sdelay $0x1  }
0x134: {  	s11 =	sshll.u32 s12, $0x7;
	[tilespmem:v1+s4+$0x70 ss:$0x1] =	vst.idx.msk $0xffff, v2  }
0x135: {  	s4 =	sand.u32 $0x3FFFFF80, s11;
	v2 =	vld.idx.msk [tilespmem:v4+s29+$0x0], $0xffff  }
0x136: {  	v3 =	vld.idx.msk [tilespmem:v1+s4+$0x0 ss:$0x1], $0xffff;
	_ =	sdelay $0x4  }
0x137: {  	v3 =	vmul.f32 v3, v2;
	_ =	sdelay $0x1  }
0x138: {  	[tilespmem:v1+s4+$0x0 ss:$0x1] =	vst.idx.msk $0xffff, v3  }
0x139: {  	v3 =	vld.idx.msk [tilespmem:v1+s4+$0x10 ss:$0x1], $0xffff;
	_ =	sdelay $0x4  }
0x13a: {  	v3 =	vmul.f32 v3, v2;
	_ =	sdelay $0x1  }
0x13b: {  	[tilespmem:v1+s4+$0x10 ss:$0x1] =	vst.idx.msk $0xffff, v3  }
0x13c: {  	v3 =	vld.idx.msk [tilespmem:v1+s4+$0x20 ss:$0x1], $0xffff;
	_ =	sdelay $0x4  }
0x13d: {  	v3 =	vmul.f32 v3, v2;
	_ =	sdelay $0x1  }
0x13e: {  	[tilespmem:v1+s4+$0x20 ss:$0x1] =	vst.idx.msk $0xffff, v3  }
0x13f: {  	v3 =	vld.idx.msk [tilespmem:v1+s4+$0x30 ss:$0x1], $0xffff;
	_ =	sdelay $0x4  }
0x140: {  	v3 =	vmul.f32 v3, v2;
	_ =	sdelay $0x1  }
0x141: {  	[tilespmem:v1+s4+$0x30 ss:$0x1] =	vst.idx.msk $0xffff, v3  }
0x142: {  	v3 =	vld.idx.msk [tilespmem:v1+s4+$0x40 ss:$0x1], $0xffff;
	_ =	sdelay $0x4  }
0x143: {  	v3 =	vmul.f32 v3, v2;
	_ =	sdelay $0x1  }
0x144: {  	[tilespmem:v1+s4+$0x40 ss:$0x1] =	vst.idx.msk $0xffff, v3  }
0x145: {  	v3 =	vld.idx.msk [tilespmem:v1+s4+$0x50 ss:$0x1], $0xffff;
	_ =	sdelay $0x4  }
0x146: {  	v3 =	vmul.f32 v3, v2;
	_ =	sdelay $0x1  }
0x147: {  	[tilespmem:v1+s4+$0x50 ss:$0x1] =	vst.idx.msk $0xffff, v3  }
0x148: {  	v3 =	vld.idx.msk [tilespmem:v1+s4+$0x60 ss:$0x1], $0xffff;
	_ =	sdelay $0x4  }
0x149: {  	v3 =	vmul.f32 v3, v2;
	_ =	sdelay $0x1  }
0x14a: {  	s12 =	sor.u32 $0x6, s28;
	[tilespmem:v1+s4+$0x60 ss:$0x1] =	vst.idx.msk $0xffff, v3  }
0x14b: {  	v54 =	vmov s12;
	v3 =	vld.idx.msk [tilespmem:v1+s4+$0x70 ss:$0x1], $0xffff  }
0x14c: {  	v4 =	vand.u32 $0xFFFFFFF6, v54  }
0x14d: {  	v4 =	vbroadcast v4, $0x0;
	_ =	sdelay $0x2  }
0x14e: {  	v2 =	vmul.f32 v3, v2;
	_ =	sdelay $0x1  }
0x14f: {  	s11 =	sshll.u32 s12, $0x7;
	[tilespmem:v1+s4+$0x70 ss:$0x1] =	vst.idx.msk $0xffff, v2  }
0x150: {  	s4 =	sand.u32 $0x3FFFFF80, s11;
	v2 =	vld.idx.msk [tilespmem:v4+s29+$0x0], $0xffff  }
0x151: {  	v3 =	vld.idx.msk [tilespmem:v1+s4+$0x0 ss:$0x1], $0xffff;
	_ =	sdelay $0x4  }
0x152: {  	v3 =	vmul.f32 v3, v2;
	_ =	sdelay $0x1  }
0x153: {  	[tilespmem:v1+s4+$0x0 ss:$0x1] =	vst.idx.msk $0xffff, v3  }
0x154: {  	v3 =	vld.idx.msk [tilespmem:v1+s4+$0x10 ss:$0x1], $0xffff;
	_ =	sdelay $0x4  }
0x155: {  	v3 =	vmul.f32 v3, v2;
	_ =	sdelay $0x1  }
0x156: {  	[tilespmem:v1+s4+$0x10 ss:$0x1] =	vst.idx.msk $0xffff, v3  }
0x157: {  	v3 =	vld.idx.msk [tilespmem:v1+s4+$0x20 ss:$0x1], $0xffff;
	_ =	sdelay $0x4  }
0x158: {  	v3 =	vmul.f32 v3, v2;
	_ =	sdelay $0x1  }
0x159: {  	[tilespmem:v1+s4+$0x20 ss:$0x1] =	vst.idx.msk $0xffff, v3  }
0x15a: {  	v3 =	vld.idx.msk [tilespmem:v1+s4+$0x30 ss:$0x1], $0xffff;
	_ =	sdelay $0x4  }
0x15b: {  	v3 =	vmul.f32 v3, v2;
	_ =	sdelay $0x1  }
0x15c: {  	[tilespmem:v1+s4+$0x30 ss:$0x1] =	vst.idx.msk $0xffff, v3  }
0x15d: {  	v3 =	vld.idx.msk [tilespmem:v1+s4+$0x40 ss:$0x1], $0xffff;
	_ =	sdelay $0x4  }
0x15e: {  	v3 =	vmul.f32 v3, v2;
	_ =	sdelay $0x1  }
0x15f: {  	[tilespmem:v1+s4+$0x40 ss:$0x1] =	vst.idx.msk $0xffff, v3  }
0x160: {  	v3 =	vld.idx.msk [tilespmem:v1+s4+$0x50 ss:$0x1], $0xffff;
	_ =	sdelay $0x4  }
0x161: {  	v3 =	vmul.f32 v3, v2;
	_ =	sdelay $0x1  }
0x162: {  	[tilespmem:v1+s4+$0x50 ss:$0x1] =	vst.idx.msk $0xffff, v3  }
0x163: {  	v3 =	vld.idx.msk [tilespmem:v1+s4+$0x60 ss:$0x1], $0xffff;
	_ =	sdelay $0x4  }
0x164: {  	v3 =	vmul.f32 v3, v2;
	_ =	sdelay $0x1  }
0x165: {  	s12 =	sor.u32 $0x7, s28;
	[tilespmem:v1+s4+$0x60 ss:$0x1] =	vst.idx.msk $0xffff, v3  }
0x166: {  	v55 =	vmov s12;
	v3 =	vld.idx.msk [tilespmem:v1+s4+$0x70 ss:$0x1], $0xffff  }
0x167: {  	v4 =	vand.u32 $0xFFFFFFF7, v55  }
0x168: {  	v4 =	vbroadcast v4, $0x0;
	_ =	sdelay $0x2  }
0x169: {  	v2 =	vmul.f32 v3, v2;
	_ =	sdelay $0x1  }
0x16a: {  	s11 =	sshll.u32 s12, $0x7;
	[tilespmem:v1+s4+$0x70 ss:$0x1] =	vst.idx.msk $0xffff, v2  }
0x16b: {  	s4 =	sand.u32 $0x3FFFFF80, s11;
	v2 =	vld.idx.msk [tilespmem:v4+s29+$0x0], $0xffff  }
0x16c: {  	v3 =	vld.idx.msk [tilespmem:v1+s4+$0x0 ss:$0x1], $0xffff;
	_ =	sdelay $0x4  }
0x16d: {  	v3 =	vmul.f32 v3, v2;
	_ =	sdelay $0x1  }
0x16e: {  	[tilespmem:v1+s4+$0x0 ss:$0x1] =	vst.idx.msk $0xffff, v3  }
0x16f: {  	v3 =	vld.idx.msk [tilespmem:v1+s4+$0x10 ss:$0x1], $0xffff;
	_ =	sdelay $0x4  }
0x170: {  	v3 =	vmul.f32 v3, v2;
	_ =	sdelay $0x1  }
0x171: {  	[tilespmem:v1+s4+$0x10 ss:$0x1] =	vst.idx.msk $0xffff, v3  }
0x172: {  	v3 =	vld.idx.msk [tilespmem:v1+s4+$0x20 ss:$0x1], $0xffff;
	_ =	sdelay $0x4  }
0x173: {  	v3 =	vmul.f32 v3, v2;
	_ =	sdelay $0x1  }
0x174: {  	[tilespmem:v1+s4+$0x20 ss:$0x1] =	vst.idx.msk $0xffff, v3  }
0x175: {  	v3 =	vld.idx.msk [tilespmem:v1+s4+$0x30 ss:$0x1], $0xffff;
	_ =	sdelay $0x4  }
0x176: {  	v3 =	vmul.f32 v3, v2;
	_ =	sdelay $0x1  }
0x177: {  	[tilespmem:v1+s4+$0x30 ss:$0x1] =	vst.idx.msk $0xffff, v3  }
0x178: {  	v3 =	vld.idx.msk [tilespmem:v1+s4+$0x40 ss:$0x1], $0xffff;
	_ =	sdelay $0x4  }
0x179: {  	v3 =	vmul.f32 v3, v2;
	_ =	sdelay $0x1  }
0x17a: {  	[tilespmem:v1+s4+$0x40 ss:$0x1] =	vst.idx.msk $0xffff, v3  }
0x17b: {  	v3 =	vld.idx.msk [tilespmem:v1+s4+$0x50 ss:$0x1], $0xffff;
	_ =	sdelay $0x4  }
0x17c: {  	v3 =	vmul.f32 v3, v2;
	_ =	sdelay $0x1  }
0x17d: {  	[tilespmem:v1+s4+$0x50 ss:$0x1] =	vst.idx.msk $0xffff, v3  }
0x17e: {  	v3 =	vld.idx.msk [tilespmem:v1+s4+$0x60 ss:$0x1], $0xffff;
	_ =	sdelay $0x4  }
0x17f: {  	v3 =	vmul.f32 v3, v2;
	_ =	sdelay $0x1  }
0x180: {  	s12 =	sor.u32 $0x8, s28;
	[tilespmem:v1+s4+$0x60 ss:$0x1] =	vst.idx.msk $0xffff, v3  }
0x181: {  	v56 =	vmov s12;
	v3 =	vld.idx.msk [tilespmem:v1+s4+$0x70 ss:$0x1], $0xffff  }
0x182: {  	v4 =	vand.u32 $0xFFFFFFF8, v56  }
0x183: {  	v4 =	vbroadcast v4, $0x0;
	_ =	sdelay $0x2  }
0x184: {  	v2 =	vmul.f32 v3, v2;
	_ =	sdelay $0x1  }
0x185: {  	s11 =	sshll.u32 s12, $0x7;
	[tilespmem:v1+s4+$0x70 ss:$0x1] =	vst.idx.msk $0xffff, v2  }
0x186: {  	s4 =	sand.u32 $0x3FFFFF80, s11;
	v2 =	vld.idx.msk [tilespmem:v4+s29+$0x0], $0xffff  }
0x187: {  	v3 =	vld.idx.msk [tilespmem:v1+s4+$0x0 ss:$0x1], $0xffff;
	_ =	sdelay $0x4  }
0x188: {  	v3 =	vmul.f32 v3, v2;
	_ =	sdelay $0x1  }
0x189: {  	[tilespmem:v1+s4+$0x0 ss:$0x1] =	vst.idx.msk $0xffff, v3  }
0x18a: {  	v3 =	vld.idx.msk [tilespmem:v1+s4+$0x10 ss:$0x1], $0xffff;
	_ =	sdelay $0x4  }
0x18b: {  	v3 =	vmul.f32 v3, v2;
	_ =	sdelay $0x1  }
0x18c: {  	[tilespmem:v1+s4+$0x10 ss:$0x1] =	vst.idx.msk $0xffff, v3  }
0x18d: {  	v3 =	vld.idx.msk [tilespmem:v1+s4+$0x20 ss:$0x1], $0xffff;
	_ =	sdelay $0x4  }
0x18e: {  	v3 =	vmul.f32 v3, v2;
	_ =	sdelay $0x1  }
0x18f: {  	[tilespmem:v1+s4+$0x20 ss:$0x1] =	vst.idx.msk $0xffff, v3  }
0x190: {  	v3 =	vld.idx.msk [tilespmem:v1+s4+$0x30 ss:$0x1], $0xffff;
	_ =	sdelay $0x4  }
0x191: {  	v3 =	vmul.f32 v3, v2;
	_ =	sdelay $0x1  }
0x192: {  	[tilespmem:v1+s4+$0x30 ss:$0x1] =	vst.idx.msk $0xffff, v3  }
0x193: {  	v3 =	vld.idx.msk [tilespmem:v1+s4+$0x40 ss:$0x1], $0xffff;
	_ =	sdelay $0x4  }
0x194: {  	v3 =	vmul.f32 v3, v2;
	_ =	sdelay $0x1  }
0x195: {  	[tilespmem:v1+s4+$0x40 ss:$0x1] =	vst.idx.msk $0xffff, v3  }
0x196: {  	v3 =	vld.idx.msk [tilespmem:v1+s4+$0x50 ss:$0x1], $0xffff;
	_ =	sdelay $0x4  }
0x197: {  	v3 =	vmul.f32 v3, v2;
	_ =	sdelay $0x1  }
0x198: {  	[tilespmem:v1+s4+$0x50 ss:$0x1] =	vst.idx.msk $0xffff, v3  }
0x199: {  	v3 =	vld.idx.msk [tilespmem:v1+s4+$0x60 ss:$0x1], $0xffff;
	_ =	sdelay $0x4  }
0x19a: {  	v3 =	vmul.f32 v3, v2;
	_ =	sdelay $0x1  }
0x19b: {  	s12 =	sor.u32 $0x9, s28;
	[tilespmem:v1+s4+$0x60 ss:$0x1] =	vst.idx.msk $0xffff, v3  }
0x19c: {  	v57 =	vmov s12;
	v3 =	vld.idx.msk [tilespmem:v1+s4+$0x70 ss:$0x1], $0xffff  }
0x19d: {  	v4 =	vand.u32 $0xFFFFFFF9, v57  }
0x19e: {  	v4 =	vbroadcast v4, $0x0;
	_ =	sdelay $0x2  }
0x19f: {  	v2 =	vmul.f32 v3, v2;
	_ =	sdelay $0x1  }
0x1a0: {  	s11 =	sshll.u32 s12, $0x7;
	[tilespmem:v1+s4+$0x70 ss:$0x1] =	vst.idx.msk $0xffff, v2  }
0x1a1: {  	s4 =	sand.u32 $0x3FFFFF80, s11;
	v2 =	vld.idx.msk [tilespmem:v4+s29+$0x0], $0xffff  }
0x1a2: {  	v3 =	vld.idx.msk [tilespmem:v1+s4+$0x0 ss:$0x1], $0xffff;
	_ =	sdelay $0x4  }
0x1a3: {  	v3 =	vmul.f32 v3, v2;
	_ =	sdelay $0x1  }
0x1a4: {  	[tilespmem:v1+s4+$0x0 ss:$0x1] =	vst.idx.msk $0xffff, v3  }
0x1a5: {  	v3 =	vld.idx.msk [tilespmem:v1+s4+$0x10 ss:$0x1], $0xffff;
	_ =	sdelay $0x4  }
0x1a6: {  	v3 =	vmul.f32 v3, v2;
	_ =	sdelay $0x1  }
0x1a7: {  	[tilespmem:v1+s4+$0x10 ss:$0x1] =	vst.idx.msk $0xffff, v3  }
0x1a8: {  	v3 =	vld.idx.msk [tilespmem:v1+s4+$0x20 ss:$0x1], $0xffff;
	_ =	sdelay $0x4  }
0x1a9: {  	v3 =	vmul.f32 v3, v2;
	_ =	sdelay $0x1  }
0x1aa: {  	[tilespmem:v1+s4+$0x20 ss:$0x1] =	vst.idx.msk $0xffff, v3  }
0x1ab: {  	v3 =	vld.idx.msk [tilespmem:v1+s4+$0x30 ss:$0x1], $0xffff;
	_ =	sdelay $0x4  }
0x1ac: {  	v3 =	vmul.f32 v3, v2;
	_ =	sdelay $0x1  }
0x1ad: {  	[tilespmem:v1+s4+$0x30 ss:$0x1] =	vst.idx.msk $0xffff, v3  }
0x1ae: {  	v3 =	vld.idx.msk [tilespmem:v1+s4+$0x40 ss:$0x1], $0xffff;
	_ =	sdelay $0x4  }
0x1af: {  	v3 =	vmul.f32 v3, v2;
	_ =	sdelay $0x1  }
0x1b0: {  	[tilespmem:v1+s4+$0x40 ss:$0x1] =	vst.idx.msk $0xffff, v3  }
0x1b1: {  	v3 =	vld.idx.msk [tilespmem:v1+s4+$0x50 ss:$0x1], $0xffff;
	_ =	sdelay $0x4  }
0x1b2: {  	v3 =	vmul.f32 v3, v2;
	_ =	sdelay $0x1  }
0x1b3: {  	[tilespmem:v1+s4+$0x50 ss:$0x1] =	vst.idx.msk $0xffff, v3  }
0x1b4: {  	v3 =	vld.idx.msk [tilespmem:v1+s4+$0x60 ss:$0x1], $0xffff;
	_ =	sdelay $0x4  }
0x1b5: {  	v3 =	vmul.f32 v3, v2;
	_ =	sdelay $0x1  }
0x1b6: {  	s12 =	sor.u32 $0xA, s28;
	[tilespmem:v1+s4+$0x60 ss:$0x1] =	vst.idx.msk $0xffff, v3  }
0x1b7: {  	v58 =	vmov s12;
	v3 =	vld.idx.msk [tilespmem:v1+s4+$0x70 ss:$0x1], $0xffff  }
0x1b8: {  	v4 =	vand.u32 $0xFFFFFFFA, v58  }
0x1b9: {  	v4 =	vbroadcast v4, $0x0;
	_ =	sdelay $0x2  }
0x1ba: {  	v2 =	vmul.f32 v3, v2;
	_ =	sdelay $0x1  }
0x1bb: {  	s11 =	sshll.u32 s12, $0x7;
	[tilespmem:v1+s4+$0x70 ss:$0x1] =	vst.idx.msk $0xffff, v2  }
0x1bc: {  	s4 =	sand.u32 $0x3FFFFF80, s11;
	v2 =	vld.idx.msk [tilespmem:v4+s29+$0x0], $0xffff  }
0x1bd: {  	v3 =	vld.idx.msk [tilespmem:v1+s4+$0x0 ss:$0x1], $0xffff;
	_ =	sdelay $0x4  }
0x1be: {  	v3 =	vmul.f32 v3, v2;
	_ =	sdelay $0x1  }
0x1bf: {  	[tilespmem:v1+s4+$0x0 ss:$0x1] =	vst.idx.msk $0xffff, v3  }
0x1c0: {  	v3 =	vld.idx.msk [tilespmem:v1+s4+$0x10 ss:$0x1], $0xffff;
	_ =	sdelay $0x4  }
0x1c1: {  	v3 =	vmul.f32 v3, v2;
	_ =	sdelay $0x1  }
0x1c2: {  	[tilespmem:v1+s4+$0x10 ss:$0x1] =	vst.idx.msk $0xffff, v3  }
0x1c3: {  	v3 =	vld.idx.msk [tilespmem:v1+s4+$0x20 ss:$0x1], $0xffff;
	_ =	sdelay $0x4  }
0x1c4: {  	v3 =	vmul.f32 v3, v2;
	_ =	sdelay $0x1  }
0x1c5: {  	[tilespmem:v1+s4+$0x20 ss:$0x1] =	vst.idx.msk $0xffff, v3  }
0x1c6: {  	v3 =	vld.idx.msk [tilespmem:v1+s4+$0x30 ss:$0x1], $0xffff;
	_ =	sdelay $0x4  }
0x1c7: {  	v3 =	vmul.f32 v3, v2;
	_ =	sdelay $0x1  }
0x1c8: {  	[tilespmem:v1+s4+$0x30 ss:$0x1] =	vst.idx.msk $0xffff, v3  }
0x1c9: {  	v3 =	vld.idx.msk [tilespmem:v1+s4+$0x40 ss:$0x1], $0xffff;
	_ =	sdelay $0x4  }
0x1ca: {  	v3 =	vmul.f32 v3, v2;
	_ =	sdelay $0x1  }
0x1cb: {  	[tilespmem:v1+s4+$0x40 ss:$0x1] =	vst.idx.msk $0xffff, v3  }
0x1cc: {  	v3 =	vld.idx.msk [tilespmem:v1+s4+$0x50 ss:$0x1], $0xffff;
	_ =	sdelay $0x4  }
0x1cd: {  	v3 =	vmul.f32 v3, v2;
	_ =	sdelay $0x1  }
0x1ce: {  	[tilespmem:v1+s4+$0x50 ss:$0x1] =	vst.idx.msk $0xffff, v3  }
0x1cf: {  	v3 =	vld.idx.msk [tilespmem:v1+s4+$0x60 ss:$0x1], $0xffff;
	_ =	sdelay $0x4  }
0x1d0: {  	v3 =	vmul.f32 v3, v2;
	_ =	sdelay $0x1  }
0x1d1: {  	s12 =	sor.u32 $0xB, s28;
	[tilespmem:v1+s4+$0x60 ss:$0x1] =	vst.idx.msk $0xffff, v3  }
0x1d2: {  	v59 =	vmov s12;
	v3 =	vld.idx.msk [tilespmem:v1+s4+$0x70 ss:$0x1], $0xffff  }
0x1d3: {  	v4 =	vand.u32 $0xFFFFFFFB, v59  }
0x1d4: {  	v4 =	vbroadcast v4, $0x0;
	_ =	sdelay $0x2  }
0x1d5: {  	v2 =	vmul.f32 v3, v2;
	_ =	sdelay $0x1  }
0x1d6: {  	s11 =	sshll.u32 s12, $0x7;
	[tilespmem:v1+s4+$0x70 ss:$0x1] =	vst.idx.msk $0xffff, v2  }
0x1d7: {  	s4 =	sand.u32 $0x3FFFFF80, s11;
	v2 =	vld.idx.msk [tilespmem:v4+s29+$0x0], $0xffff  }
0x1d8: {  	v3 =	vld.idx.msk [tilespmem:v1+s4+$0x0 ss:$0x1], $0xffff;
	_ =	sdelay $0x4  }
0x1d9: {  	v3 =	vmul.f32 v3, v2;
	_ =	sdelay $0x1  }
0x1da: {  	[tilespmem:v1+s4+$0x0 ss:$0x1] =	vst.idx.msk $0xffff, v3  }
0x1db: {  	v3 =	vld.idx.msk [tilespmem:v1+s4+$0x10 ss:$0x1], $0xffff;
	_ =	sdelay $0x4  }
0x1dc: {  	v3 =	vmul.f32 v3, v2;
	_ =	sdelay $0x1  }
0x1dd: {  	[tilespmem:v1+s4+$0x10 ss:$0x1] =	vst.idx.msk $0xffff, v3  }
0x1de: {  	v3 =	vld.idx.msk [tilespmem:v1+s4+$0x20 ss:$0x1], $0xffff;
	_ =	sdelay $0x4  }
0x1df: {  	v3 =	vmul.f32 v3, v2;
	_ =	sdelay $0x1  }
0x1e0: {  	[tilespmem:v1+s4+$0x20 ss:$0x1] =	vst.idx.msk $0xffff, v3  }
0x1e1: {  	v3 =	vld.idx.msk [tilespmem:v1+s4+$0x30 ss:$0x1], $0xffff;
	_ =	sdelay $0x4  }
0x1e2: {  	v3 =	vmul.f32 v3, v2;
	_ =	sdelay $0x1  }
0x1e3: {  	[tilespmem:v1+s4+$0x30 ss:$0x1] =	vst.idx.msk $0xffff, v3  }
0x1e4: {  	v3 =	vld.idx.msk [tilespmem:v1+s4+$0x40 ss:$0x1], $0xffff;
	_ =	sdelay $0x4  }
0x1e5: {  	v3 =	vmul.f32 v3, v2;
	_ =	sdelay $0x1  }
0x1e6: {  	[tilespmem:v1+s4+$0x40 ss:$0x1] =	vst.idx.msk $0xffff, v3  }
0x1e7: {  	v3 =	vld.idx.msk [tilespmem:v1+s4+$0x50 ss:$0x1], $0xffff;
	_ =	sdelay $0x4  }
0x1e8: {  	v3 =	vmul.f32 v3, v2;
	_ =	sdelay $0x1  }
0x1e9: {  	[tilespmem:v1+s4+$0x50 ss:$0x1] =	vst.idx.msk $0xffff, v3  }
0x1ea: {  	v3 =	vld.idx.msk [tilespmem:v1+s4+$0x60 ss:$0x1], $0xffff;
	_ =	sdelay $0x4  }
0x1eb: {  	v3 =	vmul.f32 v3, v2;
	_ =	sdelay $0x1  }
0x1ec: {  	s12 =	sor.u32 $0xC, s28;
	[tilespmem:v1+s4+$0x60 ss:$0x1] =	vst.idx.msk $0xffff, v3  }
0x1ed: {  	v60 =	vmov s12;
	v3 =	vld.idx.msk [tilespmem:v1+s4+$0x70 ss:$0x1], $0xffff  }
0x1ee: {  	v4 =	vand.u32 $0xFFFFFFFC, v60  }
0x1ef: {  	v4 =	vbroadcast v4, $0x0;
	_ =	sdelay $0x2  }
0x1f0: {  	v2 =	vmul.f32 v3, v2;
	_ =	sdelay $0x1  }
0x1f1: {  	s11 =	sshll.u32 s12, $0x7;
	[tilespmem:v1+s4+$0x70 ss:$0x1] =	vst.idx.msk $0xffff, v2  }
0x1f2: {  	s4 =	sand.u32 $0x3FFFFF80, s11;
	v2 =	vld.idx.msk [tilespmem:v4+s29+$0x0], $0xffff  }
0x1f3: {  	v3 =	vld.idx.msk [tilespmem:v1+s4+$0x0 ss:$0x1], $0xffff;
	_ =	sdelay $0x4  }
0x1f4: {  	v3 =	vmul.f32 v3, v2;
	_ =	sdelay $0x1  }
0x1f5: {  	[tilespmem:v1+s4+$0x0 ss:$0x1] =	vst.idx.msk $0xffff, v3  }
0x1f6: {  	v3 =	vld.idx.msk [tilespmem:v1+s4+$0x10 ss:$0x1], $0xffff;
	_ =	sdelay $0x4  }
0x1f7: {  	v3 =	vmul.f32 v3, v2;
	_ =	sdelay $0x1  }
0x1f8: {  	[tilespmem:v1+s4+$0x10 ss:$0x1] =	vst.idx.msk $0xffff, v3  }
0x1f9: {  	v3 =	vld.idx.msk [tilespmem:v1+s4+$0x20 ss:$0x1], $0xffff;
	_ =	sdelay $0x4  }
0x1fa: {  	v3 =	vmul.f32 v3, v2;
	_ =	sdelay $0x1  }
0x1fb: {  	[tilespmem:v1+s4+$0x20 ss:$0x1] =	vst.idx.msk $0xffff, v3  }
0x1fc: {  	v3 =	vld.idx.msk [tilespmem:v1+s4+$0x30 ss:$0x1], $0xffff;
	_ =	sdelay $0x4  }
0x1fd: {  	v3 =	vmul.f32 v3, v2;
	_ =	sdelay $0x1  }
0x1fe: {  	[tilespmem:v1+s4+$0x30 ss:$0x1] =	vst.idx.msk $0xffff, v3  }
0x1ff: {  	v3 =	vld.idx.msk [tilespmem:v1+s4+$0x40 ss:$0x1], $0xffff;
	_ =	sdelay $0x4  }
0x200: {  	v3 =	vmul.f32 v3, v2;
	_ =	sdelay $0x1  }
0x201: {  	[tilespmem:v1+s4+$0x40 ss:$0x1] =	vst.idx.msk $0xffff, v3  }
0x202: {  	v3 =	vld.idx.msk [tilespmem:v1+s4+$0x50 ss:$0x1], $0xffff;
	_ =	sdelay $0x4  }
0x203: {  	v3 =	vmul.f32 v3, v2;
	_ =	sdelay $0x1  }
0x204: {  	[tilespmem:v1+s4+$0x50 ss:$0x1] =	vst.idx.msk $0xffff, v3  }
0x205: {  	v3 =	vld.idx.msk [tilespmem:v1+s4+$0x60 ss:$0x1], $0xffff;
	_ =	sdelay $0x4  }
0x206: {  	v3 =	vmul.f32 v3, v2;
	_ =	sdelay $0x1  }
0x207: {  	s12 =	sor.u32 $0xD, s28;
	[tilespmem:v1+s4+$0x60 ss:$0x1] =	vst.idx.msk $0xffff, v3  }
0x208: {  	v61 =	vmov s12;
	v3 =	vld.idx.msk [tilespmem:v1+s4+$0x70 ss:$0x1], $0xffff  }
0x209: {  	v4 =	vand.u32 $0xFFFFFFFD, v61  }
0x20a: {  	v4 =	vbroadcast v4, $0x0;
	_ =	sdelay $0x2  }
0x20b: {  	v2 =	vmul.f32 v3, v2;
	_ =	sdelay $0x1  }
0x20c: {  	s11 =	sshll.u32 s12, $0x7;
	[tilespmem:v1+s4+$0x70 ss:$0x1] =	vst.idx.msk $0xffff, v2  }
0x20d: {  	s4 =	sand.u32 $0x3FFFFF80, s11;
	v2 =	vld.idx.msk [tilespmem:v4+s29+$0x0], $0xffff  }
0x20e: {  	v3 =	vld.idx.msk [tilespmem:v1+s4+$0x0 ss:$0x1], $0xffff;
	_ =	sdelay $0x4  }
0x20f: {  	v3 =	vmul.f32 v3, v2;
	_ =	sdelay $0x1  }
0x210: {  	[tilespmem:v1+s4+$0x0 ss:$0x1] =	vst.idx.msk $0xffff, v3  }
0x211: {  	v3 =	vld.idx.msk [tilespmem:v1+s4+$0x10 ss:$0x1], $0xffff;
	_ =	sdelay $0x4  }
0x212: {  	v3 =	vmul.f32 v3, v2;
	_ =	sdelay $0x1  }
0x213: {  	[tilespmem:v1+s4+$0x10 ss:$0x1] =	vst.idx.msk $0xffff, v3  }
0x214: {  	v3 =	vld.idx.msk [tilespmem:v1+s4+$0x20 ss:$0x1], $0xffff;
	_ =	sdelay $0x4  }
0x215: {  	v3 =	vmul.f32 v3, v2;
	_ =	sdelay $0x1  }
0x216: {  	[tilespmem:v1+s4+$0x20 ss:$0x1] =	vst.idx.msk $0xffff, v3  }
0x217: {  	v3 =	vld.idx.msk [tilespmem:v1+s4+$0x30 ss:$0x1], $0xffff;
	_ =	sdelay $0x4  }
0x218: {  	v3 =	vmul.f32 v3, v2;
	_ =	sdelay $0x1  }
0x219: {  	[tilespmem:v1+s4+$0x30 ss:$0x1] =	vst.idx.msk $0xffff, v3  }
0x21a: {  	v3 =	vld.idx.msk [tilespmem:v1+s4+$0x40 ss:$0x1], $0xffff;
	_ =	sdelay $0x4  }
0x21b: {  	v3 =	vmul.f32 v3, v2;
	_ =	sdelay $0x1  }
0x21c: {  	[tilespmem:v1+s4+$0x40 ss:$0x1] =	vst.idx.msk $0xffff, v3  }
0x21d: {  	v3 =	vld.idx.msk [tilespmem:v1+s4+$0x50 ss:$0x1], $0xffff;
	_ =	sdelay $0x4  }
0x21e: {  	v3 =	vmul.f32 v3, v2;
	_ =	sdelay $0x1  }
0x21f: {  	[tilespmem:v1+s4+$0x50 ss:$0x1] =	vst.idx.msk $0xffff, v3  }
0x220: {  	v3 =	vld.idx.msk [tilespmem:v1+s4+$0x60 ss:$0x1], $0xffff;
	_ =	sdelay $0x4  }
0x221: {  	v3 =	vmul.f32 v3, v2;
	_ =	sdelay $0x1  }
0x222: {  	s12 =	sor.u32 $0xE, s28;
	[tilespmem:v1+s4+$0x60 ss:$0x1] =	vst.idx.msk $0xffff, v3  }
0x223: {  	v62 =	vmov s12;
	v3 =	vld.idx.msk [tilespmem:v1+s4+$0x70 ss:$0x1], $0xffff  }
0x224: {  	v4 =	vand.u32 $0xFFFFFFFE, v62  }
0x225: {  	v4 =	vbroadcast v4, $0x0;
	_ =	sdelay $0x2  }
0x226: {  	v2 =	vmul.f32 v3, v2;
	_ =	sdelay $0x1  }
0x227: {  	s7 =	sshll.u32 s12, $0x7;
	[tilespmem:v1+s4+$0x70 ss:$0x1] =	vst.idx.msk $0xffff, v2  }
0x228: {  	s4 =	sand.u32 $0x3FFFFF80, s7;
	v2 =	vld.idx.msk [tilespmem:v4+s29+$0x0], $0xffff  }
0x229: {  	v3 =	vld.idx.msk [tilespmem:v1+s4+$0x0 ss:$0x1], $0xffff;
	_ =	sdelay $0x4  }
0x22a: {  	v3 =	vmul.f32 v3, v2;
	_ =	sdelay $0x1  }
0x22b: {  	[tilespmem:v1+s4+$0x0 ss:$0x1] =	vst.idx.msk $0xffff, v3  }
0x22c: {  	v3 =	vld.idx.msk [tilespmem:v1+s4+$0x10 ss:$0x1], $0xffff;
	_ =	sdelay $0x4  }
0x22d: {  	v3 =	vmul.f32 v3, v2;
	_ =	sdelay $0x1  }
0x22e: {  	[tilespmem:v1+s4+$0x10 ss:$0x1] =	vst.idx.msk $0xffff, v3  }
0x22f: {  	v3 =	vld.idx.msk [tilespmem:v1+s4+$0x20 ss:$0x1], $0xffff;
	_ =	sdelay $0x4  }
0x230: {  	v3 =	vmul.f32 v3, v2;
	_ =	sdelay $0x1  }
0x231: {  	[tilespmem:v1+s4+$0x20 ss:$0x1] =	vst.idx.msk $0xffff, v3  }
0x232: {  	v3 =	vld.idx.msk [tilespmem:v1+s4+$0x30 ss:$0x1], $0xffff;
	_ =	sdelay $0x4  }
0x233: {  	v3 =	vmul.f32 v3, v2;
	_ =	sdelay $0x1  }
0x234: {  	[tilespmem:v1+s4+$0x30 ss:$0x1] =	vst.idx.msk $0xffff, v3  }
0x235: {  	v3 =	vld.idx.msk [tilespmem:v1+s4+$0x40 ss:$0x1], $0xffff;
	_ =	sdelay $0x4  }
0x236: {  	v3 =	vmul.f32 v3, v2;
	_ =	sdelay $0x1  }
0x237: {  	[tilespmem:v1+s4+$0x40 ss:$0x1] =	vst.idx.msk $0xffff, v3  }
0x238: {  	v3 =	vld.idx.msk [tilespmem:v1+s4+$0x50 ss:$0x1], $0xffff;
	_ =	sdelay $0x4  }
0x239: {  	v3 =	vmul.f32 v3, v2;
	_ =	sdelay $0x1  }
0x23a: {  	[tilespmem:v1+s4+$0x50 ss:$0x1] =	vst.idx.msk $0xffff, v3  }
0x23b: {  	v3 =	vld.idx.msk [tilespmem:v1+s4+$0x60 ss:$0x1], $0xffff;
	_ =	sdelay $0x4  }
0x23c: {  	v3 =	vmul.f32 v3, v2;
	_ =	sdelay $0x1  }
0x23d: {  	[tilespmem:v1+s4+$0x60 ss:$0x1] =	vst.idx.msk $0xffff, v3  }
0x23e: {  	v3 =	vld.idx.msk [tilespmem:v1+s4+$0x70 ss:$0x1], $0xffff;
	_ =	sdelay $0x1  }
0x23f: {  	s11 =	sor.u32 $0xF, s28  }
0x240: {  	v63 =	vmov s11;
	_ =	sdelay $0x1  }
0x241: {  	v2 =	vmul.f32 v3, v2;
	_ =	sdelay $0x1  }
0x242: {  	s12 =	sshll.u32 s11, $0x7;
	[tilespmem:v1+s4+$0x70 ss:$0x1] =	vst.idx.msk $0xffff, v2  }
0x243: {  	s4 =	sand.u32 $0x3FFFFF80, s12;
	v2 =	vld.idx.msk [tilespmem:v63+s29+$0x0], $0xffff  }
0x244: {  	v3 =	vld.idx.msk [tilespmem:v1+s4+$0x0 ss:$0x1], $0xffff;
	_ =	sdelay $0x4  }
0x245: {  	v3 =	vmul.f32 v3, v2;
	_ =	sdelay $0x1  }
0x246: {  	[tilespmem:v1+s4+$0x0 ss:$0x1] =	vst.idx.msk $0xffff, v3  }
0x247: {  	v3 =	vld.idx.msk [tilespmem:v1+s4+$0x10 ss:$0x1], $0xffff;
	_ =	sdelay $0x4  }
0x248: {  	v3 =	vmul.f32 v3, v2;
	_ =	sdelay $0x1  }
0x249: {  	[tilespmem:v1+s4+$0x10 ss:$0x1] =	vst.idx.msk $0xffff, v3  }
0x24a: {  	v3 =	vld.idx.msk [tilespmem:v1+s4+$0x20 ss:$0x1], $0xffff;
	_ =	sdelay $0x4  }
0x24b: {  	v3 =	vmul.f32 v3, v2;
	_ =	sdelay $0x1  }
0x24c: {  	[tilespmem:v1+s4+$0x20 ss:$0x1] =	vst.idx.msk $0xffff, v3  }
0x24d: {  	v3 =	vld.idx.msk [tilespmem:v1+s4+$0x30 ss:$0x1], $0xffff;
	_ =	sdelay $0x4  }
0x24e: {  	v3 =	vmul.f32 v3, v2;
	_ =	sdelay $0x1  }
0x24f: {  	[tilespmem:v1+s4+$0x30 ss:$0x1] =	vst.idx.msk $0xffff, v3  }
0x250: {  	v3 =	vld.idx.msk [tilespmem:v1+s4+$0x40 ss:$0x1], $0xffff;
	_ =	sdelay $0x4  }
0x251: {  	v3 =	vmul.f32 v3, v2;
	_ =	sdelay $0x1  }
0x252: {  	[tilespmem:v1+s4+$0x40 ss:$0x1] =	vst.idx.msk $0xffff, v3  }
0x253: {  	v3 =	vld.idx.msk [tilespmem:v1+s4+$0x50 ss:$0x1], $0xffff;
	_ =	sdelay $0x4  }
0x254: {  	v3 =	vmul.f32 v3, v2;
	_ =	sdelay $0x1  }
0x255: {  	[tilespmem:v1+s4+$0x50 ss:$0x1] =	vst.idx.msk $0xffff, v3  }
0x256: {  	v3 =	vld.idx.msk [tilespmem:v1+s4+$0x60 ss:$0x1], $0xffff;
	_ =	sdelay $0x4  }
0x257: {  	v3 =	vmul.f32 v3, v2;
	_ =	sdelay $0x1  }
0x258: {  	[tilespmem:v1+s4+$0x60 ss:$0x1] =	vst.idx.msk $0xffff, v3  }
0x259: {  	v3 =	vld.idx.msk [tilespmem:v1+s4+$0x70 ss:$0x1], $0xffff;
	_ =	sdelay $0x1  }
0x25a: {  	p0 =	slt.u32 s28, $0x70  }
.Ltmp6:
0x25b: {  	_ = 	snop;
	(pc) =	sbr.rel @p0 .LBB2_7-.Ltmp6, $3  }
0x25c: {  	_ = 	snop  }
0x25d: {  	v2 =	vmul.f32 v3, v2;
	_ =	sdelay $0x1  }
0x25e: {  	s28 =	sadd.s32 $0x10, s28;
	[tilespmem:v1+s4+$0x70 ss:$0x1] =	vst.idx.msk $0xffff, v2  }
.Ltmp7:
0x25f: {  	(pc) =	sbr.rel .LBB2_9-.Ltmp7, $3  }
0x260: {  	_ =	sdelay $0x1  }
0x261: {  	s4 =	sadd.s32 $0x80, s25;
	s0 =	sadd.s32 $0xB, s0  }
0x262: {  	[spmem:s5] =	stream.indirect.scatter.add.f32 [tilespmem:s26], [sflag:s0], $0x80, s4, s30, $0xb8;
	[tilespmem:$0x1EE80] =	vst v63  }
.LBB2_11:
0x263: {  	_ =	sfence.sel $0x180000  }
0x264: {  	[bflag:$0x0] =	sbarrier.arrive $0xFFFF  }
0x265: {  	_ =	strace $0x9000004A  }
0x266: {  	s0 =	stileid.u32;
	[bflag:$0x2] =	sbarrier.arrive $0xFFFF  }
0x267: {  	p0 =	sne.s32 s0, $0x0;
	s0 =	rddreg [dreg:$0x6]  }
0x268: {  	s0 =	sadd.s32 @!p0 $0x100000, s0  }
0x269: {  	[sflag:s0] =	ssyncadd.tile.s32 @!p0 $0x1;
	_ =	shalt  }
.Lfunc_end2:
_tile_overlayer_lowered:
.L_overlay_start_2:
0x26a: {  	(tag) =	ssettag $0x2  }
0x26b: {  	s0 =	rddreg [dreg:$0x0];
	s2 =	stileid.u32  }
0x26c: {  	s1 =	rddreg [dreg:$0x1];
	p0 =	sne.s32 s2, $0x0  }
0x26d: {  	s3 =	rddreg [dreg:$0x2];
	[bflag:$0x3] =	sbarrier.arrive $0xFFFF;
	s2 =	simm.s32 @!p0 $0x1C0D  }
0x26e: {  	[timem:s3], [sflag:s2] =	dma.local @!p0 [hbm:s0], s1  }
0x26f: {  	s0 =	simm.s32 @!p0 $0xD  }
0x270: {  	_ =	swait.ge @!p0 [sflag:s0], s1  }
0x271: {  	s1 =	ssub.s32 @!p0 $0x0, s1;
	[sflag:s0] =	ssyncset.done @!p0 $0x0  }
0x272: {  	[sflag:s0] =	ssyncadd.s32 @!p0 s1  }
0x273: {  	[bflag:$0x3] =	sbarrier.arrive $0xFFFF  }
0x274: {  	_ =	shalt  }

// kernel: kernel.7.cloned.1.call-start
scs
__scs_entry_jumppad:
0x0: {  	(pc) =	sbr.rel $0x88, $3  }
0x1: {  	(tag) =	ssettag $0x0;
	lr =	simm.s32 $0x1  }
0x2: {  	[smem:$0x3F9C] =	sst lr;
	_ =	strace $0xD0000000  }
0x3: {  	_ = 	snop  }
0x4: {  	_ = 	snop  }
0x5: {  	_ = 	snop  }
0x6: {  	_ = 	snop  }
0x7: {  	_ = 	snop  }
__scs_overlays_trampoline_lowered:
0x8: {  	[smem:$0x3FAB] =	sst s0  }
0x9: {  	[smem:$0x3FAC] =	sst s1  }
0xa: {  	[smem:$0x3FAD] =	sst s2  }
0xb: {  	[smem:$0x3FAE] =	sst s3  }
0xc: {  	[smem:$0x3FAF] =	sst s4  }
0xd: {  	[smem:$0x3FB0] =	sst s5  }
0xe: {  	[smem:$0x3FB1] =	sst s6  }
0xf: {  	[smem:$0x3FB2] =	sst s7  }
0x10: {  	[smem:$0x3FB3] =	sst s8  }
0x11: {  	[smem:$0x3FB4] =	sst s9;
	s0 =	simm.s32 @!p0 $0x0  }
0x12: {  	s1 =	sld [smem:$0x3F9A];
	s0 =	simm.s32 @p0 $0x1  }
0x13: {  	[smem:$0x3FB5] =	sst s0;
	s0 =	simm.s32 @!p1 $0x0  }
0x14: {  	s2 =	sld [smem:$0x3F99];
	s0 =	simm.s32 @p1 $0x1  }
0x15: {  	[smem:$0x3FB6] =	sst s0;
	s0 =	simm.s32 @!p2 $0x0  }
0x16: {  	s3 =	sld [smem:$0x3FDB];
	s0 =	simm.s32 @p2 $0x1  }
0x17: {  	s4 =	simm.s32 $0x1BF5;
	[smem:$0x3FB8] =	sst s0  }
0x18: {  	s0 =	sld [smem:$0x3F9B];
	_ =	swait.ge [sflag:s4], $0x0  }
0x19: {  	s7 =	sld [smem:$0x3F9C]  }
0x1a: {  	s8 =	sadd.s32 $0xFFFFE003, lr  }
0x1b: {  	s9 =	sadd.s32 $0xFFFFFEF7, lr;
	s5 =	simm.s32 $0xFFFFFFFF;
	p2 =	slt.u32 s8, $0xFFFFF086  }
0x1c: {  	p1 =	slt.u32 s9, $0xF7A;
	s5 =	simm.s32 @!p2 $0x0  }
0x1d: {  	s5 =	simm.s32 @p1 $0x1;
	p0 =	seq.s32 s7, s2  }
0x1e: {  	s7 =	smul.u32 @!p0 $0xF7A, s2;
	p2 =	seq.s32 @!p0 s5, $0x0  }
0x1f: {  	s9 =	smul.u32 $0xF7A, s1;
	s8 =	simm.s32 @!p0 $0x1BF5;
	p2 =	por !p2, p0  }
0x20: {  	[sflag:s8] =	ssyncset.s32 @!p0 $0xFFFFF086;
	s6 =	sadd.s32 @!p0 s3, s7;
	s7 =	simm.s32 @!p0 $0x108  }
0x21: {  	s3 =	sadd.s32 s3, s9;
	s6 =	sadd.s32 @!p0 $0x88, s6;
	s7 =	simm.s32 @p2 $0x1082  }
0x22: {  	[simem:s7], [sflag:s8] =	dma.local @!p0 [hbm:s6], $0xF7A  }
0x23: {  	s9 =	sor.u32 $0xD0000000, s2;
	s6 =	simm.s32 $0x108;
	_ =	swait.ge @!p0 [sflag:s8], $0x0  }
0x24: {  	s3 =	sadd.s32 $0x88, s3;
	s6 =	simm.s32 @!p1 $0x1082;
	[sflag:s4] =	ssyncset.s32 $0xFFFFF086  }
0x25: {  	[simem:s6], [sflag:s4] =	dma.local [hbm:s3], $0xF7A  }
0x26: {  	[smem:$0x3F9C] =	sst s1;
	(tag) =	ssettag s2;
	_ =	strace s9  }
0x27: {  	s1 =	sld [smem:$0x3FAC]  }
0x28: {  	s2 =	sld [smem:$0x3FAD]  }
0x29: {  	s4 =	sld [smem:$0x3FAF]  }
0x2a: {  	p0 =	seq.s32 s5, $0x0;
	s5 =	sld [smem:$0x3FB0]  }
0x2b: {  	s6 =	sld [smem:$0x3FB1]  }
0x2c: {  	s7 =	sld [smem:$0x3FB2]  }
0x2d: {  	s3 =	simm.s32 $0x108;
	s8 =	sld [smem:$0x3FB3]  }
0x2e: {  	s3 =	simm.s32 @!p0 $0x1082;
	s9 =	sld [smem:$0x3FB4]  }
0x2f: {  	lr =	sadd.s32 s0, s3;
	s0 =	sld [smem:$0x3FAB]  }
0x30: {  	s3 =	sld [smem:$0x3FAE]  }
0x31: {  	[smem:$0x3FB7] =	sst s10  }
0x32: {  	s10 =	sld [smem:$0x3FB5];
	_ =	sdelay $0x3  }
0x33: {  	p0 =	seq.s32 s10, $0x1;
	s10 =	sld [smem:$0x3FB7];
	_ =	sdelay $0x3  }
0x34: {  	[smem:$0x3FB7] =	sst s10  }
0x35: {  	s10 =	sld [smem:$0x3FB6];
	_ =	sdelay $0x3  }
0x36: {  	p1 =	seq.s32 s10, $0x1;
	s10 =	sld [smem:$0x3FB7];
	_ =	sdelay $0x3  }
0x37: {  	[smem:$0x3FB7] =	sst s10  }
0x38: {  	s10 =	sld [smem:$0x3FB8]  }
0x39: {  	_ = 	snop;
	(pc) =	sbr.ind lr, $3  }
0x3a: {  	_ = 	snop  }
0x3b: {  	_ = 	snop  }
0x3c: {  	p2 =	seq.s32 s10, $0x1;
	s10 =	sld [smem:$0x3FB7]  }
0x3d: {  	_ =	shalt  }
0x3e: {  	_ =	shalt  }
0x3f: {  	_ =	shalt  }
0x40: {  	_ =	shalt  }
0x41: {  	_ =	shalt  }
0x42: {  	_ =	shalt  }
0x43: {  	_ =	shalt  }
0x44: {  	_ =	shalt  }
0x45: {  	_ =	shalt  }
0x46: {  	_ =	shalt  }
0x47: {  	_ =	shalt  }
0x48: {  	_ =	shalt  }
0x49: {  	_ =	shalt  }
0x4a: {  	_ =	shalt  }
0x4b: {  	_ =	shalt  }
0x4c: {  	_ =	shalt  }
0x4d: {  	_ =	shalt  }
0x4e: {  	_ =	shalt  }
0x4f: {  	_ =	shalt  }
0x50: {  	_ =	shalt  }
0x51: {  	_ =	shalt  }
0x52: {  	_ =	shalt  }
0x53: {  	_ =	shalt  }
0x54: {  	_ =	shalt  }
0x55: {  	_ =	shalt  }
0x56: {  	_ =	shalt  }
0x57: {  	_ =	shalt  }
0x58: {  	_ =	shalt  }
0x59: {  	_ =	shalt  }
0x5a: {  	_ =	shalt  }
0x5b: {  	_ =	shalt  }
0x5c: {  	_ =	shalt  }
0x5d: {  	_ =	shalt  }
0x5e: {  	_ =	shalt  }
0x5f: {  	_ =	shalt  }
0x60: {  	_ =	shalt  }
0x61: {  	_ =	shalt  }
0x62: {  	_ =	shalt  }
0x63: {  	_ =	shalt  }
0x64: {  	_ =	shalt  }
0x65: {  	_ =	shalt  }
0x66: {  	_ =	shalt  }
0x67: {  	_ =	shalt  }
0x68: {  	_ =	shalt  }
0x69: {  	_ =	shalt  }
0x6a: {  	_ =	shalt  }
0x6b: {  	_ =	shalt  }
0x6c: {  	_ =	shalt  }
0x6d: {  	_ =	shalt  }
0x6e: {  	_ =	shalt  }
0x6f: {  	_ =	shalt  }
0x70: {  	_ =	shalt  }
0x71: {  	_ =	shalt  }
0x72: {  	_ =	shalt  }
0x73: {  	_ =	shalt  }
0x74: {  	_ =	shalt  }
0x75: {  	_ =	shalt  }
0x76: {  	_ =	shalt  }
0x77: {  	_ =	shalt  }
0x78: {  	_ =	shalt  }
0x79: {  	_ =	shalt  }
0x7a: {  	_ =	shalt  }
0x7b: {  	_ =	shalt  }
0x7c: {  	_ =	shalt  }
0x7d: {  	_ =	shalt  }
0x7e: {  	_ =	shalt  }
0x7f: {  	_ =	shalt  }
0x80: {  	_ =	shalt  }
0x81: {  	_ =	shalt  }
0x82: {  	_ =	shalt  }
0x83: {  	_ =	shalt  }
0x84: {  	_ =	shalt  }
0x85: {  	_ =	shalt  }
0x86: {  	_ =	shalt  }
0x87: {  	_ =	shalt  }
.Lfunc_end0:
.L_simem_size_0:
called_computation_lowered:
.L_overlay_start_0:
0x88: {  	s2 =	sld [smem:$0x3FD9]  }
0x89: {  	s3 =	sld [smem:$0x3FFE];
	_ =	sdelay $0x1  }
0x8a: {  	s1 =	srdreg.scid  }
0x8b: {  	s0 =	sand.u32 $0x1, s1  }
0x8c: {  	s17 =	sshll.u32 s0, $0xA;
	s2 =	sadd.s32 s3, s2  }
0x8d: {  	s2 =	sadd.s32 s2, s17  }
0x8e: {  	[smem:$0x3FC3] =	sst s2  }
0x8f: {  	_ = 	snop  }
0x90: {  	s2 =	sld [smem:$0x3FC8]  }
0x91: {  	s18 =	sld [smem:$0x3FC7];
	(tm) =	ssettm $0x1  }
0x92: {  	s4 =	sld [smem:$0x3FFB];
	_ =	sdelay $0x3  }
0x93: {  	_ =	strace s4  }
0x94: {  	s4 =	sld [smem:$0x3FFC];
	_ =	sdelay $0x3  }
0x95: {  	_ =	strace s4  }
0x96: {  	s4 =	sld [smem:$0x3FFD];
	_ =	sdelay $0x3  }
0x97: {  	_ =	strace s4  }
0x98: {  	_ =	strace $0x8FFFFFFF  }
0x99: {  	s19 =	sld [smem:$0x3FDB];
	_ =	sdelay $0x1  }
0x9a: {  	s5 =	simm.s32 $_scs_section_size  }
0x9b: {  	s6 =	simm.s32 $_size__tile_overlayer_lowered;
	s7 =	simm.s32 $_tile_overlayer_lowered  }
0x9c: {  	s22 =	simm.s32 $0x1BFF;
	s21 =	sshll.u32 s7, $0x1;
	s4 =	sadd.s32 s5, s19  }
0x9d: {  	s8 =	simm.s32 $0x0;
	s20 =	sshll.u32 s6, $0x1;
	s6 =	sadd.s32 s21, s4  }
0x9e: {  	[timem:s8], [sflag:s22] =	dma.local [hbm:s6], s20  }
0x9f: {  	_ =	swait.ge [sflag:s22], s20  }
0xa0: {  	s5 =	ssub.s32 $0x0, s20;
	[sflag:s22] =	ssyncset.done $0x0  }
0xa1: {  	[sflag:s22] =	ssyncadd.s32 s5;
	_ =	sdelay $0x1  }
0xa2: {  	s23 =	simm.s32 $0x1B8B  }
0xa3: {  	_ =	swait.ge [sflag:s23], $0x1  }
0xa4: {  	[sflag:s23] =	ssyncset.done $0x0  }
0xa5: {  	s25 =	simm.s32 $0x1B8E;
	s24 =	sld [smem:$0x3FFE];
	[sflag:s23] =	ssyncadd.s32 $0xFFFFFFFF  }
0xa6: {  	s26 =	simm.s32 $execute0_lowered;
	[smem:$0x3FD2] =	sst s25  }
0xa7: {  	s6 =	sshll.u32 s26, $0x1;
	_ =	strace $0x80000046;
	[dreg:$0x1] =	wrdreg $0xFFFFFFFF  }
0xa8: {  	s28 =	simm.s32 $_size_execute0_lowered;
	s4 =	sadd.s32 s4, s6;
	[dreg:$0x0] =	wrdreg $0x0  }
0xa9: {  	s6 =	sshll.u32 s28, $0x1;
	[dreg:$0x2] =	wrdreg s4  }
0xaa: {  	[dreg:$0x3] =	wrdreg s6  }
0xab: {  	[dreg:$0x4] =	wrdreg $0xC0  }
0xac: {  	_ =	task [dreg:s8], $0x5FFFF  }
0xad: {  	[dreg:$0x1] =	wrdreg $0xFFFFFFFF  }
0xae: {  	[dreg:$0x0] =	wrdreg $0x60  }
0xaf: {  	[dreg:$0x2] =	wrdreg s2  }
0xb0: {  	[dreg:$0x3] =	wrdreg s18  }
0xb1: {  	[dreg:$0x4] =	wrdreg s24  }
0xb2: {  	[dreg:$0x5] =	wrdreg $0xC9000  }
0xb3: {  	[dreg:$0x6] =	wrdreg $0x9  }
0xb4: {  	_ =	task.clear_ibuf [dreg:s8], $0x7FFFF;
	_ =	strace $0x90000046  }
0xb5: {  	s29 =	simm.s32 $0x9;
	_ =	strace $0x80000048  }
0xb6: {  	_ =	swait.ge [sflag:s29], $0x1  }
0xb7: {  	[sflag:s29] =	ssyncadd.s32 $0xFFFFFFFF  }
0xb8: {  	_ =	strace $0x90000048  }
0xb9: {  	_ =	sfence  }
0xba: {  	s30 =	sld [smem:$0x0];
	_ =	sdelay $0x2  }
0xbb: {  	s31 =	sshll.u32 s1, $0xD;
	s1 =	sshrl.u32 s1, $0x2  }
0xbc: {  	s3 =	sand.u32 $0x4000, s31;
	s1 =	sadd.s32 s1, s30  }
0xbd: {  	s0 =	sor.u32 s3, s0;
	s1 =	sshll.u32 s1, $0x11  }
0xbe: {  	s0 =	sor.u32 s1, s0  }
0xbf: {  	s0 =	sadd.s32 $0x8F2B, s0  }
0xc0: {  	[sflag:s0] =	ssyncadd.remote.s32 $0x1  }
0xc1: {  	_ =	sfence.sel $0xFFFF  }
0xc2: {  	[dreg:$0x0] =	wrdreg $0xFFFFFFFF;
	(pc) =	sbr.abs _section_cstart, $3  }
0xc3: {  	[dreg:$0x1] =	wrdreg $0xFFFFFFFF  }
0xc4: {  	_ =	task.clear_ibuf [dreg:s8], $0x2FFFF;
	_ =	strace $0x9FFFFFFF  }
0xc5: {  	(tm) =	ssettm $0x7FFFFFFF  }
tec
execute0_lowered:
.L_overlay_start_1:
0x0: {  	(tag) =	ssettag $0x1  }
0x1: {  	s0 =	rddreg [dreg:$0x0]  }
0x2: {  	s1 =	rddreg [dreg:$0x1]  }
0x3: {  	s2 =	rddreg [dreg:$0x2]  }
0x4: {  	s3 =	rddreg [dreg:$0x3]  }
0x5: {  	s7 =	simm.s32 $0x0;
	s4 =	srdreg.scid;
	s9 =	stileid.u32  }
0x6: {  	s4 =	sand.u32 $0x1, s4;
	s5 =	smul.u32 $0x500, s9;
	s6 =	sshll.u32 s9, $0x1  }
0x7: {  	[smem:$0x7FF] =	sst s7;
	s8 =	sshrl.u32 s9, $0x3;
	s24 =	smul.u32 $0x5000, s9  }
0x8: {  	s26 =	sshll.u32 s9, $0x7;
	p0 =	sgt.u32 s9, $0x1;
	s19 =	sshll.u32 s4, $0x7  }
0x9: {  	s6 =	sor.u32 s4, s6;
	_ =	strace $0x80000047;
	s8 =	smul.u32 $0x50000, s8  }
0xa: {  	s4 =	ssub.s32 $0x2, s4;
	s5 =	sor.u32 s19, s5;
	s20 =	smul.u32 $0x4E, s6  }
0xb: {  	s6 =	smin.u32 s6, $0x4;
	s21 =	sshrl.u32 s4, $0x1;
	s5 =	sshrl.u32 s5, $0x3  }
0xc: {  	s4 =	ssub.s32 s4, s21;
	s28 =	sshrl.u32 s8, $0x2;
	s2 =	sadd.s32 s5, s2  }
0xd: {  	s6 =	sadd.s32 s6, s20;
	s31 =	smax.u32 s4, $0x1;
	s4 =	simm.s32 $0x80  }
0xe: {  	s22 =	sshll.u32 s6, $0x5;
	s7 =	sadd.s32 $0x4E, s6;
	s6 =	sshll.u32 s6, $0x4  }
0xf: {  	s30 =	sadd.s32 $0x1C00, s2;
	[dreg:$0x1a] =	wrdreg s31;
	s5 =	sadd.s32 s0, s22  }
0x10: {  	s23 =	sshll.u32 s7, $0x5;
	s6 =	sadd.s32 s1, s6;
	[dreg:$0x19] =	wrdreg s30  }
0x11: {  	s25 =	sshll.u32 s7, $0x4;
	s7 =	sadd.s32 s28, s3;
	[dreg:$0x13] =	wrdreg s5  }
0x12: {  	s5 =	sand.u32 $0x1FFFFFE0, s23;
	[dreg:$0x14] =	wrdreg s6;
	s1 =	sadd.s32 s1, s25  }
0x13: {  	s6 =	sand.u32 $0x380, s26;
	s0 =	sadd.s32 s0, s5;
	[dreg:$0x16] =	wrdreg s1  }
0x14: {  	s29 =	sadd.s32 s6, s7;
	[dreg:$0x15] =	wrdreg s0;
	s0 =	sshrl.u32 s24, $0x2  }
0x15: {  	s5 =	simm.s32 $0x2;
	[dreg:$0x17] =	wrdreg s29;
	s0 =	sadd.s32 s0, s3  }
0x16: {  	v0 =	vimm.f32 $0.0e+00;
	s1 =	simm.s32 $0x0;
	s3 =	simm.s32 $0x7680;
	[dreg:$0x18] =	wrdreg s0  }
.LBB2_1:
0x17: {  	[dreg:$0x1b] =	wrdreg s1  }
0x18: {  	s0 =	simm.s32 $0x0;
	s30 =	rddreg [dreg:$0x13]  }
0x19: {  	[tilespmem:s0], [sflag:$0x1] =	stream.linear.gather [hbm4b:s30+s0], $0x4E00, $0x38;
	[tilespmem:$0xF100] =	vst v63  }
0x1a: {  	s31 =	rddreg [dreg:$0x14];
	s2 =	simm.s32 $0x4E00  }
0x1b: {  	[tilespmem:s2], [sflag:$0x1] =	stream.linear.gather [hbm4b:s31+s0], $0x2700, $0x38;
	[tilespmem:$0xF100] =	vst v63  }
0x1c: {  	s1 =	simm.s32 @!p0 $0x7500;
	s0 =	simm.s32 @!p0 $0x0;
	s2 =	rddreg [dreg:$0x15]  }
0x1d: {  	[tilespmem:s1], [sflag:$0x1] =	stream.linear.gather @!p0 [hbm4b:s2+s0], $0x100, $0x38;
	[tilespmem:$0xF100] =	vst v63  }
0x1e: {  	s1 =	simm.s32 @!p0 $0x7600;
	s2 =	rddreg [dreg:$0x16]  }
0x1f: {  	[tilespmem:s1], [sflag:$0x1] =	stream.linear.gather @!p0 [hbm4b:s2+s0], $0x80, $0x38;
	[tilespmem:$0xF100] =	vst v63  }
0x20: {  	s0 =	simm.s32 $0x76C0  }
0x21: {  	[tilespmem:s0+$0xFFFFFFC0] =	vst v0  }
0x22: {  	[tilespmem:s0+$0x30] =	vst v0  }
0x23: {  	[tilespmem:s0+$0x20] =	vst v0  }
0x24: {  	[tilespmem:s0+$0x10] =	vst v0  }
0x25: {  	[tilespmem:s0+$0x0] =	vst v0  }
0x26: {  	[tilespmem:s0+$0xFFFFFFF0] =	vst v0  }
0x27: {  	s1 =	simm.s32 $0x0;
	[tilespmem:s0+$0xFFFFFFE0] =	vst v0  }
.LBB2_2:
0x28: {  	s1 =	sadd.s32 $0x8, s1;
	[tilespmem:s0+$0xFFFFFFD0] =	vst v0;
	s0 =	sadd.s32 $0x80, s0  }
0x29: {  	[tilespmem:s0+$0xFFFFFFC0] =	vst v0;
	p1 =	slt.u32 s1, $0x278  }
0x2a: {  	[tilespmem:s0+$0x30] =	vst v0  }
.Ltmp0:
0x2b: {  	[tilespmem:s0+$0x20] =	vst v0;
	(pc) =	sbr.rel @p1 .LBB2_2-.Ltmp0, $4  }
0x2c: {  	[tilespmem:s0+$0x10] =	vst v0  }
0x2d: {  	[tilespmem:s0+$0x0] =	vst v0  }
0x2e: {  	[tilespmem:s0+$0xFFFFFFF0] =	vst v0  }
0x2f: {  	[tilespmem:s0+$0xFFFFFFE0] =	vst v0  }
0x30: {  	[tilespmem:s0+$0xFFFFFFD0] =	vst v0;
	s31 =	simm.s32 $0x1  }
0x31: {  	_ =	swait.ge [sflag:s31], $0x4E00  }
0x32: {  	[sflag:s31] =	ssyncset.done $0x0  }
0x33: {  	[sflag:s31] =	ssyncadd.s32 $0xFFFFB200  }
0x34: {  	_ =	swait.ge [sflag:s31], $0x2700  }
0x35: {  	[sflag:s31] =	ssyncset.done $0x0  }
0x36: {  	s0 =	simm.s32 @!p0 $0x1;
	[sflag:s31] =	ssyncadd.s32 $0xFFFFD900  }
0x37: {  	_ =	swait.ge @!p0 [sflag:s0], $0x100  }
0x38: {  	[sflag:s0] =	ssyncset.done @!p0 $0x0  }
0x39: {  	[sflag:s0] =	ssyncadd.s32 @!p0 $0xFFFFFF00  }
0x3a: {  	_ =	swait.ge @!p0 [sflag:s0], $0x80  }
0x3b: {  	s1 =	simm.s32 $0xF0;
	[sflag:s0] =	ssyncset.done @!p0 $0x0  }
0x3c: {  	s2 =	simm.s32 $0x4E40;
	[sflag:s0] =	ssyncadd.s32 @!p0 $0xFFFFFF80;
	s0 =	simm.s32 $0xFFFFFFF8  }
.LBB2_4:
0x3d: {  	v1 =	vld [tilespmem:s1+$0xFFFFFF90];
	_ =	sdelay $0x2  }
0x3e: {  	v2 =	vld [tilespmem:s2+$0xFFFFFFC0];
	_ =	sdelay $0x4  }
0x3f: {  	[tilespmem:v1+s3+$0x0] =	vst.idx.add.f32.msk $0xffff, v2  }
0x40: {  	v1 =	vld [tilespmem:s1+$0xFFFFFFA0];
	_ =	sdelay $0x2  }
0x41: {  	v2 =	vld [tilespmem:s2+$0xFFFFFFD0];
	_ =	sdelay $0x4  }
0x42: {  	[tilespmem:v1+s3+$0x0] =	vst.idx.add.f32.msk $0xffff, v2  }
0x43: {  	v1 =	vld [tilespmem:s1+$0xFFFFFFB0];
	_ =	sdelay $0x2  }
0x44: {  	v2 =	vld [tilespmem:s2+$0xFFFFFFE0];
	_ =	sdelay $0x4  }
0x45: {  	[tilespmem:v1+s3+$0x0] =	vst.idx.add.f32.msk $0xffff, v2  }
0x46: {  	v1 =	vld [tilespmem:s1+$0xFFFFFFC0];
	_ =	sdelay $0x2  }
0x47: {  	v2 =	vld [tilespmem:s2+$0xFFFFFFF0];
	_ =	sdelay $0x4  }
0x48: {  	[tilespmem:v1+s3+$0x0] =	vst.idx.add.f32.msk $0xffff, v2  }
0x49: {  	v1 =	vld [tilespmem:s1+$0xFFFFFFD0];
	_ =	sdelay $0x2  }
0x4a: {  	v2 =	vld [tilespmem:s2+$0x0];
	_ =	sdelay $0x4  }
0x4b: {  	[tilespmem:v1+s3+$0x0] =	vst.idx.add.f32.msk $0xffff, v2  }
0x4c: {  	v1 =	vld [tilespmem:s1+$0xFFFFFFE0];
	_ =	sdelay $0x2  }
0x4d: {  	v2 =	vld [tilespmem:s2+$0x10];
	_ =	sdelay $0x4  }
0x4e: {  	[tilespmem:v1+s3+$0x0] =	vst.idx.add.f32.msk $0xffff, v2  }
0x4f: {  	v1 =	vld [tilespmem:s1+$0xFFFFFFF0];
	_ =	sdelay $0x2  }
0x50: {  	v2 =	vld [tilespmem:s2+$0x20];
	_ =	sdelay $0x4  }
0x51: {  	[tilespmem:v1+s3+$0x0] =	vst.idx.add.f32.msk $0xffff, v2  }
0x52: {  	v1 =	vld [tilespmem:s1+$0x0];
	_ =	sdelay $0x1  }
0x53: {  	s0 =	sadd.s32 $0x8, s0  }
0x54: {  	p1 =	slt.u32 s0, $0x268;
	v2 =	vld [tilespmem:s2+$0x30]  }
.Ltmp1:
0x55: {  	_ = 	snop;
	(pc) =	sbr.rel @p1 .LBB2_4-.Ltmp1, $2  }
0x56: {  	_ =	sdelay $0x2  }
0x57: {  	s1 =	sadd.s32 $0x100, s1;
	s2 =	sadd.s32 $0x80, s2;
	[tilespmem:v1+s3+$0x0] =	vst.idx.add.f32.msk $0xffff, v2  }
0x58: {  	v1 =	vld @!p0 [tilespmem:$0x7580];
	_ =	sdelay $0x2  }
0x59: {  	v2 =	vld @!p0 [tilespmem:$0x7600];
	_ =	sdelay $0x3  }
0x5a: {  	s0 =	simm.s32 @!p0 $0x7680  }
0x5b: {  	[tilespmem:v1+s0+$0x0] =	vst.idx.add.f32.msk @!p0 $0xffff, v2  }
0x5c: {  	v1 =	vld @!p0 [tilespmem:$0x7590];
	_ =	sdelay $0x2  }
0x5d: {  	v2 =	vld @!p0 [tilespmem:$0x7610];
	_ =	sdelay $0x4  }
0x5e: {  	[tilespmem:v1+s0+$0x0] =	vst.idx.add.f32.msk @!p0 $0xffff, v2  }
0x5f: {  	v1 =	vld @!p0 [tilespmem:$0x75A0];
	_ =	sdelay $0x2  }
0x60: {  	v2 =	vld @!p0 [tilespmem:$0x7620];
	_ =	sdelay $0x4  }
0x61: {  	[tilespmem:v1+s0+$0x0] =	vst.idx.add.f32.msk @!p0 $0xffff, v2  }
0x62: {  	v1 =	vld @!p0 [tilespmem:$0x75B0];
	_ =	sdelay $0x2  }
0x63: {  	v2 =	vld @!p0 [tilespmem:$0x7630];
	_ =	sdelay $0x4  }
0x64: {  	[tilespmem:v1+s0+$0x0] =	vst.idx.add.f32.msk @!p0 $0xffff, v2  }
0x65: {  	v1 =	vld @!p0 [tilespmem:$0x75C0];
	_ =	sdelay $0x2  }
0x66: {  	v2 =	vld @!p0 [tilespmem:$0x7640];
	_ =	sdelay $0x4  }
0x67: {  	[tilespmem:v1+s0+$0x0] =	vst.idx.add.f32.msk @!p0 $0xffff, v2  }
0x68: {  	v1 =	vld @!p0 [tilespmem:$0x75D0];
	_ =	sdelay $0x2  }
0x69: {  	v2 =	vld @!p0 [tilespmem:$0x7650];
	_ =	sdelay $0x4  }
0x6a: {  	[tilespmem:v1+s0+$0x0] =	vst.idx.add.f32.msk @!p0 $0xffff, v2  }
0x6b: {  	v1 =	vld @!p0 [tilespmem:$0x75E0];
	_ =	sdelay $0x2  }
0x6c: {  	v2 =	vld @!p0 [tilespmem:$0x7660];
	_ =	sdelay $0x4  }
0x6d: {  	[tilespmem:v1+s0+$0x0] =	vst.idx.add.f32.msk @!p0 $0xffff, v2  }
0x6e: {  	v1 =	vld @!p0 [tilespmem:$0x75F0];
	_ =	sdelay $0x2  }
0x6f: {  	v2 =	vld @!p0 [tilespmem:$0x7670];
	_ =	sdelay $0x4  }
0x70: {  	s2 =	rddreg [dreg:$0x17];
	s1 =	simm.s32 $0x400;
	[tilespmem:v1+s0+$0x0] =	vst.idx.add.f32.msk @!p0 $0xffff, v2  }
0x71: {  	[spmem:s2] =	stream.strided.scatter [tilespmem:s3], [sflag:$0x2], $0x2800, s1, s4, $0x38;
	[tilespmem:$0xF100] =	vst v63  }
0x72: {  	_ =	swait.ge [sflag:s5], $0x2800  }
0x73: {  	[sflag:s5] =	ssyncset.done $0x0  }
0x74: {  	[sflag:s5] =	ssyncadd.s32 $0xFFFFD800  }
0x75: {  	s6 =	simm.s32 $0x9E80;
	s13 =	simm.s32 $0x0;
	[bflag:$0x0] =	sbarrier.arrive $0xFFFF  }
0x76: {  	s4 =	simm.s32 $0x1400;
	s2 =	simm.s32 $0x14000;
	s3 =	rddreg [dreg:$0x18]  }
0x77: {  	[tilespmem:s6], [sflag:$0x2] =	stream.strided.gather [spmem:s3], $0x2800, s2, s4, $0x38;
	[tilespmem:$0xF100] =	vst v63  }
0x78: {  	s8 =	sand.u32 $0x1C00, s13;
	_ =	swait.ge [sflag:s5], $0x2800  }
0x79: {  	s12 =	sand.u32 $0x40, s13;
	s0 =	sadd.s32 $0x9E80, s8;
	[sflag:s5] =	ssyncset.done $0x0  }
0x7a: {  	s7 =	sor.u32 s12, s0;
	[sflag:s5] =	ssyncadd.s32 $0xFFFFD800  }
0x7b: {  	v1 =	vld [tilespmem:s7+$0x0]  }
0x7c: {  	v2 =	vld [tilespmem:s7+$0x80];
	_ =	sdelay $0x1  }
0x7d: {  	v3 =	vld [tilespmem:s7+$0x100];
	_ =	sdelay $0x1  }
0x7e: {  	v4 =	vld [tilespmem:s7+$0x180]  }
0x7f: {  	v1 =	vadd.f32 v2, v1  }
0x80: {  	v2 =	vld [tilespmem:s7+$0x200]  }
0x81: {  	v1 =	vadd.f32 v3, v1  }
0x82: {  	v3 =	vld [tilespmem:s7+$0x280]  }
0x83: {  	v1 =	vadd.f32 v4, v1  }
0x84: {  	v4 =	vld [tilespmem:s7+$0x300]  }
0x85: {  	v1 =	vadd.f32 v2, v1  }
0x86: {  	s9 =	sadd.s32 $0xB280, s8;
	v2 =	vld [tilespmem:s7+$0x380]  }
0x87: {  	s10 =	sor.u32 s12, s9;
	v1 =	vadd.f32 v3, v1  }
0x88: {  	s2 =	sadd.s32 $0xB300, s8;
	v3 =	vld [tilespmem:s10+$0x0]  }
0x89: {  	s11 =	sor.u32 s12, s2;
	v1 =	vadd.f32 v4, v1  }
0x8a: {  	s3 =	sadd.s32 $0xB380, s8;
	v4 =	vld [tilespmem:s11+$0x0]  }
0x8b: {  	s14 =	sor.u32 s12, s3;
	v1 =	vadd.f32 v2, v1  }
0x8c: {  	s4 =	sadd.s32 $0xB400, s8;
	v2 =	vld [tilespmem:s14+$0x0]  }
0x8d: {  	s15 =	sor.u32 s12, s4;
	v1 =	vadd.f32 v3, v1  }
0x8e: {  	s6 =	sadd.s32 $0xB480, s8;
	v3 =	vld [tilespmem:s15+$0x0]  }
0x8f: {  	s16 =	sor.u32 s12, s6;
	v1 =	vadd.f32 v4, v1  }
0x90: {  	s7 =	sadd.s32 $0xB500, s8;
	v4 =	vld [tilespmem:s16+$0x0]  }
0x91: {  	s10 =	sor.u32 s12, s7;
	v1 =	vadd.f32 v2, v1  }
0x92: {  	s1 =	sadd.s32 $0xB580, s8;
	v2 =	vld [tilespmem:s10+$0x0]  }
0x93: {  	s17 =	sor.u32 s12, s1;
	v1 =	vadd.f32 v3, v1  }
0x94: {  	s5 =	sadd.s32 $0xB600, s8;
	v3 =	vld [tilespmem:s17+$0x0]  }
0x95: {  	s8 =	sor.u32 s12, s5;
	v1 =	vadd.f32 v4, v1  }
0x96: {  	v4 =	vld [tilespmem:s8+$0x0]  }
0x97: {  	v1 =	vadd.f32 v2, v1;
	_ =	sdelay $0x1  }
0x98: {  	v1 =	vadd.f32 v3, v1;
	_ =	sdelay $0x1  }
0x99: {  	v1 =	vadd.f32 v4, v1  }
0x9a: {  	s18 =	simm.s32 $0xC680;
	s19 =	sor.u32 $0x10, s12  }
0x9b: {  	s20 =	sor.u32 s19, s0;
	[tilespmem:s18+$0x0] =	vst v1  }
0x9c: {  	v1 =	vld [tilespmem:s20+$0x0]  }
0x9d: {  	v2 =	vld [tilespmem:s20+$0x80];
	_ =	sdelay $0x1  }
0x9e: {  	v3 =	vld [tilespmem:s20+$0x100];
	_ =	sdelay $0x1  }
0x9f: {  	v4 =	vld [tilespmem:s20+$0x180]  }
0xa0: {  	v1 =	vadd.f32 v2, v1  }
0xa1: {  	v2 =	vld [tilespmem:s20+$0x200]  }
0xa2: {  	v1 =	vadd.f32 v3, v1  }
0xa3: {  	v3 =	vld [tilespmem:s20+$0x280]  }
0xa4: {  	v1 =	vadd.f32 v4, v1  }
0xa5: {  	v4 =	vld [tilespmem:s20+$0x300]  }
0xa6: {  	v1 =	vadd.f32 v2, v1  }
0xa7: {  	v2 =	vld [tilespmem:s20+$0x380]  }
0xa8: {  	s21 =	sor.u32 s19, s9;
	v1 =	vadd.f32 v3, v1  }
0xa9: {  	v3 =	vld [tilespmem:s21+$0x0]  }
0xaa: {  	s22 =	sor.u32 s19, s2;
	v1 =	vadd.f32 v4, v1  }
0xab: {  	v4 =	vld [tilespmem:s22+$0x0]  }
0xac: {  	s23 =	sor.u32 s19, s3;
	v1 =	vadd.f32 v2, v1  }
0xad: {  	v2 =	vld [tilespmem:s23+$0x0]  }
0xae: {  	s24 =	sor.u32 s19, s4;
	v1 =	vadd.f32 v3, v1  }
0xaf: {  	v3 =	vld [tilespmem:s24+$0x0]  }
0xb0: {  	s25 =	sor.u32 s19, s6;
	v1 =	vadd.f32 v4, v1  }
0xb1: {  	v4 =	vld [tilespmem:s25+$0x0]  }
0xb2: {  	s26 =	sor.u32 s19, s7;
	v1 =	vadd.f32 v2, v1  }
0xb3: {  	v2 =	vld [tilespmem:s26+$0x0]  }
0xb4: {  	s28 =	sor.u32 s19, s1;
	v1 =	vadd.f32 v3, v1  }
0xb5: {  	v3 =	vld [tilespmem:s28+$0x0]  }
0xb6: {  	s29 =	sor.u32 s19, s5;
	v1 =	vadd.f32 v4, v1  }
0xb7: {  	v4 =	vld [tilespmem:s29+$0x0]  }
0xb8: {  	v1 =	vadd.f32 v2, v1;
	_ =	sdelay $0x1  }
0xb9: {  	v1 =	vadd.f32 v3, v1  }
0xba: {  	s30 =	sand.u32 $0x380, s13  }
0xbb: {  	s8 =	sadd.s32 $0xC680, s30;
	v1 =	vadd.f32 v4, v1  }
0xbc: {  	s11 =	sor.u32 $0x20, s12;
	s10 =	sor.u32 s19, s8  }
0xbd: {  	s31 =	sor.u32 s11, s0;
	[tilespmem:s10+$0x0] =	vst v1  }
0xbe: {  	v1 =	vld [tilespmem:s31+$0x0]  }
0xbf: {  	v2 =	vld [tilespmem:s31+$0x80];
	_ =	sdelay $0x1  }
0xc0: {  	v3 =	vld [tilespmem:s31+$0x100];
	_ =	sdelay $0x1  }
0xc1: {  	v4 =	vld [tilespmem:s31+$0x180]  }
0xc2: {  	v1 =	vadd.f32 v2, v1  }
0xc3: {  	v2 =	vld [tilespmem:s31+$0x200]  }
0xc4: {  	v1 =	vadd.f32 v3, v1  }
0xc5: {  	v3 =	vld [tilespmem:s31+$0x280]  }
0xc6: {  	v1 =	vadd.f32 v4, v1  }
0xc7: {  	v4 =	vld [tilespmem:s31+$0x300]  }
0xc8: {  	v1 =	vadd.f32 v2, v1  }
0xc9: {  	v2 =	vld [tilespmem:s31+$0x380]  }
0xca: {  	s14 =	sor.u32 s11, s9;
	v1 =	vadd.f32 v3, v1  }
0xcb: {  	v3 =	vld [tilespmem:s14+$0x0]  }
0xcc: {  	s15 =	sor.u32 s11, s2;
	v1 =	vadd.f32 v4, v1  }
0xcd: {  	v4 =	vld [tilespmem:s15+$0x0]  }
0xce: {  	s16 =	sor.u32 s11, s3;
	v1 =	vadd.f32 v2, v1  }
0xcf: {  	v2 =	vld [tilespmem:s16+$0x0]  }
0xd0: {  	s17 =	sor.u32 s11, s4;
	v1 =	vadd.f32 v3, v1  }
0xd1: {  	v3 =	vld [tilespmem:s17+$0x0]  }
0xd2: {  	s18 =	sor.u32 s11, s6;
	v1 =	vadd.f32 v4, v1  }
0xd3: {  	v4 =	vld [tilespmem:s18+$0x0]  }
0xd4: {  	s19 =	sor.u32 s11, s7;
	v1 =	vadd.f32 v2, v1  }
0xd5: {  	v2 =	vld [tilespmem:s19+$0x0]  }
0xd6: {  	s20 =	sor.u32 s11, s1;
	v1 =	vadd.f32 v3, v1  }
0xd7: {  	v3 =	vld [tilespmem:s20+$0x0]  }
0xd8: {  	s21 =	sor.u32 s11, s5;
	v1 =	vadd.f32 v4, v1  }
0xd9: {  	v4 =	vld [tilespmem:s21+$0x0]  }
0xda: {  	v1 =	vadd.f32 v2, v1;
	_ =	sdelay $0x1  }
0xdb: {  	v1 =	vadd.f32 v3, v1;
	_ =	sdelay $0x1  }
0xdc: {  	v1 =	vadd.f32 v4, v1  }
0xdd: {  	s12 =	sor.u32 $0x30, s12;
	s22 =	sor.u32 s11, s8  }
0xde: {  	s0 =	sor.u32 s12, s0;
	[tilespmem:s22+$0x0] =	vst v1  }
0xdf: {  	v1 =	vld [tilespmem:s0+$0x0]  }
0xe0: {  	v2 =	vld [tilespmem:s0+$0x80];
	_ =	sdelay $0x1  }
0xe1: {  	v3 =	vld [tilespmem:s0+$0x100];
	_ =	sdelay $0x1  }
0xe2: {  	v4 =	vld [tilespmem:s0+$0x180]  }
0xe3: {  	v1 =	vadd.f32 v2, v1  }
0xe4: {  	v2 =	vld [tilespmem:s0+$0x200]  }
0xe5: {  	v1 =	vadd.f32 v3, v1  }
0xe6: {  	v3 =	vld [tilespmem:s0+$0x280]  }
0xe7: {  	v1 =	vadd.f32 v4, v1  }
0xe8: {  	v4 =	vld [tilespmem:s0+$0x300]  }
0xe9: {  	v1 =	vadd.f32 v2, v1  }
0xea: {  	v2 =	vld [tilespmem:s0+$0x380]  }
0xeb: {  	s23 =	sor.u32 s12, s9;
	v1 =	vadd.f32 v3, v1  }
0xec: {  	v3 =	vld [tilespmem:s23+$0x0]  }
0xed: {  	s24 =	sor.u32 s12, s2;
	v1 =	vadd.f32 v4, v1  }
0xee: {  	v4 =	vld [tilespmem:s24+$0x0]  }
0xef: {  	s25 =	sor.u32 s12, s3;
	v1 =	vadd.f32 v2, v1  }
0xf0: {  	v2 =	vld [tilespmem:s25+$0x0]  }
0xf1: {  	s26 =	sor.u32 s12, s4;
	v1 =	vadd.f32 v3, v1  }
0xf2: {  	v3 =	vld [tilespmem:s26+$0x0]  }
0xf3: {  	s28 =	sor.u32 s12, s6;
	v1 =	vadd.f32 v4, v1  }
0xf4: {  	v4 =	vld [tilespmem:s28+$0x0]  }
0xf5: {  	s29 =	sor.u32 s12, s7;
	v1 =	vadd.f32 v2, v1  }
0xf6: {  	v5 =	vld [tilespmem:s29+$0x0]  }
0xf7: {  	v1 =	vadd.f32 v3, v1;
	_ =	sdelay $0x1  }
0xf8: {  	s30 =	sor.u32 s12, s1;
	v3 =	vadd.f32 v4, v1  }
0xf9: {  	s6 =	sor.u32 s12, s8;
	s31 =	sor.u32 s12, s5;
	v2 =	vld [tilespmem:s30+$0x0]  }
0xfa: {  	s24 =	simm.s32 $0x0;
	s25 =	simm.s32 $0xC6C0;
	s26 =	simm.s32 $0x0;
	v1 =	vld [tilespmem:s31+$0x0];
	v3 =	vadd.f32 v5, v3  }
.LBB2_6:
0xfb: {  	_ =	sdelay $0x2  }
0xfc: {  	v2 =	vadd.f32 v2, v3  }
0xfd: {  	s13 =	sadd.s32 $0x200, s13  }
0xfe: {  	s26 =	sadd.s32 $0x40, s26;
	s0 =	sand.u32 $0x1C00, s13;
	v1 =	vadd.f32 v1, v2  }
0xff: {  	s18 =	sand.u32 $0x40, s26;
	s28 =	sadd.s32 $0x9E80, s0  }
0x100: {  	s19 =	sor.u32 s18, s28;
	[tilespmem:s6+$0x0] =	vst v1  }
0x101: {  	v1 =	vld [tilespmem:s19+$0x0]  }
0x102: {  	v2 =	vld [tilespmem:s19+$0x80];
	_ =	sdelay $0x1  }
0x103: {  	v3 =	vld [tilespmem:s19+$0x100];
	_ =	sdelay $0x1  }
0x104: {  	v4 =	vld [tilespmem:s19+$0x180]  }
0x105: {  	v1 =	vadd.f32 v2, v1  }
0x106: {  	v2 =	vld [tilespmem:s19+$0x200]  }
0x107: {  	v1 =	vadd.f32 v3, v1  }
0x108: {  	v3 =	vld [tilespmem:s19+$0x280]  }
0x109: {  	v1 =	vadd.f32 v4, v1  }
0x10a: {  	v4 =	vld [tilespmem:s19+$0x300]  }
0x10b: {  	v1 =	vadd.f32 v2, v1  }
0x10c: {  	s20 =	sadd.s32 $0xB280, s0;
	v2 =	vld [tilespmem:s19+$0x380]  }
0x10d: {  	s15 =	sor.u32 s18, s20;
	v1 =	vadd.f32 v3, v1  }
0x10e: {  	s21 =	sadd.s32 $0xB300, s0;
	v3 =	vld [tilespmem:s15+$0x0]  }
0x10f: {  	s11 =	sor.u32 s18, s21;
	v1 =	vadd.f32 v4, v1  }
0x110: {  	s2 =	sadd.s32 $0xB380, s0;
	v4 =	vld [tilespmem:s11+$0x0]  }
0x111: {  	s17 =	sor.u32 s18, s2;
	v1 =	vadd.f32 v2, v1  }
0x112: {  	s3 =	sadd.s32 $0xB400, s0;
	v2 =	vld [tilespmem:s17+$0x0]  }
0x113: {  	s31 =	sor.u32 s18, s3;
	v1 =	vadd.f32 v3, v1  }
0x114: {  	s4 =	sadd.s32 $0xB480, s0;
	v3 =	vld [tilespmem:s31+$0x0]  }
0x115: {  	s29 =	sor.u32 s18, s4;
	v1 =	vadd.f32 v4, v1  }
0x116: {  	s5 =	sadd.s32 $0xB500, s0;
	v4 =	vld [tilespmem:s29+$0x0]  }
0x117: {  	s1 =	sor.u32 s18, s5;
	v1 =	vadd.f32 v2, v1  }
0x118: {  	s14 =	sadd.s32 $0xB580, s0;
	v2 =	vld [tilespmem:s1+$0x0]  }
0x119: {  	s23 =	sor.u32 s18, s14;
	v1 =	vadd.f32 v3, v1  }
0x11a: {  	s0 =	sadd.s32 $0xB600, s0;
	v3 =	vld [tilespmem:s23+$0x0]  }
0x11b: {  	s30 =	sor.u32 s18, s0;
	v1 =	vadd.f32 v4, v1  }
0x11c: {  	v4 =	vld [tilespmem:s30+$0x0]  }
0x11d: {  	v1 =	vadd.f32 v2, v1;
	_ =	sdelay $0x1  }
0x11e: {  	v1 =	vadd.f32 v3, v1;
	_ =	sdelay $0x1  }
0x11f: {  	v1 =	vadd.f32 v4, v1  }
0x120: {  	s6 =	sor.u32 $0x10, s18  }
0x121: {  	s30 =	sor.u32 s6, s28;
	[tilespmem:s25+$0x0] =	vst v1  }
0x122: {  	v1 =	vld [tilespmem:s30+$0x0]  }
0x123: {  	v2 =	vld [tilespmem:s30+$0x80];
	_ =	sdelay $0x1  }
0x124: {  	v3 =	vld [tilespmem:s30+$0x100];
	_ =	sdelay $0x1  }
0x125: {  	v4 =	vld [tilespmem:s30+$0x180]  }
0x126: {  	v1 =	vadd.f32 v2, v1  }
0x127: {  	v2 =	vld [tilespmem:s30+$0x200]  }
0x128: {  	v1 =	vadd.f32 v3, v1  }
0x129: {  	v3 =	vld [tilespmem:s30+$0x280]  }
0x12a: {  	v1 =	vadd.f32 v4, v1  }
0x12b: {  	v4 =	vld [tilespmem:s30+$0x300]  }
0x12c: {  	v1 =	vadd.f32 v2, v1  }
0x12d: {  	v2 =	vld [tilespmem:s30+$0x380]  }
0x12e: {  	s8 =	sor.u32 s6, s20;
	s10 =	sor.u32 s6, s5;
	v1 =	vadd.f32 v3, v1  }
0x12f: {  	s7 =	sor.u32 $0x20, s18;
	[dreg:$0x12] =	wrdreg s10;
	s10 =	sor.u32 s6, s14;
	v3 =	vld [tilespmem:s8+$0x0]  }
0x130: {  	s9 =	sor.u32 s6, s21;
	[dreg:$0x11] =	wrdreg s10;
	s10 =	sor.u32 s6, s0;
	v1 =	vadd.f32 v4, v1  }
0x131: {  	[dreg:$0x10] =	wrdreg s10;
	s10 =	sor.u32 s7, s20;
	v4 =	vld [tilespmem:s9+$0x0]  }
0x132: {  	s22 =	sor.u32 s6, s2;
	[dreg:$0xf] =	wrdreg s10;
	s10 =	sor.u32 s7, s21;
	v1 =	vadd.f32 v2, v1  }
0x133: {  	[dreg:$0xe] =	wrdreg s10;
	s10 =	sor.u32 s7, s2;
	v2 =	vld [tilespmem:s22+$0x0]  }
0x134: {  	s16 =	sor.u32 s6, s3;
	[dreg:$0xd] =	wrdreg s10;
	s10 =	sor.u32 s7, s3;
	v1 =	vadd.f32 v3, v1  }
0x135: {  	[dreg:$0xc] =	wrdreg s10;
	s10 =	sor.u32 s7, s4;
	v3 =	vld [tilespmem:s16+$0x0]  }
0x136: {  	s12 =	sor.u32 s6, s4;
	[dreg:$0xb] =	wrdreg s10;
	s10 =	sor.u32 s7, s5;
	v1 =	vadd.f32 v4, v1  }
0x137: {  	[dreg:$0xa] =	wrdreg s10;
	v4 =	vld [tilespmem:s12+$0x0]  }
0x138: {  	s10 =	sor.u32 s7, s14;
	s31 =	rddreg [dreg:$0x12];
	v1 =	vadd.f32 v2, v1  }
0x139: {  	[dreg:$0x9] =	wrdreg s10;
	v2 =	vld [tilespmem:s31+$0x0]  }
0x13a: {  	s10 =	sor.u32 s7, s0;
	s1 =	rddreg [dreg:$0x11];
	v1 =	vadd.f32 v3, v1  }
0x13b: {  	s18 =	sor.u32 $0x30, s18;
	[dreg:$0x8] =	wrdreg s10;
	v3 =	vld [tilespmem:s1+$0x0]  }
0x13c: {  	s10 =	sor.u32 s18, s21;
	s21 =	sor.u32 s18, s2;
	s2 =	rddreg [dreg:$0x10];
	v1 =	vadd.f32 v4, v1  }
0x13d: {  	v4 =	vld [tilespmem:s2+$0x0]  }
0x13e: {  	v1 =	vadd.f32 v2, v1;
	_ =	sdelay $0x1  }
0x13f: {  	v1 =	vadd.f32 v3, v1  }
0x140: {  	s8 =	sand.u32 $0x380, s26  }
0x141: {  	s9 =	sadd.s32 $0xC680, s8;
	v1 =	vadd.f32 v4, v1  }
0x142: {  	[dreg:$0x6] =	wrdreg s10;
	s10 =	sor.u32 s6, s9  }
0x143: {  	s11 =	sor.u32 s7, s28;
	[tilespmem:s10+$0x0] =	vst v1  }
0x144: {  	v1 =	vld [tilespmem:s11+$0x0]  }
0x145: {  	v2 =	vld [tilespmem:s11+$0x80];
	_ =	sdelay $0x1  }
0x146: {  	v3 =	vld [tilespmem:s11+$0x100];
	_ =	sdelay $0x1  }
0x147: {  	v4 =	vld [tilespmem:s11+$0x180]  }
0x148: {  	v1 =	vadd.f32 v2, v1  }
0x149: {  	v2 =	vld [tilespmem:s11+$0x200]  }
0x14a: {  	v1 =	vadd.f32 v3, v1  }
0x14b: {  	v3 =	vld [tilespmem:s11+$0x280]  }
0x14c: {  	v1 =	vadd.f32 v4, v1  }
0x14d: {  	v4 =	vld [tilespmem:s11+$0x300]  }
0x14e: {  	s20 =	sor.u32 s18, s20;
	v1 =	vadd.f32 v2, v1  }
0x14f: {  	[dreg:$0x7] =	wrdreg s20;
	v2 =	vld [tilespmem:s11+$0x380]  }
0x150: {  	s20 =	sor.u32 s18, s3;
	s12 =	rddreg [dreg:$0xf];
	v1 =	vadd.f32 v3, v1  }
0x151: {  	[dreg:$0x5] =	wrdreg s20;
	s20 =	sor.u32 s18, s4;
	v3 =	vld [tilespmem:s12+$0x0]  }
0x152: {  	s4 =	sor.u32 s18, s5;
	s5 =	sor.u32 s18, s14;
	s14 =	rddreg [dreg:$0xe];
	v1 =	vadd.f32 v4, v1  }
0x153: {  	v4 =	vld [tilespmem:s14+$0x0]  }
0x154: {  	s15 =	rddreg [dreg:$0xd];
	v1 =	vadd.f32 v2, v1  }
0x155: {  	v2 =	vld [tilespmem:s15+$0x0]  }
0x156: {  	s16 =	rddreg [dreg:$0xc];
	v1 =	vadd.f32 v3, v1  }
0x157: {  	v3 =	vld [tilespmem:s16+$0x0]  }
0x158: {  	s17 =	rddreg [dreg:$0xb];
	v1 =	vadd.f32 v4, v1  }
0x159: {  	v4 =	vld [tilespmem:s17+$0x0]  }
0x15a: {  	s19 =	rddreg [dreg:$0xa];
	v1 =	vadd.f32 v2, v1  }
0x15b: {  	v2 =	vld [tilespmem:s19+$0x0]  }
0x15c: {  	s22 =	rddreg [dreg:$0x9];
	v1 =	vadd.f32 v3, v1  }
0x15d: {  	v3 =	vld [tilespmem:s22+$0x0]  }
0x15e: {  	s23 =	rddreg [dreg:$0x8];
	v1 =	vadd.f32 v4, v1  }
0x15f: {  	v4 =	vld [tilespmem:s23+$0x0]  }
0x160: {  	v1 =	vadd.f32 v2, v1;
	_ =	sdelay $0x1  }
0x161: {  	v1 =	vadd.f32 v3, v1;
	_ =	sdelay $0x1  }
0x162: {  	v1 =	vadd.f32 v4, v1  }
0x163: {  	s3 =	sor.u32 s18, s0;
	s0 =	sor.u32 s7, s9  }
0x164: {  	s28 =	sor.u32 s18, s28;
	[tilespmem:s0+$0x0] =	vst v1  }
0x165: {  	v1 =	vld [tilespmem:s28+$0x0]  }
0x166: {  	v2 =	vld [tilespmem:s28+$0x80];
	_ =	sdelay $0x1  }
0x167: {  	v3 =	vld [tilespmem:s28+$0x100];
	_ =	sdelay $0x1  }
0x168: {  	v4 =	vld [tilespmem:s28+$0x180]  }
0x169: {  	v1 =	vadd.f32 v2, v1  }
0x16a: {  	v5 =	vld [tilespmem:s28+$0x200]  }
0x16b: {  	v1 =	vadd.f32 v3, v1  }
0x16c: {  	v6 =	vld [tilespmem:s28+$0x280]  }
0x16d: {  	v1 =	vadd.f32 v4, v1  }
0x16e: {  	v7 =	vld [tilespmem:s28+$0x300]  }
0x16f: {  	v1 =	vadd.f32 v5, v1  }
0x170: {  	v8 =	vld [tilespmem:s28+$0x380]  }
0x171: {  	s29 =	rddreg [dreg:$0x7];
	v6 =	vadd.f32 v6, v1  }
0x172: {  	v3 =	vld [tilespmem:s29+$0x0]  }
0x173: {  	s30 =	rddreg [dreg:$0x6];
	v6 =	vadd.f32 v7, v6  }
0x174: {  	v9 =	vld [tilespmem:s30+$0x0]  }
0x175: {  	v6 =	vadd.f32 v8, v6  }
0x176: {  	v4 =	vld [tilespmem:s21+$0x0]  }
0x177: {  	s31 =	rddreg [dreg:$0x5];
	v3 =	vadd.f32 v3, v6  }
0x178: {  	v10 =	vld [tilespmem:s31+$0x0]  }
0x179: {  	v3 =	vadd.f32 v9, v3  }
0x17a: {  	v5 =	vld [tilespmem:s20+$0x0]  }
0x17b: {  	s24 =	sadd.s32 $0x4, s24;
	v3 =	vadd.f32 v4, v3  }
0x17c: {  	p1 =	slt.u32 s24, $0x24;
	v11 =	vld [tilespmem:s4+$0x0]  }
.Ltmp2:
0x17d: {  	v3 =	vadd.f32 v10, v3;
	(pc) =	sbr.rel @p1 .LBB2_6-.Ltmp2, $4  }
0x17e: {  	_ = 	snop  }
0x17f: {  	v3 =	vadd.f32 v5, v3  }
0x180: {  	v2 =	vld [tilespmem:s5+$0x0]  }
0x181: {  	s25 =	sadd.s32 $0x40, s25;
	s6 =	sor.u32 s18, s9;
	v1 =	vld [tilespmem:s3+$0x0];
	v3 =	vadd.f32 v11, v3  }
0x182: {  	_ =	sdelay $0x2  }
0x183: {  	v2 =	vadd.f32 v2, v3;
	_ =	sdelay $0x1  }
0x184: {  	v1 =	vadd.f32 v1, v2  }
0x185: {  	s0 =	rddreg [dreg:$0x19];
	s4 =	simm.s32 $0x80  }
0x186: {  	s1 =	simm.s32 $0x100;
	s2 =	simm.s32 $0xC680;
	s5 =	simm.s32 $0x2;
	[tilespmem:s6+$0x0] =	vst v1  }
0x187: {  	[hbm4b:s0+s4] =	stream.strided.scatter [tilespmem:s2], [sflag:$0x2], $0x280, s1, s4, $0x38;
	[tilespmem:$0xF100] =	vst v63  }
0x188: {  	_ =	swait.ge [sflag:s5], $0x280  }
0x189: {  	s30 =	rddreg [dreg:$0x1b]  }
0x18a: {  	s31 =	rddreg [dreg:$0x1a];
	s1 =	sadd.s32 $0x1, s30  }
0x18b: {  	p1 =	sne.s32 s1, s31  }
.Ltmp3:
0x18c: {  	_ = 	snop;
	(pc) =	sbr.rel @p1 .LBB2_1-.Ltmp3, $3  }
0x18d: {  	_ =	sdelay $0x1  }
0x18e: {  	[sflag:s5] =	ssyncset.done $0x0  }
0x18f: {  	s3 =	simm.s32 $0x7680;
	[sflag:s5] =	ssyncadd.s32 $0xFFFFFD80  }
0x190: {  	_ =	sfence.sel $0x180000  }
0x191: {  	[bflag:$0x0] =	sbarrier.arrive $0xFFFF  }
0x192: {  	_ =	strace $0x90000047  }
0x193: {  	s0 =	stileid.u32;
	[bflag:$0x2] =	sbarrier.arrive $0xFFFF  }
0x194: {  	p0 =	sne.s32 s0, $0x0;
	s0 =	rddreg [dreg:$0x4]  }
0x195: {  	s0 =	sadd.s32 @!p0 $0x100000, s0  }
0x196: {  	[sflag:s0] =	ssyncadd.tile.s32 @!p0 $0x1;
	_ =	shalt  }
.Lfunc_end2:
_tile_overlayer_lowered:
.L_overlay_start_2:
0x197: {  	(tag) =	ssettag $0x2  }
0x198: {  	s0 =	rddreg [dreg:$0x0];
	s2 =	stileid.u32  }
0x199: {  	s1 =	rddreg [dreg:$0x1];
	p0 =	sne.s32 s2, $0x0  }
0x19a: {  	s3 =	rddreg [dreg:$0x2];
	[bflag:$0x3] =	sbarrier.arrive $0xFFFF;
	s2 =	simm.s32 @!p0 $0x1C02  }
0x19b: {  	[timem:s3], [sflag:s2] =	dma.local @!p0 [hbm:s0], s1  }
0x19c: {  	s0 =	simm.s32 @!p0 $0x2  }
0x19d: {  	_ =	swait.ge @!p0 [sflag:s0], s1  }
0x19e: {  	s1 =	ssub.s32 @!p0 $0x0, s1;
	[sflag:s0] =	ssyncset.done @!p0 $0x0  }
0x19f: {  	[sflag:s0] =	ssyncadd.s32 @!p0 s1  }
0x1a0: {  	[bflag:$0x3] =	sbarrier.arrive $0xFFFF  }
0x1a1: {  	_ =	shalt  }

</sc_bundles>
